<compile_context>
chip_gen: v7x
topology: tpu7x:2x2x1
jax: 0.10.2.dev20260603
libtpu: 0.0.44.dev20260713+nightly
codegen_flags: <defaults>
</compile_context>

<pallas_src>
import functools

import jax
import jax.numpy as jnp
from jax import lax
from jax.experimental import pallas as pl
from jax.experimental.pallas import tpu as pltpu
from jax.experimental.pallas import tpu_sc as plsc

_H = 32
_W = 32
_D = 384
_N_BOXES = 5000
_NSC = 3072
_NTC = _N_BOXES - _NSC
_TCB = 256
_NTC_PAD = -(-_NTC // _TCB) * _TCB
_NB = _NSC
_N_TILES = 32
_BPW = _NB // _N_TILES
_CH = 16
_NCH = _BPW // _CH
_LANES = 16
_SW = 40
_SROWS = (_H + 1) * _SW
_TAIL = 8


def _integral_kernel(feat_ref, s_ref, rc_ref):
    acc = feat_ref[0]
    rc_ref[0] = acc
    for i in range(1, _H):
        acc = acc + feat_ref[i]
        rc_ref[i] = acc
    s_ref[0] = jnp.zeros((_SW, _D), jnp.float32)
    cacc = jnp.zeros((_H, _D), jnp.float32)
    s_ref[1:_H + 1, 0, :] = cacc
    for w in range(_W):
        cacc = cacc + rc_ref[:, w, :]
        s_ref[1:_H + 1, w + 1, :] = cacc


def _integral_image(feat_map):
    return pl.pallas_call(
        _integral_kernel,
        out_shape=jax.ShapeDtypeStruct((_H + 1, _SW, _D), jnp.float32),
        scratch_shapes=[pltpu.VMEM((_H, _W, _D), jnp.float32)],
    )(feat_map)


def _round_half_even_nonneg(t):
    i = t.astype(jnp.int32)
    f = t - i.astype(jnp.float32)
    up = (f > 0.5) | ((f == 0.5) & ((i & 1) == 1))
    return jnp.where(up, i + 1, i)


def _sc_body(s_hbm, x1_hbm, y1_hbm, x2_hbm, y2_hbm, out_hbm,
             x1_v, y1_v, x2_v, y2_v, idx_a, idx_b, rows_a, rows_b,
             out_a, out_b, inv_v, gsem_a, gsem_b, osem_a, osem_b, bsem):
    wid = lax.axis_index("s") * 2 + lax.axis_index("c")
    base = wid * _BPW
    pltpu.async_copy(x1_hbm.at[pl.ds(base, _BPW)], x1_v, bsem)
    pltpu.async_copy(y1_hbm.at[pl.ds(base, _BPW)], y1_v, bsem)
    pltpu.async_copy(x2_hbm.at[pl.ds(base, _BPW)], x2_v, bsem)
    pltpu.async_copy(y2_hbm.at[pl.ds(base, _BPW)], y2_v, bsem)
    for v in (x1_v, y1_v, x2_v, y2_v):
        pltpu.make_async_copy(x1_hbm.at[pl.ds(base, _BPW)], v, bsem).wait()

    def fill_idx(ci, idx_r):
        off = ci * _CH
        x1 = x1_v[pl.ds(off, _LANES)]
        y1 = y1_v[pl.ds(off, _LANES)]
        x2 = x2_v[pl.ds(off, _LANES)]
        y2 = y2_v[pl.ds(off, _LANES)]
        zero = jnp.zeros((_LANES,), jnp.int32)
        wvec = jnp.full((_LANES,), _W, jnp.int32)
        hvec = jnp.full((_LANES,), _H, jnp.int32)
        cl = jnp.maximum(zero, (x1 * float(_W)).astype(jnp.int32))
        ch = jnp.minimum(wvec, jnp.maximum(
            cl + 1, _round_half_even_nonneg(x2 * float(_W) + 0.5)))
        rl = jnp.maximum(zero, (y1 * float(_H)).astype(jnp.int32))
        rh = jnp.minimum(hvec, jnp.maximum(
            rl + 1, _round_half_even_nonneg(y2 * float(_H) + 0.5)))
        stride = _SW
        idx_r[pl.ds(0, _LANES)] = rl * stride + cl
        idx_r[pl.ds(16, _LANES)] = rl * stride + ch
        idx_r[pl.ds(32, _LANES)] = rh * stride + cl
        idx_r[pl.ds(48, _LANES)] = rh * stride + ch
        cnt = (rh - rl) * (ch - cl)
        inv_v[pl.ds(off, _LANES)] = 1.0 / cnt.astype(jnp.float32)

    def combine(ci, rows_r, out_r):
        iv = inv_v[pl.ds(ci * _CH, _LANES)]

        def box(b, carry):
            ib = iv.at[jnp.full((_LANES,), b, jnp.int32)].get(
                mode="promise_in_bounds")
            for d in range(_D // _LANES):
                ds_ = pl.ds(d * _LANES, _LANES)
                out_r[b, ds_] = (rows_r[48 + b, ds_] - rows_r[16 + b, ds_]
                                 - rows_r[32 + b, ds_] + rows_r[b, ds_]) * ib
            return carry

        lax.fori_loop(0, _CH, box, None)

    fill_idx(0, idx_a)
    pltpu.async_copy(s_hbm.at[idx_a], rows_a, gsem_a)
    fill_idx(1, idx_b)
    pltpu.async_copy(s_hbm.at[idx_b], rows_b, gsem_b)

    def out_issue(ci, out_r, osem):
        start = base + ci * _CH
        full = start + _CH <= _NB
        part = (start < _NB) & (start + _CH > _NB)

        @pl.when(full)
        def _():
            pltpu.async_copy(out_r, out_hbm.at[pl.ds(start, _CH)], osem)

        @pl.when(part)
        def _():
            pltpu.async_copy(out_r.at[pl.ds(0, _TAIL)],
                             out_hbm.at[pl.ds(start, _TAIL)], osem)

    def out_wait(ci, out_r, osem):
        start = base + ci * _CH
        full = start + _CH <= _NB
        part = (start < _NB) & (start + _CH > _NB)

        @pl.when(full)
        def _():
            pltpu.make_async_copy(
                out_r, out_hbm.at[pl.ds(base, _CH)], osem).wait()

        @pl.when(part)
        def _():
            pltpu.make_async_copy(out_r.at[pl.ds(0, _TAIL)],
                                  out_hbm.at[pl.ds(base, _TAIL)], osem).wait()

    def stage(g, ci, idx_r, rows_r, out_r, gsem, osem):
        pltpu.make_async_copy(s_hbm.at[idx_r], rows_r, gsem).wait()

        @pl.when(g > 0)
        def _():
            out_wait(ci - 2, out_r, osem)

        combine(ci, rows_r, out_r)
        out_issue(ci, out_r, osem)

        @pl.when(ci + 2 < _NCH)
        def _():
            fill_idx(ci + 2, idx_r)
            pltpu.async_copy(s_hbm.at[idx_r], rows_r, gsem)

    def pair(g, carry):
        stage(g, 2 * g, idx_a, rows_a, out_a, gsem_a, osem_a)
        stage(g, 2 * g + 1, idx_b, rows_b, out_b, gsem_b, osem_b)
        return carry

    lax.fori_loop(0, _NCH // 2, pair, None)
    out_wait(_NCH - 2, out_a, osem_a)
    out_wait(_NCH - 1, out_b, osem_b)


def _roi_pool_sc(s_flat, x1, y1, x2, y2):
    mesh = plsc.VectorSubcoreMesh(core_axis_name="c", subcore_axis_name="s")
    f = functools.partial(
        pl.kernel,
        out_type=jax.ShapeDtypeStruct((_NB, _D), jnp.float32),
        mesh=mesh,
        scratch_types=[
            pltpu.VMEM((_BPW,), jnp.float32),
            pltpu.VMEM((_BPW,), jnp.float32),
            pltpu.VMEM((_BPW,), jnp.float32),
            pltpu.VMEM((_BPW,), jnp.float32),
            pltpu.VMEM((4 * _CH,), jnp.int32),
            pltpu.VMEM((4 * _CH,), jnp.int32),
            pltpu.VMEM((4 * _CH, _D), jnp.float32),
            pltpu.VMEM((4 * _CH, _D), jnp.float32),
            pltpu.VMEM((_CH, _D), jnp.float32),
            pltpu.VMEM((_CH, _D), jnp.float32),
            pltpu.VMEM((_BPW,), jnp.float32),
            pltpu.SemaphoreType.DMA,
            pltpu.SemaphoreType.DMA,
            pltpu.SemaphoreType.DMA,
            pltpu.SemaphoreType.DMA,
            pltpu.SemaphoreType.DMA,
        ],
    )(_sc_body)
    return f(s_flat, x1, y1, x2, y2)


def _tc_einsum_kernel(x1_ref, y1_ref, x2_ref, y2_ref, hi_ref, lo_ref, out_ref):
    x1 = x1_ref[...]
    y1 = y1_ref[...]
    x2 = x2_ref[...]
    y2 = y2_ref[...]
    cl = jnp.maximum(0, (x1 * float(_W)).astype(jnp.int32))
    ch = jnp.minimum(_W, jnp.maximum(
        cl + 1, _round_half_even_nonneg(x2 * float(_W) + 0.5)))
    rl = jnp.maximum(0, (y1 * float(_H)).astype(jnp.int32))
    rh = jnp.minimum(_H, jnp.maximum(
        rl + 1, _round_half_even_nonneg(y2 * float(_H) + 0.5)))
    one = jnp.float32(1.0)
    zero = jnp.float32(0.0)
    jv = lax.broadcasted_iota(jnp.int32, (_TCB, _H * _W), 1)
    jm = jv & (_W - 1)
    cond = ((jv >= (rl * _W)[:, None]) & (jv < (rh * _W)[:, None])
            & (jm >= cl[:, None]) & (jm < ch[:, None]))
    mask = jnp.where(cond, one, zero).astype(jnp.bfloat16)
    acc = (jnp.dot(mask, hi_ref[...], preferred_element_type=jnp.float32)
           + jnp.dot(mask, lo_ref[...], preferred_element_type=jnp.float32))
    cnt = ((rh - rl) * (ch - cl)).astype(jnp.float32)
    out_ref[...] = acc * (1.0 / cnt)[:, None]


def _roi_pool_tc(x1, y1, x2, y2, hi, lo):
    grid = _NTC_PAD // _TCB
    return pl.pallas_call(
        _tc_einsum_kernel,
        grid=(grid,),
        in_specs=[
            pl.BlockSpec((_TCB,), lambda i: (i,)),
            pl.BlockSpec((_TCB,), lambda i: (i,)),
            pl.BlockSpec((_TCB,), lambda i: (i,)),
            pl.BlockSpec((_TCB,), lambda i: (i,)),
            pl.BlockSpec((_H * _W, _D), lambda i: (0, 0)),
            pl.BlockSpec((_H * _W, _D), lambda i: (0, 0)),
        ],
        out_specs=pl.BlockSpec((_TCB, _D), lambda i: (i, 0)),
        out_shape=jax.ShapeDtypeStruct((_N_BOXES, _D), jnp.float32),
    )(x1, y1, x2, y2, hi, lo)


def kernel(feat_map, boxes):
    s_flat = _integral_image(feat_map).reshape(_SROWS, _D)
    bp = jnp.zeros((_NTC_PAD + _NSC, 4), jnp.float32).at[:_N_BOXES].set(boxes)
    feat2 = feat_map.reshape(_H * _W, _D)
    hi = feat2.astype(jnp.bfloat16)
    lo = (feat2 - hi.astype(jnp.float32)).astype(jnp.bfloat16)
    out_sc = _roi_pool_sc(s_flat, bp[_NTC:_NTC + _NSC, 0],
                          bp[_NTC:_NTC + _NSC, 1],
                          bp[_NTC:_NTC + _NSC, 2],
                          bp[_NTC:_NTC + _NSC, 3])
    out_tc = _roi_pool_tc(bp[:_NTC_PAD, 0], bp[:_NTC_PAD, 1],
                          bp[:_NTC_PAD, 2], bp[:_NTC_PAD, 3], hi, lo)
    return lax.dynamic_update_slice(out_tc, out_sc, (_NTC, 0))

# --- scband reference (transcript-rebuilt; emitter-appended) ---
"""Pipeline reference for scband-roiaverage-pool-25752623907188 (READ-ONLY COPY).

The authoritative reference and input builder live on the scoring server;
editing this copy changes nothing except your own understanding.
"""

import jax, jax.numpy as jnp
import numpy as np


def _box_bounds(boxes, H, W):
    # Traced replication of the torch per-box index math:
    #   col_lo = max(0, int(x1 * W)); col_hi = min(W, max(col_lo + 1, round(x2 * W + 0.5)))
    #   row_lo = max(0, int(y1 * H)); row_hi = min(H, max(row_lo + 1, round(y2 * H + 0.5)))
    # jnp.round uses round-half-to-even like Python round()/np.round, and an
    # integer cast on nonnegative floats equals truncation, matching astype here.
    # H and W are powers of two, so x * W is exact in float32 and the integer
    # bounds match the float64 host computation bit-for-bit.
    x1, y1, x2, y2 = boxes[:, 0], boxes[:, 1], boxes[:, 2], boxes[:, 3]
    col_lo = jnp.maximum(0, (x1 * W).astype(jnp.int32))
    col_hi = jnp.minimum(W, jnp.maximum(col_lo + 1, jnp.round(x2 * W + 0.5).astype(jnp.int32)))
    row_lo = jnp.maximum(0, (y1 * H).astype(jnp.int32))
    row_hi = jnp.minimum(H, jnp.maximum(row_lo + 1, jnp.round(y2 * H + 0.5).astype(jnp.int32)))
    return row_lo, row_hi, col_lo, col_hi


def setup_inputs(seed: int = 0) -> dict:
    key = jax.random.key(seed)
    k1, k2 = jax.random.split(key)
    feat_map = jax.random.normal(k1, (32, 32, 384), dtype=jnp.float32)
    boxes = jax.random.uniform(k2, (5000, 4), dtype=jnp.float32)
    return {"feat_map": feat_map, "boxes": boxes}


def reference(feat_map, boxes):
    H, W, D = feat_map.shape
    row_lo, row_hi, col_lo, col_hi = _box_bounds(boxes, H, W)
    rows = jnp.arange(H)
    cols = jnp.arange(W)
    row_mask = (rows[None, :] >= row_lo[:, None]) & (rows[None, :] < row_hi[:, None])  # [n, H]
    col_mask = (cols[None, :] >= col_lo[:, None]) & (cols[None, :] < col_hi[:, None])  # [n, W]
    mask = (row_mask[:, :, None] & col_mask[:, None, :]).astype(jnp.float32)  # [n, H, W]
    counts = mask.sum(axis=(1, 2))  # [n], guaranteed >= 1 by construction
    sums = jnp.einsum('nhw,hwd->nd', mask, feat_map)  # masked gather + segment-style reduce
    return sums / counts[:, None]

if __name__ == "__main__":
    import jax
    _d = setup_inputs()
    print(jax.jit(kernel)(*tuple(_d.values())))

</pallas_src>

<mosaic_0001>
#map = affine_map<(d0, d1) -> (0, 0)>
#map1 = affine_map<(d0, d1) -> (0)>
module attributes {stable_mosaic.version = 14 : i64} {
  func.func @_sc_body(%arg0: i32, %arg1: i32, %arg2: memref<1320x384xf32, #tpu.memory_space<hbm>>, %arg3: memref<3072xf32, #tpu.memory_space<hbm>>, %arg4: memref<3072xf32, #tpu.memory_space<hbm>>, %arg5: memref<3072xf32, #tpu.memory_space<hbm>>, %arg6: memref<3072xf32, #tpu.memory_space<hbm>>, %arg7: memref<3072x384xf32, #tpu.memory_space<hbm>>, %arg8: memref<96xf32, #tpu.memory_space<vmem>>, %arg9: memref<96xf32, #tpu.memory_space<vmem>>, %arg10: memref<96xf32, #tpu.memory_space<vmem>>, %arg11: memref<96xf32, #tpu.memory_space<vmem>>, %arg12: memref<64xi32, #tpu.memory_space<vmem>>, %arg13: memref<64xi32, #tpu.memory_space<vmem>>, %arg14: memref<64x384xf32, #tpu.memory_space<vmem>>, %arg15: memref<64x384xf32, #tpu.memory_space<vmem>>, %arg16: memref<16x384xf32, #tpu.memory_space<vmem>>, %arg17: memref<16x384xf32, #tpu.memory_space<vmem>>, %arg18: memref<96xf32, #tpu.memory_space<vmem>>, %arg19: memref<!tpu.dma_semaphore, #tpu.memory_space<semaphore_mem>>, %arg20: memref<!tpu.dma_semaphore, #tpu.memory_space<semaphore_mem>>, %arg21: memref<!tpu.dma_semaphore, #tpu.memory_space<semaphore_mem>>, %arg22: memref<!tpu.dma_semaphore, #tpu.memory_space<semaphore_mem>>, %arg23: memref<!tpu.dma_semaphore, #tpu.memory_space<semaphore_mem>>) attributes {dimension_semantics = [#tpu.dimension_semantics<core_parallel>, #tpu.dimension_semantics<subcore_parallel>], iteration_bounds = array<i64: 2, 16>, scalar_prefetch = 0 : i64, scratch_operands = 16 : i64, tpu.core_type = #tpu.core_type<sc_vector_subcore>, window_params = [{transform_indices = #map}, {transform_indices = #map1}, {transform_indices = #map1}, {transform_indices = #map1}, {transform_indices = #map1}, {transform_indices = #map}]} {
    %mul3A = arith.constant 2 : i32
    %mul3A_0 = arith.muli %arg1, %mul3A : i32
    %add3A = arith.addi %mul3A_0, %arg0 : i32
    %mul3A_1 = arith.constant 96 : i32
    %mul3A_2 = arith.muli %add3A, %mul3A_1 : i32
    %dma_start3A = tpu.memref_slice %arg3[%mul3A_2] : memref<3072xf32, #tpu.memory_space<hbm>> -> memref<96xf32, #tpu.memory_space<hbm>>
    %dma_start3A_3 = tpu.memref_slice %arg3[%mul3A_2] : memref<3072xf32, #tpu.memory_space<hbm>> -> memref<96xf32, #tpu.memory_space<hbm>>
    tpu.enqueue_dma source(%dma_start3A_3 : memref<96xf32, #tpu.memory_space<hbm>>) target(%arg8 : memref<96xf32, #tpu.memory_space<vmem>>) target_semaphore(%arg23 : memref<!tpu.dma_semaphore, #tpu.memory_space<semaphore_mem>>)
    %dma_start3A_4 = tpu.memref_slice %arg4[%mul3A_2] : memref<3072xf32, #tpu.memory_space<hbm>> -> memref<96xf32, #tpu.memory_space<hbm>>
    %dma_start3A_5 = tpu.memref_slice %arg4[%mul3A_2] : memref<3072xf32, #tpu.memory_space<hbm>> -> memref<96xf32, #tpu.memory_space<hbm>>
    tpu.enqueue_dma source(%dma_start3A_5 : memref<96xf32, #tpu.memory_space<hbm>>) target(%arg9 : memref<96xf32, #tpu.memory_space<vmem>>) target_semaphore(%arg23 : memref<!tpu.dma_semaphore, #tpu.memory_space<semaphore_mem>>)
    %dma_start3A_6 = tpu.memref_slice %arg5[%mul3A_2] : memref<3072xf32, #tpu.memory_space<hbm>> -> memref<96xf32, #tpu.memory_space<hbm>>
    %dma_start3A_7 = tpu.memref_slice %arg5[%mul3A_2] : memref<3072xf32, #tpu.memory_space<hbm>> -> memref<96xf32, #tpu.memory_space<hbm>>
    tpu.enqueue_dma source(%dma_start3A_7 : memref<96xf32, #tpu.memory_space<hbm>>) target(%arg10 : memref<96xf32, #tpu.memory_space<vmem>>) target_semaphore(%arg23 : memref<!tpu.dma_semaphore, #tpu.memory_space<semaphore_mem>>)
    %dma_start3A_8 = tpu.memref_slice %arg6[%mul3A_2] : memref<3072xf32, #tpu.memory_space<hbm>> -> memref<96xf32, #tpu.memory_space<hbm>>
    %dma_start3A_9 = tpu.memref_slice %arg6[%mul3A_2] : memref<3072xf32, #tpu.memory_space<hbm>> -> memref<96xf32, #tpu.memory_space<hbm>>
    tpu.enqueue_dma source(%dma_start3A_9 : memref<96xf32, #tpu.memory_space<hbm>>) target(%arg11 : memref<96xf32, #tpu.memory_space<vmem>>) target_semaphore(%arg23 : memref<!tpu.dma_semaphore, #tpu.memory_space<semaphore_mem>>)
    %dma_wait3A = tpu.memref_slice %arg3[%mul3A_2] : memref<3072xf32, #tpu.memory_space<hbm>> -> memref<96xf32, #tpu.memory_space<hbm>>
    %dma_wait3A_10 = tpu.memref_slice %arg3[%mul3A_2] : memref<3072xf32, #tpu.memory_space<hbm>> -> memref<96xf32, #tpu.memory_space<hbm>>
    tpu.wait_dma2 semaphore(%arg23 : memref<!tpu.dma_semaphore, #tpu.memory_space<semaphore_mem>>) src(%dma_wait3A_10 : memref<96xf32, #tpu.memory_space<hbm>>) dst(%arg8 : memref<96xf32, #tpu.memory_space<vmem>>)
    %dma_wait3A_11 = tpu.memref_slice %arg3[%mul3A_2] : memref<3072xf32, #tpu.memory_space<hbm>> -> memref<96xf32, #tpu.memory_space<hbm>>
    %dma_wait3A_12 = tpu.memref_slice %arg3[%mul3A_2] : memref<3072xf32, #tpu.memory_space<hbm>> -> memref<96xf32, #tpu.memory_space<hbm>>
    tpu.wait_dma2 semaphore(%arg23 : memref<!tpu.dma_semaphore, #tpu.memory_space<semaphore_mem>>) src(%dma_wait3A_12 : memref<96xf32, #tpu.memory_space<hbm>>) dst(%arg9 : memref<96xf32, #tpu.memory_space<vmem>>)
    %dma_wait3A_13 = tpu.memref_slice %arg3[%mul3A_2] : memref<3072xf32, #tpu.memory_space<hbm>> -> memref<96xf32, #tpu.memory_space<hbm>>
    %dma_wait3A_14 = tpu.memref_slice %arg3[%mul3A_2] : memref<3072xf32, #tpu.memory_space<hbm>> -> memref<96xf32, #tpu.memory_space<hbm>>
    tpu.wait_dma2 semaphore(%arg23 : memref<!tpu.dma_semaphore, #tpu.memory_space<semaphore_mem>>) src(%dma_wait3A_14 : memref<96xf32, #tpu.memory_space<hbm>>) dst(%arg10 : memref<96xf32, #tpu.memory_space<vmem>>)
    %dma_wait3A_15 = tpu.memref_slice %arg3[%mul3A_2] : memref<3072xf32, #tpu.memory_space<hbm>> -> memref<96xf32, #tpu.memory_space<hbm>>
    %dma_wait3A_16 = tpu.memref_slice %arg3[%mul3A_2] : memref<3072xf32, #tpu.memory_space<hbm>> -> memref<96xf32, #tpu.memory_space<hbm>>
    tpu.wait_dma2 semaphore(%arg23 : memref<!tpu.dma_semaphore, #tpu.memory_space<semaphore_mem>>) src(%dma_wait3A_16 : memref<96xf32, #tpu.memory_space<hbm>>) dst(%arg11 : memref<96xf32, #tpu.memory_space<vmem>>)
    %get3A = arith.constant 0 : index
    %get3A_17 = tpu.vector_load %arg8[%get3A] {strides = array<i32>} : memref<96xf32, #tpu.memory_space<vmem>>, vector<16xf32>,
    %get3A_18 = vector.shape_cast %get3A_17 : vector<16xf32> to vector<16xf32>
    %get3A_19 = arith.constant 0 : index
    %get3A_20 = tpu.vector_load %arg9[%get3A_19] {strides = array<i32>} : memref<96xf32, #tpu.memory_space<vmem>>, vector<16xf32>,
    %get3A_21 = vector.shape_cast %get3A_20 : vector<16xf32> to vector<16xf32>
    %get3A_22 = arith.constant 0 : index
    %get3A_23 = tpu.vector_load %arg10[%get3A_22] {strides = array<i32>} : memref<96xf32, #tpu.memory_space<vmem>>, vector<16xf32>,
    %get3A_24 = vector.shape_cast %get3A_23 : vector<16xf32> to vector<16xf32>
    %get3A_25 = arith.constant 0 : index
    %get3A_26 = tpu.vector_load %arg11[%get3A_25] {strides = array<i32>} : memref<96xf32, #tpu.memory_space<vmem>>, vector<16xf32>,
    %get3A_27 = vector.shape_cast %get3A_26 : vector<16xf32> to vector<16xf32>
    %broadcast_in_dim3A = arith.constant 0 : i32
    %broadcast_in_dim3A_28 = vector.broadcast %broadcast_in_dim3A : i32 to vector<16xi32>
    %broadcast_in_dim3A_29 = arith.constant 32 : i32
    %broadcast_in_dim3A_30 = vector.broadcast %broadcast_in_dim3A_29 : i32 to vector<16xi32>
    %broadcast_in_dim3A_31 = arith.constant 32 : i32
    %broadcast_in_dim3A_32 = vector.broadcast %broadcast_in_dim3A_31 : i32 to vector<16xi32>
    %mul3A_33 = arith.constant 3.200000e+01 : f32
    %mul3A_34 = vector.broadcast %mul3A_33 : f32 to vector<16xf32>
    %mul3A_35 = arith.mulf %get3A_18, %mul3A_34 : vector<16xf32>
    %convert_element_type3A = arith.fptosi %mul3A_35 : vector<16xf32> to vector<16xi32>
    %max3A = arith.maxsi %broadcast_in_dim3A_28, %convert_element_type3A : vector<16xi32>
    %add3A_36 = arith.constant 1 : i32
    %add3A_37 = vector.broadcast %add3A_36 : i32 to vector<16xi32>
    %add3A_38 = arith.addi %max3A, %add3A_37 : vector<16xi32>
    %mul3A_39 = arith.constant 3.200000e+01 : f32
    %mul3A_40 = vector.broadcast %mul3A_39 : f32 to vector<16xf32>
    %mul3A_41 = arith.mulf %get3A_24, %mul3A_40 : vector<16xf32>
    %add3A_42 = arith.constant 5.000000e-01 : f32
    %add3A_43 = vector.broadcast %add3A_42 : f32 to vector<16xf32>
    %add3A_44 = arith.addf %mul3A_41, %add3A_43 : vector<16xf32>
    %convert_element_type3A_45 = arith.fptosi %add3A_44 : vector<16xf32> to vector<16xi32>
    %convert_element_type3A_46 = arith.sitofp %convert_element_type3A_45 : vector<16xi32> to vector<16xf32>
    %sub3A = arith.subf %add3A_44, %convert_element_type3A_46 : vector<16xf32>
    %gt3A = arith.constant 5.000000e-01 : f32
    %gt3A_47 = vector.broadcast %gt3A : f32 to vector<16xf32>
    %gt3A_48 = arith.cmpf ogt, %sub3A, %gt3A_47 : vector<16xf32>
    %eq3A = arith.constant 5.000000e-01 : f32
    %eq3A_49 = vector.broadcast %eq3A : f32 to vector<16xf32>
    %eq3A_50 = arith.cmpf oeq, %sub3A, %eq3A_49 : vector<16xf32>
    %and3A = arith.constant 1 : i32
    %and3A_51 = vector.broadcast %and3A : i32 to vector<16xi32>
    %and3A_52 = arith.andi %convert_element_type3A_45, %and3A_51 : vector<16xi32>
    %eq3A_53 = arith.constant 1 : i32
    %eq3A_54 = vector.broadcast %eq3A_53 : i32 to vector<16xi32>
    %eq3A_55 = arith.cmpi eq, %and3A_52, %eq3A_54 : vector<16xi32>
    %and3A_56 = arith.andi %eq3A_50, %eq3A_55 : vector<16xi1>
    %or3A = arith.ori %gt3A_48, %and3A_56 : vector<16xi1>
    %add3A_57 = arith.constant 1 : i32
    %add3A_58 = vector.broadcast %add3A_57 : i32 to vector<16xi32>
    %add3A_59 = arith.addi %convert_element_type3A_45, %add3A_58 : vector<16xi32>
    %select_n3A = arith.select %or3A, %add3A_59, %convert_element_type3A_45 : vector<16xi1>, vector<16xi32>
    %max3A_60 = arith.maxsi %add3A_38, %select_n3A : vector<16xi32>
    %min3A = arith.minsi %broadcast_in_dim3A_30, %max3A_60 : vector<16xi32>
    %mul3A_61 = arith.constant 3.200000e+01 : f32
    %mul3A_62 = vector.broadcast %mul3A_61 : f32 to vector<16xf32>
    %mul3A_63 = arith.mulf %get3A_21, %mul3A_62 : vector<16xf32>
    %convert_element_type3A_64 = arith.fptosi %mul3A_63 : vector<16xf32> to vector<16xi32>
    %max3A_65 = arith.maxsi %broadcast_in_dim3A_28, %convert_element_type3A_64 : vector<16xi32>
    %add3A_66 = arith.constant 1 : i32
    %add3A_67 = vector.broadcast %add3A_66 : i32 to vector<16xi32>
    %add3A_68 = arith.addi %max3A_65, %add3A_67 : vector<16xi32>
    %mul3A_69 = arith.constant 3.200000e+01 : f32
    %mul3A_70 = vector.broadcast %mul3A_69 : f32 to vector<16xf32>
    %mul3A_71 = arith.mulf %get3A_27, %mul3A_70 : vector<16xf32>
    %add3A_72 = arith.constant 5.000000e-01 : f32
    %add3A_73 = vector.broadcast %add3A_72 : f32 to vector<16xf32>
    %add3A_74 = arith.addf %mul3A_71, %add3A_73 : vector<16xf32>
    %convert_element_type3A_75 = arith.fptosi %add3A_74 : vector<16xf32> to vector<16xi32>
    %convert_element_type3A_76 = arith.sitofp %convert_element_type3A_75 : vector<16xi32> to vector<16xf32>
    %sub3A_77 = arith.subf %add3A_74, %convert_element_type3A_76 : vector<16xf32>
    %gt3A_78 = arith.constant 5.000000e-01 : f32
    %gt3A_79 = vector.broadcast %gt3A_78 : f32 to vector<16xf32>
    %gt3A_80 = arith.cmpf ogt, %sub3A_77, %gt3A_79 : vector<16xf32>
    %eq3A_81 = arith.constant 5.000000e-01 : f32
    %eq3A_82 = vector.broadcast %eq3A_81 : f32 to vector<16xf32>
    %eq3A_83 = arith.cmpf oeq, %sub3A_77, %eq3A_82 : vector<16xf32>
    %and3A_84 = arith.constant 1 : i32
    %and3A_85 = vector.broadcast %and3A_84 : i32 to vector<16xi32>
    %and3A_86 = arith.andi %convert_element_type3A_75, %and3A_85 : vector<16xi32>
    %eq3A_87 = arith.constant 1 : i32
    %eq3A_88 = vector.broadcast %eq3A_87 : i32 to vector<16xi32>
    %eq3A_89 = arith.cmpi eq, %and3A_86, %eq3A_88 : vector<16xi32>
    %and3A_90 = arith.andi %eq3A_83, %eq3A_89 : vector<16xi1>
    %or3A_91 = arith.ori %gt3A_80, %and3A_90 : vector<16xi1>
    %add3A_92 = arith.constant 1 : i32
    %add3A_93 = vector.broadcast %add3A_92 : i32 to vector<16xi32>
    %add3A_94 = arith.addi %convert_element_type3A_75, %add3A_93 : vector<16xi32>
    %select_n3A_95 = arith.select %or3A_91, %add3A_94, %convert_element_type3A_75 : vector<16xi1>, vector<16xi32>
    %max3A_96 = arith.maxsi %add3A_68, %select_n3A_95 : vector<16xi32>
    %min3A_97 = arith.minsi %broadcast_in_dim3A_32, %max3A_96 : vector<16xi32>
    %mul3A_98 = arith.constant 40 : i32
    %mul3A_99 = vector.broadcast %mul3A_98 : i32 to vector<16xi32>
    %mul3A_100 = arith.muli %max3A_65, %mul3A_99 : vector<16xi32>
    %add3A_101 = arith.addi %mul3A_100, %max3A : vector<16xi32>
    %swap3A = arith.constant 0 : index
    %swap3A_102 = tpu.vector_load %arg12[%swap3A] {strides = array<i32>} : memref<64xi32, #tpu.memory_space<vmem>>, vector<16xi32>,
    %swap3A_103 = vector.shape_cast %swap3A_102 : vector<16xi32> to vector<16xi32>
    %swap3A_104 = vector.shape_cast %add3A_101 : vector<16xi32> to vector<16xi32>
    tpu.vector_store %arg12[%swap3A], %swap3A_104 {strides = array<i32>} : memref<64xi32, #tpu.memory_space<vmem>>, vector<16xi32>,
    %mul3A_105 = arith.constant 40 : i32
    %mul3A_106 = vector.broadcast %mul3A_105 : i32 to vector<16xi32>
    %mul3A_107 = arith.muli %max3A_65, %mul3A_106 : vector<16xi32>
    %add3A_108 = arith.addi %mul3A_107, %min3A : vector<16xi32>
    %swap3A_109 = arith.constant 16 : index
    %swap3A_110 = tpu.vector_load %arg12[%swap3A_109] {strides = array<i32>} : memref<64xi32, #tpu.memory_space<vmem>>, vector<16xi32>,
    %swap3A_111 = vector.shape_cast %swap3A_110 : vector<16xi32> to vector<16xi32>
    %swap3A_112 = vector.shape_cast %add3A_108 : vector<16xi32> to vector<16xi32>
    tpu.vector_store %arg12[%swap3A_109], %swap3A_112 {strides = array<i32>} : memref<64xi32, #tpu.memory_space<vmem>>, vector<16xi32>,
    %mul3A_113 = arith.constant 40 : i32
    %mul3A_114 = vector.broadcast %mul3A_113 : i32 to vector<16xi32>
    %mul3A_115 = arith.muli %min3A_97, %mul3A_114 : vector<16xi32>
    %add3A_116 = arith.addi %mul3A_115, %max3A : vector<16xi32>
    %swap3A_117 = arith.constant 32 : index
    %swap3A_118 = tpu.vector_load %arg12[%swap3A_117] {strides = array<i32>} : memref<64xi32, #tpu.memory_space<vmem>>, vector<16xi32>,
    %swap3A_119 = vector.shape_cast %swap3A_118 : vector<16xi32> to vector<16xi32>
    %swap3A_120 = vector.shape_cast %add3A_116 : vector<16xi32> to vector<16xi32>
    tpu.vector_store %arg12[%swap3A_117], %swap3A_120 {strides = array<i32>} : memref<64xi32, #tpu.memory_space<vmem>>, vector<16xi32>,
    %mul3A_121 = arith.constant 40 : i32
    %mul3A_122 = vector.broadcast %mul3A_121 : i32 to vector<16xi32>
    %mul3A_123 = arith.muli %min3A_97, %mul3A_122 : vector<16xi32>
    %add3A_124 = arith.addi %mul3A_123, %min3A : vector<16xi32>
    %swap3A_125 = arith.constant 48 : index
    %swap3A_126 = tpu.vector_load %arg12[%swap3A_125] {strides = array<i32>} : memref<64xi32, #tpu.memory_space<vmem>>, vector<16xi32>,
    %swap3A_127 = vector.shape_cast %swap3A_126 : vector<16xi32> to vector<16xi32>
    %swap3A_128 = vector.shape_cast %add3A_124 : vector<16xi32> to vector<16xi32>
    tpu.vector_store %arg12[%swap3A_125], %swap3A_128 {strides = array<i32>} : memref<64xi32, #tpu.memory_space<vmem>>, vector<16xi32>,
    %sub3A_129 = arith.subi %min3A_97, %max3A_65 : vector<16xi32>
    %sub3A_130 = arith.subi %min3A, %max3A : vector<16xi32>
    %mul3A_131 = arith.muli %sub3A_129, %sub3A_130 : vector<16xi32>
    %convert_element_type3A_132 = arith.sitofp %mul3A_131 : vector<16xi32> to vector<16xf32>
    %div3A = arith.constant 1.000000e+00 : f32
    %div3A_133 = vector.broadcast %div3A : f32 to vector<16xf32>
    %div3A_134 = arith.divf %div3A_133, %convert_element_type3A_132 : vector<16xf32>
    %swap3A_135 = arith.constant 0 : index
    %swap3A_136 = tpu.vector_load %arg18[%swap3A_135] {strides = array<i32>} : memref<96xf32, #tpu.memory_space<vmem>>, vector<16xf32>,
    %swap3A_137 = vector.shape_cast %swap3A_136 : vector<16xf32> to vector<16xf32>
    %swap3A_138 = vector.shape_cast %div3A_134 : vector<16xf32> to vector<16xf32>
    tpu.vector_store %arg18[%swap3A_135], %swap3A_138 {strides = array<i32>} : memref<96xf32, #tpu.memory_space<vmem>>, vector<16xf32>,
    %dma_start3A_139 = arith.constant 0 : i32
    %dma_start3A_140 = arith.constant 0 : i32
    %dma_start3A_141 = tpu.memref_slice %arg2[%dma_start3A_139, %dma_start3A_140] : memref<1320x384xf32, #tpu.memory_space<hbm>> -> memref<1320x384xf32, #tpu.memory_space<hbm>>
    tpu.enqueue_indirect_dma source(%dma_start3A_141 : memref<1320x384xf32, #tpu.memory_space<hbm>>) target(%arg14 : memref<64x384xf32, #tpu.memory_space<vmem>>) offsets(%arg12 : memref<64xi32, #tpu.memory_space<vmem>>) semaphore(%arg19 : memref<!tpu.dma_semaphore, #tpu.memory_space<semaphore_mem>>)
    %get3A_142 = arith.constant 16 : index
    %get3A_143 = tpu.vector_load %arg8[%get3A_142] {strides = array<i32>} : memref<96xf32, #tpu.memory_space<vmem>>, vector<16xf32>,
    %get3A_144 = vector.shape_cast %get3A_143 : vector<16xf32> to vector<16xf32>
    %get3A_145 = arith.constant 16 : index
    %get3A_146 = tpu.vector_load %arg9[%get3A_145] {strides = array<i32>} : memref<96xf32, #tpu.memory_space<vmem>>, vector<16xf32>,
    %get3A_147 = vector.shape_cast %get3A_146 : vector<16xf32> to vector<16xf32>
    %get3A_148 = arith.constant 16 : index
    %get3A_149 = tpu.vector_load %arg10[%get3A_148] {strides = array<i32>} : memref<96xf32, #tpu.memory_space<vmem>>, vector<16xf32>,
    %get3A_150 = vector.shape_cast %get3A_149 : vector<16xf32> to vector<16xf32>
    %get3A_151 = arith.constant 16 : index
    %get3A_152 = tpu.vector_load %arg11[%get3A_151] {strides = array<i32>} : memref<96xf32, #tpu.memory_space<vmem>>, vector<16xf32>,
    %get3A_153 = vector.shape_cast %get3A_152 : vector<16xf32> to vector<16xf32>
    %broadcast_in_dim3A_154 = arith.constant 0 : i32
    %broadcast_in_dim3A_155 = vector.broadcast %broadcast_in_dim3A_154 : i32 to vector<16xi32>
    %broadcast_in_dim3A_156 = arith.constant 32 : i32
    %broadcast_in_dim3A_157 = vector.broadcast %broadcast_in_dim3A_156 : i32 to vector<16xi32>
    %broadcast_in_dim3A_158 = arith.constant 32 : i32
    %broadcast_in_dim3A_159 = vector.broadcast %broadcast_in_dim3A_158 : i32 to vector<16xi32>
    %mul3A_160 = arith.constant 3.200000e+01 : f32
    %mul3A_161 = vector.broadcast %mul3A_160 : f32 to vector<16xf32>
    %mul3A_162 = arith.mulf %get3A_144, %mul3A_161 : vector<16xf32>
    %convert_element_type3A_163 = arith.fptosi %mul3A_162 : vector<16xf32> to vector<16xi32>
    %max3A_164 = arith.maxsi %broadcast_in_dim3A_155, %convert_element_type3A_163 : vector<16xi32>
    %add3A_165 = arith.constant 1 : i32
    %add3A_166 = vector.broadcast %add3A_165 : i32 to vector<16xi32>
    %add3A_167 = arith.addi %max3A_164, %add3A_166 : vector<16xi32>
    %mul3A_168 = arith.constant 3.200000e+01 : f32
    %mul3A_169 = vector.broadcast %mul3A_168 : f32 to vector<16xf32>
    %mul3A_170 = arith.mulf %get3A_150, %mul3A_169 : vector<16xf32>
    %add3A_171 = arith.constant 5.000000e-01 : f32
    %add3A_172 = vector.broadcast %add3A_171 : f32 to vector<16xf32>
    %add3A_173 = arith.addf %mul3A_170, %add3A_172 : vector<16xf32>
    %convert_element_type3A_174 = arith.fptosi %add3A_173 : vector<16xf32> to vector<16xi32>
    %convert_element_type3A_175 = arith.sitofp %convert_element_type3A_174 : vector<16xi32> to vector<16xf32>
    %sub3A_176 = arith.subf %add3A_173, %convert_element_type3A_175 : vector<16xf32>
    %gt3A_177 = arith.constant 5.000000e-01 : f32
    %gt3A_178 = vector.broadcast %gt3A_177 : f32 to vector<16xf32>
    %gt3A_179 = arith.cmpf ogt, %sub3A_176, %gt3A_178 : vector<16xf32>
    %eq3A_180 = arith.constant 5.000000e-01 : f32
    %eq3A_181 = vector.broadcast %eq3A_180 : f32 to vector<16xf32>
    %eq3A_182 = arith.cmpf oeq, %sub3A_176, %eq3A_181 : vector<16xf32>
    %and3A_183 = arith.constant 1 : i32
    %and3A_184 = vector.broadcast %and3A_183 : i32 to vector<16xi32>
    %and3A_185 = arith.andi %convert_element_type3A_174, %and3A_184 : vector<16xi32>
    %eq3A_186 = arith.constant 1 : i32
    %eq3A_187 = vector.broadcast %eq3A_186 : i32 to vector<16xi32>
    %eq3A_188 = arith.cmpi eq, %and3A_185, %eq3A_187 : vector<16xi32>
    %and3A_189 = arith.andi %eq3A_182, %eq3A_188 : vector<16xi1>
    %or3A_190 = arith.ori %gt3A_179, %and3A_189 : vector<16xi1>
    %add3A_191 = arith.constant 1 : i32
    %add3A_192 = vector.broadcast %add3A_191 : i32 to vector<16xi32>
    %add3A_193 = arith.addi %convert_element_type3A_174, %add3A_192 : vector<16xi32>
    %select_n3A_194 = arith.select %or3A_190, %add3A_193, %convert_element_type3A_174 : vector<16xi1>, vector<16xi32>
    %max3A_195 = arith.maxsi %add3A_167, %select_n3A_194 : vector<16xi32>
    %min3A_196 = arith.minsi %broadcast_in_dim3A_157, %max3A_195 : vector<16xi32>
    %mul3A_197 = arith.constant 3.200000e+01 : f32
    %mul3A_198 = vector.broadcast %mul3A_197 : f32 to vector<16xf32>
    %mul3A_199 = arith.mulf %get3A_147, %mul3A_198 : vector<16xf32>
    %convert_element_type3A_200 = arith.fptosi %mul3A_199 : vector<16xf32> to vector<16xi32>
    %max3A_201 = arith.maxsi %broadcast_in_dim3A_155, %convert_element_type3A_200 : vector<16xi32>
    %add3A_202 = arith.constant 1 : i32
    %add3A_203 = vector.broadcast %add3A_202 : i32 to vector<16xi32>
    %add3A_204 = arith.addi %max3A_201, %add3A_203 : vector<16xi32>
    %mul3A_205 = arith.constant 3.200000e+01 : f32
    %mul3A_206 = vector.broadcast %mul3A_205 : f32 to vector<16xf32>
    %mul3A_207 = arith.mulf %get3A_153, %mul3A_206 : vector<16xf32>
    %add3A_208 = arith.constant 5.000000e-01 : f32
    %add3A_209 = vector.broadcast %add3A_208 : f32 to vector<16xf32>
    %add3A_210 = arith.addf %mul3A_207, %add3A_209 : vector<16xf32>
    %convert_element_type3A_211 = arith.fptosi %add3A_210 : vector<16xf32> to vector<16xi32>
    %convert_element_type3A_212 = arith.sitofp %convert_element_type3A_211 : vector<16xi32> to vector<16xf32>
    %sub3A_213 = arith.subf %add3A_210, %convert_element_type3A_212 : vector<16xf32>
    %gt3A_214 = arith.constant 5.000000e-01 : f32
    %gt3A_215 = vector.broadcast %gt3A_214 : f32 to vector<16xf32>
    %gt3A_216 = arith.cmpf ogt, %sub3A_213, %gt3A_215 : vector<16xf32>
    %eq3A_217 = arith.constant 5.000000e-01 : f32
    %eq3A_218 = vector.broadcast %eq3A_217 : f32 to vector<16xf32>
    %eq3A_219 = arith.cmpf oeq, %sub3A_213, %eq3A_218 : vector<16xf32>
    %and3A_220 = arith.constant 1 : i32
    %and3A_221 = vector.broadcast %and3A_220 : i32 to vector<16xi32>
    %and3A_222 = arith.andi %convert_element_type3A_211, %and3A_221 : vector<16xi32>
    %eq3A_223 = arith.constant 1 : i32
    %eq3A_224 = vector.broadcast %eq3A_223 : i32 to vector<16xi32>
    %eq3A_225 = arith.cmpi eq, %and3A_222, %eq3A_224 : vector<16xi32>
    %and3A_226 = arith.andi %eq3A_219, %eq3A_225 : vector<16xi1>
    %or3A_227 = arith.ori %gt3A_216, %and3A_226 : vector<16xi1>
    %add3A_228 = arith.constant 1 : i32
    %add3A_229 = vector.broadcast %add3A_228 : i32 to vector<16xi32>
    %add3A_230 = arith.addi %convert_element_type3A_211, %add3A_229 : vector<16xi32>
    %select_n3A_231 = arith.select %or3A_227, %add3A_230, %convert_element_type3A_211 : vector<16xi1>, vector<16xi32>
    %max3A_232 = arith.maxsi %add3A_204, %select_n3A_231 : vector<16xi32>
    %min3A_233 = arith.minsi %broadcast_in_dim3A_159, %max3A_232 : vector<16xi32>
    %mul3A_234 = arith.constant 40 : i32
    %mul3A_235 = vector.broadcast %mul3A_234 : i32 to vector<16xi32>
    %mul3A_236 = arith.muli %max3A_201, %mul3A_235 : vector<16xi32>
    %add3A_237 = arith.addi %mul3A_236, %max3A_164 : vector<16xi32>
    %swap3A_238 = arith.constant 0 : index
    %swap3A_239 = tpu.vector_load %arg13[%swap3A_238] {strides = array<i32>} : memref<64xi32, #tpu.memory_space<vmem>>, vector<16xi32>,
    %swap3A_240 = vector.shape_cast %swap3A_239 : vector<16xi32> to vector<16xi32>
    %swap3A_241 = vector.shape_cast %add3A_237 : vector<16xi32> to vector<16xi32>
    tpu.vector_store %arg13[%swap3A_238], %swap3A_241 {strides = array<i32>} : memref<64xi32, #tpu.memory_space<vmem>>, vector<16xi32>,
    %mul3A_242 = arith.constant 40 : i32
    %mul3A_243 = vector.broadcast %mul3A_242 : i32 to vector<16xi32>
    %mul3A_244 = arith.muli %max3A_201, %mul3A_243 : vector<16xi32>
    %add3A_245 = arith.addi %mul3A_244, %min3A_196 : vector<16xi32>
    %swap3A_246 = arith.constant 16 : index
    %swap3A_247 = tpu.vector_load %arg13[%swap3A_246] {strides = array<i32>} : memref<64xi32, #tpu.memory_space<vmem>>, vector<16xi32>,
    %swap3A_248 = vector.shape_cast %swap3A_247 : vector<16xi32> to vector<16xi32>
    %swap3A_249 = vector.shape_cast %add3A_245 : vector<16xi32> to vector<16xi32>
    tpu.vector_store %arg13[%swap3A_246], %swap3A_249 {strides = array<i32>} : memref<64xi32, #tpu.memory_space<vmem>>, vector<16xi32>,
    %mul3A_250 = arith.constant 40 : i32
    %mul3A_251 = vector.broadcast %mul3A_250 : i32 to vector<16xi32>
    %mul3A_252 = arith.muli %min3A_233, %mul3A_251 : vector<16xi32>
    %add3A_253 = arith.addi %mul3A_252, %max3A_164 : vector<16xi32>
    %swap3A_254 = arith.constant 32 : index
    %swap3A_255 = tpu.vector_load %arg13[%swap3A_254] {strides = array<i32>} : memref<64xi32, #tpu.memory_space<vmem>>, vector<16xi32>,
    %swap3A_256 = vector.shape_cast %swap3A_255 : vector<16xi32> to vector<16xi32>
    %swap3A_257 = vector.shape_cast %add3A_253 : vector<16xi32> to vector<16xi32>
    tpu.vector_store %arg13[%swap3A_254], %swap3A_257 {strides = array<i32>} : memref<64xi32, #tpu.memory_space<vmem>>, vector<16xi32>,
    %mul3A_258 = arith.constant 40 : i32
    %mul3A_259 = vector.broadcast %mul3A_258 : i32 to vector<16xi32>
    %mul3A_260 = arith.muli %min3A_233, %mul3A_259 : vector<16xi32>
    %add3A_261 = arith.addi %mul3A_260, %min3A_196 : vector<16xi32>
    %swap3A_262 = arith.constant 48 : index
    %swap3A_263 = tpu.vector_load %arg13[%swap3A_262] {strides = array<i32>} : memref<64xi32, #tpu.memory_space<vmem>>, vector<16xi32>,
    %swap3A_264 = vector.shape_cast %swap3A_263 : vector<16xi32> to vector<16xi32>
    %swap3A_265 = vector.shape_cast %add3A_261 : vector<16xi32> to vector<16xi32>
    tpu.vector_store %arg13[%swap3A_262], %swap3A_265 {strides = array<i32>} : memref<64xi32, #tpu.memory_space<vmem>>, vector<16xi32>,
    %sub3A_266 = arith.subi %min3A_233, %max3A_201 : vector<16xi32>
    %sub3A_267 = arith.subi %min3A_196, %max3A_164 : vector<16xi32>
    %mul3A_268 = arith.muli %sub3A_266, %sub3A_267 : vector<16xi32>
    %convert_element_type3A_269 = arith.sitofp %mul3A_268 : vector<16xi32> to vector<16xf32>
    %div3A_270 = arith.constant 1.000000e+00 : f32
    %div3A_271 = vector.broadcast %div3A_270 : f32 to vector<16xf32>
    %div3A_272 = arith.divf %div3A_271, %convert_element_type3A_269 : vector<16xf32>
    %swap3A_273 = arith.constant 16 : index
    %swap3A_274 = tpu.vector_load %arg18[%swap3A_273] {strides = array<i32>} : memref<96xf32, #tpu.memory_space<vmem>>, vector<16xf32>,
    %swap3A_275 = vector.shape_cast %swap3A_274 : vector<16xf32> to vector<16xf32>
    %swap3A_276 = vector.shape_cast %div3A_272 : vector<16xf32> to vector<16xf32>
    tpu.vector_store %arg18[%swap3A_273], %swap3A_276 {strides = array<i32>} : memref<96xf32, #tpu.memory_space<vmem>>, vector<16xf32>,
    %dma_start3A_277 = arith.constant 0 : i32
    %dma_start3A_278 = arith.constant 0 : i32
    %dma_start3A_279 = tpu.memref_slice %arg2[%dma_start3A_277, %dma_start3A_278] : memref<1320x384xf32, #tpu.memory_space<hbm>> -> memref<1320x384xf32, #tpu.memory_space<hbm>>
    tpu.enqueue_indirect_dma source(%dma_start3A_279 : memref<1320x384xf32, #tpu.memory_space<hbm>>) target(%arg15 : memref<64x384xf32, #tpu.memory_space<vmem>>) offsets(%arg13 : memref<64xi32, #tpu.memory_space<vmem>>) semaphore(%arg20 : memref<!tpu.dma_semaphore, #tpu.memory_space<semaphore_mem>>)
    %scan3A = arith.constant 0 : i32
    %scan3A_280 = arith.constant 3 : i32
    %scan3A_281 = arith.addi %scan3A, %scan3A_280 : i32
    %scan3A_282 = arith.constant 1 : i32
    scf.for %scan3A_319 = %scan3A to %scan3A_281 step %scan3A_282  : i32 {
      %mul3A_320 = arith.constant 2 : i32
      %mul3A_321 = arith.muli %mul3A_320, %scan3A_319 : i32
      %dma_wait3A_322 = arith.constant 0 : i32
      %dma_wait3A_323 = arith.constant 0 : i32
      %dma_wait3A_324 = tpu.memref_slice %arg2[%dma_wait3A_322, %dma_wait3A_323] : memref<1320x384xf32, #tpu.memory_space<hbm>> -> memref<1320x384xf32, #tpu.memory_space<hbm>>
      tpu.wait_indirect_dma semaphore(%arg19 : memref<!tpu.dma_semaphore, #tpu.memory_space<semaphore_mem>>) src(%dma_wait3A_324 : memref<1320x384xf32, #tpu.memory_space<hbm>>) dst(%arg14 : memref<64x384xf32, #tpu.memory_space<vmem>>)
      %gt3A_325 = arith.constant 0 : i32
      %gt3A_326 = arith.cmpi sgt, %scan3A_319, %gt3A_325 : i32
      %convert_element_type3A_327 = arith.extui %gt3A_326 : i1 to i32
      %cond3A_328 = arith.constant 0 : i32
      %cond3A_329 = arith.cmpi ne, %convert_element_type3A_327, %cond3A_328 : i32
      scf.if %cond3A_329 {
        %sub3A_416 = arith.constant 2 : i32
        %sub3A_417 = arith.subi %mul3A_321, %sub3A_416 : i32
        %mul3A_418 = arith.constant 16 : i32
        %mul3A_419 = arith.muli %sub3A_417, %mul3A_418 : i32
        %add3A_420 = arith.addi %mul3A_2, %mul3A_419 : i32
        %add3A_421 = arith.constant 16 : i32
        %add3A_422 = arith.addi %add3A_420, %add3A_421 : i32
        %le3A_423 = arith.constant 3072 : i32
        %le3A_424 = arith.cmpi sle, %add3A_422, %le3A_423 : i32
        %lt3A_425 = arith.constant 3072 : i32
        %lt3A_426 = arith.cmpi slt, %add3A_420, %lt3A_425 : i32
        %add3A_427 = arith.constant 16 : i32
        %add3A_428 = arith.addi %add3A_420, %add3A_427 : i32
        %gt3A_429 = arith.constant 3072 : i32
        %gt3A_430 = arith.cmpi sgt, %add3A_428, %gt3A_429 : i32
        %and3A_431 = arith.andi %lt3A_426, %gt3A_430 : i1
        %convert_element_type3A_432 = arith.extui %le3A_424 : i1 to i32
        %cond3A_433 = arith.constant 0 : i32
        %cond3A_434 = arith.cmpi ne, %convert_element_type3A_432, %cond3A_433 : i32
        scf.if %cond3A_434 {
          %dma_wait3A_438 = arith.constant 0 : i32
          %dma_wait3A_439 = tpu.memref_slice %arg7[%mul3A_2, %dma_wait3A_438] : memref<3072x384xf32, #tpu.memory_space<hbm>> -> memref<16x384xf32, #tpu.memory_space<hbm>>
          %dma_wait3A_440 = arith.constant 0 : i32
          %dma_wait3A_441 = tpu.memref_slice %arg7[%mul3A_2, %dma_wait3A_440] : memref<3072x384xf32, #tpu.memory_space<hbm>> -> memref<16x384xf32, #tpu.memory_space<hbm>>
          tpu.wait_dma2 semaphore(%arg21 : memref<!tpu.dma_semaphore, #tpu.memory_space<semaphore_mem>>) src(%arg16 : memref<16x384xf32, #tpu.memory_space<vmem>>) dst(%dma_wait3A_441 : memref<16x384xf32, #tpu.memory_space<hbm>>)
        } else {
        }
        %convert_element_type3A_435 = arith.extui %and3A_431 : i1 to i32
        %cond3A_436 = arith.constant 0 : i32
        %cond3A_437 = arith.cmpi ne, %convert_element_type3A_435, %cond3A_436 : i32
        scf.if %cond3A_437 {
          %dma_wait3A_438 = arith.constant 0 : i32
          %dma_wait3A_439 = arith.constant 0 : i32
          %dma_wait3A_440 = tpu.memref_slice %arg16[%dma_wait3A_438, %dma_wait3A_439] : memref<16x384xf32, #tpu.memory_space<vmem>> -> memref<8x384xf32, #tpu.memory_space<vmem>>
          %dma_wait3A_441 = arith.constant 0 : i32
          %dma_wait3A_442 = tpu.memref_slice %arg7[%mul3A_2, %dma_wait3A_441] : memref<3072x384xf32, #tpu.memory_space<hbm>> -> memref<8x384xf32, #tpu.memory_space<hbm>>
          %dma_wait3A_443 = arith.constant 0 : i32
          %dma_wait3A_444 = tpu.memref_slice %arg7[%mul3A_2, %dma_wait3A_443] : memref<3072x384xf32, #tpu.memory_space<hbm>> -> memref<8x384xf32, #tpu.memory_space<hbm>>
          %dma_wait3A_445 = arith.constant 0 : i32
          %dma_wait3A_446 = arith.constant 0 : i32
          %dma_wait3A_447 = tpu.memref_slice %arg16[%dma_wait3A_445, %dma_wait3A_446] : memref<16x384xf32, #tpu.memory_space<vmem>> -> memref<8x384xf32, #tpu.memory_space<vmem>>
          tpu.wait_dma2 semaphore(%arg21 : memref<!tpu.dma_semaphore, #tpu.memory_space<semaphore_mem>>) src(%dma_wait3A_447 : memref<8x384xf32, #tpu.memory_space<vmem>>) dst(%dma_wait3A_444 : memref<8x384xf32, #tpu.memory_space<hbm>>)
        } else {
        }
      } else {
      }
      %mul3A_330 = arith.constant 16 : i32
      %mul3A_331 = arith.muli %mul3A_321, %mul3A_330 : i32
      %get3A_332 = arith.index_cast %mul3A_331 : i32 to index
      %get3A_333 = tpu.vector_load %arg18[%get3A_332] {strides = array<i32>} : memref<96xf32, #tpu.memory_space<vmem>>, vector<16xf32>,
      %get3A_334 = vector.shape_cast %get3A_333 : vector<16xf32> to vector<16xf32>
      %scan3A_335 = arith.constant 0 : i32
      %scan3A_336 = arith.constant 16 : i32
      %scan3A_337 = arith.addi %scan3A_335, %scan3A_336 : i32
      %scan3A_338 = arith.constant 1 : i32
      scf.for %scan3A_416 = %scan3A_335 to %scan3A_337 step %scan3A_338  : i32 {
        %broadcast_in_dim3A_417 = vector.broadcast %scan3A_416 : i32 to vector<16xi32>
        %lt3A_418 = arith.constant 0 : i32
        %lt3A_419 = vector.broadcast %lt3A_418 : i32 to vector<16xi32>
        %lt3A_420 = arith.cmpi slt, %broadcast_in_dim3A_417, %lt3A_419 : vector<16xi32>
        %add3A_421 = arith.constant 16 : i32
        %add3A_422 = vector.broadcast %add3A_421 : i32 to vector<16xi32>
        %add3A_423 = arith.addi %broadcast_in_dim3A_417, %add3A_422 : vector<16xi32>
        %select_n3A_424 = arith.select %lt3A_420, %add3A_423, %broadcast_in_dim3A_417 : vector<16xi1>, vector<16xi32>
        %broadcast_in_dim3A_425 = vector.shape_cast %select_n3A_424 : vector<16xi32> to vector<16x1xi32>
        %gather3A = vector.shape_cast %broadcast_in_dim3A_425 : vector<16x1xi32> to vector<16xi32>
        %gather3A_426 = tpu.dynamic_gather %get3A_334[%gather3A] in [0] : vector<16xf32>, vector<16xi32> -> vector<16xf32>
        %add3A_427 = arith.constant 48 : i32
        %add3A_428 = arith.addi %add3A_427, %scan3A_416 : i32
        %get3A_429 = arith.index_cast %add3A_428 : i32 to index
        %get3A_430 = arith.constant 0 : index
        %get3A_431 = tpu.vector_load %arg14[%get3A_429, %get3A_430] {strides = array<i32>} : memref<64x384xf32, #tpu.memory_space<vmem>>, vector<1x16xf32>,
        %get3A_432 = vector.shape_cast %get3A_431 : vector<1x16xf32> to vector<16xf32>
        %add3A_433 = arith.constant 16 : i32
        %add3A_434 = arith.addi %add3A_433, %scan3A_416 : i32
        %get3A_435 = arith.index_cast %add3A_434 : i32 to index
        %get3A_436 = arith.constant 0 : index
        %get3A_437 = tpu.vector_load %arg14[%get3A_435, %get3A_436] {strides = array<i32>} : memref<64x384xf32, #tpu.memory_space<vmem>>, vector<1x16xf32>,
        %get3A_438 = vector.shape_cast %get3A_437 : vector<1x16xf32> to vector<16xf32>
        %sub3A_439 = arith.subf %get3A_432, %get3A_438 : vector<16xf32>
        %add3A_440 = arith.constant 32 : i32
        %add3A_441 = arith.addi %add3A_440, %scan3A_416 : i32
        %get3A_442 = arith.index_cast %add3A_441 : i32 to index
        %get3A_443 = arith.constant 0 : index
        %get3A_444 = tpu.vector_load %arg14[%get3A_442, %get3A_443] {strides = array<i32>} : memref<64x384xf32, #tpu.memory_space<vmem>>, vector<1x16xf32>,
        %get3A_445 = vector.shape_cast %get3A_444 : vector<1x16xf32> to vector<16xf32>
        %sub3A_446 = arith.subf %sub3A_439, %get3A_445 : vector<16xf32>
        %get3A_447 = arith.index_cast %scan3A_416 : i32 to index
        %get3A_448 = arith.constant 0 : index
        %get3A_449 = tpu.vector_load %arg14[%get3A_447, %get3A_448] {strides = array<i32>} : memref<64x384xf32, #tpu.memory_space<vmem>>, vector<1x16xf32>,
        %get3A_450 = vector.shape_cast %get3A_449 : vector<1x16xf32> to vector<16xf32>
        %add3A_451 = arith.addf %sub3A_446, %get3A_450 : vector<16xf32>
        %mul3A_452 = arith.mulf %add3A_451, %gather3A_426 : vector<16xf32>
        %swap3A_453 = arith.index_cast %scan3A_416 : i32 to index
        %swap3A_454 = arith.constant 0 : index
        %swap3A_455 = tpu.vector_load %arg16[%swap3A_453, %swap3A_454] {strides = array<i32>} : memref<16x384xf32, #tpu.memory_space<vmem>>, vector<1x16xf32>,
        %swap3A_456 = vector.shape_cast %swap3A_455 : vector<1x16xf32> to vector<16xf32>
        %swap3A_457 = vector.shape_cast %mul3A_452 : vector<16xf32> to vector<1x16xf32>
        tpu.vector_store %arg16[%swap3A_453, %swap3A_454], %swap3A_457 {strides = array<i32>} : memref<16x384xf32, #tpu.memory_space<vmem>>, vector<1x16xf32>,
        %add3A_458 = arith.constant 48 : i32
        %add3A_459 = arith.addi %add3A_458, %scan3A_416 : i32
        %get3A_460 = arith.index_cast %add3A_459 : i32 to index
        %get3A_461 = arith.constant 16 : index
        %get3A_462 = tpu.vector_load %arg14[%get3A_460, %get3A_461] {strides = array<i32>} : memref<64x384xf32, #tpu.memory_space<vmem>>, vector<1x16xf32>,
        %get3A_463 = vector.shape_cast %get3A_462 : vector<1x16xf32> to vector<16xf32>
        %add3A_464 = arith.constant 16 : i32
        %add3A_465 = arith.addi %add3A_464, %scan3A_416 : i32
        %get3A_466 = arith.index_cast %add3A_465 : i32 to index
        %get3A_467 = arith.constant 16 : index
        %get3A_468 = tpu.vector_load %arg14[%get3A_466, %get3A_467] {strides = array<i32>} : memref<64x384xf32, #tpu.memory_space<vmem>>, vector<1x16xf32>,
        %get3A_469 = vector.shape_cast %get3A_468 : vector<1x16xf32> to vector<16xf32>
        %sub3A_470 = arith.subf %get3A_463, %get3A_469 : vector<16xf32>
        %add3A_471 = arith.constant 32 : i32
        %add3A_472 = arith.addi %add3A_471, %scan3A_416 : i32
        %get3A_473 = arith.index_cast %add3A_472 : i32 to index
        %get3A_474 = arith.constant 16 : index
        %get3A_475 = tpu.vector_load %arg14[%get3A_473, %get3A_474] {strides = array<i32>} : memref<64x384xf32, #tpu.memory_space<vmem>>, vector<1x16xf32>,
        %get3A_476 = vector.shape_cast %get3A_475 : vector<1x16xf32> to vector<16xf32>
        %sub3A_477 = arith.subf %sub3A_470, %get3A_476 : vector<16xf32>
        %get3A_478 = arith.index_cast %scan3A_416 : i32 to index
        %get3A_479 = arith.constant 16 : index
        %get3A_480 = tpu.vector_load %arg14[%get3A_478, %get3A_479] {strides = array<i32>} : memref<64x384xf32, #tpu.memory_space<vmem>>, vector<1x16xf32>,
        %get3A_481 = vector.shape_cast %get3A_480 : vector<1x16xf32> to vector<16xf32>
        %add3A_482 = arith.addf %sub3A_477, %get3A_481 : vector<16xf32>
        %mul3A_483 = arith.mulf %add3A_482, %gather3A_426 : vector<16xf32>
        %swap3A_484 = arith.index_cast %scan3A_416 : i32 to index
        %swap3A_485 = arith.constant 16 : index
        %swap3A_486 = tpu.vector_load %arg16[%swap3A_484, %swap3A_485] {strides = array<i32>} : memref<16x384xf32, #tpu.memory_space<vmem>>, vector<1x16xf32>,
        %swap3A_487 = vector.shape_cast %swap3A_486 : vector<1x16xf32> to vector<16xf32>
        %swap3A_488 = vector.shape_cast %mul3A_483 : vector<16xf32> to vector<1x16xf32>
        tpu.vector_store %arg16[%swap3A_484, %swap3A_485], %swap3A_488 {strides = array<i32>} : memref<16x384xf32, #tpu.memory_space<vmem>>, vector<1x16xf32>,
        %add3A_489 = arith.constant 48 : i32
        %add3A_490 = arith.addi %add3A_489, %scan3A_416 : i32
        %get3A_491 = arith.index_cast %add3A_490 : i32 to index
        %get3A_492 = arith.constant 32 : index
        %get3A_493 = tpu.vector_load %arg14[%get3A_491, %get3A_492] {strides = array<i32>} : memref<64x384xf32, #tpu.memory_space<vmem>>, vector<1x16xf32>,
        %get3A_494 = vector.shape_cast %get3A_493 : vector<1x16xf32> to vector<16xf32>
        %add3A_495 = arith.constant 16 : i32
        %add3A_496 = arith.addi %add3A_495, %scan3A_416 : i32
        %get3A_497 = arith.index_cast %add3A_496 : i32 to index
        %get3A_498 = arith.constant 32 : index
        %get3A_499 = tpu.vector_load %arg14[%get3A_497, %get3A_498] {strides = array<i32>} : memref<64x384xf32, #tpu.memory_space<vmem>>, vector<1x16xf32>,
        %get3A_500 = vector.shape_cast %get3A_499 : vector<1x16xf32> to vector<16xf32>
        %sub3A_501 = arith.subf %get3A_494, %get3A_500 : vector<16xf32>
        %add3A_502 = arith.constant 32 : i32
        %add3A_503 = arith.addi %add3A_502, %scan3A_416 : i32
        %get3A_504 = arith.index_cast %add3A_503 : i32 to index
        %get3A_505 = arith.constant 32 : index
        %get3A_506 = tpu.vector_load %arg14[%get3A_504, %get3A_505] {strides = array<i32>} : memref<64x384xf32, #tpu.memory_space<vmem>>, vector<1x16xf32>,
        %get3A_507 = vector.shape_cast %get3A_506 : vector<1x16xf32> to vector<16xf32>
        %sub3A_508 = arith.subf %sub3A_501, %get3A_507 : vector<16xf32>
        %get3A_509 = arith.index_cast %scan3A_416 : i32 to index
        %get3A_510 = arith.constant 32 : index
        %get3A_511 = tpu.vector_load %arg14[%get3A_509, %get3A_510] {strides = array<i32>} : memref<64x384xf32, #tpu.memory_space<vmem>>, vector<1x16xf32>,
        %get3A_512 = vector.shape_cast %get3A_511 : vector<1x16xf32> to vector<16xf32>
        %add3A_513 = arith.addf %sub3A_508, %get3A_512 : vector<16xf32>
        %mul3A_514 = arith.mulf %add3A_513, %gather3A_426 : vector<16xf32>
        %swap3A_515 = arith.index_cast %scan3A_416 : i32 to index
        %swap3A_516 = arith.constant 32 : index
        %swap3A_517 = tpu.vector_load %arg16[%swap3A_515, %swap3A_516] {strides = array<i32>} : memref<16x384xf32, #tpu.memory_space<vmem>>, vector<1x16xf32>,
        %swap3A_518 = vector.shape_cast %swap3A_517 : vector<1x16xf32> to vector<16xf32>
        %swap3A_519 = vector.shape_cast %mul3A_514 : vector<16xf32> to vector<1x16xf32>
        tpu.vector_store %arg16[%swap3A_515, %swap3A_516], %swap3A_519 {strides = array<i32>} : memref<16x384xf32, #tpu.memory_space<vmem>>, vector<1x16xf32>,
        %add3A_520 = arith.constant 48 : i32
        %add3A_521 = arith.addi %add3A_520, %scan3A_416 : i32
        %get3A_522 = arith.index_cast %add3A_521 : i32 to index
        %get3A_523 = arith.constant 48 : index
        %get3A_524 = tpu.vector_load %arg14[%get3A_522, %get3A_523] {strides = array<i32>} : memref<64x384xf32, #tpu.memory_space<vmem>>, vector<1x16xf32>,
        %get3A_525 = vector.shape_cast %get3A_524 : vector<1x16xf32> to vector<16xf32>
        %add3A_526 = arith.constant 16 : i32
        %add3A_527 = arith.addi %add3A_526, %scan3A_416 : i32
        %get3A_528 = arith.index_cast %add3A_527 : i32 to index
        %get3A_529 = arith.constant 48 : index
        %get3A_530 = tpu.vector_load %arg14[%get3A_528, %get3A_529] {strides = array<i32>} : memref<64x384xf32, #tpu.memory_space<vmem>>, vector<1x16xf32>,
        %get3A_531 = vector.shape_cast %get3A_530 : vector<1x16xf32> to vector<16xf32>
        %sub3A_532 = arith.subf %get3A_525, %get3A_531 : vector<16xf32>
        %add3A_533 = arith.constant 32 : i32
        %add3A_534 = arith.addi %add3A_533, %scan3A_416 : i32
        %get3A_535 = arith.index_cast %add3A_534 : i32 to index
        %get3A_536 = arith.constant 48 : index
        %get3A_537 = tpu.vector_load %arg14[%get3A_535, %get3A_536] {strides = array<i32>} : memref<64x384xf32, #tpu.memory_space<vmem>>, vector<1x16xf32>,
        %get3A_538 = vector.shape_cast %get3A_537 : vector<1x16xf32> to vector<16xf32>
        %sub3A_539 = arith.subf %sub3A_532, %get3A_538 : vector<16xf32>
        %get3A_540 = arith.index_cast %scan3A_416 : i32 to index
        %get3A_541 = arith.constant 48 : index
        %get3A_542 = tpu.vector_load %arg14[%get3A_540, %get3A_541] {strides = array<i32>} : memref<64x384xf32, #tpu.memory_space<vmem>>, vector<1x16xf32>,
        %get3A_543 = vector.shape_cast %get3A_542 : vector<1x16xf32> to vector<16xf32>
        %add3A_544 = arith.addf %sub3A_539, %get3A_543 : vector<16xf32>
        %mul3A_545 = arith.mulf %add3A_544, %gather3A_426 : vector<16xf32>
        %swap3A_546 = arith.index_cast %scan3A_416 : i32 to index
        %swap3A_547 = arith.constant 48 : index
        %swap3A_548 = tpu.vector_load %arg16[%swap3A_546, %swap3A_547] {strides = array<i32>} : memref<16x384xf32, #tpu.memory_space<vmem>>, vector<1x16xf32>,
        %swap3A_549 = vector.shape_cast %swap3A_548 : vector<1x16xf32> to vector<16xf32>
        %swap3A_550 = vector.shape_cast %mul3A_545 : vector<16xf32> to vector<1x16xf32>
        tpu.vector_store %arg16[%swap3A_546, %swap3A_547], %swap3A_550 {strides = array<i32>} : memref<16x384xf32, #tpu.memory_space<vmem>>, vector<1x16xf32>,
        %add3A_551 = arith.constant 48 : i32
        %add3A_552 = arith.addi %add3A_551, %scan3A_416 : i32
        %get3A_553 = arith.index_cast %add3A_552 : i32 to index
        %get3A_554 = arith.constant 64 : index
        %get3A_555 = tpu.vector_load %arg14[%get3A_553, %get3A_554] {strides = array<i32>} : memref<64x384xf32, #tpu.memory_space<vmem>>, vector<1x16xf32>,
        %get3A_556 = vector.shape_cast %get3A_555 : vector<1x16xf32> to vector<16xf32>
        %add3A_557 = arith.constant 16 : i32
        %add3A_558 = arith.addi %add3A_557, %scan3A_416 : i32
        %get3A_559 = arith.index_cast %add3A_558 : i32 to index
        %get3A_560 = arith.constant 64 : index
        %get3A_561 = tpu.vector_load %arg14[%get3A_559, %get3A_560] {strides = array<i32>} : memref<64x384xf32, #tpu.memory_space<vmem>>, vector<1x16xf32>,
        %get3A_562 = vector.shape_cast %get3A_561 : vector<1x16xf32> to vector<16xf32>
        %sub3A_563 = arith.subf %get3A_556, %get3A_562 : vector<16xf32>
        %add3A_564 = arith.constant 32 : i32
        %add3A_565 = arith.addi %add3A_564, %scan3A_416 : i32
        %get3A_566 = arith.index_cast %add3A_565 : i32 to index
        %get3A_567 = arith.constant 64 : index
        %get3A_568 = tpu.vector_load %arg14[%get3A_566, %get3A_567] {strides = array<i32>} : memref<64x384xf32, #tpu.memory_space<vmem>>, vector<1x16xf32>,
        %get3A_569 = vector.shape_cast %get3A_568 : vector<1x16xf32> to vector<16xf32>
        %sub3A_570 = arith.subf %sub3A_563, %get3A_569 : vector<16xf32>
        %get3A_571 = arith.index_cast %scan3A_416 : i32 to index
        %get3A_572 = arith.constant 64 : index
        %get3A_573 = tpu.vector_load %arg14[%get3A_571, %get3A_572] {strides = array<i32>} : memref<64x384xf32, #tpu.memory_space<vmem>>, vector<1x16xf32>,
        %get3A_574 = vector.shape_cast %get3A_573 : vector<1x16xf32> to vector<16xf32>
        %add3A_575 = arith.addf %sub3A_570, %get3A_574 : vector<16xf32>
        %mul3A_576 = arith.mulf %add3A_575, %gather3A_426 : vector<16xf32>
        %swap3A_577 = arith.index_cast %scan3A_416 : i32 to index
        %swap3A_578 = arith.constant 64 : index
        %swap3A_579 = tpu.vector_load %arg16[%swap3A_577, %swap3A_578] {strides = array<i32>} : memref<16x384xf32, #tpu.memory_space<vmem>>, vector<1x16xf32>,
        %swap3A_580 = vector.shape_cast %swap3A_579 : vector<1x16xf32> to vector<16xf32>
        %swap3A_581 = vector.shape_cast %mul3A_576 : vector<16xf32> to vector<1x16xf32>
        tpu.vector_store %arg16[%swap3A_577, %swap3A_578], %swap3A_581 {strides = array<i32>} : memref<16x384xf32, #tpu.memory_space<vmem>>, vector<1x16xf32>,
        %add3A_582 = arith.constant 48 : i32
        %add3A_583 = arith.addi %add3A_582, %scan3A_416 : i32
        %get3A_584 = arith.index_cast %add3A_583 : i32 to index
        %get3A_585 = arith.constant 80 : index
        %get3A_586 = tpu.vector_load %arg14[%get3A_584, %get3A_585] {strides = array<i32>} : memref<64x384xf32, #tpu.memory_space<vmem>>, vector<1x16xf32>,
        %get3A_587 = vector.shape_cast %get3A_586 : vector<1x16xf32> to vector<16xf32>
        %add3A_588 = arith.constant 16 : i32
        %add3A_589 = arith.addi %add3A_588, %scan3A_416 : i32
        %get3A_590 = arith.index_cast %add3A_589 : i32 to index
        %get3A_591 = arith.constant 80 : index
        %get3A_592 = tpu.vector_load %arg14[%get3A_590, %get3A_591] {strides = array<i32>} : memref<64x384xf32, #tpu.memory_space<vmem>>, vector<1x16xf32>,
        %get3A_593 = vector.shape_cast %get3A_592 : vector<1x16xf32> to vector<16xf32>
        %sub3A_594 = arith.subf %get3A_587, %get3A_593 : vector<16xf32>
        %add3A_595 = arith.constant 32 : i32
        %add3A_596 = arith.addi %add3A_595, %scan3A_416 : i32
        %get3A_597 = arith.index_cast %add3A_596 : i32 to index
        %get3A_598 = arith.constant 80 : index
        %get3A_599 = tpu.vector_load %arg14[%get3A_597, %get3A_598] {strides = array<i32>} : memref<64x384xf32, #tpu.memory_space<vmem>>, vector<1x16xf32>,
        %get3A_600 = vector.shape_cast %get3A_599 : vector<1x16xf32> to vector<16xf32>
        %sub3A_601 = arith.subf %sub3A_594, %get3A_600 : vector<16xf32>
        %get3A_602 = arith.index_cast %scan3A_416 : i32 to index
        %get3A_603 = arith.constant 80 : index
        %get3A_604 = tpu.vector_load %arg14[%get3A_602, %get3A_603] {strides = array<i32>} : memref<64x384xf32, #tpu.memory_space<vmem>>, vector<1x16xf32>,
        %get3A_605 = vector.shape_cast %get3A_604 : vector<1x16xf32> to vector<16xf32>
        %add3A_606 = arith.addf %sub3A_601, %get3A_605 : vector<16xf32>
        %mul3A_607 = arith.mulf %add3A_606, %gather3A_426 : vector<16xf32>
        %swap3A_608 = arith.index_cast %scan3A_416 : i32 to index
        %swap3A_609 = arith.constant 80 : index
        %swap3A_610 = tpu.vector_load %arg16[%swap3A_608, %swap3A_609] {strides = array<i32>} : memref<16x384xf32, #tpu.memory_space<vmem>>, vector<1x16xf32>,
        %swap3A_611 = vector.shape_cast %swap3A_610 : vector<1x16xf32> to vector<16xf32>
        %swap3A_612 = vector.shape_cast %mul3A_607 : vector<16xf32> to vector<1x16xf32>
        tpu.vector_store %arg16[%swap3A_608, %swap3A_609], %swap3A_612 {strides = array<i32>} : memref<16x384xf32, #tpu.memory_space<vmem>>, vector<1x16xf32>,
        %add3A_613 = arith.constant 48 : i32
        %add3A_614 = arith.addi %add3A_613, %scan3A_416 : i32
        %get3A_615 = arith.index_cast %add3A_614 : i32 to index
        %get3A_616 = arith.constant 96 : index
        %get3A_617 = tpu.vector_load %arg14[%get3A_615, %get3A_616] {strides = array<i32>} : memref<64x384xf32, #tpu.memory_space<vmem>>, vector<1x16xf32>,
        %get3A_618 = vector.shape_cast %get3A_617 : vector<1x16xf32> to vector<16xf32>
        %add3A_619 = arith.constant 16 : i32
        %add3A_620 = arith.addi %add3A_619, %scan3A_416 : i32
        %get3A_621 = arith.index_cast %add3A_620 : i32 to index
        %get3A_622 = arith.constant 96 : index
        %get3A_623 = tpu.vector_load %arg14[%get3A_621, %get3A_622] {strides = array<i32>} : memref<64x384xf32, #tpu.memory_space<vmem>>, vector<1x16xf32>,
        %get3A_624 = vector.shape_cast %get3A_623 : vector<1x16xf32> to vector<16xf32>
        %sub3A_625 = arith.subf %get3A_618, %get3A_624 : vector<16xf32>
        %add3A_626 = arith.constant 32 : i32
        %add3A_627 = arith.addi %add3A_626, %scan3A_416 : i32
        %get3A_628 = arith.index_cast %add3A_627 : i32 to index
        %get3A_629 = arith.constant 96 : index
        %get3A_630 = tpu.vector_load %arg14[%get3A_628, %get3A_629] {strides = array<i32>} : memref<64x384xf32, #tpu.memory_space<vmem>>, vector<1x16xf32>,
        %get3A_631 = vector.shape_cast %get3A_630 : vector<1x16xf32> to vector<16xf32>
        %sub3A_632 = arith.subf %sub3A_625, %get3A_631 : vector<16xf32>
        %get3A_633 = arith.index_cast %scan3A_416 : i32 to index
        %get3A_634 = arith.constant 96 : index
        %get3A_635 = tpu.vector_load %arg14[%get3A_633, %get3A_634] {strides = array<i32>} : memref<64x384xf32, #tpu.memory_space<vmem>>, vector<1x16xf32>,
        %get3A_636 = vector.shape_cast %get3A_635 : vector<1x16xf32> to vector<16xf32>
        %add3A_637 = arith.addf %sub3A_632, %get3A_636 : vector<16xf32>
        %mul3A_638 = arith.mulf %add3A_637, %gather3A_426 : vector<16xf32>
        %swap3A_639 = arith.index_cast %scan3A_416 : i32 to index
        %swap3A_640 = arith.constant 96 : index
        %swap3A_641 = tpu.vector_load %arg16[%swap3A_639, %swap3A_640] {strides = array<i32>} : memref<16x384xf32, #tpu.memory_space<vmem>>, vector<1x16xf32>,
        %swap3A_642 = vector.shape_cast %swap3A_641 : vector<1x16xf32> to vector<16xf32>
        %swap3A_643 = vector.shape_cast %mul3A_638 : vector<16xf32> to vector<1x16xf32>
        tpu.vector_store %arg16[%swap3A_639, %swap3A_640], %swap3A_643 {strides = array<i32>} : memref<16x384xf32, #tpu.memory_space<vmem>>, vector<1x16xf32>,
        %add3A_644 = arith.constant 48 : i32
        %add3A_645 = arith.addi %add3A_644, %scan3A_416 : i32
        %get3A_646 = arith.index_cast %add3A_645 : i32 to index
        %get3A_647 = arith.constant 112 : index
        %get3A_648 = tpu.vector_load %arg14[%get3A_646, %get3A_647] {strides = array<i32>} : memref<64x384xf32, #tpu.memory_space<vmem>>, vector<1x16xf32>,
        %get3A_649 = vector.shape_cast %get3A_648 : vector<1x16xf32> to vector<16xf32>
        %add3A_650 = arith.constant 16 : i32
        %add3A_651 = arith.addi %add3A_650, %scan3A_416 : i32
        %get3A_652 = arith.index_cast %add3A_651 : i32 to index
        %get3A_653 = arith.constant 112 : index
        %get3A_654 = tpu.vector_load %arg14[%get3A_652, %get3A_653] {strides = array<i32>} : memref<64x384xf32, #tpu.memory_space<vmem>>, vector<1x16xf32>,
        %get3A_655 = vector.shape_cast %get3A_654 : vector<1x16xf32> to vector<16xf32>
        %sub3A_656 = arith.subf %get3A_649, %get3A_655 : vector<16xf32>
        %add3A_657 = arith.constant 32 : i32
        %add3A_658 = arith.addi %add3A_657, %scan3A_416 : i32
        %get3A_659 = arith.index_cast %add3A_658 : i32 to index
        %get3A_660 = arith.constant 112 : index
        %get3A_661 = tpu.vector_load %arg14[%get3A_659, %get3A_660] {strides = array<i32>} : memref<64x384xf32, #tpu.memory_space<vmem>>, vector<1x16xf32>,
        %get3A_662 = vector.shape_cast %get3A_661 : vector<1x16xf32> to vector<16xf32>
        %sub3A_663 = arith.subf %sub3A_656, %get3A_662 : vector<16xf32>
        %get3A_664 = arith.index_cast %scan3A_416 : i32 to index
        %get3A_665 = arith.constant 112 : index
        %get3A_666 = tpu.vector_load %arg14[%get3A_664, %get3A_665] {strides = array<i32>} : memref<64x384xf32, #tpu.memory_space<vmem>>, vector<1x16xf32>,
        %get3A_667 = vector.shape_cast %get3A_666 : vector<1x16xf32> to vector<16xf32>
        %add3A_668 = arith.addf %sub3A_663, %get3A_667 : vector<16xf32>
        %mul3A_669 = arith.mulf %add3A_668, %gather3A_426 : vector<16xf32>
        %swap3A_670 = arith.index_cast %scan3A_416 : i32 to index
        %swap3A_671 = arith.constant 112 : index
        %swap3A_672 = tpu.vector_load %arg16[%swap3A_670, %swap3A_671] {strides = array<i32>} : memref<16x384xf32, #tpu.memory_space<vmem>>, vector<1x16xf32>,
        %swap3A_673 = vector.shape_cast %swap3A_672 : vector<1x16xf32> to vector<16xf32>
        %swap3A_674 = vector.shape_cast %mul3A_669 : vector<16xf32> to vector<1x16xf32>
        tpu.vector_store %arg16[%swap3A_670, %swap3A_671], %swap3A_674 {strides = array<i32>} : memref<16x384xf32, #tpu.memory_space<vmem>>, vector<1x16xf32>,
        %add3A_675 = arith.constant 48 : i32
        %add3A_676 = arith.addi %add3A_675, %scan3A_416 : i32
        %get3A_677 = arith.index_cast %add3A_676 : i32 to index
        %get3A_678 = arith.constant 128 : index
        %get3A_679 = tpu.vector_load %arg14[%get3A_677, %get3A_678] {strides = array<i32>} : memref<64x384xf32, #tpu.memory_space<vmem>>, vector<1x16xf32>,
        %get3A_680 = vector.shape_cast %get3A_679 : vector<1x16xf32> to vector<16xf32>
        %add3A_681 = arith.constant 16 : i32
        %add3A_682 = arith.addi %add3A_681, %scan3A_416 : i32
        %get3A_683 = arith.index_cast %add3A_682 : i32 to index
        %get3A_684 = arith.constant 128 : index
        %get3A_685 = tpu.vector_load %arg14[%get3A_683, %get3A_684] {strides = array<i32>} : memref<64x384xf32, #tpu.memory_space<vmem>>, vector<1x16xf32>,
        %get3A_686 = vector.shape_cast %get3A_685 : vector<1x16xf32> to vector<16xf32>
        %sub3A_687 = arith.subf %get3A_680, %get3A_686 : vector<16xf32>
        %add3A_688 = arith.constant 32 : i32
        %add3A_689 = arith.addi %add3A_688, %scan3A_416 : i32
        %get3A_690 = arith.index_cast %add3A_689 : i32 to index
        %get3A_691 = arith.constant 128 : index
        %get3A_692 = tpu.vector_load %arg14[%get3A_690, %get3A_691] {strides = array<i32>} : memref<64x384xf32, #tpu.memory_space<vmem>>, vector<1x16xf32>,
        %get3A_693 = vector.shape_cast %get3A_692 : vector<1x16xf32> to vector<16xf32>
        %sub3A_694 = arith.subf %sub3A_687, %get3A_693 : vector<16xf32>
        %get3A_695 = arith.index_cast %scan3A_416 : i32 to index
        %get3A_696 = arith.constant 128 : index
        %get3A_697 = tpu.vector_load %arg14[%get3A_695, %get3A_696] {strides = array<i32>} : memref<64x384xf32, #tpu.memory_space<vmem>>, vector<1x16xf32>,
        %get3A_698 = vector.shape_cast %get3A_697 : vector<1x16xf32> to vector<16xf32>
        %add3A_699 = arith.addf %sub3A_694, %get3A_698 : vector<16xf32>
        %mul3A_700 = arith.mulf %add3A_699, %gather3A_426 : vector<16xf32>
        %swap3A_701 = arith.index_cast %scan3A_416 : i32 to index
        %swap3A_702 = arith.constant 128 : index
        %swap3A_703 = tpu.vector_load %arg16[%swap3A_701, %swap3A_702] {strides = array<i32>} : memref<16x384xf32, #tpu.memory_space<vmem>>, vector<1x16xf32>,
        %swap3A_704 = vector.shape_cast %swap3A_703 : vector<1x16xf32> to vector<16xf32>
        %swap3A_705 = vector.shape_cast %mul3A_700 : vector<16xf32> to vector<1x16xf32>
        tpu.vector_store %arg16[%swap3A_701, %swap3A_702], %swap3A_705 {strides = array<i32>} : memref<16x384xf32, #tpu.memory_space<vmem>>, vector<1x16xf32>,
        %add3A_706 = arith.constant 48 : i32
        %add3A_707 = arith.addi %add3A_706, %scan3A_416 : i32
        %get3A_708 = arith.index_cast %add3A_707 : i32 to index
        %get3A_709 = arith.constant 144 : index
        %get3A_710 = tpu.vector_load %arg14[%get3A_708, %get3A_709] {strides = array<i32>} : memref<64x384xf32, #tpu.memory_space<vmem>>, vector<1x16xf32>,
        %get3A_711 = vector.shape_cast %get3A_710 : vector<1x16xf32> to vector<16xf32>
        %add3A_712 = arith.constant 16 : i32
        %add3A_713 = arith.addi %add3A_712, %scan3A_416 : i32
        %get3A_714 = arith.index_cast %add3A_713 : i32 to index
        %get3A_715 = arith.constant 144 : index
        %get3A_716 = tpu.vector_load %arg14[%get3A_714, %get3A_715] {strides = array<i32>} : memref<64x384xf32, #tpu.memory_space<vmem>>, vector<1x16xf32>,
        %get3A_717 = vector.shape_cast %get3A_716 : vector<1x16xf32> to vector<16xf32>
        %sub3A_718 = arith.subf %get3A_711, %get3A_717 : vector<16xf32>
        %add3A_719 = arith.constant 32 : i32
        %add3A_720 = arith.addi %add3A_719, %scan3A_416 : i32
        %get3A_721 = arith.index_cast %add3A_720 : i32 to index
        %get3A_722 = arith.constant 144 : index
        %get3A_723 = tpu.vector_load %arg14[%get3A_721, %get3A_722] {strides = array<i32>} : memref<64x384xf32, #tpu.memory_space<vmem>>, vector<1x16xf32>,
        %get3A_724 = vector.shape_cast %get3A_723 : vector<1x16xf32> to vector<16xf32>
        %sub3A_725 = arith.subf %sub3A_718, %get3A_724 : vector<16xf32>
        %get3A_726 = arith.index_cast %scan3A_416 : i32 to index
        %get3A_727 = arith.constant 144 : index
        %get3A_728 = tpu.vector_load %arg14[%get3A_726, %get3A_727] {strides = array<i32>} : memref<64x384xf32, #tpu.memory_space<vmem>>, vector<1x16xf32>,
        %get3A_729 = vector.shape_cast %get3A_728 : vector<1x16xf32> to vector<16xf32>
        %add3A_730 = arith.addf %sub3A_725, %get3A_729 : vector<16xf32>
        %mul3A_731 = arith.mulf %add3A_730, %gather3A_426 : vector<16xf32>
        %swap3A_732 = arith.index_cast %scan3A_416 : i32 to index
        %swap3A_733 = arith.constant 144 : index
        %swap3A_734 = tpu.vector_load %arg16[%swap3A_732, %swap3A_733] {strides = array<i32>} : memref<16x384xf32, #tpu.memory_space<vmem>>, vector<1x16xf32>,
        %swap3A_735 = vector.shape_cast %swap3A_734 : vector<1x16xf32> to vector<16xf32>
        %swap3A_736 = vector.shape_cast %mul3A_731 : vector<16xf32> to vector<1x16xf32>
        tpu.vector_store %arg16[%swap3A_732, %swap3A_733], %swap3A_736 {strides = array<i32>} : memref<16x384xf32, #tpu.memory_space<vmem>>, vector<1x16xf32>,
        %add3A_737 = arith.constant 48 : i32
        %add3A_738 = arith.addi %add3A_737, %scan3A_416 : i32
        %get3A_739 = arith.index_cast %add3A_738 : i32 to index
        %get3A_740 = arith.constant 160 : index
        %get3A_741 = tpu.vector_load %arg14[%get3A_739, %get3A_740] {strides = array<i32>} : memref<64x384xf32, #tpu.memory_space<vmem>>, vector<1x16xf32>,
        %get3A_742 = vector.shape_cast %get3A_741 : vector<1x16xf32> to vector<16xf32>
        %add3A_743 = arith.constant 16 : i32
        %add3A_744 = arith.addi %add3A_743, %scan3A_416 : i32
        %get3A_745 = arith.index_cast %add3A_744 : i32 to index
        %get3A_746 = arith.constant 160 : index
        %get3A_747 = tpu.vector_load %arg14[%get3A_745, %get3A_746] {strides = array<i32>} : memref<64x384xf32, #tpu.memory_space<vmem>>, vector<1x16xf32>,
        %get3A_748 = vector.shape_cast %get3A_747 : vector<1x16xf32> to vector<16xf32>
        %sub3A_749 = arith.subf %get3A_742, %get3A_748 : vector<16xf32>
        %add3A_750 = arith.constant 32 : i32
        %add3A_751 = arith.addi %add3A_750, %scan3A_416 : i32
        %get3A_752 = arith.index_cast %add3A_751 : i32 to index
        %get3A_753 = arith.constant 160 : index
        %get3A_754 = tpu.vector_load %arg14[%get3A_752, %get3A_753] {strides = array<i32>} : memref<64x384xf32, #tpu.memory_space<vmem>>, vector<1x16xf32>,
        %get3A_755 = vector.shape_cast %get3A_754 : vector<1x16xf32> to vector<16xf32>
        %sub3A_756 = arith.subf %sub3A_749, %get3A_755 : vector<16xf32>
        %get3A_757 = arith.index_cast %scan3A_416 : i32 to index
        %get3A_758 = arith.constant 160 : index
        %get3A_759 = tpu.vector_load %arg14[%get3A_757, %get3A_758] {strides = array<i32>} : memref<64x384xf32, #tpu.memory_space<vmem>>, vector<1x16xf32>,
        %get3A_760 = vector.shape_cast %get3A_759 : vector<1x16xf32> to vector<16xf32>
        %add3A_761 = arith.addf %sub3A_756, %get3A_760 : vector<16xf32>
        %mul3A_762 = arith.mulf %add3A_761, %gather3A_426 : vector<16xf32>
        %swap3A_763 = arith.index_cast %scan3A_416 : i32 to index
        %swap3A_764 = arith.constant 160 : index
        %swap3A_765 = tpu.vector_load %arg16[%swap3A_763, %swap3A_764] {strides = array<i32>} : memref<16x384xf32, #tpu.memory_space<vmem>>, vector<1x16xf32>,
        %swap3A_766 = vector.shape_cast %swap3A_765 : vector<1x16xf32> to vector<16xf32>
        %swap3A_767 = vector.shape_cast %mul3A_762 : vector<16xf32> to vector<1x16xf32>
        tpu.vector_store %arg16[%swap3A_763, %swap3A_764], %swap3A_767 {strides = array<i32>} : memref<16x384xf32, #tpu.memory_space<vmem>>, vector<1x16xf32>,
        %add3A_768 = arith.constant 48 : i32
        %add3A_769 = arith.addi %add3A_768, %scan3A_416 : i32
        %get3A_770 = arith.index_cast %add3A_769 : i32 to index
        %get3A_771 = arith.constant 176 : index
        %get3A_772 = tpu.vector_load %arg14[%get3A_770, %get3A_771] {strides = array<i32>} : memref<64x384xf32, #tpu.memory_space<vmem>>, vector<1x16xf32>,
        %get3A_773 = vector.shape_cast %get3A_772 : vector<1x16xf32> to vector<16xf32>
        %add3A_774 = arith.constant 16 : i32
        %add3A_775 = arith.addi %add3A_774, %scan3A_416 : i32
        %get3A_776 = arith.index_cast %add3A_775 : i32 to index
        %get3A_777 = arith.constant 176 : index
        %get3A_778 = tpu.vector_load %arg14[%get3A_776, %get3A_777] {strides = array<i32>} : memref<64x384xf32, #tpu.memory_space<vmem>>, vector<1x16xf32>,
        %get3A_779 = vector.shape_cast %get3A_778 : vector<1x16xf32> to vector<16xf32>
        %sub3A_780 = arith.subf %get3A_773, %get3A_779 : vector<16xf32>
        %add3A_781 = arith.constant 32 : i32
        %add3A_782 = arith.addi %add3A_781, %scan3A_416 : i32
        %get3A_783 = arith.index_cast %add3A_782 : i32 to index
        %get3A_784 = arith.constant 176 : index
        %get3A_785 = tpu.vector_load %arg14[%get3A_783, %get3A_784] {strides = array<i32>} : memref<64x384xf32, #tpu.memory_space<vmem>>, vector<1x16xf32>,
        %get3A_786 = vector.shape_cast %get3A_785 : vector<1x16xf32> to vector<16xf32>
        %sub3A_787 = arith.subf %sub3A_780, %get3A_786 : vector<16xf32>
        %get3A_788 = arith.index_cast %scan3A_416 : i32 to index
        %get3A_789 = arith.constant 176 : index
        %get3A_790 = tpu.vector_load %arg14[%get3A_788, %get3A_789] {strides = array<i32>} : memref<64x384xf32, #tpu.memory_space<vmem>>, vector<1x16xf32>,
        %get3A_791 = vector.shape_cast %get3A_790 : vector<1x16xf32> to vector<16xf32>
        %add3A_792 = arith.addf %sub3A_787, %get3A_791 : vector<16xf32>
        %mul3A_793 = arith.mulf %add3A_792, %gather3A_426 : vector<16xf32>
        %swap3A_794 = arith.index_cast %scan3A_416 : i32 to index
        %swap3A_795 = arith.constant 176 : index
        %swap3A_796 = tpu.vector_load %arg16[%swap3A_794, %swap3A_795] {strides = array<i32>} : memref<16x384xf32, #tpu.memory_space<vmem>>, vector<1x16xf32>,
        %swap3A_797 = vector.shape_cast %swap3A_796 : vector<1x16xf32> to vector<16xf32>
        %swap3A_798 = vector.shape_cast %mul3A_793 : vector<16xf32> to vector<1x16xf32>
        tpu.vector_store %arg16[%swap3A_794, %swap3A_795], %swap3A_798 {strides = array<i32>} : memref<16x384xf32, #tpu.memory_space<vmem>>, vector<1x16xf32>,
        %add3A_799 = arith.constant 48 : i32
        %add3A_800 = arith.addi %add3A_799, %scan3A_416 : i32
        %get3A_801 = arith.index_cast %add3A_800 : i32 to index
        %get3A_802 = arith.constant 192 : index
        %get3A_803 = tpu.vector_load %arg14[%get3A_801, %get3A_802] {strides = array<i32>} : memref<64x384xf32, #tpu.memory_space<vmem>>, vector<1x16xf32>,
        %get3A_804 = vector.shape_cast %get3A_803 : vector<1x16xf32> to vector<16xf32>
        %add3A_805 = arith.constant 16 : i32
        %add3A_806 = arith.addi %add3A_805, %scan3A_416 : i32
        %get3A_807 = arith.index_cast %add3A_806 : i32 to index
        %get3A_808 = arith.constant 192 : index
        %get3A_809 = tpu.vector_load %arg14[%get3A_807, %get3A_808] {strides = array<i32>} : memref<64x384xf32, #tpu.memory_space<vmem>>, vector<1x16xf32>,
        %get3A_810 = vector.shape_cast %get3A_809 : vector<1x16xf32> to vector<16xf32>
        %sub3A_811 = arith.subf %get3A_804, %get3A_810 : vector<16xf32>
        %add3A_812 = arith.constant 32 : i32
        %add3A_813 = arith.addi %add3A_812, %scan3A_416 : i32
        %get3A_814 = arith.index_cast %add3A_813 : i32 to index
        %get3A_815 = arith.constant 192 : index
        %get3A_816 = tpu.vector_load %arg14[%get3A_814, %get3A_815] {strides = array<i32>} : memref<64x384xf32, #tpu.memory_space<vmem>>, vector<1x16xf32>,
        %get3A_817 = vector.shape_cast %get3A_816 : vector<1x16xf32> to vector<16xf32>
        %sub3A_818 = arith.subf %sub3A_811, %get3A_817 : vector<16xf32>
        %get3A_819 = arith.index_cast %scan3A_416 : i32 to index
        %get3A_820 = arith.constant 192 : index
        %get3A_821 = tpu.vector_load %arg14[%get3A_819, %get3A_820] {strides = array<i32>} : memref<64x384xf32, #tpu.memory_space<vmem>>, vector<1x16xf32>,
        %get3A_822 = vector.shape_cast %get3A_821 : vector<1x16xf32> to vector<16xf32>
        %add3A_823 = arith.addf %sub3A_818, %get3A_822 : vector<16xf32>
        %mul3A_824 = arith.mulf %add3A_823, %gather3A_426 : vector<16xf32>
        %swap3A_825 = arith.index_cast %scan3A_416 : i32 to index
        %swap3A_826 = arith.constant 192 : index
        %swap3A_827 = tpu.vector_load %arg16[%swap3A_825, %swap3A_826] {strides = array<i32>} : memref<16x384xf32, #tpu.memory_space<vmem>>, vector<1x16xf32>,
        %swap3A_828 = vector.shape_cast %swap3A_827 : vector<1x16xf32> to vector<16xf32>
        %swap3A_829 = vector.shape_cast %mul3A_824 : vector<16xf32> to vector<1x16xf32>
        tpu.vector_store %arg16[%swap3A_825, %swap3A_826], %swap3A_829 {strides = array<i32>} : memref<16x384xf32, #tpu.memory_space<vmem>>, vector<1x16xf32>,
        %add3A_830 = arith.constant 48 : i32
        %add3A_831 = arith.addi %add3A_830, %scan3A_416 : i32
        %get3A_832 = arith.index_cast %add3A_831 : i32 to index
        %get3A_833 = arith.constant 208 : index
        %get3A_834 = tpu.vector_load %arg14[%get3A_832, %get3A_833] {strides = array<i32>} : memref<64x384xf32, #tpu.memory_space<vmem>>, vector<1x16xf32>,
        %get3A_835 = vector.shape_cast %get3A_834 : vector<1x16xf32> to vector<16xf32>
        %add3A_836 = arith.constant 16 : i32
        %add3A_837 = arith.addi %add3A_836, %scan3A_416 : i32
        %get3A_838 = arith.index_cast %add3A_837 : i32 to index
        %get3A_839 = arith.constant 208 : index
        %get3A_840 = tpu.vector_load %arg14[%get3A_838, %get3A_839] {strides = array<i32>} : memref<64x384xf32, #tpu.memory_space<vmem>>, vector<1x16xf32>,
        %get3A_841 = vector.shape_cast %get3A_840 : vector<1x16xf32> to vector<16xf32>
        %sub3A_842 = arith.subf %get3A_835, %get3A_841 : vector<16xf32>
        %add3A_843 = arith.constant 32 : i32
        %add3A_844 = arith.addi %add3A_843, %scan3A_416 : i32
        %get3A_845 = arith.index_cast %add3A_844 : i32 to index
        %get3A_846 = arith.constant 208 : index
        %get3A_847 = tpu.vector_load %arg14[%get3A_845, %get3A_846] {strides = array<i32>} : memref<64x384xf32, #tpu.memory_space<vmem>>, vector<1x16xf32>,
        %get3A_848 = vector.shape_cast %get3A_847 : vector<1x16xf32> to vector<16xf32>
        %sub3A_849 = arith.subf %sub3A_842, %get3A_848 : vector<16xf32>
        %get3A_850 = arith.index_cast %scan3A_416 : i32 to index
        %get3A_851 = arith.constant 208 : index
        %get3A_852 = tpu.vector_load %arg14[%get3A_850, %get3A_851] {strides = array<i32>} : memref<64x384xf32, #tpu.memory_space<vmem>>, vector<1x16xf32>,
        %get3A_853 = vector.shape_cast %get3A_852 : vector<1x16xf32> to vector<16xf32>
        %add3A_854 = arith.addf %sub3A_849, %get3A_853 : vector<16xf32>
        %mul3A_855 = arith.mulf %add3A_854, %gather3A_426 : vector<16xf32>
        %swap3A_856 = arith.index_cast %scan3A_416 : i32 to index
        %swap3A_857 = arith.constant 208 : index
        %swap3A_858 = tpu.vector_load %arg16[%swap3A_856, %swap3A_857] {strides = array<i32>} : memref<16x384xf32, #tpu.memory_space<vmem>>, vector<1x16xf32>,
        %swap3A_859 = vector.shape_cast %swap3A_858 : vector<1x16xf32> to vector<16xf32>
        %swap3A_860 = vector.shape_cast %mul3A_855 : vector<16xf32> to vector<1x16xf32>
        tpu.vector_store %arg16[%swap3A_856, %swap3A_857], %swap3A_860 {strides = array<i32>} : memref<16x384xf32, #tpu.memory_space<vmem>>, vector<1x16xf32>,
        %add3A_861 = arith.constant 48 : i32
        %add3A_862 = arith.addi %add3A_861, %scan3A_416 : i32
        %get3A_863 = arith.index_cast %add3A_862 : i32 to index
        %get3A_864 = arith.constant 224 : index
        %get3A_865 = tpu.vector_load %arg14[%get3A_863, %get3A_864] {strides = array<i32>} : memref<64x384xf32, #tpu.memory_space<vmem>>, vector<1x16xf32>,
        %get3A_866 = vector.shape_cast %get3A_865 : vector<1x16xf32> to vector<16xf32>
        %add3A_867 = arith.constant 16 : i32
        %add3A_868 = arith.addi %add3A_867, %scan3A_416 : i32
        %get3A_869 = arith.index_cast %add3A_868 : i32 to index
        %get3A_870 = arith.constant 224 : index
        %get3A_871 = tpu.vector_load %arg14[%get3A_869, %get3A_870] {strides = array<i32>} : memref<64x384xf32, #tpu.memory_space<vmem>>, vector<1x16xf32>,
        %get3A_872 = vector.shape_cast %get3A_871 : vector<1x16xf32> to vector<16xf32>
        %sub3A_873 = arith.subf %get3A_866, %get3A_872 : vector<16xf32>
        %add3A_874 = arith.constant 32 : i32
        %add3A_875 = arith.addi %add3A_874, %scan3A_416 : i32
        %get3A_876 = arith.index_cast %add3A_875 : i32 to index
        %get3A_877 = arith.constant 224 : index
        %get3A_878 = tpu.vector_load %arg14[%get3A_876, %get3A_877] {strides = array<i32>} : memref<64x384xf32, #tpu.memory_space<vmem>>, vector<1x16xf32>,
        %get3A_879 = vector.shape_cast %get3A_878 : vector<1x16xf32> to vector<16xf32>
        %sub3A_880 = arith.subf %sub3A_873, %get3A_879 : vector<16xf32>
        %get3A_881 = arith.index_cast %scan3A_416 : i32 to index
        %get3A_882 = arith.constant 224 : index
        %get3A_883 = tpu.vector_load %arg14[%get3A_881, %get3A_882] {strides = array<i32>} : memref<64x384xf32, #tpu.memory_space<vmem>>, vector<1x16xf32>,
        %get3A_884 = vector.shape_cast %get3A_883 : vector<1x16xf32> to vector<16xf32>
        %add3A_885 = arith.addf %sub3A_880, %get3A_884 : vector<16xf32>
        %mul3A_886 = arith.mulf %add3A_885, %gather3A_426 : vector<16xf32>
        %swap3A_887 = arith.index_cast %scan3A_416 : i32 to index
        %swap3A_888 = arith.constant 224 : index
        %swap3A_889 = tpu.vector_load %arg16[%swap3A_887, %swap3A_888] {strides = array<i32>} : memref<16x384xf32, #tpu.memory_space<vmem>>, vector<1x16xf32>,
        %swap3A_890 = vector.shape_cast %swap3A_889 : vector<1x16xf32> to vector<16xf32>
        %swap3A_891 = vector.shape_cast %mul3A_886 : vector<16xf32> to vector<1x16xf32>
        tpu.vector_store %arg16[%swap3A_887, %swap3A_888], %swap3A_891 {strides = array<i32>} : memref<16x384xf32, #tpu.memory_space<vmem>>, vector<1x16xf32>,
        %add3A_892 = arith.constant 48 : i32
        %add3A_893 = arith.addi %add3A_892, %scan3A_416 : i32
        %get3A_894 = arith.index_cast %add3A_893 : i32 to index
        %get3A_895 = arith.constant 240 : index
        %get3A_896 = tpu.vector_load %arg14[%get3A_894, %get3A_895] {strides = array<i32>} : memref<64x384xf32, #tpu.memory_space<vmem>>, vector<1x16xf32>,
        %get3A_897 = vector.shape_cast %get3A_896 : vector<1x16xf32> to vector<16xf32>
        %add3A_898 = arith.constant 16 : i32
        %add3A_899 = arith.addi %add3A_898, %scan3A_416 : i32
        %get3A_900 = arith.index_cast %add3A_899 : i32 to index
        %get3A_901 = arith.constant 240 : index
        %get3A_902 = tpu.vector_load %arg14[%get3A_900, %get3A_901] {strides = array<i32>} : memref<64x384xf32, #tpu.memory_space<vmem>>, vector<1x16xf32>,
        %get3A_903 = vector.shape_cast %get3A_902 : vector<1x16xf32> to vector<16xf32>
        %sub3A_904 = arith.subf %get3A_897, %get3A_903 : vector<16xf32>
        %add3A_905 = arith.constant 32 : i32
        %add3A_906 = arith.addi %add3A_905, %scan3A_416 : i32
        %get3A_907 = arith.index_cast %add3A_906 : i32 to index
        %get3A_908 = arith.constant 240 : index
        %get3A_909 = tpu.vector_load %arg14[%get3A_907, %get3A_908] {strides = array<i32>} : memref<64x384xf32, #tpu.memory_space<vmem>>, vector<1x16xf32>,
        %get3A_910 = vector.shape_cast %get3A_909 : vector<1x16xf32> to vector<16xf32>
        %sub3A_911 = arith.subf %sub3A_904, %get3A_910 : vector<16xf32>
        %get3A_912 = arith.index_cast %scan3A_416 : i32 to index
        %get3A_913 = arith.constant 240 : index
        %get3A_914 = tpu.vector_load %arg14[%get3A_912, %get3A_913] {strides = array<i32>} : memref<64x384xf32, #tpu.memory_space<vmem>>, vector<1x16xf32>,
        %get3A_915 = vector.shape_cast %get3A_914 : vector<1x16xf32> to vector<16xf32>
        %add3A_916 = arith.addf %sub3A_911, %get3A_915 : vector<16xf32>
        %mul3A_917 = arith.mulf %add3A_916, %gather3A_426 : vector<16xf32>
        %swap3A_918 = arith.index_cast %scan3A_416 : i32 to index
        %swap3A_919 = arith.constant 240 : index
        %swap3A_920 = tpu.vector_load %arg16[%swap3A_918, %swap3A_919] {strides = array<i32>} : memref<16x384xf32, #tpu.memory_space<vmem>>, vector<1x16xf32>,
        %swap3A_921 = vector.shape_cast %swap3A_920 : vector<1x16xf32> to vector<16xf32>
        %swap3A_922 = vector.shape_cast %mul3A_917 : vector<16xf32> to vector<1x16xf32>
        tpu.vector_store %arg16[%swap3A_918, %swap3A_919], %swap3A_922 {strides = array<i32>} : memref<16x384xf32, #tpu.memory_space<vmem>>, vector<1x16xf32>,
        %add3A_923 = arith.constant 48 : i32
        %add3A_924 = arith.addi %add3A_923, %scan3A_416 : i32
        %get3A_925 = arith.index_cast %add3A_924 : i32 to index
        %get3A_926 = arith.constant 256 : index
        %get3A_927 = tpu.vector_load %arg14[%get3A_925, %get3A_926] {strides = array<i32>} : memref<64x384xf32, #tpu.memory_space<vmem>>, vector<1x16xf32>,
        %get3A_928 = vector.shape_cast %get3A_927 : vector<1x16xf32> to vector<16xf32>
        %add3A_929 = arith.constant 16 : i32
        %add3A_930 = arith.addi %add3A_929, %scan3A_416 : i32
        %get3A_931 = arith.index_cast %add3A_930 : i32 to index
        %get3A_932 = arith.constant 256 : index
        %get3A_933 = tpu.vector_load %arg14[%get3A_931, %get3A_932] {strides = array<i32>} : memref<64x384xf32, #tpu.memory_space<vmem>>, vector<1x16xf32>,
        %get3A_934 = vector.shape_cast %get3A_933 : vector<1x16xf32> to vector<16xf32>
        %sub3A_935 = arith.subf %get3A_928, %get3A_934 : vector<16xf32>
        %add3A_936 = arith.constant 32 : i32
        %add3A_937 = arith.addi %add3A_936, %scan3A_416 : i32
        %get3A_938 = arith.index_cast %add3A_937 : i32 to index
        %get3A_939 = arith.constant 256 : index
        %get3A_940 = tpu.vector_load %arg14[%get3A_938, %get3A_939] {strides = array<i32>} : memref<64x384xf32, #tpu.memory_space<vmem>>, vector<1x16xf32>,
        %get3A_941 = vector.shape_cast %get3A_940 : vector<1x16xf32> to vector<16xf32>
        %sub3A_942 = arith.subf %sub3A_935, %get3A_941 : vector<16xf32>
        %get3A_943 = arith.index_cast %scan3A_416 : i32 to index
        %get3A_944 = arith.constant 256 : index
        %get3A_945 = tpu.vector_load %arg14[%get3A_943, %get3A_944] {strides = array<i32>} : memref<64x384xf32, #tpu.memory_space<vmem>>, vector<1x16xf32>,
        %get3A_946 = vector.shape_cast %get3A_945 : vector<1x16xf32> to vector<16xf32>
        %add3A_947 = arith.addf %sub3A_942, %get3A_946 : vector<16xf32>
        %mul3A_948 = arith.mulf %add3A_947, %gather3A_426 : vector<16xf32>
        %swap3A_949 = arith.index_cast %scan3A_416 : i32 to index
        %swap3A_950 = arith.constant 256 : index
        %swap3A_951 = tpu.vector_load %arg16[%swap3A_949, %swap3A_950] {strides = array<i32>} : memref<16x384xf32, #tpu.memory_space<vmem>>, vector<1x16xf32>,
        %swap3A_952 = vector.shape_cast %swap3A_951 : vector<1x16xf32> to vector<16xf32>
        %swap3A_953 = vector.shape_cast %mul3A_948 : vector<16xf32> to vector<1x16xf32>
        tpu.vector_store %arg16[%swap3A_949, %swap3A_950], %swap3A_953 {strides = array<i32>} : memref<16x384xf32, #tpu.memory_space<vmem>>, vector<1x16xf32>,
        %add3A_954 = arith.constant 48 : i32
        %add3A_955 = arith.addi %add3A_954, %scan3A_416 : i32
        %get3A_956 = arith.index_cast %add3A_955 : i32 to index
        %get3A_957 = arith.constant 272 : index
        %get3A_958 = tpu.vector_load %arg14[%get3A_956, %get3A_957] {strides = array<i32>} : memref<64x384xf32, #tpu.memory_space<vmem>>, vector<1x16xf32>,
        %get3A_959 = vector.shape_cast %get3A_958 : vector<1x16xf32> to vector<16xf32>
        %add3A_960 = arith.constant 16 : i32
        %add3A_961 = arith.addi %add3A_960, %scan3A_416 : i32
        %get3A_962 = arith.index_cast %add3A_961 : i32 to index
        %get3A_963 = arith.constant 272 : index
        %get3A_964 = tpu.vector_load %arg14[%get3A_962, %get3A_963] {strides = array<i32>} : memref<64x384xf32, #tpu.memory_space<vmem>>, vector<1x16xf32>,
        %get3A_965 = vector.shape_cast %get3A_964 : vector<1x16xf32> to vector<16xf32>
        %sub3A_966 = arith.subf %get3A_959, %get3A_965 : vector<16xf32>
        %add3A_967 = arith.constant 32 : i32
        %add3A_968 = arith.addi %add3A_967, %scan3A_416 : i32
        %get3A_969 = arith.index_cast %add3A_968 : i32 to index
        %get3A_970 = arith.constant 272 : index
        %get3A_971 = tpu.vector_load %arg14[%get3A_969, %get3A_970] {strides = array<i32>} : memref<64x384xf32, #tpu.memory_space<vmem>>, vector<1x16xf32>,
        %get3A_972 = vector.shape_cast %get3A_971 : vector<1x16xf32> to vector<16xf32>
        %sub3A_973 = arith.subf %sub3A_966, %get3A_972 : vector<16xf32>
        %get3A_974 = arith.index_cast %scan3A_416 : i32 to index
        %get3A_975 = arith.constant 272 : index
        %get3A_976 = tpu.vector_load %arg14[%get3A_974, %get3A_975] {strides = array<i32>} : memref<64x384xf32, #tpu.memory_space<vmem>>, vector<1x16xf32>,
        %get3A_977 = vector.shape_cast %get3A_976 : vector<1x16xf32> to vector<16xf32>
        %add3A_978 = arith.addf %sub3A_973, %get3A_977 : vector<16xf32>
        %mul3A_979 = arith.mulf %add3A_978, %gather3A_426 : vector<16xf32>
        %swap3A_980 = arith.index_cast %scan3A_416 : i32 to index
        %swap3A_981 = arith.constant 272 : index
        %swap3A_982 = tpu.vector_load %arg16[%swap3A_980, %swap3A_981] {strides = array<i32>} : memref<16x384xf32, #tpu.memory_space<vmem>>, vector<1x16xf32>,
        %swap3A_983 = vector.shape_cast %swap3A_982 : vector<1x16xf32> to vector<16xf32>
        %swap3A_984 = vector.shape_cast %mul3A_979 : vector<16xf32> to vector<1x16xf32>
        tpu.vector_store %arg16[%swap3A_980, %swap3A_981], %swap3A_984 {strides = array<i32>} : memref<16x384xf32, #tpu.memory_space<vmem>>, vector<1x16xf32>,
        %add3A_985 = arith.constant 48 : i32
        %add3A_986 = arith.addi %add3A_985, %scan3A_416 : i32
        %get3A_987 = arith.index_cast %add3A_986 : i32 to index
        %get3A_988 = arith.constant 288 : index
        %get3A_989 = tpu.vector_load %arg14[%get3A_987, %get3A_988] {strides = array<i32>} : memref<64x384xf32, #tpu.memory_space<vmem>>, vector<1x16xf32>,
        %get3A_990 = vector.shape_cast %get3A_989 : vector<1x16xf32> to vector<16xf32>
        %add3A_991 = arith.constant 16 : i32
        %add3A_992 = arith.addi %add3A_991, %scan3A_416 : i32
        %get3A_993 = arith.index_cast %add3A_992 : i32 to index
        %get3A_994 = arith.constant 288 : index
        %get3A_995 = tpu.vector_load %arg14[%get3A_993, %get3A_994] {strides = array<i32>} : memref<64x384xf32, #tpu.memory_space<vmem>>, vector<1x16xf32>,
        %get3A_996 = vector.shape_cast %get3A_995 : vector<1x16xf32> to vector<16xf32>
        %sub3A_997 = arith.subf %get3A_990, %get3A_996 : vector<16xf32>
        %add3A_998 = arith.constant 32 : i32
        %add3A_999 = arith.addi %add3A_998, %scan3A_416 : i32
        %get3A_1000 = arith.index_cast %add3A_999 : i32 to index
        %get3A_1001 = arith.constant 288 : index
        %get3A_1002 = tpu.vector_load %arg14[%get3A_1000, %get3A_1001] {strides = array<i32>} : memref<64x384xf32, #tpu.memory_space<vmem>>, vector<1x16xf32>,
        %get3A_1003 = vector.shape_cast %get3A_1002 : vector<1x16xf32> to vector<16xf32>
        %sub3A_1004 = arith.subf %sub3A_997, %get3A_1003 : vector<16xf32>
        %get3A_1005 = arith.index_cast %scan3A_416 : i32 to index
        %get3A_1006 = arith.constant 288 : index
        %get3A_1007 = tpu.vector_load %arg14[%get3A_1005, %get3A_1006] {strides = array<i32>} : memref<64x384xf32, #tpu.memory_space<vmem>>, vector<1x16xf32>,
        %get3A_1008 = vector.shape_cast %get3A_1007 : vector<1x16xf32> to vector<16xf32>
        %add3A_1009 = arith.addf %sub3A_1004, %get3A_1008 : vector<16xf32>
        %mul3A_1010 = arith.mulf %add3A_1009, %gather3A_426 : vector<16xf32>
        %swap3A_1011 = arith.index_cast %scan3A_416 : i32 to index
        %swap3A_1012 = arith.constant 288 : index
        %swap3A_1013 = tpu.vector_load %arg16[%swap3A_1011, %swap3A_1012] {strides = array<i32>} : memref<16x384xf32, #tpu.memory_space<vmem>>, vector<1x16xf32>,
        %swap3A_1014 = vector.shape_cast %swap3A_1013 : vector<1x16xf32> to vector<16xf32>
        %swap3A_1015 = vector.shape_cast %mul3A_1010 : vector<16xf32> to vector<1x16xf32>
        tpu.vector_store %arg16[%swap3A_1011, %swap3A_1012], %swap3A_1015 {strides = array<i32>} : memref<16x384xf32, #tpu.memory_space<vmem>>, vector<1x16xf32>,
        %add3A_1016 = arith.constant 48 : i32
        %add3A_1017 = arith.addi %add3A_1016, %scan3A_416 : i32
        %get3A_1018 = arith.index_cast %add3A_1017 : i32 to index
        %get3A_1019 = arith.constant 304 : index
        %get3A_1020 = tpu.vector_load %arg14[%get3A_1018, %get3A_1019] {strides = array<i32>} : memref<64x384xf32, #tpu.memory_space<vmem>>, vector<1x16xf32>,
        %get3A_1021 = vector.shape_cast %get3A_1020 : vector<1x16xf32> to vector<16xf32>
        %add3A_1022 = arith.constant 16 : i32
        %add3A_1023 = arith.addi %add3A_1022, %scan3A_416 : i32
        %get3A_1024 = arith.index_cast %add3A_1023 : i32 to index
        %get3A_1025 = arith.constant 304 : index
        %get3A_1026 = tpu.vector_load %arg14[%get3A_1024, %get3A_1025] {strides = array<i32>} : memref<64x384xf32, #tpu.memory_space<vmem>>, vector<1x16xf32>,
        %get3A_1027 = vector.shape_cast %get3A_1026 : vector<1x16xf32> to vector<16xf32>
        %sub3A_1028 = arith.subf %get3A_1021, %get3A_1027 : vector<16xf32>
        %add3A_1029 = arith.constant 32 : i32
        %add3A_1030 = arith.addi %add3A_1029, %scan3A_416 : i32
        %get3A_1031 = arith.index_cast %add3A_1030 : i32 to index
        %get3A_1032 = arith.constant 304 : index
        %get3A_1033 = tpu.vector_load %arg14[%get3A_1031, %get3A_1032] {strides = array<i32>} : memref<64x384xf32, #tpu.memory_space<vmem>>, vector<1x16xf32>,
        %get3A_1034 = vector.shape_cast %get3A_1033 : vector<1x16xf32> to vector<16xf32>
        %sub3A_1035 = arith.subf %sub3A_1028, %get3A_1034 : vector<16xf32>
        %get3A_1036 = arith.index_cast %scan3A_416 : i32 to index
        %get3A_1037 = arith.constant 304 : index
        %get3A_1038 = tpu.vector_load %arg14[%get3A_1036, %get3A_1037] {strides = array<i32>} : memref<64x384xf32, #tpu.memory_space<vmem>>, vector<1x16xf32>,
        %get3A_1039 = vector.shape_cast %get3A_1038 : vector<1x16xf32> to vector<16xf32>
        %add3A_1040 = arith.addf %sub3A_1035, %get3A_1039 : vector<16xf32>
        %mul3A_1041 = arith.mulf %add3A_1040, %gather3A_426 : vector<16xf32>
        %swap3A_1042 = arith.index_cast %scan3A_416 : i32 to index
        %swap3A_1043 = arith.constant 304 : index
        %swap3A_1044 = tpu.vector_load %arg16[%swap3A_1042, %swap3A_1043] {strides = array<i32>} : memref<16x384xf32, #tpu.memory_space<vmem>>, vector<1x16xf32>,
        %swap3A_1045 = vector.shape_cast %swap3A_1044 : vector<1x16xf32> to vector<16xf32>
        %swap3A_1046 = vector.shape_cast %mul3A_1041 : vector<16xf32> to vector<1x16xf32>
        tpu.vector_store %arg16[%swap3A_1042, %swap3A_1043], %swap3A_1046 {strides = array<i32>} : memref<16x384xf32, #tpu.memory_space<vmem>>, vector<1x16xf32>,
        %add3A_1047 = arith.constant 48 : i32
        %add3A_1048 = arith.addi %add3A_1047, %scan3A_416 : i32
        %get3A_1049 = arith.index_cast %add3A_1048 : i32 to index
        %get3A_1050 = arith.constant 320 : index
        %get3A_1051 = tpu.vector_load %arg14[%get3A_1049, %get3A_1050] {strides = array<i32>} : memref<64x384xf32, #tpu.memory_space<vmem>>, vector<1x16xf32>,
        %get3A_1052 = vector.shape_cast %get3A_1051 : vector<1x16xf32> to vector<16xf32>
        %add3A_1053 = arith.constant 16 : i32
        %add3A_1054 = arith.addi %add3A_1053, %scan3A_416 : i32
        %get3A_1055 = arith.index_cast %add3A_1054 : i32 to index
        %get3A_1056 = arith.constant 320 : index
        %get3A_1057 = tpu.vector_load %arg14[%get3A_1055, %get3A_1056] {strides = array<i32>} : memref<64x384xf32, #tpu.memory_space<vmem>>, vector<1x16xf32>,
        %get3A_1058 = vector.shape_cast %get3A_1057 : vector<1x16xf32> to vector<16xf32>
        %sub3A_1059 = arith.subf %get3A_1052, %get3A_1058 : vector<16xf32>
        %add3A_1060 = arith.constant 32 : i32
        %add3A_1061 = arith.addi %add3A_1060, %scan3A_416 : i32
        %get3A_1062 = arith.index_cast %add3A_1061 : i32 to index
        %get3A_1063 = arith.constant 320 : index
        %get3A_1064 = tpu.vector_load %arg14[%get3A_1062, %get3A_1063] {strides = array<i32>} : memref<64x384xf32, #tpu.memory_space<vmem>>, vector<1x16xf32>,
        %get3A_1065 = vector.shape_cast %get3A_1064 : vector<1x16xf32> to vector<16xf32>
        %sub3A_1066 = arith.subf %sub3A_1059, %get3A_1065 : vector<16xf32>
        %get3A_1067 = arith.index_cast %scan3A_416 : i32 to index
        %get3A_1068 = arith.constant 320 : index
        %get3A_1069 = tpu.vector_load %arg14[%get3A_1067, %get3A_1068] {strides = array<i32>} : memref<64x384xf32, #tpu.memory_space<vmem>>, vector<1x16xf32>,
        %get3A_1070 = vector.shape_cast %get3A_1069 : vector<1x16xf32> to vector<16xf32>
        %add3A_1071 = arith.addf %sub3A_1066, %get3A_1070 : vector<16xf32>
        %mul3A_1072 = arith.mulf %add3A_1071, %gather3A_426 : vector<16xf32>
        %swap3A_1073 = arith.index_cast %scan3A_416 : i32 to index
        %swap3A_1074 = arith.constant 320 : index
        %swap3A_1075 = tpu.vector_load %arg16[%swap3A_1073, %swap3A_1074] {strides = array<i32>} : memref<16x384xf32, #tpu.memory_space<vmem>>, vector<1x16xf32>,
        %swap3A_1076 = vector.shape_cast %swap3A_1075 : vector<1x16xf32> to vector<16xf32>
        %swap3A_1077 = vector.shape_cast %mul3A_1072 : vector<16xf32> to vector<1x16xf32>
        tpu.vector_store %arg16[%swap3A_1073, %swap3A_1074], %swap3A_1077 {strides = array<i32>} : memref<16x384xf32, #tpu.memory_space<vmem>>, vector<1x16xf32>,
        %add3A_1078 = arith.constant 48 : i32
        %add3A_1079 = arith.addi %add3A_1078, %scan3A_416 : i32
        %get3A_1080 = arith.index_cast %add3A_1079 : i32 to index
        %get3A_1081 = arith.constant 336 : index
        %get3A_1082 = tpu.vector_load %arg14[%get3A_1080, %get3A_1081] {strides = array<i32>} : memref<64x384xf32, #tpu.memory_space<vmem>>, vector<1x16xf32>,
        %get3A_1083 = vector.shape_cast %get3A_1082 : vector<1x16xf32> to vector<16xf32>
        %add3A_1084 = arith.constant 16 : i32
        %add3A_1085 = arith.addi %add3A_1084, %scan3A_416 : i32
        %get3A_1086 = arith.index_cast %add3A_1085 : i32 to index
        %get3A_1087 = arith.constant 336 : index
        %get3A_1088 = tpu.vector_load %arg14[%get3A_1086, %get3A_1087] {strides = array<i32>} : memref<64x384xf32, #tpu.memory_space<vmem>>, vector<1x16xf32>,
        %get3A_1089 = vector.shape_cast %get3A_1088 : vector<1x16xf32> to vector<16xf32>
        %sub3A_1090 = arith.subf %get3A_1083, %get3A_1089 : vector<16xf32>
        %add3A_1091 = arith.constant 32 : i32
        %add3A_1092 = arith.addi %add3A_1091, %scan3A_416 : i32
        %get3A_1093 = arith.index_cast %add3A_1092 : i32 to index
        %get3A_1094 = arith.constant 336 : index
        %get3A_1095 = tpu.vector_load %arg14[%get3A_1093, %get3A_1094] {strides = array<i32>} : memref<64x384xf32, #tpu.memory_space<vmem>>, vector<1x16xf32>,
        %get3A_1096 = vector.shape_cast %get3A_1095 : vector<1x16xf32> to vector<16xf32>
        %sub3A_1097 = arith.subf %sub3A_1090, %get3A_1096 : vector<16xf32>
        %get3A_1098 = arith.index_cast %scan3A_416 : i32 to index
        %get3A_1099 = arith.constant 336 : index
        %get3A_1100 = tpu.vector_load %arg14[%get3A_1098, %get3A_1099] {strides = array<i32>} : memref<64x384xf32, #tpu.memory_space<vmem>>, vector<1x16xf32>,
        %get3A_1101 = vector.shape_cast %get3A_1100 : vector<1x16xf32> to vector<16xf32>
        %add3A_1102 = arith.addf %sub3A_1097, %get3A_1101 : vector<16xf32>
        %mul3A_1103 = arith.mulf %add3A_1102, %gather3A_426 : vector<16xf32>
        %swap3A_1104 = arith.index_cast %scan3A_416 : i32 to index
        %swap3A_1105 = arith.constant 336 : index
        %swap3A_1106 = tpu.vector_load %arg16[%swap3A_1104, %swap3A_1105] {strides = array<i32>} : memref<16x384xf32, #tpu.memory_space<vmem>>, vector<1x16xf32>,
        %swap3A_1107 = vector.shape_cast %swap3A_1106 : vector<1x16xf32> to vector<16xf32>
        %swap3A_1108 = vector.shape_cast %mul3A_1103 : vector<16xf32> to vector<1x16xf32>
        tpu.vector_store %arg16[%swap3A_1104, %swap3A_1105], %swap3A_1108 {strides = array<i32>} : memref<16x384xf32, #tpu.memory_space<vmem>>, vector<1x16xf32>,
        %add3A_1109 = arith.constant 48 : i32
        %add3A_1110 = arith.addi %add3A_1109, %scan3A_416 : i32
        %get3A_1111 = arith.index_cast %add3A_1110 : i32 to index
        %get3A_1112 = arith.constant 352 : index
        %get3A_1113 = tpu.vector_load %arg14[%get3A_1111, %get3A_1112] {strides = array<i32>} : memref<64x384xf32, #tpu.memory_space<vmem>>, vector<1x16xf32>,
        %get3A_1114 = vector.shape_cast %get3A_1113 : vector<1x16xf32> to vector<16xf32>
        %add3A_1115 = arith.constant 16 : i32
        %add3A_1116 = arith.addi %add3A_1115, %scan3A_416 : i32
        %get3A_1117 = arith.index_cast %add3A_1116 : i32 to index
        %get3A_1118 = arith.constant 352 : index
        %get3A_1119 = tpu.vector_load %arg14[%get3A_1117, %get3A_1118] {strides = array<i32>} : memref<64x384xf32, #tpu.memory_space<vmem>>, vector<1x16xf32>,
        %get3A_1120 = vector.shape_cast %get3A_1119 : vector<1x16xf32> to vector<16xf32>
        %sub3A_1121 = arith.subf %get3A_1114, %get3A_1120 : vector<16xf32>
        %add3A_1122 = arith.constant 32 : i32
        %add3A_1123 = arith.addi %add3A_1122, %scan3A_416 : i32
        %get3A_1124 = arith.index_cast %add3A_1123 : i32 to index
        %get3A_1125 = arith.constant 352 : index
        %get3A_1126 = tpu.vector_load %arg14[%get3A_1124, %get3A_1125] {strides = array<i32>} : memref<64x384xf32, #tpu.memory_space<vmem>>, vector<1x16xf32>,
        %get3A_1127 = vector.shape_cast %get3A_1126 : vector<1x16xf32> to vector<16xf32>
        %sub3A_1128 = arith.subf %sub3A_1121, %get3A_1127 : vector<16xf32>
        %get3A_1129 = arith.index_cast %scan3A_416 : i32 to index
        %get3A_1130 = arith.constant 352 : index
        %get3A_1131 = tpu.vector_load %arg14[%get3A_1129, %get3A_1130] {strides = array<i32>} : memref<64x384xf32, #tpu.memory_space<vmem>>, vector<1x16xf32>,
        %get3A_1132 = vector.shape_cast %get3A_1131 : vector<1x16xf32> to vector<16xf32>
        %add3A_1133 = arith.addf %sub3A_1128, %get3A_1132 : vector<16xf32>
        %mul3A_1134 = arith.mulf %add3A_1133, %gather3A_426 : vector<16xf32>
        %swap3A_1135 = arith.index_cast %scan3A_416 : i32 to index
        %swap3A_1136 = arith.constant 352 : index
        %swap3A_1137 = tpu.vector_load %arg16[%swap3A_1135, %swap3A_1136] {strides = array<i32>} : memref<16x384xf32, #tpu.memory_space<vmem>>, vector<1x16xf32>,
        %swap3A_1138 = vector.shape_cast %swap3A_1137 : vector<1x16xf32> to vector<16xf32>
        %swap3A_1139 = vector.shape_cast %mul3A_1134 : vector<16xf32> to vector<1x16xf32>
        tpu.vector_store %arg16[%swap3A_1135, %swap3A_1136], %swap3A_1139 {strides = array<i32>} : memref<16x384xf32, #tpu.memory_space<vmem>>, vector<1x16xf32>,
        %add3A_1140 = arith.constant 48 : i32
        %add3A_1141 = arith.addi %add3A_1140, %scan3A_416 : i32
        %get3A_1142 = arith.index_cast %add3A_1141 : i32 to index
        %get3A_1143 = arith.constant 368 : index
        %get3A_1144 = tpu.vector_load %arg14[%get3A_1142, %get3A_1143] {strides = array<i32>} : memref<64x384xf32, #tpu.memory_space<vmem>>, vector<1x16xf32>,
        %get3A_1145 = vector.shape_cast %get3A_1144 : vector<1x16xf32> to vector<16xf32>
        %add3A_1146 = arith.constant 16 : i32
        %add3A_1147 = arith.addi %add3A_1146, %scan3A_416 : i32
        %get3A_1148 = arith.index_cast %add3A_1147 : i32 to index
        %get3A_1149 = arith.constant 368 : index
        %get3A_1150 = tpu.vector_load %arg14[%get3A_1148, %get3A_1149] {strides = array<i32>} : memref<64x384xf32, #tpu.memory_space<vmem>>, vector<1x16xf32>,
        %get3A_1151 = vector.shape_cast %get3A_1150 : vector<1x16xf32> to vector<16xf32>
        %sub3A_1152 = arith.subf %get3A_1145, %get3A_1151 : vector<16xf32>
        %add3A_1153 = arith.constant 32 : i32
        %add3A_1154 = arith.addi %add3A_1153, %scan3A_416 : i32
        %get3A_1155 = arith.index_cast %add3A_1154 : i32 to index
        %get3A_1156 = arith.constant 368 : index
        %get3A_1157 = tpu.vector_load %arg14[%get3A_1155, %get3A_1156] {strides = array<i32>} : memref<64x384xf32, #tpu.memory_space<vmem>>, vector<1x16xf32>,
        %get3A_1158 = vector.shape_cast %get3A_1157 : vector<1x16xf32> to vector<16xf32>
        %sub3A_1159 = arith.subf %sub3A_1152, %get3A_1158 : vector<16xf32>
        %get3A_1160 = arith.index_cast %scan3A_416 : i32 to index
        %get3A_1161 = arith.constant 368 : index
        %get3A_1162 = tpu.vector_load %arg14[%get3A_1160, %get3A_1161] {strides = array<i32>} : memref<64x384xf32, #tpu.memory_space<vmem>>, vector<1x16xf32>,
        %get3A_1163 = vector.shape_cast %get3A_1162 : vector<1x16xf32> to vector<16xf32>
        %add3A_1164 = arith.addf %sub3A_1159, %get3A_1163 : vector<16xf32>
        %mul3A_1165 = arith.mulf %add3A_1164, %gather3A_426 : vector<16xf32>
        %swap3A_1166 = arith.index_cast %scan3A_416 : i32 to index
        %swap3A_1167 = arith.constant 368 : index
        %swap3A_1168 = tpu.vector_load %arg16[%swap3A_1166, %swap3A_1167] {strides = array<i32>} : memref<16x384xf32, #tpu.memory_space<vmem>>, vector<1x16xf32>,
        %swap3A_1169 = vector.shape_cast %swap3A_1168 : vector<1x16xf32> to vector<16xf32>
        %swap3A_1170 = vector.shape_cast %mul3A_1165 : vector<16xf32> to vector<1x16xf32>
        tpu.vector_store %arg16[%swap3A_1166, %swap3A_1167], %swap3A_1170 {strides = array<i32>} : memref<16x384xf32, #tpu.memory_space<vmem>>, vector<1x16xf32>,
      }
      %scan3A_339 = arith.constant 16 : i32
      %mul3A_340 = arith.constant 16 : i32
      %mul3A_341 = arith.muli %mul3A_321, %mul3A_340 : i32
      %add3A_342 = arith.addi %mul3A_2, %mul3A_341 : i32
      %add3A_343 = arith.constant 16 : i32
      %add3A_344 = arith.addi %add3A_342, %add3A_343 : i32
      %le3A_345 = arith.constant 3072 : i32
      %le3A_346 = arith.cmpi sle, %add3A_344, %le3A_345 : i32
      %lt3A_347 = arith.constant 3072 : i32
      %lt3A_348 = arith.cmpi slt, %add3A_342, %lt3A_347 : i32
      %add3A_349 = arith.constant 16 : i32
      %add3A_350 = arith.addi %add3A_342, %add3A_349 : i32
      %gt3A_351 = arith.constant 3072 : i32
      %gt3A_352 = arith.cmpi sgt, %add3A_350, %gt3A_351 : i32
      %and3A_353 = arith.andi %lt3A_348, %gt3A_352 : i1
      %convert_element_type3A_354 = arith.extui %le3A_346 : i1 to i32
      %cond3A_355 = arith.constant 0 : i32
      %cond3A_356 = arith.cmpi ne, %convert_element_type3A_354, %cond3A_355 : i32
      scf.if %cond3A_356 {
        %dma_start3A_416 = arith.constant 0 : i32
        %dma_start3A_417 = tpu.memref_slice %arg7[%add3A_342, %dma_start3A_416] : memref<3072x384xf32, #tpu.memory_space<hbm>> -> memref<16x384xf32, #tpu.memory_space<hbm>>
        %dma_start3A_418 = arith.constant 0 : i32
        %dma_start3A_419 = tpu.memref_slice %arg7[%add3A_342, %dma_start3A_418] : memref<3072x384xf32, #tpu.memory_space<hbm>> -> memref<16x384xf32, #tpu.memory_space<hbm>>
        tpu.enqueue_dma source(%arg16 : memref<16x384xf32, #tpu.memory_space<vmem>>) target(%dma_start3A_419 : memref<16x384xf32, #tpu.memory_space<hbm>>) target_semaphore(%arg21 : memref<!tpu.dma_semaphore, #tpu.memory_space<semaphore_mem>>)
      } else {
      }
      %convert_element_type3A_357 = arith.extui %and3A_353 : i1 to i32
      %cond3A_358 = arith.constant 0 : i32
      %cond3A_359 = arith.cmpi ne, %convert_element_type3A_357, %cond3A_358 : i32
      scf.if %cond3A_359 {
        %dma_start3A_416 = arith.constant 0 : i32
        %dma_start3A_417 = arith.constant 0 : i32
        %dma_start3A_418 = tpu.memref_slice %arg16[%dma_start3A_416, %dma_start3A_417] : memref<16x384xf32, #tpu.memory_space<vmem>> -> memref<8x384xf32, #tpu.memory_space<vmem>>
        %dma_start3A_419 = arith.constant 0 : i32
        %dma_start3A_420 = tpu.memref_slice %arg7[%add3A_342, %dma_start3A_419] : memref<3072x384xf32, #tpu.memory_space<hbm>> -> memref<8x384xf32, #tpu.memory_space<hbm>>
        %dma_start3A_421 = arith.constant 0 : i32
        %dma_start3A_422 = tpu.memref_slice %arg7[%add3A_342, %dma_start3A_421] : memref<3072x384xf32, #tpu.memory_space<hbm>> -> memref<8x384xf32, #tpu.memory_space<hbm>>
        %dma_start3A_423 = arith.constant 0 : i32
        %dma_start3A_424 = arith.constant 0 : i32
        %dma_start3A_425 = tpu.memref_slice %arg16[%dma_start3A_423, %dma_start3A_424] : memref<16x384xf32, #tpu.memory_space<vmem>> -> memref<8x384xf32, #tpu.memory_space<vmem>>
        tpu.enqueue_dma source(%dma_start3A_425 : memref<8x384xf32, #tpu.memory_space<vmem>>) target(%dma_start3A_422 : memref<8x384xf32, #tpu.memory_space<hbm>>) target_semaphore(%arg21 : memref<!tpu.dma_semaphore, #tpu.memory_space<semaphore_mem>>)
      } else {
      }
      %add3A_360 = arith.constant 2 : i32
      %add3A_361 = arith.addi %mul3A_321, %add3A_360 : i32
      %lt3A_362 = arith.constant 6 : i32
      %lt3A_363 = arith.cmpi slt, %add3A_361, %lt3A_362 : i32
      %convert_element_type3A_364 = arith.extui %lt3A_363 : i1 to i32
      %cond3A_365 = arith.constant 0 : i32
      %cond3A_366 = arith.cmpi ne, %convert_element_type3A_364, %cond3A_365 : i32
      scf.if %cond3A_366 {
        %add3A_416 = arith.constant 2 : i32
        %add3A_417 = arith.addi %mul3A_321, %add3A_416 : i32
        %mul3A_418 = arith.constant 16 : i32
        %mul3A_419 = arith.muli %add3A_417, %mul3A_418 : i32
        %get3A_420 = arith.index_cast %mul3A_419 : i32 to index
        %get3A_421 = tpu.vector_load %arg8[%get3A_420] {strides = array<i32>} : memref<96xf32, #tpu.memory_space<vmem>>, vector<16xf32>,
        %get3A_422 = vector.shape_cast %get3A_421 : vector<16xf32> to vector<16xf32>
        %get3A_423 = arith.index_cast %mul3A_419 : i32 to index
        %get3A_424 = tpu.vector_load %arg9[%get3A_423] {strides = array<i32>} : memref<96xf32, #tpu.memory_space<vmem>>, vector<16xf32>,
        %get3A_425 = vector.shape_cast %get3A_424 : vector<16xf32> to vector<16xf32>
        %get3A_426 = arith.index_cast %mul3A_419 : i32 to index
        %get3A_427 = tpu.vector_load %arg10[%get3A_426] {strides = array<i32>} : memref<96xf32, #tpu.memory_space<vmem>>, vector<16xf32>,
        %get3A_428 = vector.shape_cast %get3A_427 : vector<16xf32> to vector<16xf32>
        %get3A_429 = arith.index_cast %mul3A_419 : i32 to index
        %get3A_430 = tpu.vector_load %arg11[%get3A_429] {strides = array<i32>} : memref<96xf32, #tpu.memory_space<vmem>>, vector<16xf32>,
        %get3A_431 = vector.shape_cast %get3A_430 : vector<16xf32> to vector<16xf32>
        %broadcast_in_dim3A_432 = arith.constant 0 : i32
        %broadcast_in_dim3A_433 = vector.broadcast %broadcast_in_dim3A_432 : i32 to vector<16xi32>
        %broadcast_in_dim3A_434 = arith.constant 32 : i32
        %broadcast_in_dim3A_435 = vector.broadcast %broadcast_in_dim3A_434 : i32 to vector<16xi32>
        %broadcast_in_dim3A_436 = arith.constant 32 : i32
        %broadcast_in_dim3A_437 = vector.broadcast %broadcast_in_dim3A_436 : i32 to vector<16xi32>
        %mul3A_438 = arith.constant 3.200000e+01 : f32
        %mul3A_439 = vector.broadcast %mul3A_438 : f32 to vector<16xf32>
        %mul3A_440 = arith.mulf %get3A_422, %mul3A_439 : vector<16xf32>
        %convert_element_type3A_441 = arith.fptosi %mul3A_440 : vector<16xf32> to vector<16xi32>
        %max3A_442 = arith.maxsi %broadcast_in_dim3A_433, %convert_element_type3A_441 : vector<16xi32>
        %add3A_443 = arith.constant 1 : i32
        %add3A_444 = vector.broadcast %add3A_443 : i32 to vector<16xi32>
        %add3A_445 = arith.addi %max3A_442, %add3A_444 : vector<16xi32>
        %mul3A_446 = arith.constant 3.200000e+01 : f32
        %mul3A_447 = vector.broadcast %mul3A_446 : f32 to vector<16xf32>
        %mul3A_448 = arith.mulf %get3A_428, %mul3A_447 : vector<16xf32>
        %add3A_449 = arith.constant 5.000000e-01 : f32
        %add3A_450 = vector.broadcast %add3A_449 : f32 to vector<16xf32>
        %add3A_451 = arith.addf %mul3A_448, %add3A_450 : vector<16xf32>
        %convert_element_type3A_452 = arith.fptosi %add3A_451 : vector<16xf32> to vector<16xi32>
        %convert_element_type3A_453 = arith.sitofp %convert_element_type3A_452 : vector<16xi32> to vector<16xf32>
        %sub3A_454 = arith.subf %add3A_451, %convert_element_type3A_453 : vector<16xf32>
        %gt3A_455 = arith.constant 5.000000e-01 : f32
        %gt3A_456 = vector.broadcast %gt3A_455 : f32 to vector<16xf32>
        %gt3A_457 = arith.cmpf ogt, %sub3A_454, %gt3A_456 : vector<16xf32>
        %eq3A_458 = arith.constant 5.000000e-01 : f32
        %eq3A_459 = vector.broadcast %eq3A_458 : f32 to vector<16xf32>
        %eq3A_460 = arith.cmpf oeq, %sub3A_454, %eq3A_459 : vector<16xf32>
        %and3A_461 = arith.constant 1 : i32
        %and3A_462 = vector.broadcast %and3A_461 : i32 to vector<16xi32>
        %and3A_463 = arith.andi %convert_element_type3A_452, %and3A_462 : vector<16xi32>
        %eq3A_464 = arith.constant 1 : i32
        %eq3A_465 = vector.broadcast %eq3A_464 : i32 to vector<16xi32>
        %eq3A_466 = arith.cmpi eq, %and3A_463, %eq3A_465 : vector<16xi32>
        %and3A_467 = arith.andi %eq3A_460, %eq3A_466 : vector<16xi1>
        %or3A_468 = arith.ori %gt3A_457, %and3A_467 : vector<16xi1>
        %add3A_469 = arith.constant 1 : i32
        %add3A_470 = vector.broadcast %add3A_469 : i32 to vector<16xi32>
        %add3A_471 = arith.addi %convert_element_type3A_452, %add3A_470 : vector<16xi32>
        %select_n3A_472 = arith.select %or3A_468, %add3A_471, %convert_element_type3A_452 : vector<16xi1>, vector<16xi32>
        %max3A_473 = arith.maxsi %add3A_445, %select_n3A_472 : vector<16xi32>
        %min3A_474 = arith.minsi %broadcast_in_dim3A_435, %max3A_473 : vector<16xi32>
        %mul3A_475 = arith.constant 3.200000e+01 : f32
        %mul3A_476 = vector.broadcast %mul3A_475 : f32 to vector<16xf32>
        %mul3A_477 = arith.mulf %get3A_425, %mul3A_476 : vector<16xf32>
        %convert_element_type3A_478 = arith.fptosi %mul3A_477 : vector<16xf32> to vector<16xi32>
        %max3A_479 = arith.maxsi %broadcast_in_dim3A_433, %convert_element_type3A_478 : vector<16xi32>
        %add3A_480 = arith.constant 1 : i32
        %add3A_481 = vector.broadcast %add3A_480 : i32 to vector<16xi32>
        %add3A_482 = arith.addi %max3A_479, %add3A_481 : vector<16xi32>
        %mul3A_483 = arith.constant 3.200000e+01 : f32
        %mul3A_484 = vector.broadcast %mul3A_483 : f32 to vector<16xf32>
        %mul3A_485 = arith.mulf %get3A_431, %mul3A_484 : vector<16xf32>
        %add3A_486 = arith.constant 5.000000e-01 : f32
        %add3A_487 = vector.broadcast %add3A_486 : f32 to vector<16xf32>
        %add3A_488 = arith.addf %mul3A_485, %add3A_487 : vector<16xf32>
        %convert_element_type3A_489 = arith.fptosi %add3A_488 : vector<16xf32> to vector<16xi32>
        %convert_element_type3A_490 = arith.sitofp %convert_element_type3A_489 : vector<16xi32> to vector<16xf32>
        %sub3A_491 = arith.subf %add3A_488, %convert_element_type3A_490 : vector<16xf32>
        %gt3A_492 = arith.constant 5.000000e-01 : f32
        %gt3A_493 = vector.broadcast %gt3A_492 : f32 to vector<16xf32>
        %gt3A_494 = arith.cmpf ogt, %sub3A_491, %gt3A_493 : vector<16xf32>
        %eq3A_495 = arith.constant 5.000000e-01 : f32
        %eq3A_496 = vector.broadcast %eq3A_495 : f32 to vector<16xf32>
        %eq3A_497 = arith.cmpf oeq, %sub3A_491, %eq3A_496 : vector<16xf32>
        %and3A_498 = arith.constant 1 : i32
        %and3A_499 = vector.broadcast %and3A_498 : i32 to vector<16xi32>
        %and3A_500 = arith.andi %convert_element_type3A_489, %and3A_499 : vector<16xi32>
        %eq3A_501 = arith.constant 1 : i32
        %eq3A_502 = vector.broadcast %eq3A_501 : i32 to vector<16xi32>
        %eq3A_503 = arith.cmpi eq, %and3A_500, %eq3A_502 : vector<16xi32>
        %and3A_504 = arith.andi %eq3A_497, %eq3A_503 : vector<16xi1>
        %or3A_505 = arith.ori %gt3A_494, %and3A_504 : vector<16xi1>
        %add3A_506 = arith.constant 1 : i32
        %add3A_507 = vector.broadcast %add3A_506 : i32 to vector<16xi32>
        %add3A_508 = arith.addi %convert_element_type3A_489, %add3A_507 : vector<16xi32>
        %select_n3A_509 = arith.select %or3A_505, %add3A_508, %convert_element_type3A_489 : vector<16xi1>, vector<16xi32>
        %max3A_510 = arith.maxsi %add3A_482, %select_n3A_509 : vector<16xi32>
        %min3A_511 = arith.minsi %broadcast_in_dim3A_437, %max3A_510 : vector<16xi32>
        %mul3A_512 = arith.constant 40 : i32
        %mul3A_513 = vector.broadcast %mul3A_512 : i32 to vector<16xi32>
        %mul3A_514 = arith.muli %max3A_479, %mul3A_513 : vector<16xi32>
        %add3A_515 = arith.addi %mul3A_514, %max3A_442 : vector<16xi32>
        %swap3A_516 = arith.constant 0 : index
        %swap3A_517 = tpu.vector_load %arg12[%swap3A_516] {strides = array<i32>} : memref<64xi32, #tpu.memory_space<vmem>>, vector<16xi32>,
        %swap3A_518 = vector.shape_cast %swap3A_517 : vector<16xi32> to vector<16xi32>
        %swap3A_519 = vector.shape_cast %add3A_515 : vector<16xi32> to vector<16xi32>
        tpu.vector_store %arg12[%swap3A_516], %swap3A_519 {strides = array<i32>} : memref<64xi32, #tpu.memory_space<vmem>>, vector<16xi32>,
        %mul3A_520 = arith.constant 40 : i32
        %mul3A_521 = vector.broadcast %mul3A_520 : i32 to vector<16xi32>
        %mul3A_522 = arith.muli %max3A_479, %mul3A_521 : vector<16xi32>
        %add3A_523 = arith.addi %mul3A_522, %min3A_474 : vector<16xi32>
        %swap3A_524 = arith.constant 16 : index
        %swap3A_525 = tpu.vector_load %arg12[%swap3A_524] {strides = array<i32>} : memref<64xi32, #tpu.memory_space<vmem>>, vector<16xi32>,
        %swap3A_526 = vector.shape_cast %swap3A_525 : vector<16xi32> to vector<16xi32>
        %swap3A_527 = vector.shape_cast %add3A_523 : vector<16xi32> to vector<16xi32>
        tpu.vector_store %arg12[%swap3A_524], %swap3A_527 {strides = array<i32>} : memref<64xi32, #tpu.memory_space<vmem>>, vector<16xi32>,
        %mul3A_528 = arith.constant 40 : i32
        %mul3A_529 = vector.broadcast %mul3A_528 : i32 to vector<16xi32>
        %mul3A_530 = arith.muli %min3A_511, %mul3A_529 : vector<16xi32>
        %add3A_531 = arith.addi %mul3A_530, %max3A_442 : vector<16xi32>
        %swap3A_532 = arith.constant 32 : index
        %swap3A_533 = tpu.vector_load %arg12[%swap3A_532] {strides = array<i32>} : memref<64xi32, #tpu.memory_space<vmem>>, vector<16xi32>,
        %swap3A_534 = vector.shape_cast %swap3A_533 : vector<16xi32> to vector<16xi32>
        %swap3A_535 = vector.shape_cast %add3A_531 : vector<16xi32> to vector<16xi32>
        tpu.vector_store %arg12[%swap3A_532], %swap3A_535 {strides = array<i32>} : memref<64xi32, #tpu.memory_space<vmem>>, vector<16xi32>,
        %mul3A_536 = arith.constant 40 : i32
        %mul3A_537 = vector.broadcast %mul3A_536 : i32 to vector<16xi32>
        %mul3A_538 = arith.muli %min3A_511, %mul3A_537 : vector<16xi32>
        %add3A_539 = arith.addi %mul3A_538, %min3A_474 : vector<16xi32>
        %swap3A_540 = arith.constant 48 : index
        %swap3A_541 = tpu.vector_load %arg12[%swap3A_540] {strides = array<i32>} : memref<64xi32, #tpu.memory_space<vmem>>, vector<16xi32>,
        %swap3A_542 = vector.shape_cast %swap3A_541 : vector<16xi32> to vector<16xi32>
        %swap3A_543 = vector.shape_cast %add3A_539 : vector<16xi32> to vector<16xi32>
        tpu.vector_store %arg12[%swap3A_540], %swap3A_543 {strides = array<i32>} : memref<64xi32, #tpu.memory_space<vmem>>, vector<16xi32>,
        %sub3A_544 = arith.subi %min3A_511, %max3A_479 : vector<16xi32>
        %sub3A_545 = arith.subi %min3A_474, %max3A_442 : vector<16xi32>
        %mul3A_546 = arith.muli %sub3A_544, %sub3A_545 : vector<16xi32>
        %convert_element_type3A_547 = arith.sitofp %mul3A_546 : vector<16xi32> to vector<16xf32>
        %div3A_548 = arith.constant 1.000000e+00 : f32
        %div3A_549 = vector.broadcast %div3A_548 : f32 to vector<16xf32>
        %div3A_550 = arith.divf %div3A_549, %convert_element_type3A_547 : vector<16xf32>
        %swap3A_551 = arith.index_cast %mul3A_419 : i32 to index
        %swap3A_552 = tpu.vector_load %arg18[%swap3A_551] {strides = array<i32>} : memref<96xf32, #tpu.memory_space<vmem>>, vector<16xf32>,
        %swap3A_553 = vector.shape_cast %swap3A_552 : vector<16xf32> to vector<16xf32>
        %swap3A_554 = vector.shape_cast %div3A_550 : vector<16xf32> to vector<16xf32>
        tpu.vector_store %arg18[%swap3A_551], %swap3A_554 {strides = array<i32>} : memref<96xf32, #tpu.memory_space<vmem>>, vector<16xf32>,
        %dma_start3A_555 = arith.constant 0 : i32
        %dma_start3A_556 = arith.constant 0 : i32
        %dma_start3A_557 = tpu.memref_slice %arg2[%dma_start3A_555, %dma_start3A_556] : memref<1320x384xf32, #tpu.memory_space<hbm>> -> memref<1320x384xf32, #tpu.memory_space<hbm>>
        tpu.enqueue_indirect_dma source(%dma_start3A_557 : memref<1320x384xf32, #tpu.memory_space<hbm>>) target(%arg14 : memref<64x384xf32, #tpu.memory_space<vmem>>) offsets(%arg12 : memref<64xi32, #tpu.memory_space<vmem>>) semaphore(%arg19 : memref<!tpu.dma_semaphore, #tpu.memory_space<semaphore_mem>>)
      } else {
      }
      %mul3A_367 = arith.constant 2 : i32
      %mul3A_368 = arith.muli %mul3A_367, %scan3A_319 : i32
      %add3A_369 = arith.constant 1 : i32
      %add3A_370 = arith.addi %mul3A_368, %add3A_369 : i32
      %dma_wait3A_371 = arith.constant 0 : i32
      %dma_wait3A_372 = arith.constant 0 : i32
      %dma_wait3A_373 = tpu.memref_slice %arg2[%dma_wait3A_371, %dma_wait3A_372] : memref<1320x384xf32, #tpu.memory_space<hbm>> -> memref<1320x384xf32, #tpu.memory_space<hbm>>
      tpu.wait_indirect_dma semaphore(%arg20 : memref<!tpu.dma_semaphore, #tpu.memory_space<semaphore_mem>>) src(%dma_wait3A_373 : memref<1320x384xf32, #tpu.memory_space<hbm>>) dst(%arg15 : memref<64x384xf32, #tpu.memory_space<vmem>>)
      %gt3A_374 = arith.constant 0 : i32
      %gt3A_375 = arith.cmpi sgt, %scan3A_319, %gt3A_374 : i32
      %convert_element_type3A_376 = arith.extui %gt3A_375 : i1 to i32
      %cond3A_377 = arith.constant 0 : i32
      %cond3A_378 = arith.cmpi ne, %convert_element_type3A_376, %cond3A_377 : i32
      scf.if %cond3A_378 {
        %sub3A_416 = arith.constant 2 : i32
        %sub3A_417 = arith.subi %add3A_370, %sub3A_416 : i32
        %mul3A_418 = arith.constant 16 : i32
        %mul3A_419 = arith.muli %sub3A_417, %mul3A_418 : i32
        %add3A_420 = arith.addi %mul3A_2, %mul3A_419 : i32
        %add3A_421 = arith.constant 16 : i32
        %add3A_422 = arith.addi %add3A_420, %add3A_421 : i32
        %le3A_423 = arith.constant 3072 : i32
        %le3A_424 = arith.cmpi sle, %add3A_422, %le3A_423 : i32
        %lt3A_425 = arith.constant 3072 : i32
        %lt3A_426 = arith.cmpi slt, %add3A_420, %lt3A_425 : i32
        %add3A_427 = arith.constant 16 : i32
        %add3A_428 = arith.addi %add3A_420, %add3A_427 : i32
        %gt3A_429 = arith.constant 3072 : i32
        %gt3A_430 = arith.cmpi sgt, %add3A_428, %gt3A_429 : i32
        %and3A_431 = arith.andi %lt3A_426, %gt3A_430 : i1
        %convert_element_type3A_432 = arith.extui %le3A_424 : i1 to i32
        %cond3A_433 = arith.constant 0 : i32
        %cond3A_434 = arith.cmpi ne, %convert_element_type3A_432, %cond3A_433 : i32
        scf.if %cond3A_434 {
          %dma_wait3A_438 = arith.constant 0 : i32
          %dma_wait3A_439 = tpu.memref_slice %arg7[%mul3A_2, %dma_wait3A_438] : memref<3072x384xf32, #tpu.memory_space<hbm>> -> memref<16x384xf32, #tpu.memory_space<hbm>>
          %dma_wait3A_440 = arith.constant 0 : i32
          %dma_wait3A_441 = tpu.memref_slice %arg7[%mul3A_2, %dma_wait3A_440] : memref<3072x384xf32, #tpu.memory_space<hbm>> -> memref<16x384xf32, #tpu.memory_space<hbm>>
          tpu.wait_dma2 semaphore(%arg22 : memref<!tpu.dma_semaphore, #tpu.memory_space<semaphore_mem>>) src(%arg17 : memref<16x384xf32, #tpu.memory_space<vmem>>) dst(%dma_wait3A_441 : memref<16x384xf32, #tpu.memory_space<hbm>>)
        } else {
        }
        %convert_element_type3A_435 = arith.extui %and3A_431 : i1 to i32
        %cond3A_436 = arith.constant 0 : i32
        %cond3A_437 = arith.cmpi ne, %convert_element_type3A_435, %cond3A_436 : i32
        scf.if %cond3A_437 {
          %dma_wait3A_438 = arith.constant 0 : i32
          %dma_wait3A_439 = arith.constant 0 : i32
          %dma_wait3A_440 = tpu.memref_slice %arg17[%dma_wait3A_438, %dma_wait3A_439] : memref<16x384xf32, #tpu.memory_space<vmem>> -> memref<8x384xf32, #tpu.memory_space<vmem>>
          %dma_wait3A_441 = arith.constant 0 : i32
          %dma_wait3A_442 = tpu.memref_slice %arg7[%mul3A_2, %dma_wait3A_441] : memref<3072x384xf32, #tpu.memory_space<hbm>> -> memref<8x384xf32, #tpu.memory_space<hbm>>
          %dma_wait3A_443 = arith.constant 0 : i32
          %dma_wait3A_444 = tpu.memref_slice %arg7[%mul3A_2, %dma_wait3A_443] : memref<3072x384xf32, #tpu.memory_space<hbm>> -> memref<8x384xf32, #tpu.memory_space<hbm>>
          %dma_wait3A_445 = arith.constant 0 : i32
          %dma_wait3A_446 = arith.constant 0 : i32
          %dma_wait3A_447 = tpu.memref_slice %arg17[%dma_wait3A_445, %dma_wait3A_446] : memref<16x384xf32, #tpu.memory_space<vmem>> -> memref<8x384xf32, #tpu.memory_space<vmem>>
          tpu.wait_dma2 semaphore(%arg22 : memref<!tpu.dma_semaphore, #tpu.memory_space<semaphore_mem>>) src(%dma_wait3A_447 : memref<8x384xf32, #tpu.memory_space<vmem>>) dst(%dma_wait3A_444 : memref<8x384xf32, #tpu.memory_space<hbm>>)
        } else {
        }
      } else {
      }
      %mul3A_379 = arith.constant 16 : i32
      %mul3A_380 = arith.muli %add3A_370, %mul3A_379 : i32
      %get3A_381 = arith.index_cast %mul3A_380 : i32 to index
      %get3A_382 = tpu.vector_load %arg18[%get3A_381] {strides = array<i32>} : memref<96xf32, #tpu.memory_space<vmem>>, vector<16xf32>,
      %get3A_383 = vector.shape_cast %get3A_382 : vector<16xf32> to vector<16xf32>
      %scan3A_384 = arith.constant 0 : i32
      %scan3A_385 = arith.constant 16 : i32
      %scan3A_386 = arith.addi %scan3A_384, %scan3A_385 : i32
      %scan3A_387 = arith.constant 1 : i32
      scf.for %scan3A_416 = %scan3A_384 to %scan3A_386 step %scan3A_387  : i32 {
        %broadcast_in_dim3A_417 = vector.broadcast %scan3A_416 : i32 to vector<16xi32>
        %lt3A_418 = arith.constant 0 : i32
        %lt3A_419 = vector.broadcast %lt3A_418 : i32 to vector<16xi32>
        %lt3A_420 = arith.cmpi slt, %broadcast_in_dim3A_417, %lt3A_419 : vector<16xi32>
        %add3A_421 = arith.constant 16 : i32
        %add3A_422 = vector.broadcast %add3A_421 : i32 to vector<16xi32>
        %add3A_423 = arith.addi %broadcast_in_dim3A_417, %add3A_422 : vector<16xi32>
        %select_n3A_424 = arith.select %lt3A_420, %add3A_423, %broadcast_in_dim3A_417 : vector<16xi1>, vector<16xi32>
        %broadcast_in_dim3A_425 = vector.shape_cast %select_n3A_424 : vector<16xi32> to vector<16x1xi32>
        %gather3A = vector.shape_cast %broadcast_in_dim3A_425 : vector<16x1xi32> to vector<16xi32>
        %gather3A_426 = tpu.dynamic_gather %get3A_383[%gather3A] in [0] : vector<16xf32>, vector<16xi32> -> vector<16xf32>
        %add3A_427 = arith.constant 48 : i32
        %add3A_428 = arith.addi %add3A_427, %scan3A_416 : i32
        %get3A_429 = arith.index_cast %add3A_428 : i32 to index
        %get3A_430 = arith.constant 0 : index
        %get3A_431 = tpu.vector_load %arg15[%get3A_429, %get3A_430] {strides = array<i32>} : memref<64x384xf32, #tpu.memory_space<vmem>>, vector<1x16xf32>,
        %get3A_432 = vector.shape_cast %get3A_431 : vector<1x16xf32> to vector<16xf32>
        %add3A_433 = arith.constant 16 : i32
        %add3A_434 = arith.addi %add3A_433, %scan3A_416 : i32
        %get3A_435 = arith.index_cast %add3A_434 : i32 to index
        %get3A_436 = arith.constant 0 : index
        %get3A_437 = tpu.vector_load %arg15[%get3A_435, %get3A_436] {strides = array<i32>} : memref<64x384xf32, #tpu.memory_space<vmem>>, vector<1x16xf32>,
        %get3A_438 = vector.shape_cast %get3A_437 : vector<1x16xf32> to vector<16xf32>
        %sub3A_439 = arith.subf %get3A_432, %get3A_438 : vector<16xf32>
        %add3A_440 = arith.constant 32 : i32
        %add3A_441 = arith.addi %add3A_440, %scan3A_416 : i32
        %get3A_442 = arith.index_cast %add3A_441 : i32 to index
        %get3A_443 = arith.constant 0 : index
        %get3A_444 = tpu.vector_load %arg15[%get3A_442, %get3A_443] {strides = array<i32>} : memref<64x384xf32, #tpu.memory_space<vmem>>, vector<1x16xf32>,
        %get3A_445 = vector.shape_cast %get3A_444 : vector<1x16xf32> to vector<16xf32>
        %sub3A_446 = arith.subf %sub3A_439, %get3A_445 : vector<16xf32>
        %get3A_447 = arith.index_cast %scan3A_416 : i32 to index
        %get3A_448 = arith.constant 0 : index
        %get3A_449 = tpu.vector_load %arg15[%get3A_447, %get3A_448] {strides = array<i32>} : memref<64x384xf32, #tpu.memory_space<vmem>>, vector<1x16xf32>,
        %get3A_450 = vector.shape_cast %get3A_449 : vector<1x16xf32> to vector<16xf32>
        %add3A_451 = arith.addf %sub3A_446, %get3A_450 : vector<16xf32>
        %mul3A_452 = arith.mulf %add3A_451, %gather3A_426 : vector<16xf32>
        %swap3A_453 = arith.index_cast %scan3A_416 : i32 to index
        %swap3A_454 = arith.constant 0 : index
        %swap3A_455 = tpu.vector_load %arg17[%swap3A_453, %swap3A_454] {strides = array<i32>} : memref<16x384xf32, #tpu.memory_space<vmem>>, vector<1x16xf32>,
        %swap3A_456 = vector.shape_cast %swap3A_455 : vector<1x16xf32> to vector<16xf32>
        %swap3A_457 = vector.shape_cast %mul3A_452 : vector<16xf32> to vector<1x16xf32>
        tpu.vector_store %arg17[%swap3A_453, %swap3A_454], %swap3A_457 {strides = array<i32>} : memref<16x384xf32, #tpu.memory_space<vmem>>, vector<1x16xf32>,
        %add3A_458 = arith.constant 48 : i32
        %add3A_459 = arith.addi %add3A_458, %scan3A_416 : i32
        %get3A_460 = arith.index_cast %add3A_459 : i32 to index
        %get3A_461 = arith.constant 16 : index
        %get3A_462 = tpu.vector_load %arg15[%get3A_460, %get3A_461] {strides = array<i32>} : memref<64x384xf32, #tpu.memory_space<vmem>>, vector<1x16xf32>,
        %get3A_463 = vector.shape_cast %get3A_462 : vector<1x16xf32> to vector<16xf32>
        %add3A_464 = arith.constant 16 : i32
        %add3A_465 = arith.addi %add3A_464, %scan3A_416 : i32
        %get3A_466 = arith.index_cast %add3A_465 : i32 to index
        %get3A_467 = arith.constant 16 : index
        %get3A_468 = tpu.vector_load %arg15[%get3A_466, %get3A_467] {strides = array<i32>} : memref<64x384xf32, #tpu.memory_space<vmem>>, vector<1x16xf32>,
        %get3A_469 = vector.shape_cast %get3A_468 : vector<1x16xf32> to vector<16xf32>
        %sub3A_470 = arith.subf %get3A_463, %get3A_469 : vector<16xf32>
        %add3A_471 = arith.constant 32 : i32
        %add3A_472 = arith.addi %add3A_471, %scan3A_416 : i32
        %get3A_473 = arith.index_cast %add3A_472 : i32 to index
        %get3A_474 = arith.constant 16 : index
        %get3A_475 = tpu.vector_load %arg15[%get3A_473, %get3A_474] {strides = array<i32>} : memref<64x384xf32, #tpu.memory_space<vmem>>, vector<1x16xf32>,
        %get3A_476 = vector.shape_cast %get3A_475 : vector<1x16xf32> to vector<16xf32>
        %sub3A_477 = arith.subf %sub3A_470, %get3A_476 : vector<16xf32>
        %get3A_478 = arith.index_cast %scan3A_416 : i32 to index
        %get3A_479 = arith.constant 16 : index
        %get3A_480 = tpu.vector_load %arg15[%get3A_478, %get3A_479] {strides = array<i32>} : memref<64x384xf32, #tpu.memory_space<vmem>>, vector<1x16xf32>,
        %get3A_481 = vector.shape_cast %get3A_480 : vector<1x16xf32> to vector<16xf32>
        %add3A_482 = arith.addf %sub3A_477, %get3A_481 : vector<16xf32>
        %mul3A_483 = arith.mulf %add3A_482, %gather3A_426 : vector<16xf32>
        %swap3A_484 = arith.index_cast %scan3A_416 : i32 to index
        %swap3A_485 = arith.constant 16 : index
        %swap3A_486 = tpu.vector_load %arg17[%swap3A_484, %swap3A_485] {strides = array<i32>} : memref<16x384xf32, #tpu.memory_space<vmem>>, vector<1x16xf32>,
        %swap3A_487 = vector.shape_cast %swap3A_486 : vector<1x16xf32> to vector<16xf32>
        %swap3A_488 = vector.shape_cast %mul3A_483 : vector<16xf32> to vector<1x16xf32>
        tpu.vector_store %arg17[%swap3A_484, %swap3A_485], %swap3A_488 {strides = array<i32>} : memref<16x384xf32, #tpu.memory_space<vmem>>, vector<1x16xf32>,
        %add3A_489 = arith.constant 48 : i32
        %add3A_490 = arith.addi %add3A_489, %scan3A_416 : i32
        %get3A_491 = arith.index_cast %add3A_490 : i32 to index
        %get3A_492 = arith.constant 32 : index
        %get3A_493 = tpu.vector_load %arg15[%get3A_491, %get3A_492] {strides = array<i32>} : memref<64x384xf32, #tpu.memory_space<vmem>>, vector<1x16xf32>,
        %get3A_494 = vector.shape_cast %get3A_493 : vector<1x16xf32> to vector<16xf32>
        %add3A_495 = arith.constant 16 : i32
        %add3A_496 = arith.addi %add3A_495, %scan3A_416 : i32
        %get3A_497 = arith.index_cast %add3A_496 : i32 to index
        %get3A_498 = arith.constant 32 : index
        %get3A_499 = tpu.vector_load %arg15[%get3A_497, %get3A_498] {strides = array<i32>} : memref<64x384xf32, #tpu.memory_space<vmem>>, vector<1x16xf32>,
        %get3A_500 = vector.shape_cast %get3A_499 : vector<1x16xf32> to vector<16xf32>
        %sub3A_501 = arith.subf %get3A_494, %get3A_500 : vector<16xf32>
        %add3A_502 = arith.constant 32 : i32
        %add3A_503 = arith.addi %add3A_502, %scan3A_416 : i32
        %get3A_504 = arith.index_cast %add3A_503 : i32 to index
        %get3A_505 = arith.constant 32 : index
        %get3A_506 = tpu.vector_load %arg15[%get3A_504, %get3A_505] {strides = array<i32>} : memref<64x384xf32, #tpu.memory_space<vmem>>, vector<1x16xf32>,
        %get3A_507 = vector.shape_cast %get3A_506 : vector<1x16xf32> to vector<16xf32>
        %sub3A_508 = arith.subf %sub3A_501, %get3A_507 : vector<16xf32>
        %get3A_509 = arith.index_cast %scan3A_416 : i32 to index
        %get3A_510 = arith.constant 32 : index
        %get3A_511 = tpu.vector_load %arg15[%get3A_509, %get3A_510] {strides = array<i32>} : memref<64x384xf32, #tpu.memory_space<vmem>>, vector<1x16xf32>,
        %get3A_512 = vector.shape_cast %get3A_511 : vector<1x16xf32> to vector<16xf32>
        %add3A_513 = arith.addf %sub3A_508, %get3A_512 : vector<16xf32>
        %mul3A_514 = arith.mulf %add3A_513, %gather3A_426 : vector<16xf32>
        %swap3A_515 = arith.index_cast %scan3A_416 : i32 to index
        %swap3A_516 = arith.constant 32 : index
        %swap3A_517 = tpu.vector_load %arg17[%swap3A_515, %swap3A_516] {strides = array<i32>} : memref<16x384xf32, #tpu.memory_space<vmem>>, vector<1x16xf32>,
        %swap3A_518 = vector.shape_cast %swap3A_517 : vector<1x16xf32> to vector<16xf32>
        %swap3A_519 = vector.shape_cast %mul3A_514 : vector<16xf32> to vector<1x16xf32>
        tpu.vector_store %arg17[%swap3A_515, %swap3A_516], %swap3A_519 {strides = array<i32>} : memref<16x384xf32, #tpu.memory_space<vmem>>, vector<1x16xf32>,
        %add3A_520 = arith.constant 48 : i32
        %add3A_521 = arith.addi %add3A_520, %scan3A_416 : i32
        %get3A_522 = arith.index_cast %add3A_521 : i32 to index
        %get3A_523 = arith.constant 48 : index
        %get3A_524 = tpu.vector_load %arg15[%get3A_522, %get3A_523] {strides = array<i32>} : memref<64x384xf32, #tpu.memory_space<vmem>>, vector<1x16xf32>,
        %get3A_525 = vector.shape_cast %get3A_524 : vector<1x16xf32> to vector<16xf32>
        %add3A_526 = arith.constant 16 : i32
        %add3A_527 = arith.addi %add3A_526, %scan3A_416 : i32
        %get3A_528 = arith.index_cast %add3A_527 : i32 to index
        %get3A_529 = arith.constant 48 : index
        %get3A_530 = tpu.vector_load %arg15[%get3A_528, %get3A_529] {strides = array<i32>} : memref<64x384xf32, #tpu.memory_space<vmem>>, vector<1x16xf32>,
        %get3A_531 = vector.shape_cast %get3A_530 : vector<1x16xf32> to vector<16xf32>
        %sub3A_532 = arith.subf %get3A_525, %get3A_531 : vector<16xf32>
        %add3A_533 = arith.constant 32 : i32
        %add3A_534 = arith.addi %add3A_533, %scan3A_416 : i32
        %get3A_535 = arith.index_cast %add3A_534 : i32 to index
        %get3A_536 = arith.constant 48 : index
        %get3A_537 = tpu.vector_load %arg15[%get3A_535, %get3A_536] {strides = array<i32>} : memref<64x384xf32, #tpu.memory_space<vmem>>, vector<1x16xf32>,
        %get3A_538 = vector.shape_cast %get3A_537 : vector<1x16xf32> to vector<16xf32>
        %sub3A_539 = arith.subf %sub3A_532, %get3A_538 : vector<16xf32>
        %get3A_540 = arith.index_cast %scan3A_416 : i32 to index
        %get3A_541 = arith.constant 48 : index
        %get3A_542 = tpu.vector_load %arg15[%get3A_540, %get3A_541] {strides = array<i32>} : memref<64x384xf32, #tpu.memory_space<vmem>>, vector<1x16xf32>,
        %get3A_543 = vector.shape_cast %get3A_542 : vector<1x16xf32> to vector<16xf32>
        %add3A_544 = arith.addf %sub3A_539, %get3A_543 : vector<16xf32>
        %mul3A_545 = arith.mulf %add3A_544, %gather3A_426 : vector<16xf32>
        %swap3A_546 = arith.index_cast %scan3A_416 : i32 to index
        %swap3A_547 = arith.constant 48 : index
        %swap3A_548 = tpu.vector_load %arg17[%swap3A_546, %swap3A_547] {strides = array<i32>} : memref<16x384xf32, #tpu.memory_space<vmem>>, vector<1x16xf32>,
        %swap3A_549 = vector.shape_cast %swap3A_548 : vector<1x16xf32> to vector<16xf32>
        %swap3A_550 = vector.shape_cast %mul3A_545 : vector<16xf32> to vector<1x16xf32>
        tpu.vector_store %arg17[%swap3A_546, %swap3A_547], %swap3A_550 {strides = array<i32>} : memref<16x384xf32, #tpu.memory_space<vmem>>, vector<1x16xf32>,
        %add3A_551 = arith.constant 48 : i32
        %add3A_552 = arith.addi %add3A_551, %scan3A_416 : i32
        %get3A_553 = arith.index_cast %add3A_552 : i32 to index
        %get3A_554 = arith.constant 64 : index
        %get3A_555 = tpu.vector_load %arg15[%get3A_553, %get3A_554] {strides = array<i32>} : memref<64x384xf32, #tpu.memory_space<vmem>>, vector<1x16xf32>,
        %get3A_556 = vector.shape_cast %get3A_555 : vector<1x16xf32> to vector<16xf32>
        %add3A_557 = arith.constant 16 : i32
        %add3A_558 = arith.addi %add3A_557, %scan3A_416 : i32
        %get3A_559 = arith.index_cast %add3A_558 : i32 to index
        %get3A_560 = arith.constant 64 : index
        %get3A_561 = tpu.vector_load %arg15[%get3A_559, %get3A_560] {strides = array<i32>} : memref<64x384xf32, #tpu.memory_space<vmem>>, vector<1x16xf32>,
        %get3A_562 = vector.shape_cast %get3A_561 : vector<1x16xf32> to vector<16xf32>
        %sub3A_563 = arith.subf %get3A_556, %get3A_562 : vector<16xf32>
        %add3A_564 = arith.constant 32 : i32
        %add3A_565 = arith.addi %add3A_564, %scan3A_416 : i32
        %get3A_566 = arith.index_cast %add3A_565 : i32 to index
        %get3A_567 = arith.constant 64 : index
        %get3A_568 = tpu.vector_load %arg15[%get3A_566, %get3A_567] {strides = array<i32>} : memref<64x384xf32, #tpu.memory_space<vmem>>, vector<1x16xf32>,
        %get3A_569 = vector.shape_cast %get3A_568 : vector<1x16xf32> to vector<16xf32>
        %sub3A_570 = arith.subf %sub3A_563, %get3A_569 : vector<16xf32>
        %get3A_571 = arith.index_cast %scan3A_416 : i32 to index
        %get3A_572 = arith.constant 64 : index
        %get3A_573 = tpu.vector_load %arg15[%get3A_571, %get3A_572] {strides = array<i32>} : memref<64x384xf32, #tpu.memory_space<vmem>>, vector<1x16xf32>,
        %get3A_574 = vector.shape_cast %get3A_573 : vector<1x16xf32> to vector<16xf32>
        %add3A_575 = arith.addf %sub3A_570, %get3A_574 : vector<16xf32>
        %mul3A_576 = arith.mulf %add3A_575, %gather3A_426 : vector<16xf32>
        %swap3A_577 = arith.index_cast %scan3A_416 : i32 to index
        %swap3A_578 = arith.constant 64 : index
        %swap3A_579 = tpu.vector_load %arg17[%swap3A_577, %swap3A_578] {strides = array<i32>} : memref<16x384xf32, #tpu.memory_space<vmem>>, vector<1x16xf32>,
        %swap3A_580 = vector.shape_cast %swap3A_579 : vector<1x16xf32> to vector<16xf32>
        %swap3A_581 = vector.shape_cast %mul3A_576 : vector<16xf32> to vector<1x16xf32>
        tpu.vector_store %arg17[%swap3A_577, %swap3A_578], %swap3A_581 {strides = array<i32>} : memref<16x384xf32, #tpu.memory_space<vmem>>, vector<1x16xf32>,
        %add3A_582 = arith.constant 48 : i32
        %add3A_583 = arith.addi %add3A_582, %scan3A_416 : i32
        %get3A_584 = arith.index_cast %add3A_583 : i32 to index
        %get3A_585 = arith.constant 80 : index
        %get3A_586 = tpu.vector_load %arg15[%get3A_584, %get3A_585] {strides = array<i32>} : memref<64x384xf32, #tpu.memory_space<vmem>>, vector<1x16xf32>,
        %get3A_587 = vector.shape_cast %get3A_586 : vector<1x16xf32> to vector<16xf32>
        %add3A_588 = arith.constant 16 : i32
        %add3A_589 = arith.addi %add3A_588, %scan3A_416 : i32
        %get3A_590 = arith.index_cast %add3A_589 : i32 to index
        %get3A_591 = arith.constant 80 : index
        %get3A_592 = tpu.vector_load %arg15[%get3A_590, %get3A_591] {strides = array<i32>} : memref<64x384xf32, #tpu.memory_space<vmem>>, vector<1x16xf32>,
        %get3A_593 = vector.shape_cast %get3A_592 : vector<1x16xf32> to vector<16xf32>
        %sub3A_594 = arith.subf %get3A_587, %get3A_593 : vector<16xf32>
        %add3A_595 = arith.constant 32 : i32
        %add3A_596 = arith.addi %add3A_595, %scan3A_416 : i32
        %get3A_597 = arith.index_cast %add3A_596 : i32 to index
        %get3A_598 = arith.constant 80 : index
        %get3A_599 = tpu.vector_load %arg15[%get3A_597, %get3A_598] {strides = array<i32>} : memref<64x384xf32, #tpu.memory_space<vmem>>, vector<1x16xf32>,
        %get3A_600 = vector.shape_cast %get3A_599 : vector<1x16xf32> to vector<16xf32>
        %sub3A_601 = arith.subf %sub3A_594, %get3A_600 : vector<16xf32>
        %get3A_602 = arith.index_cast %scan3A_416 : i32 to index
        %get3A_603 = arith.constant 80 : index
        %get3A_604 = tpu.vector_load %arg15[%get3A_602, %get3A_603] {strides = array<i32>} : memref<64x384xf32, #tpu.memory_space<vmem>>, vector<1x16xf32>,
        %get3A_605 = vector.shape_cast %get3A_604 : vector<1x16xf32> to vector<16xf32>
        %add3A_606 = arith.addf %sub3A_601, %get3A_605 : vector<16xf32>
        %mul3A_607 = arith.mulf %add3A_606, %gather3A_426 : vector<16xf32>
        %swap3A_608 = arith.index_cast %scan3A_416 : i32 to index
        %swap3A_609 = arith.constant 80 : index
        %swap3A_610 = tpu.vector_load %arg17[%swap3A_608, %swap3A_609] {strides = array<i32>} : memref<16x384xf32, #tpu.memory_space<vmem>>, vector<1x16xf32>,
        %swap3A_611 = vector.shape_cast %swap3A_610 : vector<1x16xf32> to vector<16xf32>
        %swap3A_612 = vector.shape_cast %mul3A_607 : vector<16xf32> to vector<1x16xf32>
        tpu.vector_store %arg17[%swap3A_608, %swap3A_609], %swap3A_612 {strides = array<i32>} : memref<16x384xf32, #tpu.memory_space<vmem>>, vector<1x16xf32>,
        %add3A_613 = arith.constant 48 : i32
        %add3A_614 = arith.addi %add3A_613, %scan3A_416 : i32
        %get3A_615 = arith.index_cast %add3A_614 : i32 to index
        %get3A_616 = arith.constant 96 : index
        %get3A_617 = tpu.vector_load %arg15[%get3A_615, %get3A_616] {strides = array<i32>} : memref<64x384xf32, #tpu.memory_space<vmem>>, vector<1x16xf32>,
        %get3A_618 = vector.shape_cast %get3A_617 : vector<1x16xf32> to vector<16xf32>
        %add3A_619 = arith.constant 16 : i32
        %add3A_620 = arith.addi %add3A_619, %scan3A_416 : i32
        %get3A_621 = arith.index_cast %add3A_620 : i32 to index
        %get3A_622 = arith.constant 96 : index
        %get3A_623 = tpu.vector_load %arg15[%get3A_621, %get3A_622] {strides = array<i32>} : memref<64x384xf32, #tpu.memory_space<vmem>>, vector<1x16xf32>,
        %get3A_624 = vector.shape_cast %get3A_623 : vector<1x16xf32> to vector<16xf32>
        %sub3A_625 = arith.subf %get3A_618, %get3A_624 : vector<16xf32>
        %add3A_626 = arith.constant 32 : i32
        %add3A_627 = arith.addi %add3A_626, %scan3A_416 : i32
        %get3A_628 = arith.index_cast %add3A_627 : i32 to index
        %get3A_629 = arith.constant 96 : index
        %get3A_630 = tpu.vector_load %arg15[%get3A_628, %get3A_629] {strides = array<i32>} : memref<64x384xf32, #tpu.memory_space<vmem>>, vector<1x16xf32>,
        %get3A_631 = vector.shape_cast %get3A_630 : vector<1x16xf32> to vector<16xf32>
        %sub3A_632 = arith.subf %sub3A_625, %get3A_631 : vector<16xf32>
        %get3A_633 = arith.index_cast %scan3A_416 : i32 to index
        %get3A_634 = arith.constant 96 : index
        %get3A_635 = tpu.vector_load %arg15[%get3A_633, %get3A_634] {strides = array<i32>} : memref<64x384xf32, #tpu.memory_space<vmem>>, vector<1x16xf32>,
        %get3A_636 = vector.shape_cast %get3A_635 : vector<1x16xf32> to vector<16xf32>
        %add3A_637 = arith.addf %sub3A_632, %get3A_636 : vector<16xf32>
        %mul3A_638 = arith.mulf %add3A_637, %gather3A_426 : vector<16xf32>
        %swap3A_639 = arith.index_cast %scan3A_416 : i32 to index
        %swap3A_640 = arith.constant 96 : index
        %swap3A_641 = tpu.vector_load %arg17[%swap3A_639, %swap3A_640] {strides = array<i32>} : memref<16x384xf32, #tpu.memory_space<vmem>>, vector<1x16xf32>,
        %swap3A_642 = vector.shape_cast %swap3A_641 : vector<1x16xf32> to vector<16xf32>
        %swap3A_643 = vector.shape_cast %mul3A_638 : vector<16xf32> to vector<1x16xf32>
        tpu.vector_store %arg17[%swap3A_639, %swap3A_640], %swap3A_643 {strides = array<i32>} : memref<16x384xf32, #tpu.memory_space<vmem>>, vector<1x16xf32>,
        %add3A_644 = arith.constant 48 : i32
        %add3A_645 = arith.addi %add3A_644, %scan3A_416 : i32
        %get3A_646 = arith.index_cast %add3A_645 : i32 to index
        %get3A_647 = arith.constant 112 : index
        %get3A_648 = tpu.vector_load %arg15[%get3A_646, %get3A_647] {strides = array<i32>} : memref<64x384xf32, #tpu.memory_space<vmem>>, vector<1x16xf32>,
        %get3A_649 = vector.shape_cast %get3A_648 : vector<1x16xf32> to vector<16xf32>
        %add3A_650 = arith.constant 16 : i32
        %add3A_651 = arith.addi %add3A_650, %scan3A_416 : i32
        %get3A_652 = arith.index_cast %add3A_651 : i32 to index
        %get3A_653 = arith.constant 112 : index
        %get3A_654 = tpu.vector_load %arg15[%get3A_652, %get3A_653] {strides = array<i32>} : memref<64x384xf32, #tpu.memory_space<vmem>>, vector<1x16xf32>,
        %get3A_655 = vector.shape_cast %get3A_654 : vector<1x16xf32> to vector<16xf32>
        %sub3A_656 = arith.subf %get3A_649, %get3A_655 : vector<16xf32>
        %add3A_657 = arith.constant 32 : i32
        %add3A_658 = arith.addi %add3A_657, %scan3A_416 : i32
        %get3A_659 = arith.index_cast %add3A_658 : i32 to index
        %get3A_660 = arith.constant 112 : index
        %get3A_661 = tpu.vector_load %arg15[%get3A_659, %get3A_660] {strides = array<i32>} : memref<64x384xf32, #tpu.memory_space<vmem>>, vector<1x16xf32>,
        %get3A_662 = vector.shape_cast %get3A_661 : vector<1x16xf32> to vector<16xf32>
        %sub3A_663 = arith.subf %sub3A_656, %get3A_662 : vector<16xf32>
        %get3A_664 = arith.index_cast %scan3A_416 : i32 to index
        %get3A_665 = arith.constant 112 : index
        %get3A_666 = tpu.vector_load %arg15[%get3A_664, %get3A_665] {strides = array<i32>} : memref<64x384xf32, #tpu.memory_space<vmem>>, vector<1x16xf32>,
        %get3A_667 = vector.shape_cast %get3A_666 : vector<1x16xf32> to vector<16xf32>
        %add3A_668 = arith.addf %sub3A_663, %get3A_667 : vector<16xf32>
        %mul3A_669 = arith.mulf %add3A_668, %gather3A_426 : vector<16xf32>
        %swap3A_670 = arith.index_cast %scan3A_416 : i32 to index
        %swap3A_671 = arith.constant 112 : index
        %swap3A_672 = tpu.vector_load %arg17[%swap3A_670, %swap3A_671] {strides = array<i32>} : memref<16x384xf32, #tpu.memory_space<vmem>>, vector<1x16xf32>,
        %swap3A_673 = vector.shape_cast %swap3A_672 : vector<1x16xf32> to vector<16xf32>
        %swap3A_674 = vector.shape_cast %mul3A_669 : vector<16xf32> to vector<1x16xf32>
        tpu.vector_store %arg17[%swap3A_670, %swap3A_671], %swap3A_674 {strides = array<i32>} : memref<16x384xf32, #tpu.memory_space<vmem>>, vector<1x16xf32>,
        %add3A_675 = arith.constant 48 : i32
        %add3A_676 = arith.addi %add3A_675, %scan3A_416 : i32
        %get3A_677 = arith.index_cast %add3A_676 : i32 to index
        %get3A_678 = arith.constant 128 : index
        %get3A_679 = tpu.vector_load %arg15[%get3A_677, %get3A_678] {strides = array<i32>} : memref<64x384xf32, #tpu.memory_space<vmem>>, vector<1x16xf32>,
        %get3A_680 = vector.shape_cast %get3A_679 : vector<1x16xf32> to vector<16xf32>
        %add3A_681 = arith.constant 16 : i32
        %add3A_682 = arith.addi %add3A_681, %scan3A_416 : i32
        %get3A_683 = arith.index_cast %add3A_682 : i32 to index
        %get3A_684 = arith.constant 128 : index
        %get3A_685 = tpu.vector_load %arg15[%get3A_683, %get3A_684] {strides = array<i32>} : memref<64x384xf32, #tpu.memory_space<vmem>>, vector<1x16xf32>,
        %get3A_686 = vector.shape_cast %get3A_685 : vector<1x16xf32> to vector<16xf32>
        %sub3A_687 = arith.subf %get3A_680, %get3A_686 : vector<16xf32>
        %add3A_688 = arith.constant 32 : i32
        %add3A_689 = arith.addi %add3A_688, %scan3A_416 : i32
        %get3A_690 = arith.index_cast %add3A_689 : i32 to index
        %get3A_691 = arith.constant 128 : index
        %get3A_692 = tpu.vector_load %arg15[%get3A_690, %get3A_691] {strides = array<i32>} : memref<64x384xf32, #tpu.memory_space<vmem>>, vector<1x16xf32>,
        %get3A_693 = vector.shape_cast %get3A_692 : vector<1x16xf32> to vector<16xf32>
        %sub3A_694 = arith.subf %sub3A_687, %get3A_693 : vector<16xf32>
        %get3A_695 = arith.index_cast %scan3A_416 : i32 to index
        %get3A_696 = arith.constant 128 : index
        %get3A_697 = tpu.vector_load %arg15[%get3A_695, %get3A_696] {strides = array<i32>} : memref<64x384xf32, #tpu.memory_space<vmem>>, vector<1x16xf32>,
        %get3A_698 = vector.shape_cast %get3A_697 : vector<1x16xf32> to vector<16xf32>
        %add3A_699 = arith.addf %sub3A_694, %get3A_698 : vector<16xf32>
        %mul3A_700 = arith.mulf %add3A_699, %gather3A_426 : vector<16xf32>
        %swap3A_701 = arith.index_cast %scan3A_416 : i32 to index
        %swap3A_702 = arith.constant 128 : index
        %swap3A_703 = tpu.vector_load %arg17[%swap3A_701, %swap3A_702] {strides = array<i32>} : memref<16x384xf32, #tpu.memory_space<vmem>>, vector<1x16xf32>,
        %swap3A_704 = vector.shape_cast %swap3A_703 : vector<1x16xf32> to vector<16xf32>
        %swap3A_705 = vector.shape_cast %mul3A_700 : vector<16xf32> to vector<1x16xf32>
        tpu.vector_store %arg17[%swap3A_701, %swap3A_702], %swap3A_705 {strides = array<i32>} : memref<16x384xf32, #tpu.memory_space<vmem>>, vector<1x16xf32>,
        %add3A_706 = arith.constant 48 : i32
        %add3A_707 = arith.addi %add3A_706, %scan3A_416 : i32
        %get3A_708 = arith.index_cast %add3A_707 : i32 to index
        %get3A_709 = arith.constant 144 : index
        %get3A_710 = tpu.vector_load %arg15[%get3A_708, %get3A_709] {strides = array<i32>} : memref<64x384xf32, #tpu.memory_space<vmem>>, vector<1x16xf32>,
        %get3A_711 = vector.shape_cast %get3A_710 : vector<1x16xf32> to vector<16xf32>
        %add3A_712 = arith.constant 16 : i32
        %add3A_713 = arith.addi %add3A_712, %scan3A_416 : i32
        %get3A_714 = arith.index_cast %add3A_713 : i32 to index
        %get3A_715 = arith.constant 144 : index
        %get3A_716 = tpu.vector_load %arg15[%get3A_714, %get3A_715] {strides = array<i32>} : memref<64x384xf32, #tpu.memory_space<vmem>>, vector<1x16xf32>,
        %get3A_717 = vector.shape_cast %get3A_716 : vector<1x16xf32> to vector<16xf32>
        %sub3A_718 = arith.subf %get3A_711, %get3A_717 : vector<16xf32>
        %add3A_719 = arith.constant 32 : i32
        %add3A_720 = arith.addi %add3A_719, %scan3A_416 : i32
        %get3A_721 = arith.index_cast %add3A_720 : i32 to index
        %get3A_722 = arith.constant 144 : index
        %get3A_723 = tpu.vector_load %arg15[%get3A_721, %get3A_722] {strides = array<i32>} : memref<64x384xf32, #tpu.memory_space<vmem>>, vector<1x16xf32>,
        %get3A_724 = vector.shape_cast %get3A_723 : vector<1x16xf32> to vector<16xf32>
        %sub3A_725 = arith.subf %sub3A_718, %get3A_724 : vector<16xf32>
        %get3A_726 = arith.index_cast %scan3A_416 : i32 to index
        %get3A_727 = arith.constant 144 : index
        %get3A_728 = tpu.vector_load %arg15[%get3A_726, %get3A_727] {strides = array<i32>} : memref<64x384xf32, #tpu.memory_space<vmem>>, vector<1x16xf32>,
        %get3A_729 = vector.shape_cast %get3A_728 : vector<1x16xf32> to vector<16xf32>
        %add3A_730 = arith.addf %sub3A_725, %get3A_729 : vector<16xf32>
        %mul3A_731 = arith.mulf %add3A_730, %gather3A_426 : vector<16xf32>
        %swap3A_732 = arith.index_cast %scan3A_416 : i32 to index
        %swap3A_733 = arith.constant 144 : index
        %swap3A_734 = tpu.vector_load %arg17[%swap3A_732, %swap3A_733] {strides = array<i32>} : memref<16x384xf32, #tpu.memory_space<vmem>>, vector<1x16xf32>,
        %swap3A_735 = vector.shape_cast %swap3A_734 : vector<1x16xf32> to vector<16xf32>
        %swap3A_736 = vector.shape_cast %mul3A_731 : vector<16xf32> to vector<1x16xf32>
        tpu.vector_store %arg17[%swap3A_732, %swap3A_733], %swap3A_736 {strides = array<i32>} : memref<16x384xf32, #tpu.memory_space<vmem>>, vector<1x16xf32>,
        %add3A_737 = arith.constant 48 : i32
        %add3A_738 = arith.addi %add3A_737, %scan3A_416 : i32
        %get3A_739 = arith.index_cast %add3A_738 : i32 to index
        %get3A_740 = arith.constant 160 : index
        %get3A_741 = tpu.vector_load %arg15[%get3A_739, %get3A_740] {strides = array<i32>} : memref<64x384xf32, #tpu.memory_space<vmem>>, vector<1x16xf32>,
        %get3A_742 = vector.shape_cast %get3A_741 : vector<1x16xf32> to vector<16xf32>
        %add3A_743 = arith.constant 16 : i32
        %add3A_744 = arith.addi %add3A_743, %scan3A_416 : i32
        %get3A_745 = arith.index_cast %add3A_744 : i32 to index
        %get3A_746 = arith.constant 160 : index
        %get3A_747 = tpu.vector_load %arg15[%get3A_745, %get3A_746] {strides = array<i32>} : memref<64x384xf32, #tpu.memory_space<vmem>>, vector<1x16xf32>,
        %get3A_748 = vector.shape_cast %get3A_747 : vector<1x16xf32> to vector<16xf32>
        %sub3A_749 = arith.subf %get3A_742, %get3A_748 : vector<16xf32>
        %add3A_750 = arith.constant 32 : i32
        %add3A_751 = arith.addi %add3A_750, %scan3A_416 : i32
        %get3A_752 = arith.index_cast %add3A_751 : i32 to index
        %get3A_753 = arith.constant 160 : index
        %get3A_754 = tpu.vector_load %arg15[%get3A_752, %get3A_753] {strides = array<i32>} : memref<64x384xf32, #tpu.memory_space<vmem>>, vector<1x16xf32>,
        %get3A_755 = vector.shape_cast %get3A_754 : vector<1x16xf32> to vector<16xf32>
        %sub3A_756 = arith.subf %sub3A_749, %get3A_755 : vector<16xf32>
        %get3A_757 = arith.index_cast %scan3A_416 : i32 to index
        %get3A_758 = arith.constant 160 : index
        %get3A_759 = tpu.vector_load %arg15[%get3A_757, %get3A_758] {strides = array<i32>} : memref<64x384xf32, #tpu.memory_space<vmem>>, vector<1x16xf32>,
        %get3A_760 = vector.shape_cast %get3A_759 : vector<1x16xf32> to vector<16xf32>
        %add3A_761 = arith.addf %sub3A_756, %get3A_760 : vector<16xf32>
        %mul3A_762 = arith.mulf %add3A_761, %gather3A_426 : vector<16xf32>
        %swap3A_763 = arith.index_cast %scan3A_416 : i32 to index
        %swap3A_764 = arith.constant 160 : index
        %swap3A_765 = tpu.vector_load %arg17[%swap3A_763, %swap3A_764] {strides = array<i32>} : memref<16x384xf32, #tpu.memory_space<vmem>>, vector<1x16xf32>,
        %swap3A_766 = vector.shape_cast %swap3A_765 : vector<1x16xf32> to vector<16xf32>
        %swap3A_767 = vector.shape_cast %mul3A_762 : vector<16xf32> to vector<1x16xf32>
        tpu.vector_store %arg17[%swap3A_763, %swap3A_764], %swap3A_767 {strides = array<i32>} : memref<16x384xf32, #tpu.memory_space<vmem>>, vector<1x16xf32>,
        %add3A_768 = arith.constant 48 : i32
        %add3A_769 = arith.addi %add3A_768, %scan3A_416 : i32
        %get3A_770 = arith.index_cast %add3A_769 : i32 to index
        %get3A_771 = arith.constant 176 : index
        %get3A_772 = tpu.vector_load %arg15[%get3A_770, %get3A_771] {strides = array<i32>} : memref<64x384xf32, #tpu.memory_space<vmem>>, vector<1x16xf32>,
        %get3A_773 = vector.shape_cast %get3A_772 : vector<1x16xf32> to vector<16xf32>
        %add3A_774 = arith.constant 16 : i32
        %add3A_775 = arith.addi %add3A_774, %scan3A_416 : i32
        %get3A_776 = arith.index_cast %add3A_775 : i32 to index
        %get3A_777 = arith.constant 176 : index
        %get3A_778 = tpu.vector_load %arg15[%get3A_776, %get3A_777] {strides = array<i32>} : memref<64x384xf32, #tpu.memory_space<vmem>>, vector<1x16xf32>,
        %get3A_779 = vector.shape_cast %get3A_778 : vector<1x16xf32> to vector<16xf32>
        %sub3A_780 = arith.subf %get3A_773, %get3A_779 : vector<16xf32>
        %add3A_781 = arith.constant 32 : i32
        %add3A_782 = arith.addi %add3A_781, %scan3A_416 : i32
        %get3A_783 = arith.index_cast %add3A_782 : i32 to index
        %get3A_784 = arith.constant 176 : index
        %get3A_785 = tpu.vector_load %arg15[%get3A_783, %get3A_784] {strides = array<i32>} : memref<64x384xf32, #tpu.memory_space<vmem>>, vector<1x16xf32>,
        %get3A_786 = vector.shape_cast %get3A_785 : vector<1x16xf32> to vector<16xf32>
        %sub3A_787 = arith.subf %sub3A_780, %get3A_786 : vector<16xf32>
        %get3A_788 = arith.index_cast %scan3A_416 : i32 to index
        %get3A_789 = arith.constant 176 : index
        %get3A_790 = tpu.vector_load %arg15[%get3A_788, %get3A_789] {strides = array<i32>} : memref<64x384xf32, #tpu.memory_space<vmem>>, vector<1x16xf32>,
        %get3A_791 = vector.shape_cast %get3A_790 : vector<1x16xf32> to vector<16xf32>
        %add3A_792 = arith.addf %sub3A_787, %get3A_791 : vector<16xf32>
        %mul3A_793 = arith.mulf %add3A_792, %gather3A_426 : vector<16xf32>
        %swap3A_794 = arith.index_cast %scan3A_416 : i32 to index
        %swap3A_795 = arith.constant 176 : index
        %swap3A_796 = tpu.vector_load %arg17[%swap3A_794, %swap3A_795] {strides = array<i32>} : memref<16x384xf32, #tpu.memory_space<vmem>>, vector<1x16xf32>,
        %swap3A_797 = vector.shape_cast %swap3A_796 : vector<1x16xf32> to vector<16xf32>
        %swap3A_798 = vector.shape_cast %mul3A_793 : vector<16xf32> to vector<1x16xf32>
        tpu.vector_store %arg17[%swap3A_794, %swap3A_795], %swap3A_798 {strides = array<i32>} : memref<16x384xf32, #tpu.memory_space<vmem>>, vector<1x16xf32>,
        %add3A_799 = arith.constant 48 : i32
        %add3A_800 = arith.addi %add3A_799, %scan3A_416 : i32
        %get3A_801 = arith.index_cast %add3A_800 : i32 to index
        %get3A_802 = arith.constant 192 : index
        %get3A_803 = tpu.vector_load %arg15[%get3A_801, %get3A_802] {strides = array<i32>} : memref<64x384xf32, #tpu.memory_space<vmem>>, vector<1x16xf32>,
        %get3A_804 = vector.shape_cast %get3A_803 : vector<1x16xf32> to vector<16xf32>
        %add3A_805 = arith.constant 16 : i32
        %add3A_806 = arith.addi %add3A_805, %scan3A_416 : i32
        %get3A_807 = arith.index_cast %add3A_806 : i32 to index
        %get3A_808 = arith.constant 192 : index
        %get3A_809 = tpu.vector_load %arg15[%get3A_807, %get3A_808] {strides = array<i32>} : memref<64x384xf32, #tpu.memory_space<vmem>>, vector<1x16xf32>,
        %get3A_810 = vector.shape_cast %get3A_809 : vector<1x16xf32> to vector<16xf32>
        %sub3A_811 = arith.subf %get3A_804, %get3A_810 : vector<16xf32>
        %add3A_812 = arith.constant 32 : i32
        %add3A_813 = arith.addi %add3A_812, %scan3A_416 : i32
        %get3A_814 = arith.index_cast %add3A_813 : i32 to index
        %get3A_815 = arith.constant 192 : index
        %get3A_816 = tpu.vector_load %arg15[%get3A_814, %get3A_815] {strides = array<i32>} : memref<64x384xf32, #tpu.memory_space<vmem>>, vector<1x16xf32>,
        %get3A_817 = vector.shape_cast %get3A_816 : vector<1x16xf32> to vector<16xf32>
        %sub3A_818 = arith.subf %sub3A_811, %get3A_817 : vector<16xf32>
        %get3A_819 = arith.index_cast %scan3A_416 : i32 to index
        %get3A_820 = arith.constant 192 : index
        %get3A_821 = tpu.vector_load %arg15[%get3A_819, %get3A_820] {strides = array<i32>} : memref<64x384xf32, #tpu.memory_space<vmem>>, vector<1x16xf32>,
        %get3A_822 = vector.shape_cast %get3A_821 : vector<1x16xf32> to vector<16xf32>
        %add3A_823 = arith.addf %sub3A_818, %get3A_822 : vector<16xf32>
        %mul3A_824 = arith.mulf %add3A_823, %gather3A_426 : vector<16xf32>
        %swap3A_825 = arith.index_cast %scan3A_416 : i32 to index
        %swap3A_826 = arith.constant 192 : index
        %swap3A_827 = tpu.vector_load %arg17[%swap3A_825, %swap3A_826] {strides = array<i32>} : memref<16x384xf32, #tpu.memory_space<vmem>>, vector<1x16xf32>,
        %swap3A_828 = vector.shape_cast %swap3A_827 : vector<1x16xf32> to vector<16xf32>
        %swap3A_829 = vector.shape_cast %mul3A_824 : vector<16xf32> to vector<1x16xf32>
        tpu.vector_store %arg17[%swap3A_825, %swap3A_826], %swap3A_829 {strides = array<i32>} : memref<16x384xf32, #tpu.memory_space<vmem>>, vector<1x16xf32>,
        %add3A_830 = arith.constant 48 : i32
        %add3A_831 = arith.addi %add3A_830, %scan3A_416 : i32
        %get3A_832 = arith.index_cast %add3A_831 : i32 to index
        %get3A_833 = arith.constant 208 : index
        %get3A_834 = tpu.vector_load %arg15[%get3A_832, %get3A_833] {strides = array<i32>} : memref<64x384xf32, #tpu.memory_space<vmem>>, vector<1x16xf32>,
        %get3A_835 = vector.shape_cast %get3A_834 : vector<1x16xf32> to vector<16xf32>
        %add3A_836 = arith.constant 16 : i32
        %add3A_837 = arith.addi %add3A_836, %scan3A_416 : i32
        %get3A_838 = arith.index_cast %add3A_837 : i32 to index
        %get3A_839 = arith.constant 208 : index
        %get3A_840 = tpu.vector_load %arg15[%get3A_838, %get3A_839] {strides = array<i32>} : memref<64x384xf32, #tpu.memory_space<vmem>>, vector<1x16xf32>,
        %get3A_841 = vector.shape_cast %get3A_840 : vector<1x16xf32> to vector<16xf32>
        %sub3A_842 = arith.subf %get3A_835, %get3A_841 : vector<16xf32>
        %add3A_843 = arith.constant 32 : i32
        %add3A_844 = arith.addi %add3A_843, %scan3A_416 : i32
        %get3A_845 = arith.index_cast %add3A_844 : i32 to index
        %get3A_846 = arith.constant 208 : index
        %get3A_847 = tpu.vector_load %arg15[%get3A_845, %get3A_846] {strides = array<i32>} : memref<64x384xf32, #tpu.memory_space<vmem>>, vector<1x16xf32>,
        %get3A_848 = vector.shape_cast %get3A_847 : vector<1x16xf32> to vector<16xf32>
        %sub3A_849 = arith.subf %sub3A_842, %get3A_848 : vector<16xf32>
        %get3A_850 = arith.index_cast %scan3A_416 : i32 to index
        %get3A_851 = arith.constant 208 : index
        %get3A_852 = tpu.vector_load %arg15[%get3A_850, %get3A_851] {strides = array<i32>} : memref<64x384xf32, #tpu.memory_space<vmem>>, vector<1x16xf32>,
        %get3A_853 = vector.shape_cast %get3A_852 : vector<1x16xf32> to vector<16xf32>
        %add3A_854 = arith.addf %sub3A_849, %get3A_853 : vector<16xf32>
        %mul3A_855 = arith.mulf %add3A_854, %gather3A_426 : vector<16xf32>
        %swap3A_856 = arith.index_cast %scan3A_416 : i32 to index
        %swap3A_857 = arith.constant 208 : index
        %swap3A_858 = tpu.vector_load %arg17[%swap3A_856, %swap3A_857] {strides = array<i32>} : memref<16x384xf32, #tpu.memory_space<vmem>>, vector<1x16xf32>,
        %swap3A_859 = vector.shape_cast %swap3A_858 : vector<1x16xf32> to vector<16xf32>
        %swap3A_860 = vector.shape_cast %mul3A_855 : vector<16xf32> to vector<1x16xf32>
        tpu.vector_store %arg17[%swap3A_856, %swap3A_857], %swap3A_860 {strides = array<i32>} : memref<16x384xf32, #tpu.memory_space<vmem>>, vector<1x16xf32>,
        %add3A_861 = arith.constant 48 : i32
        %add3A_862 = arith.addi %add3A_861, %scan3A_416 : i32
        %get3A_863 = arith.index_cast %add3A_862 : i32 to index
        %get3A_864 = arith.constant 224 : index
        %get3A_865 = tpu.vector_load %arg15[%get3A_863, %get3A_864] {strides = array<i32>} : memref<64x384xf32, #tpu.memory_space<vmem>>, vector<1x16xf32>,
        %get3A_866 = vector.shape_cast %get3A_865 : vector<1x16xf32> to vector<16xf32>
        %add3A_867 = arith.constant 16 : i32
        %add3A_868 = arith.addi %add3A_867, %scan3A_416 : i32
        %get3A_869 = arith.index_cast %add3A_868 : i32 to index
        %get3A_870 = arith.constant 224 : index
        %get3A_871 = tpu.vector_load %arg15[%get3A_869, %get3A_870] {strides = array<i32>} : memref<64x384xf32, #tpu.memory_space<vmem>>, vector<1x16xf32>,
        %get3A_872 = vector.shape_cast %get3A_871 : vector<1x16xf32> to vector<16xf32>
        %sub3A_873 = arith.subf %get3A_866, %get3A_872 : vector<16xf32>
        %add3A_874 = arith.constant 32 : i32
        %add3A_875 = arith.addi %add3A_874, %scan3A_416 : i32
        %get3A_876 = arith.index_cast %add3A_875 : i32 to index
        %get3A_877 = arith.constant 224 : index
        %get3A_878 = tpu.vector_load %arg15[%get3A_876, %get3A_877] {strides = array<i32>} : memref<64x384xf32, #tpu.memory_space<vmem>>, vector<1x16xf32>,
        %get3A_879 = vector.shape_cast %get3A_878 : vector<1x16xf32> to vector<16xf32>
        %sub3A_880 = arith.subf %sub3A_873, %get3A_879 : vector<16xf32>
        %get3A_881 = arith.index_cast %scan3A_416 : i32 to index
        %get3A_882 = arith.constant 224 : index
        %get3A_883 = tpu.vector_load %arg15[%get3A_881, %get3A_882] {strides = array<i32>} : memref<64x384xf32, #tpu.memory_space<vmem>>, vector<1x16xf32>,
        %get3A_884 = vector.shape_cast %get3A_883 : vector<1x16xf32> to vector<16xf32>
        %add3A_885 = arith.addf %sub3A_880, %get3A_884 : vector<16xf32>
        %mul3A_886 = arith.mulf %add3A_885, %gather3A_426 : vector<16xf32>
        %swap3A_887 = arith.index_cast %scan3A_416 : i32 to index
        %swap3A_888 = arith.constant 224 : index
        %swap3A_889 = tpu.vector_load %arg17[%swap3A_887, %swap3A_888] {strides = array<i32>} : memref<16x384xf32, #tpu.memory_space<vmem>>, vector<1x16xf32>,
        %swap3A_890 = vector.shape_cast %swap3A_889 : vector<1x16xf32> to vector<16xf32>
        %swap3A_891 = vector.shape_cast %mul3A_886 : vector<16xf32> to vector<1x16xf32>
        tpu.vector_store %arg17[%swap3A_887, %swap3A_888], %swap3A_891 {strides = array<i32>} : memref<16x384xf32, #tpu.memory_space<vmem>>, vector<1x16xf32>,
        %add3A_892 = arith.constant 48 : i32
        %add3A_893 = arith.addi %add3A_892, %scan3A_416 : i32
        %get3A_894 = arith.index_cast %add3A_893 : i32 to index
        %get3A_895 = arith.constant 240 : index
        %get3A_896 = tpu.vector_load %arg15[%get3A_894, %get3A_895] {strides = array<i32>} : memref<64x384xf32, #tpu.memory_space<vmem>>, vector<1x16xf32>,
        %get3A_897 = vector.shape_cast %get3A_896 : vector<1x16xf32> to vector<16xf32>
        %add3A_898 = arith.constant 16 : i32
        %add3A_899 = arith.addi %add3A_898, %scan3A_416 : i32
        %get3A_900 = arith.index_cast %add3A_899 : i32 to index
        %get3A_901 = arith.constant 240 : index
        %get3A_902 = tpu.vector_load %arg15[%get3A_900, %get3A_901] {strides = array<i32>} : memref<64x384xf32, #tpu.memory_space<vmem>>, vector<1x16xf32>,
        %get3A_903 = vector.shape_cast %get3A_902 : vector<1x16xf32> to vector<16xf32>
        %sub3A_904 = arith.subf %get3A_897, %get3A_903 : vector<16xf32>
        %add3A_905 = arith.constant 32 : i32
        %add3A_906 = arith.addi %add3A_905, %scan3A_416 : i32
        %get3A_907 = arith.index_cast %add3A_906 : i32 to index
        %get3A_908 = arith.constant 240 : index
        %get3A_909 = tpu.vector_load %arg15[%get3A_907, %get3A_908] {strides = array<i32>} : memref<64x384xf32, #tpu.memory_space<vmem>>, vector<1x16xf32>,
        %get3A_910 = vector.shape_cast %get3A_909 : vector<1x16xf32> to vector<16xf32>
        %sub3A_911 = arith.subf %sub3A_904, %get3A_910 : vector<16xf32>
        %get3A_912 = arith.index_cast %scan3A_416 : i32 to index
        %get3A_913 = arith.constant 240 : index
        %get3A_914 = tpu.vector_load %arg15[%get3A_912, %get3A_913] {strides = array<i32>} : memref<64x384xf32, #tpu.memory_space<vmem>>, vector<1x16xf32>,
        %get3A_915 = vector.shape_cast %get3A_914 : vector<1x16xf32> to vector<16xf32>
        %add3A_916 = arith.addf %sub3A_911, %get3A_915 : vector<16xf32>
        %mul3A_917 = arith.mulf %add3A_916, %gather3A_426 : vector<16xf32>
        %swap3A_918 = arith.index_cast %scan3A_416 : i32 to index
        %swap3A_919 = arith.constant 240 : index
        %swap3A_920 = tpu.vector_load %arg17[%swap3A_918, %swap3A_919] {strides = array<i32>} : memref<16x384xf32, #tpu.memory_space<vmem>>, vector<1x16xf32>,
        %swap3A_921 = vector.shape_cast %swap3A_920 : vector<1x16xf32> to vector<16xf32>
        %swap3A_922 = vector.shape_cast %mul3A_917 : vector<16xf32> to vector<1x16xf32>
        tpu.vector_store %arg17[%swap3A_918, %swap3A_919], %swap3A_922 {strides = array<i32>} : memref<16x384xf32, #tpu.memory_space<vmem>>, vector<1x16xf32>,
        %add3A_923 = arith.constant 48 : i32
        %add3A_924 = arith.addi %add3A_923, %scan3A_416 : i32
        %get3A_925 = arith.index_cast %add3A_924 : i32 to index
        %get3A_926 = arith.constant 256 : index
        %get3A_927 = tpu.vector_load %arg15[%get3A_925, %get3A_926] {strides = array<i32>} : memref<64x384xf32, #tpu.memory_space<vmem>>, vector<1x16xf32>,
        %get3A_928 = vector.shape_cast %get3A_927 : vector<1x16xf32> to vector<16xf32>
        %add3A_929 = arith.constant 16 : i32
        %add3A_930 = arith.addi %add3A_929, %scan3A_416 : i32
        %get3A_931 = arith.index_cast %add3A_930 : i32 to index
        %get3A_932 = arith.constant 256 : index
        %get3A_933 = tpu.vector_load %arg15[%get3A_931, %get3A_932] {strides = array<i32>} : memref<64x384xf32, #tpu.memory_space<vmem>>, vector<1x16xf32>,
        %get3A_934 = vector.shape_cast %get3A_933 : vector<1x16xf32> to vector<16xf32>
        %sub3A_935 = arith.subf %get3A_928, %get3A_934 : vector<16xf32>
        %add3A_936 = arith.constant 32 : i32
        %add3A_937 = arith.addi %add3A_936, %scan3A_416 : i32
        %get3A_938 = arith.index_cast %add3A_937 : i32 to index
        %get3A_939 = arith.constant 256 : index
        %get3A_940 = tpu.vector_load %arg15[%get3A_938, %get3A_939] {strides = array<i32>} : memref<64x384xf32, #tpu.memory_space<vmem>>, vector<1x16xf32>,
        %get3A_941 = vector.shape_cast %get3A_940 : vector<1x16xf32> to vector<16xf32>
        %sub3A_942 = arith.subf %sub3A_935, %get3A_941 : vector<16xf32>
        %get3A_943 = arith.index_cast %scan3A_416 : i32 to index
        %get3A_944 = arith.constant 256 : index
        %get3A_945 = tpu.vector_load %arg15[%get3A_943, %get3A_944] {strides = array<i32>} : memref<64x384xf32, #tpu.memory_space<vmem>>, vector<1x16xf32>,
        %get3A_946 = vector.shape_cast %get3A_945 : vector<1x16xf32> to vector<16xf32>
        %add3A_947 = arith.addf %sub3A_942, %get3A_946 : vector<16xf32>
        %mul3A_948 = arith.mulf %add3A_947, %gather3A_426 : vector<16xf32>
        %swap3A_949 = arith.index_cast %scan3A_416 : i32 to index
        %swap3A_950 = arith.constant 256 : index
        %swap3A_951 = tpu.vector_load %arg17[%swap3A_949, %swap3A_950] {strides = array<i32>} : memref<16x384xf32, #tpu.memory_space<vmem>>, vector<1x16xf32>,
        %swap3A_952 = vector.shape_cast %swap3A_951 : vector<1x16xf32> to vector<16xf32>
        %swap3A_953 = vector.shape_cast %mul3A_948 : vector<16xf32> to vector<1x16xf32>
        tpu.vector_store %arg17[%swap3A_949, %swap3A_950], %swap3A_953 {strides = array<i32>} : memref<16x384xf32, #tpu.memory_space<vmem>>, vector<1x16xf32>,
        %add3A_954 = arith.constant 48 : i32
        %add3A_955 = arith.addi %add3A_954, %scan3A_416 : i32
        %get3A_956 = arith.index_cast %add3A_955 : i32 to index
        %get3A_957 = arith.constant 272 : index
        %get3A_958 = tpu.vector_load %arg15[%get3A_956, %get3A_957] {strides = array<i32>} : memref<64x384xf32, #tpu.memory_space<vmem>>, vector<1x16xf32>,
        %get3A_959 = vector.shape_cast %get3A_958 : vector<1x16xf32> to vector<16xf32>
        %add3A_960 = arith.constant 16 : i32
        %add3A_961 = arith.addi %add3A_960, %scan3A_416 : i32
        %get3A_962 = arith.index_cast %add3A_961 : i32 to index
        %get3A_963 = arith.constant 272 : index
        %get3A_964 = tpu.vector_load %arg15[%get3A_962, %get3A_963] {strides = array<i32>} : memref<64x384xf32, #tpu.memory_space<vmem>>, vector<1x16xf32>,
        %get3A_965 = vector.shape_cast %get3A_964 : vector<1x16xf32> to vector<16xf32>
        %sub3A_966 = arith.subf %get3A_959, %get3A_965 : vector<16xf32>
        %add3A_967 = arith.constant 32 : i32
        %add3A_968 = arith.addi %add3A_967, %scan3A_416 : i32
        %get3A_969 = arith.index_cast %add3A_968 : i32 to index
        %get3A_970 = arith.constant 272 : index
        %get3A_971 = tpu.vector_load %arg15[%get3A_969, %get3A_970] {strides = array<i32>} : memref<64x384xf32, #tpu.memory_space<vmem>>, vector<1x16xf32>,
        %get3A_972 = vector.shape_cast %get3A_971 : vector<1x16xf32> to vector<16xf32>
        %sub3A_973 = arith.subf %sub3A_966, %get3A_972 : vector<16xf32>
        %get3A_974 = arith.index_cast %scan3A_416 : i32 to index
        %get3A_975 = arith.constant 272 : index
        %get3A_976 = tpu.vector_load %arg15[%get3A_974, %get3A_975] {strides = array<i32>} : memref<64x384xf32, #tpu.memory_space<vmem>>, vector<1x16xf32>,
        %get3A_977 = vector.shape_cast %get3A_976 : vector<1x16xf32> to vector<16xf32>
        %add3A_978 = arith.addf %sub3A_973, %get3A_977 : vector<16xf32>
        %mul3A_979 = arith.mulf %add3A_978, %gather3A_426 : vector<16xf32>
        %swap3A_980 = arith.index_cast %scan3A_416 : i32 to index
        %swap3A_981 = arith.constant 272 : index
        %swap3A_982 = tpu.vector_load %arg17[%swap3A_980, %swap3A_981] {strides = array<i32>} : memref<16x384xf32, #tpu.memory_space<vmem>>, vector<1x16xf32>,
        %swap3A_983 = vector.shape_cast %swap3A_982 : vector<1x16xf32> to vector<16xf32>
        %swap3A_984 = vector.shape_cast %mul3A_979 : vector<16xf32> to vector<1x16xf32>
        tpu.vector_store %arg17[%swap3A_980, %swap3A_981], %swap3A_984 {strides = array<i32>} : memref<16x384xf32, #tpu.memory_space<vmem>>, vector<1x16xf32>,
        %add3A_985 = arith.constant 48 : i32
        %add3A_986 = arith.addi %add3A_985, %scan3A_416 : i32
        %get3A_987 = arith.index_cast %add3A_986 : i32 to index
        %get3A_988 = arith.constant 288 : index
        %get3A_989 = tpu.vector_load %arg15[%get3A_987, %get3A_988] {strides = array<i32>} : memref<64x384xf32, #tpu.memory_space<vmem>>, vector<1x16xf32>,
        %get3A_990 = vector.shape_cast %get3A_989 : vector<1x16xf32> to vector<16xf32>
        %add3A_991 = arith.constant 16 : i32
        %add3A_992 = arith.addi %add3A_991, %scan3A_416 : i32
        %get3A_993 = arith.index_cast %add3A_992 : i32 to index
        %get3A_994 = arith.constant 288 : index
        %get3A_995 = tpu.vector_load %arg15[%get3A_993, %get3A_994] {strides = array<i32>} : memref<64x384xf32, #tpu.memory_space<vmem>>, vector<1x16xf32>,
        %get3A_996 = vector.shape_cast %get3A_995 : vector<1x16xf32> to vector<16xf32>
        %sub3A_997 = arith.subf %get3A_990, %get3A_996 : vector<16xf32>
        %add3A_998 = arith.constant 32 : i32
        %add3A_999 = arith.addi %add3A_998, %scan3A_416 : i32
        %get3A_1000 = arith.index_cast %add3A_999 : i32 to index
        %get3A_1001 = arith.constant 288 : index
        %get3A_1002 = tpu.vector_load %arg15[%get3A_1000, %get3A_1001] {strides = array<i32>} : memref<64x384xf32, #tpu.memory_space<vmem>>, vector<1x16xf32>,
        %get3A_1003 = vector.shape_cast %get3A_1002 : vector<1x16xf32> to vector<16xf32>
        %sub3A_1004 = arith.subf %sub3A_997, %get3A_1003 : vector<16xf32>
        %get3A_1005 = arith.index_cast %scan3A_416 : i32 to index
        %get3A_1006 = arith.constant 288 : index
        %get3A_1007 = tpu.vector_load %arg15[%get3A_1005, %get3A_1006] {strides = array<i32>} : memref<64x384xf32, #tpu.memory_space<vmem>>, vector<1x16xf32>,
        %get3A_1008 = vector.shape_cast %get3A_1007 : vector<1x16xf32> to vector<16xf32>
        %add3A_1009 = arith.addf %sub3A_1004, %get3A_1008 : vector<16xf32>
        %mul3A_1010 = arith.mulf %add3A_1009, %gather3A_426 : vector<16xf32>
        %swap3A_1011 = arith.index_cast %scan3A_416 : i32 to index
        %swap3A_1012 = arith.constant 288 : index
        %swap3A_1013 = tpu.vector_load %arg17[%swap3A_1011, %swap3A_1012] {strides = array<i32>} : memref<16x384xf32, #tpu.memory_space<vmem>>, vector<1x16xf32>,
        %swap3A_1014 = vector.shape_cast %swap3A_1013 : vector<1x16xf32> to vector<16xf32>
        %swap3A_1015 = vector.shape_cast %mul3A_1010 : vector<16xf32> to vector<1x16xf32>
        tpu.vector_store %arg17[%swap3A_1011, %swap3A_1012], %swap3A_1015 {strides = array<i32>} : memref<16x384xf32, #tpu.memory_space<vmem>>, vector<1x16xf32>,
        %add3A_1016 = arith.constant 48 : i32
        %add3A_1017 = arith.addi %add3A_1016, %scan3A_416 : i32
        %get3A_1018 = arith.index_cast %add3A_1017 : i32 to index
        %get3A_1019 = arith.constant 304 : index
        %get3A_1020 = tpu.vector_load %arg15[%get3A_1018, %get3A_1019] {strides = array<i32>} : memref<64x384xf32, #tpu.memory_space<vmem>>, vector<1x16xf32>,
        %get3A_1021 = vector.shape_cast %get3A_1020 : vector<1x16xf32> to vector<16xf32>
        %add3A_1022 = arith.constant 16 : i32
        %add3A_1023 = arith.addi %add3A_1022, %scan3A_416 : i32
        %get3A_1024 = arith.index_cast %add3A_1023 : i32 to index
        %get3A_1025 = arith.constant 304 : index
        %get3A_1026 = tpu.vector_load %arg15[%get3A_1024, %get3A_1025] {strides = array<i32>} : memref<64x384xf32, #tpu.memory_space<vmem>>, vector<1x16xf32>,
        %get3A_1027 = vector.shape_cast %get3A_1026 : vector<1x16xf32> to vector<16xf32>
        %sub3A_1028 = arith.subf %get3A_1021, %get3A_1027 : vector<16xf32>
        %add3A_1029 = arith.constant 32 : i32
        %add3A_1030 = arith.addi %add3A_1029, %scan3A_416 : i32
        %get3A_1031 = arith.index_cast %add3A_1030 : i32 to index
        %get3A_1032 = arith.constant 304 : index
        %get3A_1033 = tpu.vector_load %arg15[%get3A_1031, %get3A_1032] {strides = array<i32>} : memref<64x384xf32, #tpu.memory_space<vmem>>, vector<1x16xf32>,
        %get3A_1034 = vector.shape_cast %get3A_1033 : vector<1x16xf32> to vector<16xf32>
        %sub3A_1035 = arith.subf %sub3A_1028, %get3A_1034 : vector<16xf32>
        %get3A_1036 = arith.index_cast %scan3A_416 : i32 to index
        %get3A_1037 = arith.constant 304 : index
        %get3A_1038 = tpu.vector_load %arg15[%get3A_1036, %get3A_1037] {strides = array<i32>} : memref<64x384xf32, #tpu.memory_space<vmem>>, vector<1x16xf32>,
        %get3A_1039 = vector.shape_cast %get3A_1038 : vector<1x16xf32> to vector<16xf32>
        %add3A_1040 = arith.addf %sub3A_1035, %get3A_1039 : vector<16xf32>
        %mul3A_1041 = arith.mulf %add3A_1040, %gather3A_426 : vector<16xf32>
        %swap3A_1042 = arith.index_cast %scan3A_416 : i32 to index
        %swap3A_1043 = arith.constant 304 : index
        %swap3A_1044 = tpu.vector_load %arg17[%swap3A_1042, %swap3A_1043] {strides = array<i32>} : memref<16x384xf32, #tpu.memory_space<vmem>>, vector<1x16xf32>,
        %swap3A_1045 = vector.shape_cast %swap3A_1044 : vector<1x16xf32> to vector<16xf32>
        %swap3A_1046 = vector.shape_cast %mul3A_1041 : vector<16xf32> to vector<1x16xf32>
        tpu.vector_store %arg17[%swap3A_1042, %swap3A_1043], %swap3A_1046 {strides = array<i32>} : memref<16x384xf32, #tpu.memory_space<vmem>>, vector<1x16xf32>,
        %add3A_1047 = arith.constant 48 : i32
        %add3A_1048 = arith.addi %add3A_1047, %scan3A_416 : i32
        %get3A_1049 = arith.index_cast %add3A_1048 : i32 to index
        %get3A_1050 = arith.constant 320 : index
        %get3A_1051 = tpu.vector_load %arg15[%get3A_1049, %get3A_1050] {strides = array<i32>} : memref<64x384xf32, #tpu.memory_space<vmem>>, vector<1x16xf32>,
        %get3A_1052 = vector.shape_cast %get3A_1051 : vector<1x16xf32> to vector<16xf32>
        %add3A_1053 = arith.constant 16 : i32
        %add3A_1054 = arith.addi %add3A_1053, %scan3A_416 : i32
        %get3A_1055 = arith.index_cast %add3A_1054 : i32 to index
        %get3A_1056 = arith.constant 320 : index
        %get3A_1057 = tpu.vector_load %arg15[%get3A_1055, %get3A_1056] {strides = array<i32>} : memref<64x384xf32, #tpu.memory_space<vmem>>, vector<1x16xf32>,
        %get3A_1058 = vector.shape_cast %get3A_1057 : vector<1x16xf32> to vector<16xf32>
        %sub3A_1059 = arith.subf %get3A_1052, %get3A_1058 : vector<16xf32>
        %add3A_1060 = arith.constant 32 : i32
        %add3A_1061 = arith.addi %add3A_1060, %scan3A_416 : i32
        %get3A_1062 = arith.index_cast %add3A_1061 : i32 to index
        %get3A_1063 = arith.constant 320 : index
        %get3A_1064 = tpu.vector_load %arg15[%get3A_1062, %get3A_1063] {strides = array<i32>} : memref<64x384xf32, #tpu.memory_space<vmem>>, vector<1x16xf32>,
        %get3A_1065 = vector.shape_cast %get3A_1064 : vector<1x16xf32> to vector<16xf32>
        %sub3A_1066 = arith.subf %sub3A_1059, %get3A_1065 : vector<16xf32>
        %get3A_1067 = arith.index_cast %scan3A_416 : i32 to index
        %get3A_1068 = arith.constant 320 : index
        %get3A_1069 = tpu.vector_load %arg15[%get3A_1067, %get3A_1068] {strides = array<i32>} : memref<64x384xf32, #tpu.memory_space<vmem>>, vector<1x16xf32>,
        %get3A_1070 = vector.shape_cast %get3A_1069 : vector<1x16xf32> to vector<16xf32>
        %add3A_1071 = arith.addf %sub3A_1066, %get3A_1070 : vector<16xf32>
        %mul3A_1072 = arith.mulf %add3A_1071, %gather3A_426 : vector<16xf32>
        %swap3A_1073 = arith.index_cast %scan3A_416 : i32 to index
        %swap3A_1074 = arith.constant 320 : index
        %swap3A_1075 = tpu.vector_load %arg17[%swap3A_1073, %swap3A_1074] {strides = array<i32>} : memref<16x384xf32, #tpu.memory_space<vmem>>, vector<1x16xf32>,
        %swap3A_1076 = vector.shape_cast %swap3A_1075 : vector<1x16xf32> to vector<16xf32>
        %swap3A_1077 = vector.shape_cast %mul3A_1072 : vector<16xf32> to vector<1x16xf32>
        tpu.vector_store %arg17[%swap3A_1073, %swap3A_1074], %swap3A_1077 {strides = array<i32>} : memref<16x384xf32, #tpu.memory_space<vmem>>, vector<1x16xf32>,
        %add3A_1078 = arith.constant 48 : i32
        %add3A_1079 = arith.addi %add3A_1078, %scan3A_416 : i32
        %get3A_1080 = arith.index_cast %add3A_1079 : i32 to index
        %get3A_1081 = arith.constant 336 : index
        %get3A_1082 = tpu.vector_load %arg15[%get3A_1080, %get3A_1081] {strides = array<i32>} : memref<64x384xf32, #tpu.memory_space<vmem>>, vector<1x16xf32>,
        %get3A_1083 = vector.shape_cast %get3A_1082 : vector<1x16xf32> to vector<16xf32>
        %add3A_1084 = arith.constant 16 : i32
        %add3A_1085 = arith.addi %add3A_1084, %scan3A_416 : i32
        %get3A_1086 = arith.index_cast %add3A_1085 : i32 to index
        %get3A_1087 = arith.constant 336 : index
        %get3A_1088 = tpu.vector_load %arg15[%get3A_1086, %get3A_1087] {strides = array<i32>} : memref<64x384xf32, #tpu.memory_space<vmem>>, vector<1x16xf32>,
        %get3A_1089 = vector.shape_cast %get3A_1088 : vector<1x16xf32> to vector<16xf32>
        %sub3A_1090 = arith.subf %get3A_1083, %get3A_1089 : vector<16xf32>
        %add3A_1091 = arith.constant 32 : i32
        %add3A_1092 = arith.addi %add3A_1091, %scan3A_416 : i32
        %get3A_1093 = arith.index_cast %add3A_1092 : i32 to index
        %get3A_1094 = arith.constant 336 : index
        %get3A_1095 = tpu.vector_load %arg15[%get3A_1093, %get3A_1094] {strides = array<i32>} : memref<64x384xf32, #tpu.memory_space<vmem>>, vector<1x16xf32>,
        %get3A_1096 = vector.shape_cast %get3A_1095 : vector<1x16xf32> to vector<16xf32>
        %sub3A_1097 = arith.subf %sub3A_1090, %get3A_1096 : vector<16xf32>
        %get3A_1098 = arith.index_cast %scan3A_416 : i32 to index
        %get3A_1099 = arith.constant 336 : index
        %get3A_1100 = tpu.vector_load %arg15[%get3A_1098, %get3A_1099] {strides = array<i32>} : memref<64x384xf32, #tpu.memory_space<vmem>>, vector<1x16xf32>,
        %get3A_1101 = vector.shape_cast %get3A_1100 : vector<1x16xf32> to vector<16xf32>
        %add3A_1102 = arith.addf %sub3A_1097, %get3A_1101 : vector<16xf32>
        %mul3A_1103 = arith.mulf %add3A_1102, %gather3A_426 : vector<16xf32>
        %swap3A_1104 = arith.index_cast %scan3A_416 : i32 to index
        %swap3A_1105 = arith.constant 336 : index
        %swap3A_1106 = tpu.vector_load %arg17[%swap3A_1104, %swap3A_1105] {strides = array<i32>} : memref<16x384xf32, #tpu.memory_space<vmem>>, vector<1x16xf32>,
        %swap3A_1107 = vector.shape_cast %swap3A_1106 : vector<1x16xf32> to vector<16xf32>
        %swap3A_1108 = vector.shape_cast %mul3A_1103 : vector<16xf32> to vector<1x16xf32>
        tpu.vector_store %arg17[%swap3A_1104, %swap3A_1105], %swap3A_1108 {strides = array<i32>} : memref<16x384xf32, #tpu.memory_space<vmem>>, vector<1x16xf32>,
        %add3A_1109 = arith.constant 48 : i32
        %add3A_1110 = arith.addi %add3A_1109, %scan3A_416 : i32
        %get3A_1111 = arith.index_cast %add3A_1110 : i32 to index
        %get3A_1112 = arith.constant 352 : index
        %get3A_1113 = tpu.vector_load %arg15[%get3A_1111, %get3A_1112] {strides = array<i32>} : memref<64x384xf32, #tpu.memory_space<vmem>>, vector<1x16xf32>,
        %get3A_1114 = vector.shape_cast %get3A_1113 : vector<1x16xf32> to vector<16xf32>
        %add3A_1115 = arith.constant 16 : i32
        %add3A_1116 = arith.addi %add3A_1115, %scan3A_416 : i32
        %get3A_1117 = arith.index_cast %add3A_1116 : i32 to index
        %get3A_1118 = arith.constant 352 : index
        %get3A_1119 = tpu.vector_load %arg15[%get3A_1117, %get3A_1118] {strides = array<i32>} : memref<64x384xf32, #tpu.memory_space<vmem>>, vector<1x16xf32>,
        %get3A_1120 = vector.shape_cast %get3A_1119 : vector<1x16xf32> to vector<16xf32>
        %sub3A_1121 = arith.subf %get3A_1114, %get3A_1120 : vector<16xf32>
        %add3A_1122 = arith.constant 32 : i32
        %add3A_1123 = arith.addi %add3A_1122, %scan3A_416 : i32
        %get3A_1124 = arith.index_cast %add3A_1123 : i32 to index
        %get3A_1125 = arith.constant 352 : index
        %get3A_1126 = tpu.vector_load %arg15[%get3A_1124, %get3A_1125] {strides = array<i32>} : memref<64x384xf32, #tpu.memory_space<vmem>>, vector<1x16xf32>,
        %get3A_1127 = vector.shape_cast %get3A_1126 : vector<1x16xf32> to vector<16xf32>
        %sub3A_1128 = arith.subf %sub3A_1121, %get3A_1127 : vector<16xf32>
        %get3A_1129 = arith.index_cast %scan3A_416 : i32 to index
        %get3A_1130 = arith.constant 352 : index
        %get3A_1131 = tpu.vector_load %arg15[%get3A_1129, %get3A_1130] {strides = array<i32>} : memref<64x384xf32, #tpu.memory_space<vmem>>, vector<1x16xf32>,
        %get3A_1132 = vector.shape_cast %get3A_1131 : vector<1x16xf32> to vector<16xf32>
        %add3A_1133 = arith.addf %sub3A_1128, %get3A_1132 : vector<16xf32>
        %mul3A_1134 = arith.mulf %add3A_1133, %gather3A_426 : vector<16xf32>
        %swap3A_1135 = arith.index_cast %scan3A_416 : i32 to index
        %swap3A_1136 = arith.constant 352 : index
        %swap3A_1137 = tpu.vector_load %arg17[%swap3A_1135, %swap3A_1136] {strides = array<i32>} : memref<16x384xf32, #tpu.memory_space<vmem>>, vector<1x16xf32>,
        %swap3A_1138 = vector.shape_cast %swap3A_1137 : vector<1x16xf32> to vector<16xf32>
        %swap3A_1139 = vector.shape_cast %mul3A_1134 : vector<16xf32> to vector<1x16xf32>
        tpu.vector_store %arg17[%swap3A_1135, %swap3A_1136], %swap3A_1139 {strides = array<i32>} : memref<16x384xf32, #tpu.memory_space<vmem>>, vector<1x16xf32>,
        %add3A_1140 = arith.constant 48 : i32
        %add3A_1141 = arith.addi %add3A_1140, %scan3A_416 : i32
        %get3A_1142 = arith.index_cast %add3A_1141 : i32 to index
        %get3A_1143 = arith.constant 368 : index
        %get3A_1144 = tpu.vector_load %arg15[%get3A_1142, %get3A_1143] {strides = array<i32>} : memref<64x384xf32, #tpu.memory_space<vmem>>, vector<1x16xf32>,
        %get3A_1145 = vector.shape_cast %get3A_1144 : vector<1x16xf32> to vector<16xf32>
        %add3A_1146 = arith.constant 16 : i32
        %add3A_1147 = arith.addi %add3A_1146, %scan3A_416 : i32
        %get3A_1148 = arith.index_cast %add3A_1147 : i32 to index
        %get3A_1149 = arith.constant 368 : index
        %get3A_1150 = tpu.vector_load %arg15[%get3A_1148, %get3A_1149] {strides = array<i32>} : memref<64x384xf32, #tpu.memory_space<vmem>>, vector<1x16xf32>,
        %get3A_1151 = vector.shape_cast %get3A_1150 : vector<1x16xf32> to vector<16xf32>
        %sub3A_1152 = arith.subf %get3A_1145, %get3A_1151 : vector<16xf32>
        %add3A_1153 = arith.constant 32 : i32
        %add3A_1154 = arith.addi %add3A_1153, %scan3A_416 : i32
        %get3A_1155 = arith.index_cast %add3A_1154 : i32 to index
        %get3A_1156 = arith.constant 368 : index
        %get3A_1157 = tpu.vector_load %arg15[%get3A_1155, %get3A_1156] {strides = array<i32>} : memref<64x384xf32, #tpu.memory_space<vmem>>, vector<1x16xf32>,
        %get3A_1158 = vector.shape_cast %get3A_1157 : vector<1x16xf32> to vector<16xf32>
        %sub3A_1159 = arith.subf %sub3A_1152, %get3A_1158 : vector<16xf32>
        %get3A_1160 = arith.index_cast %scan3A_416 : i32 to index
        %get3A_1161 = arith.constant 368 : index
        %get3A_1162 = tpu.vector_load %arg15[%get3A_1160, %get3A_1161] {strides = array<i32>} : memref<64x384xf32, #tpu.memory_space<vmem>>, vector<1x16xf32>,
        %get3A_1163 = vector.shape_cast %get3A_1162 : vector<1x16xf32> to vector<16xf32>
        %add3A_1164 = arith.addf %sub3A_1159, %get3A_1163 : vector<16xf32>
        %mul3A_1165 = arith.mulf %add3A_1164, %gather3A_426 : vector<16xf32>
        %swap3A_1166 = arith.index_cast %scan3A_416 : i32 to index
        %swap3A_1167 = arith.constant 368 : index
        %swap3A_1168 = tpu.vector_load %arg17[%swap3A_1166, %swap3A_1167] {strides = array<i32>} : memref<16x384xf32, #tpu.memory_space<vmem>>, vector<1x16xf32>,
        %swap3A_1169 = vector.shape_cast %swap3A_1168 : vector<1x16xf32> to vector<16xf32>
        %swap3A_1170 = vector.shape_cast %mul3A_1165 : vector<16xf32> to vector<1x16xf32>
        tpu.vector_store %arg17[%swap3A_1166, %swap3A_1167], %swap3A_1170 {strides = array<i32>} : memref<16x384xf32, #tpu.memory_space<vmem>>, vector<1x16xf32>,
      }
      %scan3A_388 = arith.constant 16 : i32
      %mul3A_389 = arith.constant 16 : i32
      %mul3A_390 = arith.muli %add3A_370, %mul3A_389 : i32
      %add3A_391 = arith.addi %mul3A_2, %mul3A_390 : i32
      %add3A_392 = arith.constant 16 : i32
      %add3A_393 = arith.addi %add3A_391, %add3A_392 : i32
      %le3A_394 = arith.constant 3072 : i32
      %le3A_395 = arith.cmpi sle, %add3A_393, %le3A_394 : i32
      %lt3A_396 = arith.constant 3072 : i32
      %lt3A_397 = arith.cmpi slt, %add3A_391, %lt3A_396 : i32
      %add3A_398 = arith.constant 16 : i32
      %add3A_399 = arith.addi %add3A_391, %add3A_398 : i32
      %gt3A_400 = arith.constant 3072 : i32
      %gt3A_401 = arith.cmpi sgt, %add3A_399, %gt3A_400 : i32
      %and3A_402 = arith.andi %lt3A_397, %gt3A_401 : i1
      %convert_element_type3A_403 = arith.extui %le3A_395 : i1 to i32
      %cond3A_404 = arith.constant 0 : i32
      %cond3A_405 = arith.cmpi ne, %convert_element_type3A_403, %cond3A_404 : i32
      scf.if %cond3A_405 {
        %dma_start3A_416 = arith.constant 0 : i32
        %dma_start3A_417 = tpu.memref_slice %arg7[%add3A_391, %dma_start3A_416] : memref<3072x384xf32, #tpu.memory_space<hbm>> -> memref<16x384xf32, #tpu.memory_space<hbm>>
        %dma_start3A_418 = arith.constant 0 : i32
        %dma_start3A_419 = tpu.memref_slice %arg7[%add3A_391, %dma_start3A_418] : memref<3072x384xf32, #tpu.memory_space<hbm>> -> memref<16x384xf32, #tpu.memory_space<hbm>>
        tpu.enqueue_dma source(%arg17 : memref<16x384xf32, #tpu.memory_space<vmem>>) target(%dma_start3A_419 : memref<16x384xf32, #tpu.memory_space<hbm>>) target_semaphore(%arg22 : memref<!tpu.dma_semaphore, #tpu.memory_space<semaphore_mem>>)
      } else {
      }
      %convert_element_type3A_406 = arith.extui %and3A_402 : i1 to i32
      %cond3A_407 = arith.constant 0 : i32
      %cond3A_408 = arith.cmpi ne, %convert_element_type3A_406, %cond3A_407 : i32
      scf.if %cond3A_408 {
        %dma_start3A_416 = arith.constant 0 : i32
        %dma_start3A_417 = arith.constant 0 : i32
        %dma_start3A_418 = tpu.memref_slice %arg17[%dma_start3A_416, %dma_start3A_417] : memref<16x384xf32, #tpu.memory_space<vmem>> -> memref<8x384xf32, #tpu.memory_space<vmem>>
        %dma_start3A_419 = arith.constant 0 : i32
        %dma_start3A_420 = tpu.memref_slice %arg7[%add3A_391, %dma_start3A_419] : memref<3072x384xf32, #tpu.memory_space<hbm>> -> memref<8x384xf32, #tpu.memory_space<hbm>>
        %dma_start3A_421 = arith.constant 0 : i32
        %dma_start3A_422 = tpu.memref_slice %arg7[%add3A_391, %dma_start3A_421] : memref<3072x384xf32, #tpu.memory_space<hbm>> -> memref<8x384xf32, #tpu.memory_space<hbm>>
        %dma_start3A_423 = arith.constant 0 : i32
        %dma_start3A_424 = arith.constant 0 : i32
        %dma_start3A_425 = tpu.memref_slice %arg17[%dma_start3A_423, %dma_start3A_424] : memref<16x384xf32, #tpu.memory_space<vmem>> -> memref<8x384xf32, #tpu.memory_space<vmem>>
        tpu.enqueue_dma source(%dma_start3A_425 : memref<8x384xf32, #tpu.memory_space<vmem>>) target(%dma_start3A_422 : memref<8x384xf32, #tpu.memory_space<hbm>>) target_semaphore(%arg22 : memref<!tpu.dma_semaphore, #tpu.memory_space<semaphore_mem>>)
      } else {
      }
      %add3A_409 = arith.constant 2 : i32
      %add3A_410 = arith.addi %add3A_370, %add3A_409 : i32
      %lt3A_411 = arith.constant 6 : i32
      %lt3A_412 = arith.cmpi slt, %add3A_410, %lt3A_411 : i32
      %convert_element_type3A_413 = arith.extui %lt3A_412 : i1 to i32
      %cond3A_414 = arith.constant 0 : i32
      %cond3A_415 = arith.cmpi ne, %convert_element_type3A_413, %cond3A_414 : i32
      scf.if %cond3A_415 {
        %add3A_416 = arith.constant 2 : i32
        %add3A_417 = arith.addi %add3A_370, %add3A_416 : i32
        %mul3A_418 = arith.constant 16 : i32
        %mul3A_419 = arith.muli %add3A_417, %mul3A_418 : i32
        %get3A_420 = arith.index_cast %mul3A_419 : i32 to index
        %get3A_421 = tpu.vector_load %arg8[%get3A_420] {strides = array<i32>} : memref<96xf32, #tpu.memory_space<vmem>>, vector<16xf32>,
        %get3A_422 = vector.shape_cast %get3A_421 : vector<16xf32> to vector<16xf32>
        %get3A_423 = arith.index_cast %mul3A_419 : i32 to index
        %get3A_424 = tpu.vector_load %arg9[%get3A_423] {strides = array<i32>} : memref<96xf32, #tpu.memory_space<vmem>>, vector<16xf32>,
        %get3A_425 = vector.shape_cast %get3A_424 : vector<16xf32> to vector<16xf32>
        %get3A_426 = arith.index_cast %mul3A_419 : i32 to index
        %get3A_427 = tpu.vector_load %arg10[%get3A_426] {strides = array<i32>} : memref<96xf32, #tpu.memory_space<vmem>>, vector<16xf32>,
        %get3A_428 = vector.shape_cast %get3A_427 : vector<16xf32> to vector<16xf32>
        %get3A_429 = arith.index_cast %mul3A_419 : i32 to index
        %get3A_430 = tpu.vector_load %arg11[%get3A_429] {strides = array<i32>} : memref<96xf32, #tpu.memory_space<vmem>>, vector<16xf32>,
        %get3A_431 = vector.shape_cast %get3A_430 : vector<16xf32> to vector<16xf32>
        %broadcast_in_dim3A_432 = arith.constant 0 : i32
        %broadcast_in_dim3A_433 = vector.broadcast %broadcast_in_dim3A_432 : i32 to vector<16xi32>
        %broadcast_in_dim3A_434 = arith.constant 32 : i32
        %broadcast_in_dim3A_435 = vector.broadcast %broadcast_in_dim3A_434 : i32 to vector<16xi32>
        %broadcast_in_dim3A_436 = arith.constant 32 : i32
        %broadcast_in_dim3A_437 = vector.broadcast %broadcast_in_dim3A_436 : i32 to vector<16xi32>
        %mul3A_438 = arith.constant 3.200000e+01 : f32
        %mul3A_439 = vector.broadcast %mul3A_438 : f32 to vector<16xf32>
        %mul3A_440 = arith.mulf %get3A_422, %mul3A_439 : vector<16xf32>
        %convert_element_type3A_441 = arith.fptosi %mul3A_440 : vector<16xf32> to vector<16xi32>
        %max3A_442 = arith.maxsi %broadcast_in_dim3A_433, %convert_element_type3A_441 : vector<16xi32>
        %add3A_443 = arith.constant 1 : i32
        %add3A_444 = vector.broadcast %add3A_443 : i32 to vector<16xi32>
        %add3A_445 = arith.addi %max3A_442, %add3A_444 : vector<16xi32>
        %mul3A_446 = arith.constant 3.200000e+01 : f32
        %mul3A_447 = vector.broadcast %mul3A_446 : f32 to vector<16xf32>
        %mul3A_448 = arith.mulf %get3A_428, %mul3A_447 : vector<16xf32>
        %add3A_449 = arith.constant 5.000000e-01 : f32
        %add3A_450 = vector.broadcast %add3A_449 : f32 to vector<16xf32>
        %add3A_451 = arith.addf %mul3A_448, %add3A_450 : vector<16xf32>
        %convert_element_type3A_452 = arith.fptosi %add3A_451 : vector<16xf32> to vector<16xi32>
        %convert_element_type3A_453 = arith.sitofp %convert_element_type3A_452 : vector<16xi32> to vector<16xf32>
        %sub3A_454 = arith.subf %add3A_451, %convert_element_type3A_453 : vector<16xf32>
        %gt3A_455 = arith.constant 5.000000e-01 : f32
        %gt3A_456 = vector.broadcast %gt3A_455 : f32 to vector<16xf32>
        %gt3A_457 = arith.cmpf ogt, %sub3A_454, %gt3A_456 : vector<16xf32>
        %eq3A_458 = arith.constant 5.000000e-01 : f32
        %eq3A_459 = vector.broadcast %eq3A_458 : f32 to vector<16xf32>
        %eq3A_460 = arith.cmpf oeq, %sub3A_454, %eq3A_459 : vector<16xf32>
        %and3A_461 = arith.constant 1 : i32
        %and3A_462 = vector.broadcast %and3A_461 : i32 to vector<16xi32>
        %and3A_463 = arith.andi %convert_element_type3A_452, %and3A_462 : vector<16xi32>
        %eq3A_464 = arith.constant 1 : i32
        %eq3A_465 = vector.broadcast %eq3A_464 : i32 to vector<16xi32>
        %eq3A_466 = arith.cmpi eq, %and3A_463, %eq3A_465 : vector<16xi32>
        %and3A_467 = arith.andi %eq3A_460, %eq3A_466 : vector<16xi1>
        %or3A_468 = arith.ori %gt3A_457, %and3A_467 : vector<16xi1>
        %add3A_469 = arith.constant 1 : i32
        %add3A_470 = vector.broadcast %add3A_469 : i32 to vector<16xi32>
        %add3A_471 = arith.addi %convert_element_type3A_452, %add3A_470 : vector<16xi32>
        %select_n3A_472 = arith.select %or3A_468, %add3A_471, %convert_element_type3A_452 : vector<16xi1>, vector<16xi32>
        %max3A_473 = arith.maxsi %add3A_445, %select_n3A_472 : vector<16xi32>
        %min3A_474 = arith.minsi %broadcast_in_dim3A_435, %max3A_473 : vector<16xi32>
        %mul3A_475 = arith.constant 3.200000e+01 : f32
        %mul3A_476 = vector.broadcast %mul3A_475 : f32 to vector<16xf32>
        %mul3A_477 = arith.mulf %get3A_425, %mul3A_476 : vector<16xf32>
        %convert_element_type3A_478 = arith.fptosi %mul3A_477 : vector<16xf32> to vector<16xi32>
        %max3A_479 = arith.maxsi %broadcast_in_dim3A_433, %convert_element_type3A_478 : vector<16xi32>
        %add3A_480 = arith.constant 1 : i32
        %add3A_481 = vector.broadcast %add3A_480 : i32 to vector<16xi32>
        %add3A_482 = arith.addi %max3A_479, %add3A_481 : vector<16xi32>
        %mul3A_483 = arith.constant 3.200000e+01 : f32
        %mul3A_484 = vector.broadcast %mul3A_483 : f32 to vector<16xf32>
        %mul3A_485 = arith.mulf %get3A_431, %mul3A_484 : vector<16xf32>
        %add3A_486 = arith.constant 5.000000e-01 : f32
        %add3A_487 = vector.broadcast %add3A_486 : f32 to vector<16xf32>
        %add3A_488 = arith.addf %mul3A_485, %add3A_487 : vector<16xf32>
        %convert_element_type3A_489 = arith.fptosi %add3A_488 : vector<16xf32> to vector<16xi32>
        %convert_element_type3A_490 = arith.sitofp %convert_element_type3A_489 : vector<16xi32> to vector<16xf32>
        %sub3A_491 = arith.subf %add3A_488, %convert_element_type3A_490 : vector<16xf32>
        %gt3A_492 = arith.constant 5.000000e-01 : f32
        %gt3A_493 = vector.broadcast %gt3A_492 : f32 to vector<16xf32>
        %gt3A_494 = arith.cmpf ogt, %sub3A_491, %gt3A_493 : vector<16xf32>
        %eq3A_495 = arith.constant 5.000000e-01 : f32
        %eq3A_496 = vector.broadcast %eq3A_495 : f32 to vector<16xf32>
        %eq3A_497 = arith.cmpf oeq, %sub3A_491, %eq3A_496 : vector<16xf32>
        %and3A_498 = arith.constant 1 : i32
        %and3A_499 = vector.broadcast %and3A_498 : i32 to vector<16xi32>
        %and3A_500 = arith.andi %convert_element_type3A_489, %and3A_499 : vector<16xi32>
        %eq3A_501 = arith.constant 1 : i32
        %eq3A_502 = vector.broadcast %eq3A_501 : i32 to vector<16xi32>
        %eq3A_503 = arith.cmpi eq, %and3A_500, %eq3A_502 : vector<16xi32>
        %and3A_504 = arith.andi %eq3A_497, %eq3A_503 : vector<16xi1>
        %or3A_505 = arith.ori %gt3A_494, %and3A_504 : vector<16xi1>
        %add3A_506 = arith.constant 1 : i32
        %add3A_507 = vector.broadcast %add3A_506 : i32 to vector<16xi32>
        %add3A_508 = arith.addi %convert_element_type3A_489, %add3A_507 : vector<16xi32>
        %select_n3A_509 = arith.select %or3A_505, %add3A_508, %convert_element_type3A_489 : vector<16xi1>, vector<16xi32>
        %max3A_510 = arith.maxsi %add3A_482, %select_n3A_509 : vector<16xi32>
        %min3A_511 = arith.minsi %broadcast_in_dim3A_437, %max3A_510 : vector<16xi32>
        %mul3A_512 = arith.constant 40 : i32
        %mul3A_513 = vector.broadcast %mul3A_512 : i32 to vector<16xi32>
        %mul3A_514 = arith.muli %max3A_479, %mul3A_513 : vector<16xi32>
        %add3A_515 = arith.addi %mul3A_514, %max3A_442 : vector<16xi32>
        %swap3A_516 = arith.constant 0 : index
        %swap3A_517 = tpu.vector_load %arg13[%swap3A_516] {strides = array<i32>} : memref<64xi32, #tpu.memory_space<vmem>>, vector<16xi32>,
        %swap3A_518 = vector.shape_cast %swap3A_517 : vector<16xi32> to vector<16xi32>
        %swap3A_519 = vector.shape_cast %add3A_515 : vector<16xi32> to vector<16xi32>
        tpu.vector_store %arg13[%swap3A_516], %swap3A_519 {strides = array<i32>} : memref<64xi32, #tpu.memory_space<vmem>>, vector<16xi32>,
        %mul3A_520 = arith.constant 40 : i32
        %mul3A_521 = vector.broadcast %mul3A_520 : i32 to vector<16xi32>
        %mul3A_522 = arith.muli %max3A_479, %mul3A_521 : vector<16xi32>
        %add3A_523 = arith.addi %mul3A_522, %min3A_474 : vector<16xi32>
        %swap3A_524 = arith.constant 16 : index
        %swap3A_525 = tpu.vector_load %arg13[%swap3A_524] {strides = array<i32>} : memref<64xi32, #tpu.memory_space<vmem>>, vector<16xi32>,
        %swap3A_526 = vector.shape_cast %swap3A_525 : vector<16xi32> to vector<16xi32>
        %swap3A_527 = vector.shape_cast %add3A_523 : vector<16xi32> to vector<16xi32>
        tpu.vector_store %arg13[%swap3A_524], %swap3A_527 {strides = array<i32>} : memref<64xi32, #tpu.memory_space<vmem>>, vector<16xi32>,
        %mul3A_528 = arith.constant 40 : i32
        %mul3A_529 = vector.broadcast %mul3A_528 : i32 to vector<16xi32>
        %mul3A_530 = arith.muli %min3A_511, %mul3A_529 : vector<16xi32>
        %add3A_531 = arith.addi %mul3A_530, %max3A_442 : vector<16xi32>
        %swap3A_532 = arith.constant 32 : index
        %swap3A_533 = tpu.vector_load %arg13[%swap3A_532] {strides = array<i32>} : memref<64xi32, #tpu.memory_space<vmem>>, vector<16xi32>,
        %swap3A_534 = vector.shape_cast %swap3A_533 : vector<16xi32> to vector<16xi32>
        %swap3A_535 = vector.shape_cast %add3A_531 : vector<16xi32> to vector<16xi32>
        tpu.vector_store %arg13[%swap3A_532], %swap3A_535 {strides = array<i32>} : memref<64xi32, #tpu.memory_space<vmem>>, vector<16xi32>,
        %mul3A_536 = arith.constant 40 : i32
        %mul3A_537 = vector.broadcast %mul3A_536 : i32 to vector<16xi32>
        %mul3A_538 = arith.muli %min3A_511, %mul3A_537 : vector<16xi32>
        %add3A_539 = arith.addi %mul3A_538, %min3A_474 : vector<16xi32>
        %swap3A_540 = arith.constant 48 : index
        %swap3A_541 = tpu.vector_load %arg13[%swap3A_540] {strides = array<i32>} : memref<64xi32, #tpu.memory_space<vmem>>, vector<16xi32>,
        %swap3A_542 = vector.shape_cast %swap3A_541 : vector<16xi32> to vector<16xi32>
        %swap3A_543 = vector.shape_cast %add3A_539 : vector<16xi32> to vector<16xi32>
        tpu.vector_store %arg13[%swap3A_540], %swap3A_543 {strides = array<i32>} : memref<64xi32, #tpu.memory_space<vmem>>, vector<16xi32>,
        %sub3A_544 = arith.subi %min3A_511, %max3A_479 : vector<16xi32>
        %sub3A_545 = arith.subi %min3A_474, %max3A_442 : vector<16xi32>
        %mul3A_546 = arith.muli %sub3A_544, %sub3A_545 : vector<16xi32>
        %convert_element_type3A_547 = arith.sitofp %mul3A_546 : vector<16xi32> to vector<16xf32>
        %div3A_548 = arith.constant 1.000000e+00 : f32
        %div3A_549 = vector.broadcast %div3A_548 : f32 to vector<16xf32>
        %div3A_550 = arith.divf %div3A_549, %convert_element_type3A_547 : vector<16xf32>
        %swap3A_551 = arith.index_cast %mul3A_419 : i32 to index
        %swap3A_552 = tpu.vector_load %arg18[%swap3A_551] {strides = array<i32>} : memref<96xf32, #tpu.memory_space<vmem>>, vector<16xf32>,
        %swap3A_553 = vector.shape_cast %swap3A_552 : vector<16xf32> to vector<16xf32>
        %swap3A_554 = vector.shape_cast %div3A_550 : vector<16xf32> to vector<16xf32>
        tpu.vector_store %arg18[%swap3A_551], %swap3A_554 {strides = array<i32>} : memref<96xf32, #tpu.memory_space<vmem>>, vector<16xf32>,
        %dma_start3A_555 = arith.constant 0 : i32
        %dma_start3A_556 = arith.constant 0 : i32
        %dma_start3A_557 = tpu.memref_slice %arg2[%dma_start3A_555, %dma_start3A_556] : memref<1320x384xf32, #tpu.memory_space<hbm>> -> memref<1320x384xf32, #tpu.memory_space<hbm>>
        tpu.enqueue_indirect_dma source(%dma_start3A_557 : memref<1320x384xf32, #tpu.memory_space<hbm>>) target(%arg15 : memref<64x384xf32, #tpu.memory_space<vmem>>) offsets(%arg13 : memref<64xi32, #tpu.memory_space<vmem>>) semaphore(%arg20 : memref<!tpu.dma_semaphore, #tpu.memory_space<semaphore_mem>>)
      } else {
      }
    }
    %scan3A_283 = arith.constant 3 : i32
    %add3A_284 = arith.constant 64 : i32
    %add3A_285 = arith.addi %mul3A_2, %add3A_284 : i32
    %add3A_286 = arith.constant 16 : i32
    %add3A_287 = arith.addi %add3A_285, %add3A_286 : i32
    %le3A = arith.constant 3072 : i32
    %le3A_288 = arith.cmpi sle, %add3A_287, %le3A : i32
    %lt3A = arith.constant 3072 : i32
    %lt3A_289 = arith.cmpi slt, %add3A_285, %lt3A : i32
    %add3A_290 = arith.constant 16 : i32
    %add3A_291 = arith.addi %add3A_285, %add3A_290 : i32
    %gt3A_292 = arith.constant 3072 : i32
    %gt3A_293 = arith.cmpi sgt, %add3A_291, %gt3A_292 : i32
    %and3A_294 = arith.andi %lt3A_289, %gt3A_293 : i1
    %convert_element_type3A_295 = arith.extui %le3A_288 : i1 to i32
    %cond3A = arith.constant 0 : i32
    %cond3A_296 = arith.cmpi ne, %convert_element_type3A_295, %cond3A : i32
    scf.if %cond3A_296 {
      %dma_wait3A_319 = arith.constant 0 : i32
      %dma_wait3A_320 = tpu.memref_slice %arg7[%mul3A_2, %dma_wait3A_319] : memref<3072x384xf32, #tpu.memory_space<hbm>> -> memref<16x384xf32, #tpu.memory_space<hbm>>
      %dma_wait3A_321 = arith.constant 0 : i32
      %dma_wait3A_322 = tpu.memref_slice %arg7[%mul3A_2, %dma_wait3A_321] : memref<3072x384xf32, #tpu.memory_space<hbm>> -> memref<16x384xf32, #tpu.memory_space<hbm>>
      tpu.wait_dma2 semaphore(%arg21 : memref<!tpu.dma_semaphore, #tpu.memory_space<semaphore_mem>>) src(%arg16 : memref<16x384xf32, #tpu.memory_space<vmem>>) dst(%dma_wait3A_322 : memref<16x384xf32, #tpu.memory_space<hbm>>)
    } else {
    }
    %convert_element_type3A_297 = arith.extui %and3A_294 : i1 to i32
    %cond3A_298 = arith.constant 0 : i32
    %cond3A_299 = arith.cmpi ne, %convert_element_type3A_297, %cond3A_298 : i32
    scf.if %cond3A_299 {
      %dma_wait3A_319 = arith.constant 0 : i32
      %dma_wait3A_320 = arith.constant 0 : i32
      %dma_wait3A_321 = tpu.memref_slice %arg16[%dma_wait3A_319, %dma_wait3A_320] : memref<16x384xf32, #tpu.memory_space<vmem>> -> memref<8x384xf32, #tpu.memory_space<vmem>>
      %dma_wait3A_322 = arith.constant 0 : i32
      %dma_wait3A_323 = tpu.memref_slice %arg7[%mul3A_2, %dma_wait3A_322] : memref<3072x384xf32, #tpu.memory_space<hbm>> -> memref<8x384xf32, #tpu.memory_space<hbm>>
      %dma_wait3A_324 = arith.constant 0 : i32
      %dma_wait3A_325 = tpu.memref_slice %arg7[%mul3A_2, %dma_wait3A_324] : memref<3072x384xf32, #tpu.memory_space<hbm>> -> memref<8x384xf32, #tpu.memory_space<hbm>>
      %dma_wait3A_326 = arith.constant 0 : i32
      %dma_wait3A_327 = arith.constant 0 : i32
      %dma_wait3A_328 = tpu.memref_slice %arg16[%dma_wait3A_326, %dma_wait3A_327] : memref<16x384xf32, #tpu.memory_space<vmem>> -> memref<8x384xf32, #tpu.memory_space<vmem>>
      tpu.wait_dma2 semaphore(%arg21 : memref<!tpu.dma_semaphore, #tpu.memory_space<semaphore_mem>>) src(%dma_wait3A_328 : memref<8x384xf32, #tpu.memory_space<vmem>>) dst(%dma_wait3A_325 : memref<8x384xf32, #tpu.memory_space<hbm>>)
    } else {
    }
    %add3A_300 = arith.constant 80 : i32
    %add3A_301 = arith.addi %mul3A_2, %add3A_300 : i32
    %add3A_302 = arith.constant 16 : i32
    %add3A_303 = arith.addi %add3A_301, %add3A_302 : i32
    %le3A_304 = arith.constant 3072 : i32
    %le3A_305 = arith.cmpi sle, %add3A_303, %le3A_304 : i32
    %lt3A_306 = arith.constant 3072 : i32
    %lt3A_307 = arith.cmpi slt, %add3A_301, %lt3A_306 : i32
    %add3A_308 = arith.constant 16 : i32
    %add3A_309 = arith.addi %add3A_301, %add3A_308 : i32
    %gt3A_310 = arith.constant 3072 : i32
    %gt3A_311 = arith.cmpi sgt, %add3A_309, %gt3A_310 : i32
    %and3A_312 = arith.andi %lt3A_307, %gt3A_311 : i1
    %convert_element_type3A_313 = arith.extui %le3A_305 : i1 to i32
    %cond3A_314 = arith.constant 0 : i32
    %cond3A_315 = arith.cmpi ne, %convert_element_type3A_313, %cond3A_314 : i32
    scf.if %cond3A_315 {
      %dma_wait3A_319 = arith.constant 0 : i32
      %dma_wait3A_320 = tpu.memref_slice %arg7[%mul3A_2, %dma_wait3A_319] : memref<3072x384xf32, #tpu.memory_space<hbm>> -> memref<16x384xf32, #tpu.memory_space<hbm>>
      %dma_wait3A_321 = arith.constant 0 : i32
      %dma_wait3A_322 = tpu.memref_slice %arg7[%mul3A_2, %dma_wait3A_321] : memref<3072x384xf32, #tpu.memory_space<hbm>> -> memref<16x384xf32, #tpu.memory_space<hbm>>
      tpu.wait_dma2 semaphore(%arg22 : memref<!tpu.dma_semaphore, #tpu.memory_space<semaphore_mem>>) src(%arg17 : memref<16x384xf32, #tpu.memory_space<vmem>>) dst(%dma_wait3A_322 : memref<16x384xf32, #tpu.memory_space<hbm>>)
    } else {
    }
    %convert_element_type3A_316 = arith.extui %and3A_312 : i1 to i32
    %cond3A_317 = arith.constant 0 : i32
    %cond3A_318 = arith.cmpi ne, %convert_element_type3A_316, %cond3A_317 : i32
    scf.if %cond3A_318 {
      %dma_wait3A_319 = arith.constant 0 : i32
      %dma_wait3A_320 = arith.constant 0 : i32
      %dma_wait3A_321 = tpu.memref_slice %arg17[%dma_wait3A_319, %dma_wait3A_320] : memref<16x384xf32, #tpu.memory_space<vmem>> -> memref<8x384xf32, #tpu.memory_space<vmem>>
      %dma_wait3A_322 = arith.constant 0 : i32
      %dma_wait3A_323 = tpu.memref_slice %arg7[%mul3A_2, %dma_wait3A_322] : memref<3072x384xf32, #tpu.memory_space<hbm>> -> memref<8x384xf32, #tpu.memory_space<hbm>>
      %dma_wait3A_324 = arith.constant 0 : i32
      %dma_wait3A_325 = tpu.memref_slice %arg7[%mul3A_2, %dma_wait3A_324] : memref<3072x384xf32, #tpu.memory_space<hbm>> -> memref<8x384xf32, #tpu.memory_space<hbm>>
      %dma_wait3A_326 = arith.constant 0 : i32
      %dma_wait3A_327 = arith.constant 0 : i32
      %dma_wait3A_328 = tpu.memref_slice %arg17[%dma_wait3A_326, %dma_wait3A_327] : memref<16x384xf32, #tpu.memory_space<vmem>> -> memref<8x384xf32, #tpu.memory_space<vmem>>
      tpu.wait_dma2 semaphore(%arg22 : memref<!tpu.dma_semaphore, #tpu.memory_space<semaphore_mem>>) src(%dma_wait3A_328 : memref<8x384xf32, #tpu.memory_space<vmem>>) dst(%dma_wait3A_325 : memref<8x384xf32, #tpu.memory_space<hbm>>)
    } else {
    }
    return
  }
}

module attributes {stable_mosaic.version = 14 : i64} {
  func.func @_integral_kernel(%arg0: memref<32x32x384xf32, #tpu.memory_space<vmem>>, %arg1: memref<33x40x384xf32, #tpu.memory_space<vmem>>, %arg2: memref<32x32x384xf32, #tpu.memory_space<vmem>>) attributes {dimension_semantics = [], scalar_prefetch = 0 : i64, scratch_operands = 1 : i64, tpu.core_type = #tpu.core_type<tc>} {
    %get3A = arith.constant 0 : index
    %get3A_0 = arith.constant 0 : index
    %get3A_1 = arith.constant 0 : index
    %get3A_2 = vector.load %arg0[%get3A, %get3A_0, %get3A_1] : memref<32x32x384xf32, #tpu.memory_space<vmem>>, vector<1x32x384xf32>
    %get3A_3 = vector.shape_cast %get3A_2 : vector<1x32x384xf32> to vector<32x384xf32>
    %swap3A = arith.constant 0 : index
    %swap3A_4 = arith.constant 0 : index
    %swap3A_5 = arith.constant 0 : index
    %swap3A_6 = vector.load %arg2[%swap3A, %swap3A_4, %swap3A_5] : memref<32x32x384xf32, #tpu.memory_space<vmem>>, vector<1x32x384xf32>
    %swap3A_7 = vector.shape_cast %swap3A_6 : vector<1x32x384xf32> to vector<32x384xf32>
    %swap3A_8 = vector.shape_cast %get3A_3 : vector<32x384xf32> to vector<1x32x384xf32>
    tpu.vector_store %arg2[%swap3A, %swap3A_4, %swap3A_5], %swap3A_8 {strides = array<i32>} : memref<32x32x384xf32, #tpu.memory_space<vmem>>, vector<1x32x384xf32>,
    %get3A_9 = arith.constant 1 : index
    %get3A_10 = arith.constant 0 : index
    %get3A_11 = arith.constant 0 : index
    %get3A_12 = vector.load %arg0[%get3A_9, %get3A_10, %get3A_11] : memref<32x32x384xf32, #tpu.memory_space<vmem>>, vector<1x32x384xf32>
    %get3A_13 = vector.shape_cast %get3A_12 : vector<1x32x384xf32> to vector<32x384xf32>
    %add3A = arith.addf %get3A_3, %get3A_13 : vector<32x384xf32>
    %swap3A_14 = arith.constant 1 : index
    %swap3A_15 = arith.constant 0 : index
    %swap3A_16 = arith.constant 0 : index
    %swap3A_17 = vector.load %arg2[%swap3A_14, %swap3A_15, %swap3A_16] : memref<32x32x384xf32, #tpu.memory_space<vmem>>, vector<1x32x384xf32>
    %swap3A_18 = vector.shape_cast %swap3A_17 : vector<1x32x384xf32> to vector<32x384xf32>
    %swap3A_19 = vector.shape_cast %add3A : vector<32x384xf32> to vector<1x32x384xf32>
    tpu.vector_store %arg2[%swap3A_14, %swap3A_15, %swap3A_16], %swap3A_19 {strides = array<i32>} : memref<32x32x384xf32, #tpu.memory_space<vmem>>, vector<1x32x384xf32>,
    %get3A_20 = arith.constant 2 : index
    %get3A_21 = arith.constant 0 : index
    %get3A_22 = arith.constant 0 : index
    %get3A_23 = vector.load %arg0[%get3A_20, %get3A_21, %get3A_22] : memref<32x32x384xf32, #tpu.memory_space<vmem>>, vector<1x32x384xf32>
    %get3A_24 = vector.shape_cast %get3A_23 : vector<1x32x384xf32> to vector<32x384xf32>
    %add3A_25 = arith.addf %add3A, %get3A_24 : vector<32x384xf32>
    %swap3A_26 = arith.constant 2 : index
    %swap3A_27 = arith.constant 0 : index
    %swap3A_28 = arith.constant 0 : index
    %swap3A_29 = vector.load %arg2[%swap3A_26, %swap3A_27, %swap3A_28] : memref<32x32x384xf32, #tpu.memory_space<vmem>>, vector<1x32x384xf32>
    %swap3A_30 = vector.shape_cast %swap3A_29 : vector<1x32x384xf32> to vector<32x384xf32>
    %swap3A_31 = vector.shape_cast %add3A_25 : vector<32x384xf32> to vector<1x32x384xf32>
    tpu.vector_store %arg2[%swap3A_26, %swap3A_27, %swap3A_28], %swap3A_31 {strides = array<i32>} : memref<32x32x384xf32, #tpu.memory_space<vmem>>, vector<1x32x384xf32>,
    %get3A_32 = arith.constant 3 : index
    %get3A_33 = arith.constant 0 : index
    %get3A_34 = arith.constant 0 : index
    %get3A_35 = vector.load %arg0[%get3A_32, %get3A_33, %get3A_34] : memref<32x32x384xf32, #tpu.memory_space<vmem>>, vector<1x32x384xf32>
    %get3A_36 = vector.shape_cast %get3A_35 : vector<1x32x384xf32> to vector<32x384xf32>
    %add3A_37 = arith.addf %add3A_25, %get3A_36 : vector<32x384xf32>
    %swap3A_38 = arith.constant 3 : index
    %swap3A_39 = arith.constant 0 : index
    %swap3A_40 = arith.constant 0 : index
    %swap3A_41 = vector.load %arg2[%swap3A_38, %swap3A_39, %swap3A_40] : memref<32x32x384xf32, #tpu.memory_space<vmem>>, vector<1x32x384xf32>
    %swap3A_42 = vector.shape_cast %swap3A_41 : vector<1x32x384xf32> to vector<32x384xf32>
    %swap3A_43 = vector.shape_cast %add3A_37 : vector<32x384xf32> to vector<1x32x384xf32>
    tpu.vector_store %arg2[%swap3A_38, %swap3A_39, %swap3A_40], %swap3A_43 {strides = array<i32>} : memref<32x32x384xf32, #tpu.memory_space<vmem>>, vector<1x32x384xf32>,
    %get3A_44 = arith.constant 4 : index
    %get3A_45 = arith.constant 0 : index
    %get3A_46 = arith.constant 0 : index
    %get3A_47 = vector.load %arg0[%get3A_44, %get3A_45, %get3A_46] : memref<32x32x384xf32, #tpu.memory_space<vmem>>, vector<1x32x384xf32>
    %get3A_48 = vector.shape_cast %get3A_47 : vector<1x32x384xf32> to vector<32x384xf32>
    %add3A_49 = arith.addf %add3A_37, %get3A_48 : vector<32x384xf32>
    %swap3A_50 = arith.constant 4 : index
    %swap3A_51 = arith.constant 0 : index
    %swap3A_52 = arith.constant 0 : index
    %swap3A_53 = vector.load %arg2[%swap3A_50, %swap3A_51, %swap3A_52] : memref<32x32x384xf32, #tpu.memory_space<vmem>>, vector<1x32x384xf32>
    %swap3A_54 = vector.shape_cast %swap3A_53 : vector<1x32x384xf32> to vector<32x384xf32>
    %swap3A_55 = vector.shape_cast %add3A_49 : vector<32x384xf32> to vector<1x32x384xf32>
    tpu.vector_store %arg2[%swap3A_50, %swap3A_51, %swap3A_52], %swap3A_55 {strides = array<i32>} : memref<32x32x384xf32, #tpu.memory_space<vmem>>, vector<1x32x384xf32>,
    %get3A_56 = arith.constant 5 : index
    %get3A_57 = arith.constant 0 : index
    %get3A_58 = arith.constant 0 : index
    %get3A_59 = vector.load %arg0[%get3A_56, %get3A_57, %get3A_58] : memref<32x32x384xf32, #tpu.memory_space<vmem>>, vector<1x32x384xf32>
    %get3A_60 = vector.shape_cast %get3A_59 : vector<1x32x384xf32> to vector<32x384xf32>
    %add3A_61 = arith.addf %add3A_49, %get3A_60 : vector<32x384xf32>
    %swap3A_62 = arith.constant 5 : index
    %swap3A_63 = arith.constant 0 : index
    %swap3A_64 = arith.constant 0 : index
    %swap3A_65 = vector.load %arg2[%swap3A_62, %swap3A_63, %swap3A_64] : memref<32x32x384xf32, #tpu.memory_space<vmem>>, vector<1x32x384xf32>
    %swap3A_66 = vector.shape_cast %swap3A_65 : vector<1x32x384xf32> to vector<32x384xf32>
    %swap3A_67 = vector.shape_cast %add3A_61 : vector<32x384xf32> to vector<1x32x384xf32>
    tpu.vector_store %arg2[%swap3A_62, %swap3A_63, %swap3A_64], %swap3A_67 {strides = array<i32>} : memref<32x32x384xf32, #tpu.memory_space<vmem>>, vector<1x32x384xf32>,
    %get3A_68 = arith.constant 6 : index
    %get3A_69 = arith.constant 0 : index
    %get3A_70 = arith.constant 0 : index
    %get3A_71 = vector.load %arg0[%get3A_68, %get3A_69, %get3A_70] : memref<32x32x384xf32, #tpu.memory_space<vmem>>, vector<1x32x384xf32>
    %get3A_72 = vector.shape_cast %get3A_71 : vector<1x32x384xf32> to vector<32x384xf32>
    %add3A_73 = arith.addf %add3A_61, %get3A_72 : vector<32x384xf32>
    %swap3A_74 = arith.constant 6 : index
    %swap3A_75 = arith.constant 0 : index
    %swap3A_76 = arith.constant 0 : index
    %swap3A_77 = vector.load %arg2[%swap3A_74, %swap3A_75, %swap3A_76] : memref<32x32x384xf32, #tpu.memory_space<vmem>>, vector<1x32x384xf32>
    %swap3A_78 = vector.shape_cast %swap3A_77 : vector<1x32x384xf32> to vector<32x384xf32>
    %swap3A_79 = vector.shape_cast %add3A_73 : vector<32x384xf32> to vector<1x32x384xf32>
    tpu.vector_store %arg2[%swap3A_74, %swap3A_75, %swap3A_76], %swap3A_79 {strides = array<i32>} : memref<32x32x384xf32, #tpu.memory_space<vmem>>, vector<1x32x384xf32>,
    %get3A_80 = arith.constant 7 : index
    %get3A_81 = arith.constant 0 : index
    %get3A_82 = arith.constant 0 : index
    %get3A_83 = vector.load %arg0[%get3A_80, %get3A_81, %get3A_82] : memref<32x32x384xf32, #tpu.memory_space<vmem>>, vector<1x32x384xf32>
    %get3A_84 = vector.shape_cast %get3A_83 : vector<1x32x384xf32> to vector<32x384xf32>
    %add3A_85 = arith.addf %add3A_73, %get3A_84 : vector<32x384xf32>
    %swap3A_86 = arith.constant 7 : index
    %swap3A_87 = arith.constant 0 : index
    %swap3A_88 = arith.constant 0 : index
    %swap3A_89 = vector.load %arg2[%swap3A_86, %swap3A_87, %swap3A_88] : memref<32x32x384xf32, #tpu.memory_space<vmem>>, vector<1x32x384xf32>
    %swap3A_90 = vector.shape_cast %swap3A_89 : vector<1x32x384xf32> to vector<32x384xf32>
    %swap3A_91 = vector.shape_cast %add3A_85 : vector<32x384xf32> to vector<1x32x384xf32>
    tpu.vector_store %arg2[%swap3A_86, %swap3A_87, %swap3A_88], %swap3A_91 {strides = array<i32>} : memref<32x32x384xf32, #tpu.memory_space<vmem>>, vector<1x32x384xf32>,
    %get3A_92 = arith.constant 8 : index
    %get3A_93 = arith.constant 0 : index
    %get3A_94 = arith.constant 0 : index
    %get3A_95 = vector.load %arg0[%get3A_92, %get3A_93, %get3A_94] : memref<32x32x384xf32, #tpu.memory_space<vmem>>, vector<1x32x384xf32>
    %get3A_96 = vector.shape_cast %get3A_95 : vector<1x32x384xf32> to vector<32x384xf32>
    %add3A_97 = arith.addf %add3A_85, %get3A_96 : vector<32x384xf32>
    %swap3A_98 = arith.constant 8 : index
    %swap3A_99 = arith.constant 0 : index
    %swap3A_100 = arith.constant 0 : index
    %swap3A_101 = vector.load %arg2[%swap3A_98, %swap3A_99, %swap3A_100] : memref<32x32x384xf32, #tpu.memory_space<vmem>>, vector<1x32x384xf32>
    %swap3A_102 = vector.shape_cast %swap3A_101 : vector<1x32x384xf32> to vector<32x384xf32>
    %swap3A_103 = vector.shape_cast %add3A_97 : vector<32x384xf32> to vector<1x32x384xf32>
    tpu.vector_store %arg2[%swap3A_98, %swap3A_99, %swap3A_100], %swap3A_103 {strides = array<i32>} : memref<32x32x384xf32, #tpu.memory_space<vmem>>, vector<1x32x384xf32>,
    %get3A_104 = arith.constant 9 : index
    %get3A_105 = arith.constant 0 : index
    %get3A_106 = arith.constant 0 : index
    %get3A_107 = vector.load %arg0[%get3A_104, %get3A_105, %get3A_106] : memref<32x32x384xf32, #tpu.memory_space<vmem>>, vector<1x32x384xf32>
    %get3A_108 = vector.shape_cast %get3A_107 : vector<1x32x384xf32> to vector<32x384xf32>
    %add3A_109 = arith.addf %add3A_97, %get3A_108 : vector<32x384xf32>
    %swap3A_110 = arith.constant 9 : index
    %swap3A_111 = arith.constant 0 : index
    %swap3A_112 = arith.constant 0 : index
    %swap3A_113 = vector.load %arg2[%swap3A_110, %swap3A_111, %swap3A_112] : memref<32x32x384xf32, #tpu.memory_space<vmem>>, vector<1x32x384xf32>
    %swap3A_114 = vector.shape_cast %swap3A_113 : vector<1x32x384xf32> to vector<32x384xf32>
    %swap3A_115 = vector.shape_cast %add3A_109 : vector<32x384xf32> to vector<1x32x384xf32>
    tpu.vector_store %arg2[%swap3A_110, %swap3A_111, %swap3A_112], %swap3A_115 {strides = array<i32>} : memref<32x32x384xf32, #tpu.memory_space<vmem>>, vector<1x32x384xf32>,
    %get3A_116 = arith.constant 10 : index
    %get3A_117 = arith.constant 0 : index
    %get3A_118 = arith.constant 0 : index
    %get3A_119 = vector.load %arg0[%get3A_116, %get3A_117, %get3A_118] : memref<32x32x384xf32, #tpu.memory_space<vmem>>, vector<1x32x384xf32>
    %get3A_120 = vector.shape_cast %get3A_119 : vector<1x32x384xf32> to vector<32x384xf32>
    %add3A_121 = arith.addf %add3A_109, %get3A_120 : vector<32x384xf32>
    %swap3A_122 = arith.constant 10 : index
    %swap3A_123 = arith.constant 0 : index
    %swap3A_124 = arith.constant 0 : index
    %swap3A_125 = vector.load %arg2[%swap3A_122, %swap3A_123, %swap3A_124] : memref<32x32x384xf32, #tpu.memory_space<vmem>>, vector<1x32x384xf32>
    %swap3A_126 = vector.shape_cast %swap3A_125 : vector<1x32x384xf32> to vector<32x384xf32>
    %swap3A_127 = vector.shape_cast %add3A_121 : vector<32x384xf32> to vector<1x32x384xf32>
    tpu.vector_store %arg2[%swap3A_122, %swap3A_123, %swap3A_124], %swap3A_127 {strides = array<i32>} : memref<32x32x384xf32, #tpu.memory_space<vmem>>, vector<1x32x384xf32>,
    %get3A_128 = arith.constant 11 : index
    %get3A_129 = arith.constant 0 : index
    %get3A_130 = arith.constant 0 : index
    %get3A_131 = vector.load %arg0[%get3A_128, %get3A_129, %get3A_130] : memref<32x32x384xf32, #tpu.memory_space<vmem>>, vector<1x32x384xf32>
    %get3A_132 = vector.shape_cast %get3A_131 : vector<1x32x384xf32> to vector<32x384xf32>
    %add3A_133 = arith.addf %add3A_121, %get3A_132 : vector<32x384xf32>
    %swap3A_134 = arith.constant 11 : index
    %swap3A_135 = arith.constant 0 : index
    %swap3A_136 = arith.constant 0 : index
    %swap3A_137 = vector.load %arg2[%swap3A_134, %swap3A_135, %swap3A_136] : memref<32x32x384xf32, #tpu.memory_space<vmem>>, vector<1x32x384xf32>
    %swap3A_138 = vector.shape_cast %swap3A_137 : vector<1x32x384xf32> to vector<32x384xf32>
    %swap3A_139 = vector.shape_cast %add3A_133 : vector<32x384xf32> to vector<1x32x384xf32>
    tpu.vector_store %arg2[%swap3A_134, %swap3A_135, %swap3A_136], %swap3A_139 {strides = array<i32>} : memref<32x32x384xf32, #tpu.memory_space<vmem>>, vector<1x32x384xf32>,
    %get3A_140 = arith.constant 12 : index
    %get3A_141 = arith.constant 0 : index
    %get3A_142 = arith.constant 0 : index
    %get3A_143 = vector.load %arg0[%get3A_140, %get3A_141, %get3A_142] : memref<32x32x384xf32, #tpu.memory_space<vmem>>, vector<1x32x384xf32>
    %get3A_144 = vector.shape_cast %get3A_143 : vector<1x32x384xf32> to vector<32x384xf32>
    %add3A_145 = arith.addf %add3A_133, %get3A_144 : vector<32x384xf32>
    %swap3A_146 = arith.constant 12 : index
    %swap3A_147 = arith.constant 0 : index
    %swap3A_148 = arith.constant 0 : index
    %swap3A_149 = vector.load %arg2[%swap3A_146, %swap3A_147, %swap3A_148] : memref<32x32x384xf32, #tpu.memory_space<vmem>>, vector<1x32x384xf32>
    %swap3A_150 = vector.shape_cast %swap3A_149 : vector<1x32x384xf32> to vector<32x384xf32>
    %swap3A_151 = vector.shape_cast %add3A_145 : vector<32x384xf32> to vector<1x32x384xf32>
    tpu.vector_store %arg2[%swap3A_146, %swap3A_147, %swap3A_148], %swap3A_151 {strides = array<i32>} : memref<32x32x384xf32, #tpu.memory_space<vmem>>, vector<1x32x384xf32>,
    %get3A_152 = arith.constant 13 : index
    %get3A_153 = arith.constant 0 : index
    %get3A_154 = arith.constant 0 : index
    %get3A_155 = vector.load %arg0[%get3A_152, %get3A_153, %get3A_154] : memref<32x32x384xf32, #tpu.memory_space<vmem>>, vector<1x32x384xf32>
    %get3A_156 = vector.shape_cast %get3A_155 : vector<1x32x384xf32> to vector<32x384xf32>
    %add3A_157 = arith.addf %add3A_145, %get3A_156 : vector<32x384xf32>
    %swap3A_158 = arith.constant 13 : index
    %swap3A_159 = arith.constant 0 : index
    %swap3A_160 = arith.constant 0 : index
    %swap3A_161 = vector.load %arg2[%swap3A_158, %swap3A_159, %swap3A_160] : memref<32x32x384xf32, #tpu.memory_space<vmem>>, vector<1x32x384xf32>
    %swap3A_162 = vector.shape_cast %swap3A_161 : vector<1x32x384xf32> to vector<32x384xf32>
    %swap3A_163 = vector.shape_cast %add3A_157 : vector<32x384xf32> to vector<1x32x384xf32>
    tpu.vector_store %arg2[%swap3A_158, %swap3A_159, %swap3A_160], %swap3A_163 {strides = array<i32>} : memref<32x32x384xf32, #tpu.memory_space<vmem>>, vector<1x32x384xf32>,
    %get3A_164 = arith.constant 14 : index
    %get3A_165 = arith.constant 0 : index
    %get3A_166 = arith.constant 0 : index
    %get3A_167 = vector.load %arg0[%get3A_164, %get3A_165, %get3A_166] : memref<32x32x384xf32, #tpu.memory_space<vmem>>, vector<1x32x384xf32>
    %get3A_168 = vector.shape_cast %get3A_167 : vector<1x32x384xf32> to vector<32x384xf32>
    %add3A_169 = arith.addf %add3A_157, %get3A_168 : vector<32x384xf32>
    %swap3A_170 = arith.constant 14 : index
    %swap3A_171 = arith.constant 0 : index
    %swap3A_172 = arith.constant 0 : index
    %swap3A_173 = vector.load %arg2[%swap3A_170, %swap3A_171, %swap3A_172] : memref<32x32x384xf32, #tpu.memory_space<vmem>>, vector<1x32x384xf32>
    %swap3A_174 = vector.shape_cast %swap3A_173 : vector<1x32x384xf32> to vector<32x384xf32>
    %swap3A_175 = vector.shape_cast %add3A_169 : vector<32x384xf32> to vector<1x32x384xf32>
    tpu.vector_store %arg2[%swap3A_170, %swap3A_171, %swap3A_172], %swap3A_175 {strides = array<i32>} : memref<32x32x384xf32, #tpu.memory_space<vmem>>, vector<1x32x384xf32>,
    %get3A_176 = arith.constant 15 : index
    %get3A_177 = arith.constant 0 : index
    %get3A_178 = arith.constant 0 : index
    %get3A_179 = vector.load %arg0[%get3A_176, %get3A_177, %get3A_178] : memref<32x32x384xf32, #tpu.memory_space<vmem>>, vector<1x32x384xf32>
    %get3A_180 = vector.shape_cast %get3A_179 : vector<1x32x384xf32> to vector<32x384xf32>
    %add3A_181 = arith.addf %add3A_169, %get3A_180 : vector<32x384xf32>
    %swap3A_182 = arith.constant 15 : index
    %swap3A_183 = arith.constant 0 : index
    %swap3A_184 = arith.constant 0 : index
    %swap3A_185 = vector.load %arg2[%swap3A_182, %swap3A_183, %swap3A_184] : memref<32x32x384xf32, #tpu.memory_space<vmem>>, vector<1x32x384xf32>
    %swap3A_186 = vector.shape_cast %swap3A_185 : vector<1x32x384xf32> to vector<32x384xf32>
    %swap3A_187 = vector.shape_cast %add3A_181 : vector<32x384xf32> to vector<1x32x384xf32>
    tpu.vector_store %arg2[%swap3A_182, %swap3A_183, %swap3A_184], %swap3A_187 {strides = array<i32>} : memref<32x32x384xf32, #tpu.memory_space<vmem>>, vector<1x32x384xf32>,
    %get3A_188 = arith.constant 16 : index
    %get3A_189 = arith.constant 0 : index
    %get3A_190 = arith.constant 0 : index
    %get3A_191 = vector.load %arg0[%get3A_188, %get3A_189, %get3A_190] : memref<32x32x384xf32, #tpu.memory_space<vmem>>, vector<1x32x384xf32>
    %get3A_192 = vector.shape_cast %get3A_191 : vector<1x32x384xf32> to vector<32x384xf32>
    %add3A_193 = arith.addf %add3A_181, %get3A_192 : vector<32x384xf32>
    %swap3A_194 = arith.constant 16 : index
    %swap3A_195 = arith.constant 0 : index
    %swap3A_196 = arith.constant 0 : index
    %swap3A_197 = vector.load %arg2[%swap3A_194, %swap3A_195, %swap3A_196] : memref<32x32x384xf32, #tpu.memory_space<vmem>>, vector<1x32x384xf32>
    %swap3A_198 = vector.shape_cast %swap3A_197 : vector<1x32x384xf32> to vector<32x384xf32>
    %swap3A_199 = vector.shape_cast %add3A_193 : vector<32x384xf32> to vector<1x32x384xf32>
    tpu.vector_store %arg2[%swap3A_194, %swap3A_195, %swap3A_196], %swap3A_199 {strides = array<i32>} : memref<32x32x384xf32, #tpu.memory_space<vmem>>, vector<1x32x384xf32>,
    %get3A_200 = arith.constant 17 : index
    %get3A_201 = arith.constant 0 : index
    %get3A_202 = arith.constant 0 : index
    %get3A_203 = vector.load %arg0[%get3A_200, %get3A_201, %get3A_202] : memref<32x32x384xf32, #tpu.memory_space<vmem>>, vector<1x32x384xf32>
    %get3A_204 = vector.shape_cast %get3A_203 : vector<1x32x384xf32> to vector<32x384xf32>
    %add3A_205 = arith.addf %add3A_193, %get3A_204 : vector<32x384xf32>
    %swap3A_206 = arith.constant 17 : index
    %swap3A_207 = arith.constant 0 : index
    %swap3A_208 = arith.constant 0 : index
    %swap3A_209 = vector.load %arg2[%swap3A_206, %swap3A_207, %swap3A_208] : memref<32x32x384xf32, #tpu.memory_space<vmem>>, vector<1x32x384xf32>
    %swap3A_210 = vector.shape_cast %swap3A_209 : vector<1x32x384xf32> to vector<32x384xf32>
    %swap3A_211 = vector.shape_cast %add3A_205 : vector<32x384xf32> to vector<1x32x384xf32>
    tpu.vector_store %arg2[%swap3A_206, %swap3A_207, %swap3A_208], %swap3A_211 {strides = array<i32>} : memref<32x32x384xf32, #tpu.memory_space<vmem>>, vector<1x32x384xf32>,
    %get3A_212 = arith.constant 18 : index
    %get3A_213 = arith.constant 0 : index
    %get3A_214 = arith.constant 0 : index
    %get3A_215 = vector.load %arg0[%get3A_212, %get3A_213, %get3A_214] : memref<32x32x384xf32, #tpu.memory_space<vmem>>, vector<1x32x384xf32>
    %get3A_216 = vector.shape_cast %get3A_215 : vector<1x32x384xf32> to vector<32x384xf32>
    %add3A_217 = arith.addf %add3A_205, %get3A_216 : vector<32x384xf32>
    %swap3A_218 = arith.constant 18 : index
    %swap3A_219 = arith.constant 0 : index
    %swap3A_220 = arith.constant 0 : index
    %swap3A_221 = vector.load %arg2[%swap3A_218, %swap3A_219, %swap3A_220] : memref<32x32x384xf32, #tpu.memory_space<vmem>>, vector<1x32x384xf32>
    %swap3A_222 = vector.shape_cast %swap3A_221 : vector<1x32x384xf32> to vector<32x384xf32>
    %swap3A_223 = vector.shape_cast %add3A_217 : vector<32x384xf32> to vector<1x32x384xf32>
    tpu.vector_store %arg2[%swap3A_218, %swap3A_219, %swap3A_220], %swap3A_223 {strides = array<i32>} : memref<32x32x384xf32, #tpu.memory_space<vmem>>, vector<1x32x384xf32>,
    %get3A_224 = arith.constant 19 : index
    %get3A_225 = arith.constant 0 : index
    %get3A_226 = arith.constant 0 : index
    %get3A_227 = vector.load %arg0[%get3A_224, %get3A_225, %get3A_226] : memref<32x32x384xf32, #tpu.memory_space<vmem>>, vector<1x32x384xf32>
    %get3A_228 = vector.shape_cast %get3A_227 : vector<1x32x384xf32> to vector<32x384xf32>
    %add3A_229 = arith.addf %add3A_217, %get3A_228 : vector<32x384xf32>
    %swap3A_230 = arith.constant 19 : index
    %swap3A_231 = arith.constant 0 : index
    %swap3A_232 = arith.constant 0 : index
    %swap3A_233 = vector.load %arg2[%swap3A_230, %swap3A_231, %swap3A_232] : memref<32x32x384xf32, #tpu.memory_space<vmem>>, vector<1x32x384xf32>
    %swap3A_234 = vector.shape_cast %swap3A_233 : vector<1x32x384xf32> to vector<32x384xf32>
    %swap3A_235 = vector.shape_cast %add3A_229 : vector<32x384xf32> to vector<1x32x384xf32>
    tpu.vector_store %arg2[%swap3A_230, %swap3A_231, %swap3A_232], %swap3A_235 {strides = array<i32>} : memref<32x32x384xf32, #tpu.memory_space<vmem>>, vector<1x32x384xf32>,
    %get3A_236 = arith.constant 20 : index
    %get3A_237 = arith.constant 0 : index
    %get3A_238 = arith.constant 0 : index
    %get3A_239 = vector.load %arg0[%get3A_236, %get3A_237, %get3A_238] : memref<32x32x384xf32, #tpu.memory_space<vmem>>, vector<1x32x384xf32>
    %get3A_240 = vector.shape_cast %get3A_239 : vector<1x32x384xf32> to vector<32x384xf32>
    %add3A_241 = arith.addf %add3A_229, %get3A_240 : vector<32x384xf32>
    %swap3A_242 = arith.constant 20 : index
    %swap3A_243 = arith.constant 0 : index
    %swap3A_244 = arith.constant 0 : index
    %swap3A_245 = vector.load %arg2[%swap3A_242, %swap3A_243, %swap3A_244] : memref<32x32x384xf32, #tpu.memory_space<vmem>>, vector<1x32x384xf32>
    %swap3A_246 = vector.shape_cast %swap3A_245 : vector<1x32x384xf32> to vector<32x384xf32>
    %swap3A_247 = vector.shape_cast %add3A_241 : vector<32x384xf32> to vector<1x32x384xf32>
    tpu.vector_store %arg2[%swap3A_242, %swap3A_243, %swap3A_244], %swap3A_247 {strides = array<i32>} : memref<32x32x384xf32, #tpu.memory_space<vmem>>, vector<1x32x384xf32>,
    %get3A_248 = arith.constant 21 : index
    %get3A_249 = arith.constant 0 : index
    %get3A_250 = arith.constant 0 : index
    %get3A_251 = vector.load %arg0[%get3A_248, %get3A_249, %get3A_250] : memref<32x32x384xf32, #tpu.memory_space<vmem>>, vector<1x32x384xf32>
    %get3A_252 = vector.shape_cast %get3A_251 : vector<1x32x384xf32> to vector<32x384xf32>
    %add3A_253 = arith.addf %add3A_241, %get3A_252 : vector<32x384xf32>
    %swap3A_254 = arith.constant 21 : index
    %swap3A_255 = arith.constant 0 : index
    %swap3A_256 = arith.constant 0 : index
    %swap3A_257 = vector.load %arg2[%swap3A_254, %swap3A_255, %swap3A_256] : memref<32x32x384xf32, #tpu.memory_space<vmem>>, vector<1x32x384xf32>
    %swap3A_258 = vector.shape_cast %swap3A_257 : vector<1x32x384xf32> to vector<32x384xf32>
    %swap3A_259 = vector.shape_cast %add3A_253 : vector<32x384xf32> to vector<1x32x384xf32>
    tpu.vector_store %arg2[%swap3A_254, %swap3A_255, %swap3A_256], %swap3A_259 {strides = array<i32>} : memref<32x32x384xf32, #tpu.memory_space<vmem>>, vector<1x32x384xf32>,
    %get3A_260 = arith.constant 22 : index
    %get3A_261 = arith.constant 0 : index
    %get3A_262 = arith.constant 0 : index
    %get3A_263 = vector.load %arg0[%get3A_260, %get3A_261, %get3A_262] : memref<32x32x384xf32, #tpu.memory_space<vmem>>, vector<1x32x384xf32>
    %get3A_264 = vector.shape_cast %get3A_263 : vector<1x32x384xf32> to vector<32x384xf32>
    %add3A_265 = arith.addf %add3A_253, %get3A_264 : vector<32x384xf32>
    %swap3A_266 = arith.constant 22 : index
    %swap3A_267 = arith.constant 0 : index
    %swap3A_268 = arith.constant 0 : index
    %swap3A_269 = vector.load %arg2[%swap3A_266, %swap3A_267, %swap3A_268] : memref<32x32x384xf32, #tpu.memory_space<vmem>>, vector<1x32x384xf32>
    %swap3A_270 = vector.shape_cast %swap3A_269 : vector<1x32x384xf32> to vector<32x384xf32>
    %swap3A_271 = vector.shape_cast %add3A_265 : vector<32x384xf32> to vector<1x32x384xf32>
    tpu.vector_store %arg2[%swap3A_266, %swap3A_267, %swap3A_268], %swap3A_271 {strides = array<i32>} : memref<32x32x384xf32, #tpu.memory_space<vmem>>, vector<1x32x384xf32>,
    %get3A_272 = arith.constant 23 : index
    %get3A_273 = arith.constant 0 : index
    %get3A_274 = arith.constant 0 : index
    %get3A_275 = vector.load %arg0[%get3A_272, %get3A_273, %get3A_274] : memref<32x32x384xf32, #tpu.memory_space<vmem>>, vector<1x32x384xf32>
    %get3A_276 = vector.shape_cast %get3A_275 : vector<1x32x384xf32> to vector<32x384xf32>
    %add3A_277 = arith.addf %add3A_265, %get3A_276 : vector<32x384xf32>
    %swap3A_278 = arith.constant 23 : index
    %swap3A_279 = arith.constant 0 : index
    %swap3A_280 = arith.constant 0 : index
    %swap3A_281 = vector.load %arg2[%swap3A_278, %swap3A_279, %swap3A_280] : memref<32x32x384xf32, #tpu.memory_space<vmem>>, vector<1x32x384xf32>
    %swap3A_282 = vector.shape_cast %swap3A_281 : vector<1x32x384xf32> to vector<32x384xf32>
    %swap3A_283 = vector.shape_cast %add3A_277 : vector<32x384xf32> to vector<1x32x384xf32>
    tpu.vector_store %arg2[%swap3A_278, %swap3A_279, %swap3A_280], %swap3A_283 {strides = array<i32>} : memref<32x32x384xf32, #tpu.memory_space<vmem>>, vector<1x32x384xf32>,
    %get3A_284 = arith.constant 24 : index
    %get3A_285 = arith.constant 0 : index
    %get3A_286 = arith.constant 0 : index
    %get3A_287 = vector.load %arg0[%get3A_284, %get3A_285, %get3A_286] : memref<32x32x384xf32, #tpu.memory_space<vmem>>, vector<1x32x384xf32>
    %get3A_288 = vector.shape_cast %get3A_287 : vector<1x32x384xf32> to vector<32x384xf32>
    %add3A_289 = arith.addf %add3A_277, %get3A_288 : vector<32x384xf32>
    %swap3A_290 = arith.constant 24 : index
    %swap3A_291 = arith.constant 0 : index
    %swap3A_292 = arith.constant 0 : index
    %swap3A_293 = vector.load %arg2[%swap3A_290, %swap3A_291, %swap3A_292] : memref<32x32x384xf32, #tpu.memory_space<vmem>>, vector<1x32x384xf32>
    %swap3A_294 = vector.shape_cast %swap3A_293 : vector<1x32x384xf32> to vector<32x384xf32>
    %swap3A_295 = vector.shape_cast %add3A_289 : vector<32x384xf32> to vector<1x32x384xf32>
    tpu.vector_store %arg2[%swap3A_290, %swap3A_291, %swap3A_292], %swap3A_295 {strides = array<i32>} : memref<32x32x384xf32, #tpu.memory_space<vmem>>, vector<1x32x384xf32>,
    %get3A_296 = arith.constant 25 : index
    %get3A_297 = arith.constant 0 : index
    %get3A_298 = arith.constant 0 : index
    %get3A_299 = vector.load %arg0[%get3A_296, %get3A_297, %get3A_298] : memref<32x32x384xf32, #tpu.memory_space<vmem>>, vector<1x32x384xf32>
    %get3A_300 = vector.shape_cast %get3A_299 : vector<1x32x384xf32> to vector<32x384xf32>
    %add3A_301 = arith.addf %add3A_289, %get3A_300 : vector<32x384xf32>
    %swap3A_302 = arith.constant 25 : index
    %swap3A_303 = arith.constant 0 : index
    %swap3A_304 = arith.constant 0 : index
    %swap3A_305 = vector.load %arg2[%swap3A_302, %swap3A_303, %swap3A_304] : memref<32x32x384xf32, #tpu.memory_space<vmem>>, vector<1x32x384xf32>
    %swap3A_306 = vector.shape_cast %swap3A_305 : vector<1x32x384xf32> to vector<32x384xf32>
    %swap3A_307 = vector.shape_cast %add3A_301 : vector<32x384xf32> to vector<1x32x384xf32>
    tpu.vector_store %arg2[%swap3A_302, %swap3A_303, %swap3A_304], %swap3A_307 {strides = array<i32>} : memref<32x32x384xf32, #tpu.memory_space<vmem>>, vector<1x32x384xf32>,
    %get3A_308 = arith.constant 26 : index
    %get3A_309 = arith.constant 0 : index
    %get3A_310 = arith.constant 0 : index
    %get3A_311 = vector.load %arg0[%get3A_308, %get3A_309, %get3A_310] : memref<32x32x384xf32, #tpu.memory_space<vmem>>, vector<1x32x384xf32>
    %get3A_312 = vector.shape_cast %get3A_311 : vector<1x32x384xf32> to vector<32x384xf32>
    %add3A_313 = arith.addf %add3A_301, %get3A_312 : vector<32x384xf32>
    %swap3A_314 = arith.constant 26 : index
    %swap3A_315 = arith.constant 0 : index
    %swap3A_316 = arith.constant 0 : index
    %swap3A_317 = vector.load %arg2[%swap3A_314, %swap3A_315, %swap3A_316] : memref<32x32x384xf32, #tpu.memory_space<vmem>>, vector<1x32x384xf32>
    %swap3A_318 = vector.shape_cast %swap3A_317 : vector<1x32x384xf32> to vector<32x384xf32>
    %swap3A_319 = vector.shape_cast %add3A_313 : vector<32x384xf32> to vector<1x32x384xf32>
    tpu.vector_store %arg2[%swap3A_314, %swap3A_315, %swap3A_316], %swap3A_319 {strides = array<i32>} : memref<32x32x384xf32, #tpu.memory_space<vmem>>, vector<1x32x384xf32>,
    %get3A_320 = arith.constant 27 : index
    %get3A_321 = arith.constant 0 : index
    %get3A_322 = arith.constant 0 : index
    %get3A_323 = vector.load %arg0[%get3A_320, %get3A_321, %get3A_322] : memref<32x32x384xf32, #tpu.memory_space<vmem>>, vector<1x32x384xf32>
    %get3A_324 = vector.shape_cast %get3A_323 : vector<1x32x384xf32> to vector<32x384xf32>
    %add3A_325 = arith.addf %add3A_313, %get3A_324 : vector<32x384xf32>
    %swap3A_326 = arith.constant 27 : index
    %swap3A_327 = arith.constant 0 : index
    %swap3A_328 = arith.constant 0 : index
    %swap3A_329 = vector.load %arg2[%swap3A_326, %swap3A_327, %swap3A_328] : memref<32x32x384xf32, #tpu.memory_space<vmem>>, vector<1x32x384xf32>
    %swap3A_330 = vector.shape_cast %swap3A_329 : vector<1x32x384xf32> to vector<32x384xf32>
    %swap3A_331 = vector.shape_cast %add3A_325 : vector<32x384xf32> to vector<1x32x384xf32>
    tpu.vector_store %arg2[%swap3A_326, %swap3A_327, %swap3A_328], %swap3A_331 {strides = array<i32>} : memref<32x32x384xf32, #tpu.memory_space<vmem>>, vector<1x32x384xf32>,
    %get3A_332 = arith.constant 28 : index
    %get3A_333 = arith.constant 0 : index
    %get3A_334 = arith.constant 0 : index
    %get3A_335 = vector.load %arg0[%get3A_332, %get3A_333, %get3A_334] : memref<32x32x384xf32, #tpu.memory_space<vmem>>, vector<1x32x384xf32>
    %get3A_336 = vector.shape_cast %get3A_335 : vector<1x32x384xf32> to vector<32x384xf32>
    %add3A_337 = arith.addf %add3A_325, %get3A_336 : vector<32x384xf32>
    %swap3A_338 = arith.constant 28 : index
    %swap3A_339 = arith.constant 0 : index
    %swap3A_340 = arith.constant 0 : index
    %swap3A_341 = vector.load %arg2[%swap3A_338, %swap3A_339, %swap3A_340] : memref<32x32x384xf32, #tpu.memory_space<vmem>>, vector<1x32x384xf32>
    %swap3A_342 = vector.shape_cast %swap3A_341 : vector<1x32x384xf32> to vector<32x384xf32>
    %swap3A_343 = vector.shape_cast %add3A_337 : vector<32x384xf32> to vector<1x32x384xf32>
    tpu.vector_store %arg2[%swap3A_338, %swap3A_339, %swap3A_340], %swap3A_343 {strides = array<i32>} : memref<32x32x384xf32, #tpu.memory_space<vmem>>, vector<1x32x384xf32>,
    %get3A_344 = arith.constant 29 : index
    %get3A_345 = arith.constant 0 : index
    %get3A_346 = arith.constant 0 : index
    %get3A_347 = vector.load %arg0[%get3A_344, %get3A_345, %get3A_346] : memref<32x32x384xf32, #tpu.memory_space<vmem>>, vector<1x32x384xf32>
    %get3A_348 = vector.shape_cast %get3A_347 : vector<1x32x384xf32> to vector<32x384xf32>
    %add3A_349 = arith.addf %add3A_337, %get3A_348 : vector<32x384xf32>
    %swap3A_350 = arith.constant 29 : index
    %swap3A_351 = arith.constant 0 : index
    %swap3A_352 = arith.constant 0 : index
    %swap3A_353 = vector.load %arg2[%swap3A_350, %swap3A_351, %swap3A_352] : memref<32x32x384xf32, #tpu.memory_space<vmem>>, vector<1x32x384xf32>
    %swap3A_354 = vector.shape_cast %swap3A_353 : vector<1x32x384xf32> to vector<32x384xf32>
    %swap3A_355 = vector.shape_cast %add3A_349 : vector<32x384xf32> to vector<1x32x384xf32>
    tpu.vector_store %arg2[%swap3A_350, %swap3A_351, %swap3A_352], %swap3A_355 {strides = array<i32>} : memref<32x32x384xf32, #tpu.memory_space<vmem>>, vector<1x32x384xf32>,
    %get3A_356 = arith.constant 30 : index
    %get3A_357 = arith.constant 0 : index
    %get3A_358 = arith.constant 0 : index
    %get3A_359 = vector.load %arg0[%get3A_356, %get3A_357, %get3A_358] : memref<32x32x384xf32, #tpu.memory_space<vmem>>, vector<1x32x384xf32>
    %get3A_360 = vector.shape_cast %get3A_359 : vector<1x32x384xf32> to vector<32x384xf32>
    %add3A_361 = arith.addf %add3A_349, %get3A_360 : vector<32x384xf32>
    %swap3A_362 = arith.constant 30 : index
    %swap3A_363 = arith.constant 0 : index
    %swap3A_364 = arith.constant 0 : index
    %swap3A_365 = vector.load %arg2[%swap3A_362, %swap3A_363, %swap3A_364] : memref<32x32x384xf32, #tpu.memory_space<vmem>>, vector<1x32x384xf32>
    %swap3A_366 = vector.shape_cast %swap3A_365 : vector<1x32x384xf32> to vector<32x384xf32>
    %swap3A_367 = vector.shape_cast %add3A_361 : vector<32x384xf32> to vector<1x32x384xf32>
    tpu.vector_store %arg2[%swap3A_362, %swap3A_363, %swap3A_364], %swap3A_367 {strides = array<i32>} : memref<32x32x384xf32, #tpu.memory_space<vmem>>, vector<1x32x384xf32>,
    %get3A_368 = arith.constant 31 : index
    %get3A_369 = arith.constant 0 : index
    %get3A_370 = arith.constant 0 : index
    %get3A_371 = vector.load %arg0[%get3A_368, %get3A_369, %get3A_370] : memref<32x32x384xf32, #tpu.memory_space<vmem>>, vector<1x32x384xf32>
    %get3A_372 = vector.shape_cast %get3A_371 : vector<1x32x384xf32> to vector<32x384xf32>
    %add3A_373 = arith.addf %add3A_361, %get3A_372 : vector<32x384xf32>
    %swap3A_374 = arith.constant 31 : index
    %swap3A_375 = arith.constant 0 : index
    %swap3A_376 = arith.constant 0 : index
    %swap3A_377 = vector.load %arg2[%swap3A_374, %swap3A_375, %swap3A_376] : memref<32x32x384xf32, #tpu.memory_space<vmem>>, vector<1x32x384xf32>
    %swap3A_378 = vector.shape_cast %swap3A_377 : vector<1x32x384xf32> to vector<32x384xf32>
    %swap3A_379 = vector.shape_cast %add3A_373 : vector<32x384xf32> to vector<1x32x384xf32>
    tpu.vector_store %arg2[%swap3A_374, %swap3A_375, %swap3A_376], %swap3A_379 {strides = array<i32>} : memref<32x32x384xf32, #tpu.memory_space<vmem>>, vector<1x32x384xf32>,
    %broadcast_in_dim3A = arith.constant 0.000000e+00 : f32
    %broadcast_in_dim3A_380 = vector.broadcast %broadcast_in_dim3A : f32 to vector<40x384xf32>
    %swap3A_381 = arith.constant 0 : index
    %swap3A_382 = arith.constant 0 : index
    %swap3A_383 = arith.constant 0 : index
    %swap3A_384 = vector.load %arg1[%swap3A_381, %swap3A_382, %swap3A_383] : memref<33x40x384xf32, #tpu.memory_space<vmem>>, vector<1x40x384xf32>
    %swap3A_385 = vector.shape_cast %swap3A_384 : vector<1x40x384xf32> to vector<40x384xf32>
    %swap3A_386 = vector.shape_cast %broadcast_in_dim3A_380 : vector<40x384xf32> to vector<1x40x384xf32>
    tpu.vector_store %arg1[%swap3A_381, %swap3A_382, %swap3A_383], %swap3A_386 {strides = array<i32>} : memref<33x40x384xf32, #tpu.memory_space<vmem>>, vector<1x40x384xf32>,
    %broadcast_in_dim3A_387 = arith.constant 0.000000e+00 : f32
    %broadcast_in_dim3A_388 = vector.broadcast %broadcast_in_dim3A_387 : f32 to vector<32x384xf32>
    %swap3A_389 = arith.constant 1 : index
    %swap3A_390 = arith.constant 0 : index
    %swap3A_391 = arith.constant 0 : index
    %swap3A_392 = vector.load %arg1[%swap3A_389, %swap3A_390, %swap3A_391] : memref<33x40x384xf32, #tpu.memory_space<vmem>>, vector<32x1x384xf32>
    %swap3A_393 = vector.shape_cast %swap3A_392 : vector<32x1x384xf32> to vector<32x384xf32>
    %swap3A_394 = vector.shape_cast %broadcast_in_dim3A_388 : vector<32x384xf32> to vector<32x1x384xf32>
    tpu.vector_store %arg1[%swap3A_389, %swap3A_390, %swap3A_391], %swap3A_394 {strides = array<i32>} : memref<33x40x384xf32, #tpu.memory_space<vmem>>, vector<32x1x384xf32>,
    %get3A_395 = arith.constant 0 : index
    %get3A_396 = arith.constant 0 : index
    %get3A_397 = arith.constant 0 : index
    %get3A_398 = vector.load %arg2[%get3A_395, %get3A_396, %get3A_397] : memref<32x32x384xf32, #tpu.memory_space<vmem>>, vector<32x1x384xf32>
    %get3A_399 = vector.shape_cast %get3A_398 : vector<32x1x384xf32> to vector<32x384xf32>
    %add3A_400 = arith.addf %broadcast_in_dim3A_388, %get3A_399 : vector<32x384xf32>
    %swap3A_401 = arith.constant 1 : index
    %swap3A_402 = arith.constant 1 : index
    %swap3A_403 = arith.constant 0 : index
    %swap3A_404 = vector.load %arg1[%swap3A_401, %swap3A_402, %swap3A_403] : memref<33x40x384xf32, #tpu.memory_space<vmem>>, vector<32x1x384xf32>
    %swap3A_405 = vector.shape_cast %swap3A_404 : vector<32x1x384xf32> to vector<32x384xf32>
    %swap3A_406 = vector.shape_cast %add3A_400 : vector<32x384xf32> to vector<32x1x384xf32>
    tpu.vector_store %arg1[%swap3A_401, %swap3A_402, %swap3A_403], %swap3A_406 {strides = array<i32>} : memref<33x40x384xf32, #tpu.memory_space<vmem>>, vector<32x1x384xf32>,
    %get3A_407 = arith.constant 0 : index
    %get3A_408 = arith.constant 1 : index
    %get3A_409 = arith.constant 0 : index
    %get3A_410 = vector.load %arg2[%get3A_407, %get3A_408, %get3A_409] : memref<32x32x384xf32, #tpu.memory_space<vmem>>, vector<32x1x384xf32>
    %get3A_411 = vector.shape_cast %get3A_410 : vector<32x1x384xf32> to vector<32x384xf32>
    %add3A_412 = arith.addf %add3A_400, %get3A_411 : vector<32x384xf32>
    %swap3A_413 = arith.constant 1 : index
    %swap3A_414 = arith.constant 2 : index
    %swap3A_415 = arith.constant 0 : index
    %swap3A_416 = vector.load %arg1[%swap3A_413, %swap3A_414, %swap3A_415] : memref<33x40x384xf32, #tpu.memory_space<vmem>>, vector<32x1x384xf32>
    %swap3A_417 = vector.shape_cast %swap3A_416 : vector<32x1x384xf32> to vector<32x384xf32>
    %swap3A_418 = vector.shape_cast %add3A_412 : vector<32x384xf32> to vector<32x1x384xf32>
    tpu.vector_store %arg1[%swap3A_413, %swap3A_414, %swap3A_415], %swap3A_418 {strides = array<i32>} : memref<33x40x384xf32, #tpu.memory_space<vmem>>, vector<32x1x384xf32>,
    %get3A_419 = arith.constant 0 : index
    %get3A_420 = arith.constant 2 : index
    %get3A_421 = arith.constant 0 : index
    %get3A_422 = vector.load %arg2[%get3A_419, %get3A_420, %get3A_421] : memref<32x32x384xf32, #tpu.memory_space<vmem>>, vector<32x1x384xf32>
    %get3A_423 = vector.shape_cast %get3A_422 : vector<32x1x384xf32> to vector<32x384xf32>
    %add3A_424 = arith.addf %add3A_412, %get3A_423 : vector<32x384xf32>
    %swap3A_425 = arith.constant 1 : index
    %swap3A_426 = arith.constant 3 : index
    %swap3A_427 = arith.constant 0 : index
    %swap3A_428 = vector.load %arg1[%swap3A_425, %swap3A_426, %swap3A_427] : memref<33x40x384xf32, #tpu.memory_space<vmem>>, vector<32x1x384xf32>
    %swap3A_429 = vector.shape_cast %swap3A_428 : vector<32x1x384xf32> to vector<32x384xf32>
    %swap3A_430 = vector.shape_cast %add3A_424 : vector<32x384xf32> to vector<32x1x384xf32>
    tpu.vector_store %arg1[%swap3A_425, %swap3A_426, %swap3A_427], %swap3A_430 {strides = array<i32>} : memref<33x40x384xf32, #tpu.memory_space<vmem>>, vector<32x1x384xf32>,
    %get3A_431 = arith.constant 0 : index
    %get3A_432 = arith.constant 3 : index
    %get3A_433 = arith.constant 0 : index
    %get3A_434 = vector.load %arg2[%get3A_431, %get3A_432, %get3A_433] : memref<32x32x384xf32, #tpu.memory_space<vmem>>, vector<32x1x384xf32>
    %get3A_435 = vector.shape_cast %get3A_434 : vector<32x1x384xf32> to vector<32x384xf32>
    %add3A_436 = arith.addf %add3A_424, %get3A_435 : vector<32x384xf32>
    %swap3A_437 = arith.constant 1 : index
    %swap3A_438 = arith.constant 4 : index
    %swap3A_439 = arith.constant 0 : index
    %swap3A_440 = vector.load %arg1[%swap3A_437, %swap3A_438, %swap3A_439] : memref<33x40x384xf32, #tpu.memory_space<vmem>>, vector<32x1x384xf32>
    %swap3A_441 = vector.shape_cast %swap3A_440 : vector<32x1x384xf32> to vector<32x384xf32>
    %swap3A_442 = vector.shape_cast %add3A_436 : vector<32x384xf32> to vector<32x1x384xf32>
    tpu.vector_store %arg1[%swap3A_437, %swap3A_438, %swap3A_439], %swap3A_442 {strides = array<i32>} : memref<33x40x384xf32, #tpu.memory_space<vmem>>, vector<32x1x384xf32>,
    %get3A_443 = arith.constant 0 : index
    %get3A_444 = arith.constant 4 : index
    %get3A_445 = arith.constant 0 : index
    %get3A_446 = vector.load %arg2[%get3A_443, %get3A_444, %get3A_445] : memref<32x32x384xf32, #tpu.memory_space<vmem>>, vector<32x1x384xf32>
    %get3A_447 = vector.shape_cast %get3A_446 : vector<32x1x384xf32> to vector<32x384xf32>
    %add3A_448 = arith.addf %add3A_436, %get3A_447 : vector<32x384xf32>
    %swap3A_449 = arith.constant 1 : index
    %swap3A_450 = arith.constant 5 : index
    %swap3A_451 = arith.constant 0 : index
    %swap3A_452 = vector.load %arg1[%swap3A_449, %swap3A_450, %swap3A_451] : memref<33x40x384xf32, #tpu.memory_space<vmem>>, vector<32x1x384xf32>
    %swap3A_453 = vector.shape_cast %swap3A_452 : vector<32x1x384xf32> to vector<32x384xf32>
    %swap3A_454 = vector.shape_cast %add3A_448 : vector<32x384xf32> to vector<32x1x384xf32>
    tpu.vector_store %arg1[%swap3A_449, %swap3A_450, %swap3A_451], %swap3A_454 {strides = array<i32>} : memref<33x40x384xf32, #tpu.memory_space<vmem>>, vector<32x1x384xf32>,
    %get3A_455 = arith.constant 0 : index
    %get3A_456 = arith.constant 5 : index
    %get3A_457 = arith.constant 0 : index
    %get3A_458 = vector.load %arg2[%get3A_455, %get3A_456, %get3A_457] : memref<32x32x384xf32, #tpu.memory_space<vmem>>, vector<32x1x384xf32>
    %get3A_459 = vector.shape_cast %get3A_458 : vector<32x1x384xf32> to vector<32x384xf32>
    %add3A_460 = arith.addf %add3A_448, %get3A_459 : vector<32x384xf32>
    %swap3A_461 = arith.constant 1 : index
    %swap3A_462 = arith.constant 6 : index
    %swap3A_463 = arith.constant 0 : index
    %swap3A_464 = vector.load %arg1[%swap3A_461, %swap3A_462, %swap3A_463] : memref<33x40x384xf32, #tpu.memory_space<vmem>>, vector<32x1x384xf32>
    %swap3A_465 = vector.shape_cast %swap3A_464 : vector<32x1x384xf32> to vector<32x384xf32>
    %swap3A_466 = vector.shape_cast %add3A_460 : vector<32x384xf32> to vector<32x1x384xf32>
    tpu.vector_store %arg1[%swap3A_461, %swap3A_462, %swap3A_463], %swap3A_466 {strides = array<i32>} : memref<33x40x384xf32, #tpu.memory_space<vmem>>, vector<32x1x384xf32>,
    %get3A_467 = arith.constant 0 : index
    %get3A_468 = arith.constant 6 : index
    %get3A_469 = arith.constant 0 : index
    %get3A_470 = vector.load %arg2[%get3A_467, %get3A_468, %get3A_469] : memref<32x32x384xf32, #tpu.memory_space<vmem>>, vector<32x1x384xf32>
    %get3A_471 = vector.shape_cast %get3A_470 : vector<32x1x384xf32> to vector<32x384xf32>
    %add3A_472 = arith.addf %add3A_460, %get3A_471 : vector<32x384xf32>
    %swap3A_473 = arith.constant 1 : index
    %swap3A_474 = arith.constant 7 : index
    %swap3A_475 = arith.constant 0 : index
    %swap3A_476 = vector.load %arg1[%swap3A_473, %swap3A_474, %swap3A_475] : memref<33x40x384xf32, #tpu.memory_space<vmem>>, vector<32x1x384xf32>
    %swap3A_477 = vector.shape_cast %swap3A_476 : vector<32x1x384xf32> to vector<32x384xf32>
    %swap3A_478 = vector.shape_cast %add3A_472 : vector<32x384xf32> to vector<32x1x384xf32>
    tpu.vector_store %arg1[%swap3A_473, %swap3A_474, %swap3A_475], %swap3A_478 {strides = array<i32>} : memref<33x40x384xf32, #tpu.memory_space<vmem>>, vector<32x1x384xf32>,
    %get3A_479 = arith.constant 0 : index
    %get3A_480 = arith.constant 7 : index
    %get3A_481 = arith.constant 0 : index
    %get3A_482 = vector.load %arg2[%get3A_479, %get3A_480, %get3A_481] : memref<32x32x384xf32, #tpu.memory_space<vmem>>, vector<32x1x384xf32>
    %get3A_483 = vector.shape_cast %get3A_482 : vector<32x1x384xf32> to vector<32x384xf32>
    %add3A_484 = arith.addf %add3A_472, %get3A_483 : vector<32x384xf32>
    %swap3A_485 = arith.constant 1 : index
    %swap3A_486 = arith.constant 8 : index
    %swap3A_487 = arith.constant 0 : index
    %swap3A_488 = vector.load %arg1[%swap3A_485, %swap3A_486, %swap3A_487] : memref<33x40x384xf32, #tpu.memory_space<vmem>>, vector<32x1x384xf32>
    %swap3A_489 = vector.shape_cast %swap3A_488 : vector<32x1x384xf32> to vector<32x384xf32>
    %swap3A_490 = vector.shape_cast %add3A_484 : vector<32x384xf32> to vector<32x1x384xf32>
    tpu.vector_store %arg1[%swap3A_485, %swap3A_486, %swap3A_487], %swap3A_490 {strides = array<i32>} : memref<33x40x384xf32, #tpu.memory_space<vmem>>, vector<32x1x384xf32>,
    %get3A_491 = arith.constant 0 : index
    %get3A_492 = arith.constant 8 : index
    %get3A_493 = arith.constant 0 : index
    %get3A_494 = vector.load %arg2[%get3A_491, %get3A_492, %get3A_493] : memref<32x32x384xf32, #tpu.memory_space<vmem>>, vector<32x1x384xf32>
    %get3A_495 = vector.shape_cast %get3A_494 : vector<32x1x384xf32> to vector<32x384xf32>
    %add3A_496 = arith.addf %add3A_484, %get3A_495 : vector<32x384xf32>
    %swap3A_497 = arith.constant 1 : index
    %swap3A_498 = arith.constant 9 : index
    %swap3A_499 = arith.constant 0 : index
    %swap3A_500 = vector.load %arg1[%swap3A_497, %swap3A_498, %swap3A_499] : memref<33x40x384xf32, #tpu.memory_space<vmem>>, vector<32x1x384xf32>
    %swap3A_501 = vector.shape_cast %swap3A_500 : vector<32x1x384xf32> to vector<32x384xf32>
    %swap3A_502 = vector.shape_cast %add3A_496 : vector<32x384xf32> to vector<32x1x384xf32>
    tpu.vector_store %arg1[%swap3A_497, %swap3A_498, %swap3A_499], %swap3A_502 {strides = array<i32>} : memref<33x40x384xf32, #tpu.memory_space<vmem>>, vector<32x1x384xf32>,
    %get3A_503 = arith.constant 0 : index
    %get3A_504 = arith.constant 9 : index
    %get3A_505 = arith.constant 0 : index
    %get3A_506 = vector.load %arg2[%get3A_503, %get3A_504, %get3A_505] : memref<32x32x384xf32, #tpu.memory_space<vmem>>, vector<32x1x384xf32>
    %get3A_507 = vector.shape_cast %get3A_506 : vector<32x1x384xf32> to vector<32x384xf32>
    %add3A_508 = arith.addf %add3A_496, %get3A_507 : vector<32x384xf32>
    %swap3A_509 = arith.constant 1 : index
    %swap3A_510 = arith.constant 10 : index
    %swap3A_511 = arith.constant 0 : index
    %swap3A_512 = vector.load %arg1[%swap3A_509, %swap3A_510, %swap3A_511] : memref<33x40x384xf32, #tpu.memory_space<vmem>>, vector<32x1x384xf32>
    %swap3A_513 = vector.shape_cast %swap3A_512 : vector<32x1x384xf32> to vector<32x384xf32>
    %swap3A_514 = vector.shape_cast %add3A_508 : vector<32x384xf32> to vector<32x1x384xf32>
    tpu.vector_store %arg1[%swap3A_509, %swap3A_510, %swap3A_511], %swap3A_514 {strides = array<i32>} : memref<33x40x384xf32, #tpu.memory_space<vmem>>, vector<32x1x384xf32>,
    %get3A_515 = arith.constant 0 : index
    %get3A_516 = arith.constant 10 : index
    %get3A_517 = arith.constant 0 : index
    %get3A_518 = vector.load %arg2[%get3A_515, %get3A_516, %get3A_517] : memref<32x32x384xf32, #tpu.memory_space<vmem>>, vector<32x1x384xf32>
    %get3A_519 = vector.shape_cast %get3A_518 : vector<32x1x384xf32> to vector<32x384xf32>
    %add3A_520 = arith.addf %add3A_508, %get3A_519 : vector<32x384xf32>
    %swap3A_521 = arith.constant 1 : index
    %swap3A_522 = arith.constant 11 : index
    %swap3A_523 = arith.constant 0 : index
    %swap3A_524 = vector.load %arg1[%swap3A_521, %swap3A_522, %swap3A_523] : memref<33x40x384xf32, #tpu.memory_space<vmem>>, vector<32x1x384xf32>
    %swap3A_525 = vector.shape_cast %swap3A_524 : vector<32x1x384xf32> to vector<32x384xf32>
    %swap3A_526 = vector.shape_cast %add3A_520 : vector<32x384xf32> to vector<32x1x384xf32>
    tpu.vector_store %arg1[%swap3A_521, %swap3A_522, %swap3A_523], %swap3A_526 {strides = array<i32>} : memref<33x40x384xf32, #tpu.memory_space<vmem>>, vector<32x1x384xf32>,
    %get3A_527 = arith.constant 0 : index
    %get3A_528 = arith.constant 11 : index
    %get3A_529 = arith.constant 0 : index
    %get3A_530 = vector.load %arg2[%get3A_527, %get3A_528, %get3A_529] : memref<32x32x384xf32, #tpu.memory_space<vmem>>, vector<32x1x384xf32>
    %get3A_531 = vector.shape_cast %get3A_530 : vector<32x1x384xf32> to vector<32x384xf32>
    %add3A_532 = arith.addf %add3A_520, %get3A_531 : vector<32x384xf32>
    %swap3A_533 = arith.constant 1 : index
    %swap3A_534 = arith.constant 12 : index
    %swap3A_535 = arith.constant 0 : index
    %swap3A_536 = vector.load %arg1[%swap3A_533, %swap3A_534, %swap3A_535] : memref<33x40x384xf32, #tpu.memory_space<vmem>>, vector<32x1x384xf32>
    %swap3A_537 = vector.shape_cast %swap3A_536 : vector<32x1x384xf32> to vector<32x384xf32>
    %swap3A_538 = vector.shape_cast %add3A_532 : vector<32x384xf32> to vector<32x1x384xf32>
    tpu.vector_store %arg1[%swap3A_533, %swap3A_534, %swap3A_535], %swap3A_538 {strides = array<i32>} : memref<33x40x384xf32, #tpu.memory_space<vmem>>, vector<32x1x384xf32>,
    %get3A_539 = arith.constant 0 : index
    %get3A_540 = arith.constant 12 : index
    %get3A_541 = arith.constant 0 : index
    %get3A_542 = vector.load %arg2[%get3A_539, %get3A_540, %get3A_541] : memref<32x32x384xf32, #tpu.memory_space<vmem>>, vector<32x1x384xf32>
    %get3A_543 = vector.shape_cast %get3A_542 : vector<32x1x384xf32> to vector<32x384xf32>
    %add3A_544 = arith.addf %add3A_532, %get3A_543 : vector<32x384xf32>
    %swap3A_545 = arith.constant 1 : index
    %swap3A_546 = arith.constant 13 : index
    %swap3A_547 = arith.constant 0 : index
    %swap3A_548 = vector.load %arg1[%swap3A_545, %swap3A_546, %swap3A_547] : memref<33x40x384xf32, #tpu.memory_space<vmem>>, vector<32x1x384xf32>
    %swap3A_549 = vector.shape_cast %swap3A_548 : vector<32x1x384xf32> to vector<32x384xf32>
    %swap3A_550 = vector.shape_cast %add3A_544 : vector<32x384xf32> to vector<32x1x384xf32>
    tpu.vector_store %arg1[%swap3A_545, %swap3A_546, %swap3A_547], %swap3A_550 {strides = array<i32>} : memref<33x40x384xf32, #tpu.memory_space<vmem>>, vector<32x1x384xf32>,
    %get3A_551 = arith.constant 0 : index
    %get3A_552 = arith.constant 13 : index
    %get3A_553 = arith.constant 0 : index
    %get3A_554 = vector.load %arg2[%get3A_551, %get3A_552, %get3A_553] : memref<32x32x384xf32, #tpu.memory_space<vmem>>, vector<32x1x384xf32>
    %get3A_555 = vector.shape_cast %get3A_554 : vector<32x1x384xf32> to vector<32x384xf32>
    %add3A_556 = arith.addf %add3A_544, %get3A_555 : vector<32x384xf32>
    %swap3A_557 = arith.constant 1 : index
    %swap3A_558 = arith.constant 14 : index
    %swap3A_559 = arith.constant 0 : index
    %swap3A_560 = vector.load %arg1[%swap3A_557, %swap3A_558, %swap3A_559] : memref<33x40x384xf32, #tpu.memory_space<vmem>>, vector<32x1x384xf32>
    %swap3A_561 = vector.shape_cast %swap3A_560 : vector<32x1x384xf32> to vector<32x384xf32>
    %swap3A_562 = vector.shape_cast %add3A_556 : vector<32x384xf32> to vector<32x1x384xf32>
    tpu.vector_store %arg1[%swap3A_557, %swap3A_558, %swap3A_559], %swap3A_562 {strides = array<i32>} : memref<33x40x384xf32, #tpu.memory_space<vmem>>, vector<32x1x384xf32>,
    %get3A_563 = arith.constant 0 : index
    %get3A_564 = arith.constant 14 : index
    %get3A_565 = arith.constant 0 : index
    %get3A_566 = vector.load %arg2[%get3A_563, %get3A_564, %get3A_565] : memref<32x32x384xf32, #tpu.memory_space<vmem>>, vector<32x1x384xf32>
    %get3A_567 = vector.shape_cast %get3A_566 : vector<32x1x384xf32> to vector<32x384xf32>
    %add3A_568 = arith.addf %add3A_556, %get3A_567 : vector<32x384xf32>
    %swap3A_569 = arith.constant 1 : index
    %swap3A_570 = arith.constant 15 : index
    %swap3A_571 = arith.constant 0 : index
    %swap3A_572 = vector.load %arg1[%swap3A_569, %swap3A_570, %swap3A_571] : memref<33x40x384xf32, #tpu.memory_space<vmem>>, vector<32x1x384xf32>
    %swap3A_573 = vector.shape_cast %swap3A_572 : vector<32x1x384xf32> to vector<32x384xf32>
    %swap3A_574 = vector.shape_cast %add3A_568 : vector<32x384xf32> to vector<32x1x384xf32>
    tpu.vector_store %arg1[%swap3A_569, %swap3A_570, %swap3A_571], %swap3A_574 {strides = array<i32>} : memref<33x40x384xf32, #tpu.memory_space<vmem>>, vector<32x1x384xf32>,
    %get3A_575 = arith.constant 0 : index
    %get3A_576 = arith.constant 15 : index
    %get3A_577 = arith.constant 0 : index
    %get3A_578 = vector.load %arg2[%get3A_575, %get3A_576, %get3A_577] : memref<32x32x384xf32, #tpu.memory_space<vmem>>, vector<32x1x384xf32>
    %get3A_579 = vector.shape_cast %get3A_578 : vector<32x1x384xf32> to vector<32x384xf32>
    %add3A_580 = arith.addf %add3A_568, %get3A_579 : vector<32x384xf32>
    %swap3A_581 = arith.constant 1 : index
    %swap3A_582 = arith.constant 16 : index
    %swap3A_583 = arith.constant 0 : index
    %swap3A_584 = vector.load %arg1[%swap3A_581, %swap3A_582, %swap3A_583] : memref<33x40x384xf32, #tpu.memory_space<vmem>>, vector<32x1x384xf32>
    %swap3A_585 = vector.shape_cast %swap3A_584 : vector<32x1x384xf32> to vector<32x384xf32>
    %swap3A_586 = vector.shape_cast %add3A_580 : vector<32x384xf32> to vector<32x1x384xf32>
    tpu.vector_store %arg1[%swap3A_581, %swap3A_582, %swap3A_583], %swap3A_586 {strides = array<i32>} : memref<33x40x384xf32, #tpu.memory_space<vmem>>, vector<32x1x384xf32>,
    %get3A_587 = arith.constant 0 : index
    %get3A_588 = arith.constant 16 : index
    %get3A_589 = arith.constant 0 : index
    %get3A_590 = vector.load %arg2[%get3A_587, %get3A_588, %get3A_589] : memref<32x32x384xf32, #tpu.memory_space<vmem>>, vector<32x1x384xf32>
    %get3A_591 = vector.shape_cast %get3A_590 : vector<32x1x384xf32> to vector<32x384xf32>
    %add3A_592 = arith.addf %add3A_580, %get3A_591 : vector<32x384xf32>
    %swap3A_593 = arith.constant 1 : index
    %swap3A_594 = arith.constant 17 : index
    %swap3A_595 = arith.constant 0 : index
    %swap3A_596 = vector.load %arg1[%swap3A_593, %swap3A_594, %swap3A_595] : memref<33x40x384xf32, #tpu.memory_space<vmem>>, vector<32x1x384xf32>
    %swap3A_597 = vector.shape_cast %swap3A_596 : vector<32x1x384xf32> to vector<32x384xf32>
    %swap3A_598 = vector.shape_cast %add3A_592 : vector<32x384xf32> to vector<32x1x384xf32>
    tpu.vector_store %arg1[%swap3A_593, %swap3A_594, %swap3A_595], %swap3A_598 {strides = array<i32>} : memref<33x40x384xf32, #tpu.memory_space<vmem>>, vector<32x1x384xf32>,
    %get3A_599 = arith.constant 0 : index
    %get3A_600 = arith.constant 17 : index
    %get3A_601 = arith.constant 0 : index
    %get3A_602 = vector.load %arg2[%get3A_599, %get3A_600, %get3A_601] : memref<32x32x384xf32, #tpu.memory_space<vmem>>, vector<32x1x384xf32>
    %get3A_603 = vector.shape_cast %get3A_602 : vector<32x1x384xf32> to vector<32x384xf32>
    %add3A_604 = arith.addf %add3A_592, %get3A_603 : vector<32x384xf32>
    %swap3A_605 = arith.constant 1 : index
    %swap3A_606 = arith.constant 18 : index
    %swap3A_607 = arith.constant 0 : index
    %swap3A_608 = vector.load %arg1[%swap3A_605, %swap3A_606, %swap3A_607] : memref<33x40x384xf32, #tpu.memory_space<vmem>>, vector<32x1x384xf32>
    %swap3A_609 = vector.shape_cast %swap3A_608 : vector<32x1x384xf32> to vector<32x384xf32>
    %swap3A_610 = vector.shape_cast %add3A_604 : vector<32x384xf32> to vector<32x1x384xf32>
    tpu.vector_store %arg1[%swap3A_605, %swap3A_606, %swap3A_607], %swap3A_610 {strides = array<i32>} : memref<33x40x384xf32, #tpu.memory_space<vmem>>, vector<32x1x384xf32>,
    %get3A_611 = arith.constant 0 : index
    %get3A_612 = arith.constant 18 : index
    %get3A_613 = arith.constant 0 : index
    %get3A_614 = vector.load %arg2[%get3A_611, %get3A_612, %get3A_613] : memref<32x32x384xf32, #tpu.memory_space<vmem>>, vector<32x1x384xf32>
    %get3A_615 = vector.shape_cast %get3A_614 : vector<32x1x384xf32> to vector<32x384xf32>
    %add3A_616 = arith.addf %add3A_604, %get3A_615 : vector<32x384xf32>
    %swap3A_617 = arith.constant 1 : index
    %swap3A_618 = arith.constant 19 : index
    %swap3A_619 = arith.constant 0 : index
    %swap3A_620 = vector.load %arg1[%swap3A_617, %swap3A_618, %swap3A_619] : memref<33x40x384xf32, #tpu.memory_space<vmem>>, vector<32x1x384xf32>
    %swap3A_621 = vector.shape_cast %swap3A_620 : vector<32x1x384xf32> to vector<32x384xf32>
    %swap3A_622 = vector.shape_cast %add3A_616 : vector<32x384xf32> to vector<32x1x384xf32>
    tpu.vector_store %arg1[%swap3A_617, %swap3A_618, %swap3A_619], %swap3A_622 {strides = array<i32>} : memref<33x40x384xf32, #tpu.memory_space<vmem>>, vector<32x1x384xf32>,
    %get3A_623 = arith.constant 0 : index
    %get3A_624 = arith.constant 19 : index
    %get3A_625 = arith.constant 0 : index
    %get3A_626 = vector.load %arg2[%get3A_623, %get3A_624, %get3A_625] : memref<32x32x384xf32, #tpu.memory_space<vmem>>, vector<32x1x384xf32>
    %get3A_627 = vector.shape_cast %get3A_626 : vector<32x1x384xf32> to vector<32x384xf32>
    %add3A_628 = arith.addf %add3A_616, %get3A_627 : vector<32x384xf32>
    %swap3A_629 = arith.constant 1 : index
    %swap3A_630 = arith.constant 20 : index
    %swap3A_631 = arith.constant 0 : index
    %swap3A_632 = vector.load %arg1[%swap3A_629, %swap3A_630, %swap3A_631] : memref<33x40x384xf32, #tpu.memory_space<vmem>>, vector<32x1x384xf32>
    %swap3A_633 = vector.shape_cast %swap3A_632 : vector<32x1x384xf32> to vector<32x384xf32>
    %swap3A_634 = vector.shape_cast %add3A_628 : vector<32x384xf32> to vector<32x1x384xf32>
    tpu.vector_store %arg1[%swap3A_629, %swap3A_630, %swap3A_631], %swap3A_634 {strides = array<i32>} : memref<33x40x384xf32, #tpu.memory_space<vmem>>, vector<32x1x384xf32>,
    %get3A_635 = arith.constant 0 : index
    %get3A_636 = arith.constant 20 : index
    %get3A_637 = arith.constant 0 : index
    %get3A_638 = vector.load %arg2[%get3A_635, %get3A_636, %get3A_637] : memref<32x32x384xf32, #tpu.memory_space<vmem>>, vector<32x1x384xf32>
    %get3A_639 = vector.shape_cast %get3A_638 : vector<32x1x384xf32> to vector<32x384xf32>
    %add3A_640 = arith.addf %add3A_628, %get3A_639 : vector<32x384xf32>
    %swap3A_641 = arith.constant 1 : index
    %swap3A_642 = arith.constant 21 : index
    %swap3A_643 = arith.constant 0 : index
    %swap3A_644 = vector.load %arg1[%swap3A_641, %swap3A_642, %swap3A_643] : memref<33x40x384xf32, #tpu.memory_space<vmem>>, vector<32x1x384xf32>
    %swap3A_645 = vector.shape_cast %swap3A_644 : vector<32x1x384xf32> to vector<32x384xf32>
    %swap3A_646 = vector.shape_cast %add3A_640 : vector<32x384xf32> to vector<32x1x384xf32>
    tpu.vector_store %arg1[%swap3A_641, %swap3A_642, %swap3A_643], %swap3A_646 {strides = array<i32>} : memref<33x40x384xf32, #tpu.memory_space<vmem>>, vector<32x1x384xf32>,
    %get3A_647 = arith.constant 0 : index
    %get3A_648 = arith.constant 21 : index
    %get3A_649 = arith.constant 0 : index
    %get3A_650 = vector.load %arg2[%get3A_647, %get3A_648, %get3A_649] : memref<32x32x384xf32, #tpu.memory_space<vmem>>, vector<32x1x384xf32>
    %get3A_651 = vector.shape_cast %get3A_650 : vector<32x1x384xf32> to vector<32x384xf32>
    %add3A_652 = arith.addf %add3A_640, %get3A_651 : vector<32x384xf32>
    %swap3A_653 = arith.constant 1 : index
    %swap3A_654 = arith.constant 22 : index
    %swap3A_655 = arith.constant 0 : index
    %swap3A_656 = vector.load %arg1[%swap3A_653, %swap3A_654, %swap3A_655] : memref<33x40x384xf32, #tpu.memory_space<vmem>>, vector<32x1x384xf32>
    %swap3A_657 = vector.shape_cast %swap3A_656 : vector<32x1x384xf32> to vector<32x384xf32>
    %swap3A_658 = vector.shape_cast %add3A_652 : vector<32x384xf32> to vector<32x1x384xf32>
    tpu.vector_store %arg1[%swap3A_653, %swap3A_654, %swap3A_655], %swap3A_658 {strides = array<i32>} : memref<33x40x384xf32, #tpu.memory_space<vmem>>, vector<32x1x384xf32>,
    %get3A_659 = arith.constant 0 : index
    %get3A_660 = arith.constant 22 : index
    %get3A_661 = arith.constant 0 : index
    %get3A_662 = vector.load %arg2[%get3A_659, %get3A_660, %get3A_661] : memref<32x32x384xf32, #tpu.memory_space<vmem>>, vector<32x1x384xf32>
    %get3A_663 = vector.shape_cast %get3A_662 : vector<32x1x384xf32> to vector<32x384xf32>
    %add3A_664 = arith.addf %add3A_652, %get3A_663 : vector<32x384xf32>
    %swap3A_665 = arith.constant 1 : index
    %swap3A_666 = arith.constant 23 : index
    %swap3A_667 = arith.constant 0 : index
    %swap3A_668 = vector.load %arg1[%swap3A_665, %swap3A_666, %swap3A_667] : memref<33x40x384xf32, #tpu.memory_space<vmem>>, vector<32x1x384xf32>
    %swap3A_669 = vector.shape_cast %swap3A_668 : vector<32x1x384xf32> to vector<32x384xf32>
    %swap3A_670 = vector.shape_cast %add3A_664 : vector<32x384xf32> to vector<32x1x384xf32>
    tpu.vector_store %arg1[%swap3A_665, %swap3A_666, %swap3A_667], %swap3A_670 {strides = array<i32>} : memref<33x40x384xf32, #tpu.memory_space<vmem>>, vector<32x1x384xf32>,
    %get3A_671 = arith.constant 0 : index
    %get3A_672 = arith.constant 23 : index
    %get3A_673 = arith.constant 0 : index
    %get3A_674 = vector.load %arg2[%get3A_671, %get3A_672, %get3A_673] : memref<32x32x384xf32, #tpu.memory_space<vmem>>, vector<32x1x384xf32>
    %get3A_675 = vector.shape_cast %get3A_674 : vector<32x1x384xf32> to vector<32x384xf32>
    %add3A_676 = arith.addf %add3A_664, %get3A_675 : vector<32x384xf32>
    %swap3A_677 = arith.constant 1 : index
    %swap3A_678 = arith.constant 24 : index
    %swap3A_679 = arith.constant 0 : index
    %swap3A_680 = vector.load %arg1[%swap3A_677, %swap3A_678, %swap3A_679] : memref<33x40x384xf32, #tpu.memory_space<vmem>>, vector<32x1x384xf32>
    %swap3A_681 = vector.shape_cast %swap3A_680 : vector<32x1x384xf32> to vector<32x384xf32>
    %swap3A_682 = vector.shape_cast %add3A_676 : vector<32x384xf32> to vector<32x1x384xf32>
    tpu.vector_store %arg1[%swap3A_677, %swap3A_678, %swap3A_679], %swap3A_682 {strides = array<i32>} : memref<33x40x384xf32, #tpu.memory_space<vmem>>, vector<32x1x384xf32>,
    %get3A_683 = arith.constant 0 : index
    %get3A_684 = arith.constant 24 : index
    %get3A_685 = arith.constant 0 : index
    %get3A_686 = vector.load %arg2[%get3A_683, %get3A_684, %get3A_685] : memref<32x32x384xf32, #tpu.memory_space<vmem>>, vector<32x1x384xf32>
    %get3A_687 = vector.shape_cast %get3A_686 : vector<32x1x384xf32> to vector<32x384xf32>
    %add3A_688 = arith.addf %add3A_676, %get3A_687 : vector<32x384xf32>
    %swap3A_689 = arith.constant 1 : index
    %swap3A_690 = arith.constant 25 : index
    %swap3A_691 = arith.constant 0 : index
    %swap3A_692 = vector.load %arg1[%swap3A_689, %swap3A_690, %swap3A_691] : memref<33x40x384xf32, #tpu.memory_space<vmem>>, vector<32x1x384xf32>
    %swap3A_693 = vector.shape_cast %swap3A_692 : vector<32x1x384xf32> to vector<32x384xf32>
    %swap3A_694 = vector.shape_cast %add3A_688 : vector<32x384xf32> to vector<32x1x384xf32>
    tpu.vector_store %arg1[%swap3A_689, %swap3A_690, %swap3A_691], %swap3A_694 {strides = array<i32>} : memref<33x40x384xf32, #tpu.memory_space<vmem>>, vector<32x1x384xf32>,
    %get3A_695 = arith.constant 0 : index
    %get3A_696 = arith.constant 25 : index
    %get3A_697 = arith.constant 0 : index
    %get3A_698 = vector.load %arg2[%get3A_695, %get3A_696, %get3A_697] : memref<32x32x384xf32, #tpu.memory_space<vmem>>, vector<32x1x384xf32>
    %get3A_699 = vector.shape_cast %get3A_698 : vector<32x1x384xf32> to vector<32x384xf32>
    %add3A_700 = arith.addf %add3A_688, %get3A_699 : vector<32x384xf32>
    %swap3A_701 = arith.constant 1 : index
    %swap3A_702 = arith.constant 26 : index
    %swap3A_703 = arith.constant 0 : index
    %swap3A_704 = vector.load %arg1[%swap3A_701, %swap3A_702, %swap3A_703] : memref<33x40x384xf32, #tpu.memory_space<vmem>>, vector<32x1x384xf32>
    %swap3A_705 = vector.shape_cast %swap3A_704 : vector<32x1x384xf32> to vector<32x384xf32>
    %swap3A_706 = vector.shape_cast %add3A_700 : vector<32x384xf32> to vector<32x1x384xf32>
    tpu.vector_store %arg1[%swap3A_701, %swap3A_702, %swap3A_703], %swap3A_706 {strides = array<i32>} : memref<33x40x384xf32, #tpu.memory_space<vmem>>, vector<32x1x384xf32>,
    %get3A_707 = arith.constant 0 : index
    %get3A_708 = arith.constant 26 : index
    %get3A_709 = arith.constant 0 : index
    %get3A_710 = vector.load %arg2[%get3A_707, %get3A_708, %get3A_709] : memref<32x32x384xf32, #tpu.memory_space<vmem>>, vector<32x1x384xf32>
    %get3A_711 = vector.shape_cast %get3A_710 : vector<32x1x384xf32> to vector<32x384xf32>
    %add3A_712 = arith.addf %add3A_700, %get3A_711 : vector<32x384xf32>
    %swap3A_713 = arith.constant 1 : index
    %swap3A_714 = arith.constant 27 : index
    %swap3A_715 = arith.constant 0 : index
    %swap3A_716 = vector.load %arg1[%swap3A_713, %swap3A_714, %swap3A_715] : memref<33x40x384xf32, #tpu.memory_space<vmem>>, vector<32x1x384xf32>
    %swap3A_717 = vector.shape_cast %swap3A_716 : vector<32x1x384xf32> to vector<32x384xf32>
    %swap3A_718 = vector.shape_cast %add3A_712 : vector<32x384xf32> to vector<32x1x384xf32>
    tpu.vector_store %arg1[%swap3A_713, %swap3A_714, %swap3A_715], %swap3A_718 {strides = array<i32>} : memref<33x40x384xf32, #tpu.memory_space<vmem>>, vector<32x1x384xf32>,
    %get3A_719 = arith.constant 0 : index
    %get3A_720 = arith.constant 27 : index
    %get3A_721 = arith.constant 0 : index
    %get3A_722 = vector.load %arg2[%get3A_719, %get3A_720, %get3A_721] : memref<32x32x384xf32, #tpu.memory_space<vmem>>, vector<32x1x384xf32>
    %get3A_723 = vector.shape_cast %get3A_722 : vector<32x1x384xf32> to vector<32x384xf32>
    %add3A_724 = arith.addf %add3A_712, %get3A_723 : vector<32x384xf32>
    %swap3A_725 = arith.constant 1 : index
    %swap3A_726 = arith.constant 28 : index
    %swap3A_727 = arith.constant 0 : index
    %swap3A_728 = vector.load %arg1[%swap3A_725, %swap3A_726, %swap3A_727] : memref<33x40x384xf32, #tpu.memory_space<vmem>>, vector<32x1x384xf32>
    %swap3A_729 = vector.shape_cast %swap3A_728 : vector<32x1x384xf32> to vector<32x384xf32>
    %swap3A_730 = vector.shape_cast %add3A_724 : vector<32x384xf32> to vector<32x1x384xf32>
    tpu.vector_store %arg1[%swap3A_725, %swap3A_726, %swap3A_727], %swap3A_730 {strides = array<i32>} : memref<33x40x384xf32, #tpu.memory_space<vmem>>, vector<32x1x384xf32>,
    %get3A_731 = arith.constant 0 : index
    %get3A_732 = arith.constant 28 : index
    %get3A_733 = arith.constant 0 : index
    %get3A_734 = vector.load %arg2[%get3A_731, %get3A_732, %get3A_733] : memref<32x32x384xf32, #tpu.memory_space<vmem>>, vector<32x1x384xf32>
    %get3A_735 = vector.shape_cast %get3A_734 : vector<32x1x384xf32> to vector<32x384xf32>
    %add3A_736 = arith.addf %add3A_724, %get3A_735 : vector<32x384xf32>
    %swap3A_737 = arith.constant 1 : index
    %swap3A_738 = arith.constant 29 : index
    %swap3A_739 = arith.constant 0 : index
    %swap3A_740 = vector.load %arg1[%swap3A_737, %swap3A_738, %swap3A_739] : memref<33x40x384xf32, #tpu.memory_space<vmem>>, vector<32x1x384xf32>
    %swap3A_741 = vector.shape_cast %swap3A_740 : vector<32x1x384xf32> to vector<32x384xf32>
    %swap3A_742 = vector.shape_cast %add3A_736 : vector<32x384xf32> to vector<32x1x384xf32>
    tpu.vector_store %arg1[%swap3A_737, %swap3A_738, %swap3A_739], %swap3A_742 {strides = array<i32>} : memref<33x40x384xf32, #tpu.memory_space<vmem>>, vector<32x1x384xf32>,
    %get3A_743 = arith.constant 0 : index
    %get3A_744 = arith.constant 29 : index
    %get3A_745 = arith.constant 0 : index
    %get3A_746 = vector.load %arg2[%get3A_743, %get3A_744, %get3A_745] : memref<32x32x384xf32, #tpu.memory_space<vmem>>, vector<32x1x384xf32>
    %get3A_747 = vector.shape_cast %get3A_746 : vector<32x1x384xf32> to vector<32x384xf32>
    %add3A_748 = arith.addf %add3A_736, %get3A_747 : vector<32x384xf32>
    %swap3A_749 = arith.constant 1 : index
    %swap3A_750 = arith.constant 30 : index
    %swap3A_751 = arith.constant 0 : index
    %swap3A_752 = vector.load %arg1[%swap3A_749, %swap3A_750, %swap3A_751] : memref<33x40x384xf32, #tpu.memory_space<vmem>>, vector<32x1x384xf32>
    %swap3A_753 = vector.shape_cast %swap3A_752 : vector<32x1x384xf32> to vector<32x384xf32>
    %swap3A_754 = vector.shape_cast %add3A_748 : vector<32x384xf32> to vector<32x1x384xf32>
    tpu.vector_store %arg1[%swap3A_749, %swap3A_750, %swap3A_751], %swap3A_754 {strides = array<i32>} : memref<33x40x384xf32, #tpu.memory_space<vmem>>, vector<32x1x384xf32>,
    %get3A_755 = arith.constant 0 : index
    %get3A_756 = arith.constant 30 : index
    %get3A_757 = arith.constant 0 : index
    %get3A_758 = vector.load %arg2[%get3A_755, %get3A_756, %get3A_757] : memref<32x32x384xf32, #tpu.memory_space<vmem>>, vector<32x1x384xf32>
    %get3A_759 = vector.shape_cast %get3A_758 : vector<32x1x384xf32> to vector<32x384xf32>
    %add3A_760 = arith.addf %add3A_748, %get3A_759 : vector<32x384xf32>
    %swap3A_761 = arith.constant 1 : index
    %swap3A_762 = arith.constant 31 : index
    %swap3A_763 = arith.constant 0 : index
    %swap3A_764 = vector.load %arg1[%swap3A_761, %swap3A_762, %swap3A_763] : memref<33x40x384xf32, #tpu.memory_space<vmem>>, vector<32x1x384xf32>
    %swap3A_765 = vector.shape_cast %swap3A_764 : vector<32x1x384xf32> to vector<32x384xf32>
    %swap3A_766 = vector.shape_cast %add3A_760 : vector<32x384xf32> to vector<32x1x384xf32>
    tpu.vector_store %arg1[%swap3A_761, %swap3A_762, %swap3A_763], %swap3A_766 {strides = array<i32>} : memref<33x40x384xf32, #tpu.memory_space<vmem>>, vector<32x1x384xf32>,
    %get3A_767 = arith.constant 0 : index
    %get3A_768 = arith.constant 31 : index
    %get3A_769 = arith.constant 0 : index
    %get3A_770 = vector.load %arg2[%get3A_767, %get3A_768, %get3A_769] : memref<32x32x384xf32, #tpu.memory_space<vmem>>, vector<32x1x384xf32>
    %get3A_771 = vector.shape_cast %get3A_770 : vector<32x1x384xf32> to vector<32x384xf32>
    %add3A_772 = arith.addf %add3A_760, %get3A_771 : vector<32x384xf32>
    %swap3A_773 = arith.constant 1 : index
    %swap3A_774 = arith.constant 32 : index
    %swap3A_775 = arith.constant 0 : index
    %swap3A_776 = vector.load %arg1[%swap3A_773, %swap3A_774, %swap3A_775] : memref<33x40x384xf32, #tpu.memory_space<vmem>>, vector<32x1x384xf32>
    %swap3A_777 = vector.shape_cast %swap3A_776 : vector<32x1x384xf32> to vector<32x384xf32>
    %swap3A_778 = vector.shape_cast %add3A_772 : vector<32x384xf32> to vector<32x1x384xf32>
    tpu.vector_store %arg1[%swap3A_773, %swap3A_774, %swap3A_775], %swap3A_778 {strides = array<i32>} : memref<33x40x384xf32, #tpu.memory_space<vmem>>, vector<32x1x384xf32>,
    return
  }
}

module attributes {stable_mosaic.version = 14 : i64} {
  func.func @_tc_einsum_kernel(%arg0: i32, %arg1: memref<256xf32, #tpu.memory_space<vmem>>, %arg2: memref<256xf32, #tpu.memory_space<vmem>>, %arg3: memref<256xf32, #tpu.memory_space<vmem>>, %arg4: memref<256xf32, #tpu.memory_space<vmem>>, %arg5: memref<1024x384xbf16, #tpu.memory_space<vmem>>, %arg6: memref<1024x384xbf16, #tpu.memory_space<vmem>>, %arg7: memref<256x384xf32, #tpu.memory_space<vmem>>) attributes {dimension_semantics = [#tpu.dimension_semantics<arbitrary>], iteration_bounds = array<i64: 8>, scalar_prefetch = 0 : i64, scratch_operands = 0 : i64, tpu.core_type = #tpu.core_type<tc>, window_params = [{transform_indices = @transform_0, window_bounds = array<i64: 256>}, {transform_indices = @transform_1, window_bounds = array<i64: 256>}, {transform_indices = @transform_2, window_bounds = array<i64: 256>}, {transform_indices = @transform_3, window_bounds = array<i64: 256>}, {pipeline_mode = #tpu.pipeline_mode<synchronous>, transform_indices = @transform_4, window_bounds = array<i64: 1024, 384>}, {pipeline_mode = #tpu.pipeline_mode<synchronous>, transform_indices = @transform_5, window_bounds = array<i64: 1024, 384>}, {transform_indices = @transform_6, window_bounds = array<i64: 256, 384>}]} {
    %get3A = arith.constant 0 : index
    %get3A_0 = vector.load %arg1[%get3A] : memref<256xf32, #tpu.memory_space<vmem>>, vector<256xf32>
    %get3A_1 = arith.constant 0 : index
    %get3A_2 = vector.load %arg2[%get3A_1] : memref<256xf32, #tpu.memory_space<vmem>>, vector<256xf32>
    %get3A_3 = arith.constant 0 : index
    %get3A_4 = vector.load %arg3[%get3A_3] : memref<256xf32, #tpu.memory_space<vmem>>, vector<256xf32>
    %get3A_5 = arith.constant 0 : index
    %get3A_6 = vector.load %arg4[%get3A_5] : memref<256xf32, #tpu.memory_space<vmem>>, vector<256xf32>
    %mul3A = arith.constant 3.200000e+01 : f32
    %mul3A_7 = vector.broadcast %mul3A : f32 to vector<256xf32>
    %mul3A_8 = arith.mulf %get3A_0, %mul3A_7 : vector<256xf32>
    %convert_element_type3A = arith.fptosi %mul3A_8 : vector<256xf32> to vector<256xi32>
    %max3A = arith.constant 0 : i32
    %max3A_9 = vector.broadcast %max3A : i32 to vector<256xi32>
    %max3A_10 = arith.maxsi %max3A_9, %convert_element_type3A : vector<256xi32>
    %add3A = arith.constant 1 : i32
    %add3A_11 = vector.broadcast %add3A : i32 to vector<256xi32>
    %add3A_12 = arith.addi %max3A_10, %add3A_11 : vector<256xi32>
    %mul3A_13 = arith.constant 3.200000e+01 : f32
    %mul3A_14 = vector.broadcast %mul3A_13 : f32 to vector<256xf32>
    %mul3A_15 = arith.mulf %get3A_4, %mul3A_14 : vector<256xf32>
    %add3A_16 = arith.constant 5.000000e-01 : f32
    %add3A_17 = vector.broadcast %add3A_16 : f32 to vector<256xf32>
    %add3A_18 = arith.addf %mul3A_15, %add3A_17 : vector<256xf32>
    %convert_element_type3A_19 = arith.fptosi %add3A_18 : vector<256xf32> to vector<256xi32>
    %convert_element_type3A_20 = arith.sitofp %convert_element_type3A_19 : vector<256xi32> to vector<256xf32>
    %sub3A = arith.subf %add3A_18, %convert_element_type3A_20 : vector<256xf32>
    %gt3A = arith.constant 5.000000e-01 : f32
    %gt3A_21 = vector.broadcast %gt3A : f32 to vector<256xf32>
    %gt3A_22 = arith.cmpf ogt, %sub3A, %gt3A_21 : vector<256xf32>
    %eq3A = arith.constant 5.000000e-01 : f32
    %eq3A_23 = vector.broadcast %eq3A : f32 to vector<256xf32>
    %eq3A_24 = arith.cmpf oeq, %sub3A, %eq3A_23 : vector<256xf32>
    %and3A = arith.constant 1 : i32
    %and3A_25 = vector.broadcast %and3A : i32 to vector<256xi32>
    %and3A_26 = arith.andi %convert_element_type3A_19, %and3A_25 : vector<256xi32>
    %eq3A_27 = arith.constant 1 : i32
    %eq3A_28 = vector.broadcast %eq3A_27 : i32 to vector<256xi32>
    %eq3A_29 = arith.cmpi eq, %and3A_26, %eq3A_28 : vector<256xi32>
    %and3A_30 = arith.andi %eq3A_24, %eq3A_29 : vector<256xi1>
    %or3A = arith.ori %gt3A_22, %and3A_30 : vector<256xi1>
    %add3A_31 = arith.constant 1 : i32
    %add3A_32 = vector.broadcast %add3A_31 : i32 to vector<256xi32>
    %add3A_33 = arith.addi %convert_element_type3A_19, %add3A_32 : vector<256xi32>
    %select_n3A = arith.select %or3A, %add3A_33, %convert_element_type3A_19 : vector<256xi1>, vector<256xi32>
    %max3A_34 = arith.maxsi %add3A_12, %select_n3A : vector<256xi32>
    %min3A = arith.constant 32 : i32
    %min3A_35 = vector.broadcast %min3A : i32 to vector<256xi32>
    %min3A_36 = arith.minsi %min3A_35, %max3A_34 : vector<256xi32>
    %mul3A_37 = arith.constant 3.200000e+01 : f32
    %mul3A_38 = vector.broadcast %mul3A_37 : f32 to vector<256xf32>
    %mul3A_39 = arith.mulf %get3A_2, %mul3A_38 : vector<256xf32>
    %convert_element_type3A_40 = arith.fptosi %mul3A_39 : vector<256xf32> to vector<256xi32>
    %max3A_41 = arith.constant 0 : i32
    %max3A_42 = vector.broadcast %max3A_41 : i32 to vector<256xi32>
    %max3A_43 = arith.maxsi %max3A_42, %convert_element_type3A_40 : vector<256xi32>
    %add3A_44 = arith.constant 1 : i32
    %add3A_45 = vector.broadcast %add3A_44 : i32 to vector<256xi32>
    %add3A_46 = arith.addi %max3A_43, %add3A_45 : vector<256xi32>
    %mul3A_47 = arith.constant 3.200000e+01 : f32
    %mul3A_48 = vector.broadcast %mul3A_47 : f32 to vector<256xf32>
    %mul3A_49 = arith.mulf %get3A_6, %mul3A_48 : vector<256xf32>
    %add3A_50 = arith.constant 5.000000e-01 : f32
    %add3A_51 = vector.broadcast %add3A_50 : f32 to vector<256xf32>
    %add3A_52 = arith.addf %mul3A_49, %add3A_51 : vector<256xf32>
    %convert_element_type3A_53 = arith.fptosi %add3A_52 : vector<256xf32> to vector<256xi32>
    %convert_element_type3A_54 = arith.sitofp %convert_element_type3A_53 : vector<256xi32> to vector<256xf32>
    %sub3A_55 = arith.subf %add3A_52, %convert_element_type3A_54 : vector<256xf32>
    %gt3A_56 = arith.constant 5.000000e-01 : f32
    %gt3A_57 = vector.broadcast %gt3A_56 : f32 to vector<256xf32>
    %gt3A_58 = arith.cmpf ogt, %sub3A_55, %gt3A_57 : vector<256xf32>
    %eq3A_59 = arith.constant 5.000000e-01 : f32
    %eq3A_60 = vector.broadcast %eq3A_59 : f32 to vector<256xf32>
    %eq3A_61 = arith.cmpf oeq, %sub3A_55, %eq3A_60 : vector<256xf32>
    %and3A_62 = arith.constant 1 : i32
    %and3A_63 = vector.broadcast %and3A_62 : i32 to vector<256xi32>
    %and3A_64 = arith.andi %convert_element_type3A_53, %and3A_63 : vector<256xi32>
    %eq3A_65 = arith.constant 1 : i32
    %eq3A_66 = vector.broadcast %eq3A_65 : i32 to vector<256xi32>
    %eq3A_67 = arith.cmpi eq, %and3A_64, %eq3A_66 : vector<256xi32>
    %and3A_68 = arith.andi %eq3A_61, %eq3A_67 : vector<256xi1>
    %or3A_69 = arith.ori %gt3A_58, %and3A_68 : vector<256xi1>
    %add3A_70 = arith.constant 1 : i32
    %add3A_71 = vector.broadcast %add3A_70 : i32 to vector<256xi32>
    %add3A_72 = arith.addi %convert_element_type3A_53, %add3A_71 : vector<256xi32>
    %select_n3A_73 = arith.select %or3A_69, %add3A_72, %convert_element_type3A_53 : vector<256xi1>, vector<256xi32>
    %max3A_74 = arith.maxsi %add3A_46, %select_n3A_73 : vector<256xi32>
    %min3A_75 = arith.constant 32 : i32
    %min3A_76 = vector.broadcast %min3A_75 : i32 to vector<256xi32>
    %min3A_77 = arith.minsi %min3A_76, %max3A_74 : vector<256xi32>
    %iota3A = tpu.iota {dimensions = array<i32: 1>} : vector<256x1024xi32>
    %and3A_78 = arith.constant 31 : i32
    %and3A_79 = vector.broadcast %and3A_78 : i32 to vector<256x1024xi32>
    %and3A_80 = arith.andi %iota3A, %and3A_79 : vector<256x1024xi32>
    %mul3A_81 = arith.constant 32 : i32
    %mul3A_82 = vector.broadcast %mul3A_81 : i32 to vector<256xi32>
    %mul3A_83 = arith.muli %max3A_43, %mul3A_82 : vector<256xi32>
    %broadcast_in_dim3A = vector.shape_cast %mul3A_83 : vector<256xi32> to vector<256x1xi32>
    %ge3A = vector.broadcast %broadcast_in_dim3A : vector<256x1xi32> to vector<256x1024xi32>
    %ge3A_84 = arith.cmpi sge, %iota3A, %ge3A : vector<256x1024xi32>
    %mul3A_85 = arith.constant 32 : i32
    %mul3A_86 = vector.broadcast %mul3A_85 : i32 to vector<256xi32>
    %mul3A_87 = arith.muli %min3A_77, %mul3A_86 : vector<256xi32>
    %broadcast_in_dim3A_88 = vector.shape_cast %mul3A_87 : vector<256xi32> to vector<256x1xi32>
    %lt3A = vector.broadcast %broadcast_in_dim3A_88 : vector<256x1xi32> to vector<256x1024xi32>
    %lt3A_89 = arith.cmpi slt, %iota3A, %lt3A : vector<256x1024xi32>
    %and3A_90 = arith.andi %ge3A_84, %lt3A_89 : vector<256x1024xi1>
    %broadcast_in_dim3A_91 = vector.shape_cast %max3A_10 : vector<256xi32> to vector<256x1xi32>
    %ge3A_92 = vector.broadcast %broadcast_in_dim3A_91 : vector<256x1xi32> to vector<256x1024xi32>
    %ge3A_93 = arith.cmpi sge, %and3A_80, %ge3A_92 : vector<256x1024xi32>
    %and3A_94 = arith.andi %and3A_90, %ge3A_93 : vector<256x1024xi1>
    %broadcast_in_dim3A_95 = vector.shape_cast %min3A_36 : vector<256xi32> to vector<256x1xi32>
    %lt3A_96 = vector.broadcast %broadcast_in_dim3A_95 : vector<256x1xi32> to vector<256x1024xi32>
    %lt3A_97 = arith.cmpi slt, %and3A_80, %lt3A_96 : vector<256x1024xi32>
    %and3A_98 = arith.andi %and3A_94, %lt3A_97 : vector<256x1024xi1>
    %jit3A = arith.constant 1.000000e+00 : f32
    %jit3A_99 = arith.constant 0.000000e+00 : f32
    %broadcast_in_dim3A_100 = vector.broadcast %jit3A : f32 to vector<256x1024xf32>
    %broadcast_in_dim3A_101 = vector.broadcast %jit3A_99 : f32 to vector<256x1024xf32>
    %select_n3A_102 = arith.select %and3A_98, %broadcast_in_dim3A_100, %broadcast_in_dim3A_101 : vector<256x1024xi1>, vector<256x1024xf32>
    %convert_element_type3A_103 = arith.truncf %select_n3A_102 : vector<256x1024xf32> to vector<256x1024xbf16>
    %get3A_104 = arith.constant 0 : index
    %get3A_105 = arith.constant 0 : index
    %get3A_106 = vector.load %arg5[%get3A_104, %get3A_105] : memref<1024x384xbf16, #tpu.memory_space<vmem>>, vector<1024x384xbf16>
    %dot_general3A = arith.constant dense<0.000000e+00> : vector<256x384xf32>
    %dot_general3A_107 = tpu.matmul %convert_element_type3A_103, %get3A_106, %dot_general3A {dimension_numbers = #tpu.dot_dimension_numbers<[1], [0], [0], [1], [0, 0, 1, 1], [], []>, transpose_lhs_hint = false} : vector<256x1024xbf16>, vector<1024x384xbf16>, vector<256x384xf32> -> vector<256x384xf32>
    %get3A_108 = arith.constant 0 : index
    %get3A_109 = arith.constant 0 : index
    %get3A_110 = vector.load %arg6[%get3A_108, %get3A_109] : memref<1024x384xbf16, #tpu.memory_space<vmem>>, vector<1024x384xbf16>
    %dot_general3A_111 = arith.constant dense<0.000000e+00> : vector<256x384xf32>
    %dot_general3A_112 = tpu.matmul %convert_element_type3A_103, %get3A_110, %dot_general3A_111 {dimension_numbers = #tpu.dot_dimension_numbers<[1], [0], [0], [1], [0, 0, 1, 1], [], []>, transpose_lhs_hint = false} : vector<256x1024xbf16>, vector<1024x384xbf16>, vector<256x384xf32> -> vector<256x384xf32>
    %add3A_113 = arith.addf %dot_general3A_107, %dot_general3A_112 : vector<256x384xf32>
    %sub3A_114 = arith.subi %min3A_77, %max3A_43 : vector<256xi32>
    %sub3A_115 = arith.subi %min3A_36, %max3A_10 : vector<256xi32>
    %mul3A_116 = arith.muli %sub3A_114, %sub3A_115 : vector<256xi32>
    %convert_element_type3A_117 = arith.sitofp %mul3A_116 : vector<256xi32> to vector<256xf32>
    %div3A = arith.constant 1.000000e+00 : f32
    %div3A_118 = vector.broadcast %div3A : f32 to vector<256xf32>
    %div3A_119 = arith.divf %div3A_118, %convert_element_type3A_117 : vector<256xf32>
    %broadcast_in_dim3A_120 = vector.shape_cast %div3A_119 : vector<256xf32> to vector<256x1xf32>
    %mul3A_121 = vector.broadcast %broadcast_in_dim3A_120 : vector<256x1xf32> to vector<256x384xf32>
    %mul3A_122 = arith.mulf %add3A_113, %mul3A_121 : vector<256x384xf32>
    %swap3A = arith.constant 0 : index
    %swap3A_123 = arith.constant 0 : index
    %swap3A_124 = vector.load %arg7[%swap3A, %swap3A_123] : memref<256x384xf32, #tpu.memory_space<vmem>>, vector<256x384xf32>
    tpu.vector_store %arg7[%swap3A, %swap3A_123], %mul3A_122 {strides = array<i32>} : memref<256x384xf32, #tpu.memory_space<vmem>>, vector<256x384xf32>,
    return
  }
  func.func @transform_0(%arg0: i32) -> i32 {
    %c0_i32 = arith.constant 0 : i32
    return %arg0 : i32
  }
  func.func @transform_1(%arg0: i32) -> i32 {
    %c0_i32 = arith.constant 0 : i32
    return %arg0 : i32
  }
  func.func @transform_2(%arg0: i32) -> i32 {
    %c0_i32 = arith.constant 0 : i32
    return %arg0 : i32
  }
  func.func @transform_3(%arg0: i32) -> i32 {
    %c0_i32 = arith.constant 0 : i32
    return %arg0 : i32
  }
  func.func @transform_4(%arg0: i32) -> (i32, i32) {
    %c0_i32 = arith.constant 0 : i32
    %c0_i32_0 = arith.constant 0 : i32
    %c0_i32_1 = arith.constant 0 : i32
    return %c0_i32, %c0_i32_0 : i32, i32
  }
  func.func @transform_5(%arg0: i32) -> (i32, i32) {
    %c0_i32 = arith.constant 0 : i32
    %c0_i32_0 = arith.constant 0 : i32
    %c0_i32_1 = arith.constant 0 : i32
    return %c0_i32, %c0_i32_0 : i32, i32
  }
  func.func @transform_6(%arg0: i32) -> (i32, i32) {
    %c0_i32 = arith.constant 0 : i32
    %c0_i32_0 = arith.constant 0 : i32
    return %arg0, %c0_i32 : i32, i32
  }
}

</mosaic_0001>

<sc_bundles>
// kernel: kernel.5.cloned.1.call-start
scs
__scs_entry_jumppad:
0x0: {  	(pc) =	sbr.rel $0x88, $3  }
0x1: {  	(tag) =	ssettag $0x0;
	lr =	simm.s32 $0x1  }
0x2: {  	[smem:$0x3F9F] =	sst lr;
	_ =	strace $0xD0000000  }
0x3: {  	_ = 	snop  }
0x4: {  	_ = 	snop  }
0x5: {  	_ = 	snop  }
0x6: {  	_ = 	snop  }
0x7: {  	_ = 	snop  }
__scs_overlays_trampoline_lowered:
0x8: {  	[smem:$0x3FAE] =	sst s0  }
0x9: {  	[smem:$0x3FAF] =	sst s1  }
0xa: {  	[smem:$0x3FB0] =	sst s2  }
0xb: {  	[smem:$0x3FB1] =	sst s3  }
0xc: {  	[smem:$0x3FB2] =	sst s4  }
0xd: {  	[smem:$0x3FB3] =	sst s5  }
0xe: {  	[smem:$0x3FB4] =	sst s6  }
0xf: {  	[smem:$0x3FB5] =	sst s7  }
0x10: {  	[smem:$0x3FB6] =	sst s8  }
0x11: {  	[smem:$0x3FB7] =	sst s9;
	s0 =	simm.s32 @!p0 $0x0  }
0x12: {  	s1 =	sld [smem:$0x3F9D];
	s0 =	simm.s32 @p0 $0x1  }
0x13: {  	[smem:$0x3FB8] =	sst s0;
	s0 =	simm.s32 @!p1 $0x0  }
0x14: {  	s2 =	sld [smem:$0x3F9C];
	s0 =	simm.s32 @p1 $0x1  }
0x15: {  	[smem:$0x3FB9] =	sst s0;
	s0 =	simm.s32 @!p2 $0x0  }
0x16: {  	s3 =	sld [smem:$0x3FDB];
	s0 =	simm.s32 @p2 $0x1  }
0x17: {  	s4 =	simm.s32 $0x1BF5;
	[smem:$0x3FBB] =	sst s0  }
0x18: {  	s0 =	sld [smem:$0x3F9E];
	_ =	swait.ge [sflag:s4], $0x0  }
0x19: {  	s7 =	sld [smem:$0x3F9F]  }
0x1a: {  	s8 =	sadd.s32 $0xFFFFE003, lr  }
0x1b: {  	s9 =	sadd.s32 $0xFFFFFEF7, lr;
	s5 =	simm.s32 $0xFFFFFFFF;
	p2 =	slt.u32 s8, $0xFFFFF086  }
0x1c: {  	p1 =	slt.u32 s9, $0xF7A;
	s5 =	simm.s32 @!p2 $0x0  }
0x1d: {  	s5 =	simm.s32 @p1 $0x1;
	p0 =	seq.s32 s7, s2  }
0x1e: {  	s7 =	smul.u32 @!p0 $0xF7A, s2;
	p2 =	seq.s32 @!p0 s5, $0x0  }
0x1f: {  	s9 =	smul.u32 $0xF7A, s1;
	s8 =	simm.s32 @!p0 $0x1BF5;
	p2 =	por !p2, p0  }
0x20: {  	[sflag:s8] =	ssyncset.s32 @!p0 $0xFFFFF086;
	s6 =	sadd.s32 @!p0 s3, s7;
	s7 =	simm.s32 @!p0 $0x108  }
0x21: {  	s3 =	sadd.s32 s3, s9;
	s6 =	sadd.s32 @!p0 $0x88, s6;
	s7 =	simm.s32 @p2 $0x1082  }
0x22: {  	[simem:s7], [sflag:s8] =	dma.local @!p0 [hbm:s6], $0xF7A  }
0x23: {  	s9 =	sor.u32 $0xD0000000, s2;
	s6 =	simm.s32 $0x108;
	_ =	swait.ge @!p0 [sflag:s8], $0x0  }
0x24: {  	s3 =	sadd.s32 $0x88, s3;
	s6 =	simm.s32 @!p1 $0x1082;
	[sflag:s4] =	ssyncset.s32 $0xFFFFF086  }
0x25: {  	[simem:s6], [sflag:s4] =	dma.local [hbm:s3], $0xF7A  }
0x26: {  	[smem:$0x3F9F] =	sst s1;
	(tag) =	ssettag s2;
	_ =	strace s9  }
0x27: {  	s1 =	sld [smem:$0x3FAF]  }
0x28: {  	s2 =	sld [smem:$0x3FB0]  }
0x29: {  	s4 =	sld [smem:$0x3FB2]  }
0x2a: {  	p0 =	seq.s32 s5, $0x0;
	s5 =	sld [smem:$0x3FB3]  }
0x2b: {  	s6 =	sld [smem:$0x3FB4]  }
0x2c: {  	s7 =	sld [smem:$0x3FB5]  }
0x2d: {  	s3 =	simm.s32 $0x108;
	s8 =	sld [smem:$0x3FB6]  }
0x2e: {  	s3 =	simm.s32 @!p0 $0x1082;
	s9 =	sld [smem:$0x3FB7]  }
0x2f: {  	lr =	sadd.s32 s0, s3;
	s0 =	sld [smem:$0x3FAE]  }
0x30: {  	s3 =	sld [smem:$0x3FB1]  }
0x31: {  	[smem:$0x3FBA] =	sst s10  }
0x32: {  	s10 =	sld [smem:$0x3FB8];
	_ =	sdelay $0x3  }
0x33: {  	p0 =	seq.s32 s10, $0x1;
	s10 =	sld [smem:$0x3FBA];
	_ =	sdelay $0x3  }
0x34: {  	[smem:$0x3FBA] =	sst s10  }
0x35: {  	s10 =	sld [smem:$0x3FB9];
	_ =	sdelay $0x3  }
0x36: {  	p1 =	seq.s32 s10, $0x1;
	s10 =	sld [smem:$0x3FBA];
	_ =	sdelay $0x3  }
0x37: {  	[smem:$0x3FBA] =	sst s10  }
0x38: {  	s10 =	sld [smem:$0x3FBB]  }
0x39: {  	_ = 	snop;
	(pc) =	sbr.ind lr, $3  }
0x3a: {  	_ = 	snop  }
0x3b: {  	_ = 	snop  }
0x3c: {  	p2 =	seq.s32 s10, $0x1;
	s10 =	sld [smem:$0x3FBA]  }
0x3d: {  	_ =	shalt  }
0x3e: {  	_ =	shalt  }
0x3f: {  	_ =	shalt  }
0x40: {  	_ =	shalt  }
0x41: {  	_ =	shalt  }
0x42: {  	_ =	shalt  }
0x43: {  	_ =	shalt  }
0x44: {  	_ =	shalt  }
0x45: {  	_ =	shalt  }
0x46: {  	_ =	shalt  }
0x47: {  	_ =	shalt  }
0x48: {  	_ =	shalt  }
0x49: {  	_ =	shalt  }
0x4a: {  	_ =	shalt  }
0x4b: {  	_ =	shalt  }
0x4c: {  	_ =	shalt  }
0x4d: {  	_ =	shalt  }
0x4e: {  	_ =	shalt  }
0x4f: {  	_ =	shalt  }
0x50: {  	_ =	shalt  }
0x51: {  	_ =	shalt  }
0x52: {  	_ =	shalt  }
0x53: {  	_ =	shalt  }
0x54: {  	_ =	shalt  }
0x55: {  	_ =	shalt  }
0x56: {  	_ =	shalt  }
0x57: {  	_ =	shalt  }
0x58: {  	_ =	shalt  }
0x59: {  	_ =	shalt  }
0x5a: {  	_ =	shalt  }
0x5b: {  	_ =	shalt  }
0x5c: {  	_ =	shalt  }
0x5d: {  	_ =	shalt  }
0x5e: {  	_ =	shalt  }
0x5f: {  	_ =	shalt  }
0x60: {  	_ =	shalt  }
0x61: {  	_ =	shalt  }
0x62: {  	_ =	shalt  }
0x63: {  	_ =	shalt  }
0x64: {  	_ =	shalt  }
0x65: {  	_ =	shalt  }
0x66: {  	_ =	shalt  }
0x67: {  	_ =	shalt  }
0x68: {  	_ =	shalt  }
0x69: {  	_ =	shalt  }
0x6a: {  	_ =	shalt  }
0x6b: {  	_ =	shalt  }
0x6c: {  	_ =	shalt  }
0x6d: {  	_ =	shalt  }
0x6e: {  	_ =	shalt  }
0x6f: {  	_ =	shalt  }
0x70: {  	_ =	shalt  }
0x71: {  	_ =	shalt  }
0x72: {  	_ =	shalt  }
0x73: {  	_ =	shalt  }
0x74: {  	_ =	shalt  }
0x75: {  	_ =	shalt  }
0x76: {  	_ =	shalt  }
0x77: {  	_ =	shalt  }
0x78: {  	_ =	shalt  }
0x79: {  	_ =	shalt  }
0x7a: {  	_ =	shalt  }
0x7b: {  	_ =	shalt  }
0x7c: {  	_ =	shalt  }
0x7d: {  	_ =	shalt  }
0x7e: {  	_ =	shalt  }
0x7f: {  	_ =	shalt  }
0x80: {  	_ =	shalt  }
0x81: {  	_ =	shalt  }
0x82: {  	_ =	shalt  }
0x83: {  	_ =	shalt  }
0x84: {  	_ =	shalt  }
0x85: {  	_ =	shalt  }
0x86: {  	_ =	shalt  }
0x87: {  	_ =	shalt  }
.Lfunc_end0:
.L_simem_size_0:
called_computation_lowered:
.L_overlay_start_0:
0x88: {  	s2 =	sld [smem:$0x3FD9]  }
0x89: {  	s3 =	sld [smem:$0x3FFE];
	_ =	sdelay $0x1  }
0x8a: {  	s1 =	srdreg.scid  }
0x8b: {  	s0 =	sand.u32 $0x1, s1  }
0x8c: {  	s16 =	sshll.u32 s0, $0xA;
	s2 =	sadd.s32 s3, s2  }
0x8d: {  	s2 =	sadd.s32 s2, s16  }
0x8e: {  	[smem:$0x3FC6] =	sst s2  }
0x8f: {  	_ = 	snop  }
0x90: {  	(tm) =	ssettm $0x1  }
0x91: {  	s17 =	sld [smem:$0x3FFB];
	_ =	sdelay $0x3  }
0x92: {  	_ =	strace s17  }
0x93: {  	s2 =	sld [smem:$0x3FFC];
	_ =	sdelay $0x3  }
0x94: {  	_ =	strace s2  }
0x95: {  	s2 =	sld [smem:$0x3FFD];
	_ =	sdelay $0x3  }
0x96: {  	_ =	strace s2  }
0x97: {  	_ =	strace $0x8FFFFFFF  }
0x98: {  	s18 =	sld [smem:$0x3FDB];
	_ =	sdelay $0x1  }
0x99: {  	s19 =	simm.s32 $_scs_section_size  }
0x9a: {  	s4 =	simm.s32 $_size__tile_overlayer_lowered;
	s5 =	simm.s32 $_tile_overlayer_lowered  }
0x9b: {  	s22 =	simm.s32 $0x1BFF;
	s21 =	sshll.u32 s5, $0x1;
	s2 =	sadd.s32 s19, s18  }
0x9c: {  	s6 =	simm.s32 $0x0;
	s20 =	sshll.u32 s4, $0x1;
	s4 =	sadd.s32 s21, s2  }
0x9d: {  	[timem:s6], [sflag:s22] =	dma.local [hbm:s4], s20  }
0x9e: {  	_ =	swait.ge [sflag:s22], s20  }
0x9f: {  	s3 =	ssub.s32 $0x0, s20;
	[sflag:s22] =	ssyncset.done $0x0  }
0xa0: {  	[sflag:s22] =	ssyncadd.s32 s3;
	_ =	sdelay $0x1  }
0xa1: {  	s23 =	simm.s32 $0x1B8B  }
0xa2: {  	_ =	swait.ge [sflag:s23], $0x1  }
0xa3: {  	[sflag:s23] =	ssyncset.done $0x0  }
0xa4: {  	s25 =	simm.s32 $0x1B8E;
	s24 =	sld [smem:$0x3FFE];
	[sflag:s23] =	ssyncadd.s32 $0xFFFFFFFF  }
0xa5: {  	s26 =	simm.s32 $execute0_lowered;
	[smem:$0x3FD2] =	sst s25  }
0xa6: {  	s4 =	sshll.u32 s26, $0x1;
	_ =	strace $0x80000046;
	[dreg:$0x1] =	wrdreg $0xFFFFFFFF  }
0xa7: {  	s28 =	simm.s32 $_size_execute0_lowered;
	s2 =	sadd.s32 s2, s4;
	[dreg:$0x0] =	wrdreg $0x0  }
0xa8: {  	s4 =	sshll.u32 s28, $0x1;
	[dreg:$0x2] =	wrdreg s2  }
0xa9: {  	[dreg:$0x3] =	wrdreg s4  }
0xaa: {  	[dreg:$0x4] =	wrdreg $0xC0  }
0xab: {  	_ =	task [dreg:s6], $0x5FFFF  }
0xac: {  	[dreg:$0x1] =	wrdreg $0xFFFFFFFF  }
0xad: {  	[dreg:$0x0] =	wrdreg $0x60  }
0xae: {  	[dreg:$0x2] =	wrdreg s24  }
0xaf: {  	[dreg:$0x3] =	wrdreg $0x9  }
0xb0: {  	_ =	task.clear_ibuf [dreg:s6], $0x4FFFF;
	_ =	strace $0x90000046  }
0xb1: {  	s29 =	simm.s32 $0x9;
	_ =	strace $0x80000048  }
0xb2: {  	_ =	swait.ge [sflag:s29], $0x1  }
0xb3: {  	[sflag:s29] =	ssyncadd.s32 $0xFFFFFFFF  }
0xb4: {  	_ =	strace $0x90000048  }
0xb5: {  	_ =	sfence  }
0xb6: {  	s30 =	sld [smem:$0x0];
	_ =	sdelay $0x2  }
0xb7: {  	s31 =	sshll.u32 s1, $0xD;
	s1 =	sshrl.u32 s1, $0x2  }
0xb8: {  	s3 =	sand.u32 $0x4000, s31;
	s1 =	sadd.s32 s1, s30  }
0xb9: {  	s0 =	sor.u32 s3, s0;
	s1 =	sshll.u32 s1, $0x11  }
0xba: {  	s0 =	sor.u32 s1, s0  }
0xbb: {  	s0 =	sadd.s32 $0x8F2B, s0  }
0xbc: {  	[sflag:s0] =	ssyncadd.remote.s32 $0x1  }
0xbd: {  	_ =	sfence.sel $0xFFFF  }
0xbe: {  	[dreg:$0x0] =	wrdreg $0xFFFFFFFF;
	(pc) =	sbr.abs _section_cstart, $3  }
0xbf: {  	[dreg:$0x1] =	wrdreg $0xFFFFFFFF  }
0xc0: {  	_ =	task.clear_ibuf [dreg:s6], $0x2FFFF;
	_ =	strace $0x9FFFFFFF  }
0xc1: {  	(tm) =	ssettm $0x7FFFFFFF  }
tec
execute0_lowered:
.L_overlay_start_1:
0x0: {  	(tag) =	ssettag $0x1  }
0x1: {  	s0 =	srdreg.scid;
	s1 =	stileid.u32  }
0x2: {  	s6 =	rddreg [dreg:$0x0];
	s2 =	simm.s32 $0x0;
	s8 =	simm.s32 $0x8700  }
0x3: {  	s9 =	simm.s32 $0x8F00;
	s11 =	simm.s32 $0x9300;
	s15 =	simm.s32 $0x9B00  }
0x4: {  	s16 =	simm.s32 $0x9F00;
	s17 =	simm.s32 $0xA700;
	s18 =	simm.s32 $0xAB00  }
0x5: {  	s19 =	simm.s32 $0xB300;
	s20 =	simm.s32 $0xB700;
	s21 =	simm.s32 $0xBF00  }
0x6: {  	s22 =	simm.s32 $0x1;
	s0 =	sand.u32 $0x1, s0;
	s1 =	sshll.u32 s1, $0x1  }
0x7: {  	s23 =	simm.s32 $0xC300;
	s24 =	simm.s32 $0x2;
	s1 =	sor.u32 s0, s1  }
0x8: {  	s25 =	simm.s32 $0x4;
	s0 =	ssub.s32 $0x2, s0;
	s3 =	smul.u32 $0x60, s1  }
0x9: {  	s26 =	simm.s32 $0xDB00;
	[smem:$0x7FF] =	sst s2;
	s7 =	sshrl.u32 s0, $0x1  }
0xa: {  	s4 =	sadd.s32 $0x1600, s6;
	s0 =	ssub.s32 s0, s7;
	s1 =	sshrl.u32 s3, $0x3  }
0xb: {  	_ =	strace $0x80000047;
	s0 =	smax.u32 s0, $0x1;
	s1 =	sadd.s32 s1, s6  }
.Ltmp0:
0xc: {  	v3 =	vlaneseq.u32;
	[dreg:$0x6] =	wrdreg s0;
	s29 =	sadd.s32 $0x1400, s1;
	(pc) =	sbr.rel .LBB2_1-.Ltmp0, $4  }
0xd: {  	s5 =	sadd.s32 $0x10E00, s6;
	v2 =	vshrl.u32 v3, $0x3;
	v0 =	vand.u32 $0x7, v3;
	s30 =	sadd.s32 $0x1200, s1;
	[dreg:$0x2] =	wrdreg s29  }
0xe: {  	s10 =	sadd.s32 $0x1700, s6;
	v63 =	vor.u32 $0x8, v3;
	[tilespmem:$0x1FFD0] =	vst v0;
	v62 =	vmul.u32 $0x8, v2;
	s31 =	sadd.s32 $0x1000, s1;
	[dreg:$0x3] =	wrdreg s30  }
0xf: {  	[tilespmem:$0x1FFF0] =	vst v63;
	s7 =	simm.s32 $0x8300;
	s1 =	sadd.s32 $0xE00, s1;
	[dreg:$0x4] =	wrdreg s31  }
0x10: {  	vm0 =	vmmov $0xffff;
	vm1 =	vmmov $0xff;
	[tilespmem:$0x1FFE0] =	vst v62;
	s6 =	simm.s32 $0x7B00;
	[dreg:$0x5] =	wrdreg s1;
	s1 =	simm.s32 $0x0  }
.LBB2_12:
0x11: {  	s0 =	simm.s32 $0x3  }
0x12: {  	_ =	swait.ge [sflag:s0], $0x1800  }
0x13: {  	[sflag:s0] =	ssyncset.done $0x0  }
0x14: {  	[sflag:s0] =	ssyncadd.s32 $0xFFFFE800  }
0x15: {  	_ =	swait.ge [sflag:s25], $0x1800  }
0x16: {  	s1 =	rddreg [dreg:$0x7]  }
0x17: {  	s31 =	rddreg [dreg:$0x6];
	s1 =	sadd.s32 $0x1, s1  }
0x18: {  	p0 =	sne.s32 s1, s31  }
.Ltmp1:
0x19: {  	_ = 	snop;
	(pc) =	sbr.rel @!p0 .LBB2_13-.Ltmp1, $3  }
0x1a: {  	_ =	sdelay $0x1  }
0x1b: {  	[sflag:s25] =	ssyncset.done $0x0  }
0x1c: {  	[sflag:s25] =	ssyncadd.s32 $0xFFFFE800  }
.LBB2_1:
0x1d: {  	[dreg:$0x7] =	wrdreg s1  }
0x1e: {  	s0 =	rddreg [dreg:$0x2]  }
0x1f: {  	[tilespmem:s2], [sflag:$0x5] =	stream.linear.gather [hbm4b:s0+s2], $0x60, $0x38;
	[tilespmem:$0xF380] =	vst v63  }
0x20: {  	s12 =	rddreg [dreg:$0x3];
	s13 =	simm.s32 $0x80  }
0x21: {  	[tilespmem:s13], [sflag:$0x5] =	stream.linear.gather [hbm4b:s12+s2], $0x60, $0x38;
	[tilespmem:$0xF380] =	vst v63  }
0x22: {  	s14 =	rddreg [dreg:$0x4];
	s29 =	simm.s32 $0x100  }
0x23: {  	[tilespmem:s29], [sflag:$0x5] =	stream.linear.gather [hbm4b:s14+s2], $0x60, $0x38;
	[tilespmem:$0xF380] =	vst v63  }
0x24: {  	s30 =	rddreg [dreg:$0x5];
	s31 =	simm.s32 $0x180;
	s1 =	simm.s32 $0x5  }
0x25: {  	[tilespmem:s31], [sflag:$0x5] =	stream.linear.gather [hbm4b:s30+s2], $0x60, $0x38;
	[tilespmem:$0xF380] =	vst v63  }
0x26: {  	_ =	swait.ge [sflag:s1], $0x60  }
0x27: {  	[sflag:s1] =	ssyncset.done $0x0  }
0x28: {  	[sflag:s1] =	ssyncadd.s32 $0xFFFFFFA0  }
0x29: {  	_ =	swait.ge [sflag:s1], $0x60  }
0x2a: {  	[sflag:s1] =	ssyncset.done $0x0  }
0x2b: {  	[sflag:s1] =	ssyncadd.s32 $0xFFFFFFA0  }
0x2c: {  	_ =	swait.ge [sflag:s1], $0x60  }
0x2d: {  	[sflag:s1] =	ssyncset.done $0x0  }
0x2e: {  	[sflag:s1] =	ssyncadd.s32 $0xFFFFFFA0  }
0x2f: {  	_ =	swait.ge [sflag:s1], $0x60  }
0x30: {  	[sflag:s1] =	ssyncset.done $0x0  }
0x31: {  	[sflag:s1] =	ssyncadd.s32 $0xFFFFFFA0  }
0x32: {  	v4 =	vld [tilespmem:$0x100]  }
0x33: {  	v5 =	vld [tilespmem:$0x180]  }
0x34: {  	v6 =	vld [tilespmem:$0x0]  }
0x35: {  	v8 =	vld [tilespmem:$0x80];
	_ =	sdelay $0x3  }
0x36: {  	v4 =	vmul.f32 $3.200000000e+01, v4;
	v5 =	vmul.f32 $3.200000000e+01, v5  }
0x37: {  	v6 =	vmul.f32 $3.200000000e+01, v6;
	v8 =	vmul.f32 $3.200000000e+01, v8  }
0x38: {  	v4 =	vadd.f32 $5.000000000e-01, v4;
	v5 =	vadd.f32 $5.000000000e-01, v5  }
0x39: {  	v6 =	vtrunc.f32 v6;
	v8 =	vtrunc.f32 v8  }
0x3a: {  	v7 =	vtrunc.f32 v4;
	v9 =	vtrunc.f32 v5  }
0x3b: {  	v7 =	vcvt.f32.s32 v7;
	v9 =	vcvt.f32.s32 v9  }
0x3c: {  	v6 =	vcvt.f32.s32 v6;
	v8 =	vcvt.f32.s32 v8  }
0x3d: {  	v0 =	vimm.s32 $0x0;
	v10 =	vcvt.s32.f32 v7;
	v11 =	vcvt.s32.f32 v9  }
0x3e: {  	vm2 =	vgt.s32 v6, $0x0;
	vm10 =	vgt.s32 v8, $0x0;
	v20 =	vand.u32 $0x1, v7  }
0x3f: {  	v21 =	vand.u32 $0x1, v9;
	v4 =	vsub.f32 v4, v10;
	v5 =	vsub.f32 v5, v11  }
0x40: {  	v6 =	vnsel vm2, $0x0, v6;
	vm3 =	veq.s32 v20, $0x1;
	vm2 =	veq.s32 v21, $0x1  }
0x41: {  	vm4 =	veq.f32 v4, $5.000000000e-01;
	vm8 =	veq.f32 v5, $5.000000000e-01;
	vm5 =	vgt.f32 v4, $5.000000000e-01  }
0x42: {  	vm9 =	vgt.f32 v5, $5.000000000e-01;
	vm3 =	vmand vm4, vm3;
	vm2 =	vmand vm8, vm2  }
0x43: {  	v24 =	vnsel vm10, $0x0, v8;
	vm3 =	vmor vm5, vm3;
	vm2 =	vmor vm9, vm2  }
0x44: {  	v22 =	vadd.s32 $0x1, v6;
	v23 =	vsel vm3, $0x1, v0;
	v25 =	vsel vm2, $0x1, v0  }
0x45: {  	v26 =	vadd.s32 $0x1, v24;
	v4 =	vadd.s32 v7, v23;
	v8 =	vadd.s32 v9, v25  }
0x46: {  	v27 =	vmul.u32 $0x28, v24;
	vm2 =	vgt.s32 v22, v4;
	vm3 =	vgt.s32 v26, v8  }
0x47: {  	v4 =	vsel vm2, v22, v4;
	v7 =	vsel vm3, v26, v8  }
0x48: {  	v28 =	vadd.s32 v6, v27;
	vm2 =	vlt.s32 v4, $0x20;
	vm3 =	vlt.s32 v7, $0x20  }
0x49: {  	[tilespmem:$0x200] =	vst v28;
	v4 =	vnsel vm2, $0x20, v4;
	v7 =	vnsel vm3, $0x20, v7  }
0x4a: {  	v30 =	vld [tilespmem:$0x200];
	v5 =	vsub.s32 v7, v24;
	v29 =	vsub.s32 v4, v6  }
0x4b: {  	v5 =	vmul.u32 v29, v5;
	_ =	sdelay $0x1  }
0x4c: {  	v5 =	vcvt.s32.f32 v5  }
0x4d: {  	v1 =	vld [tilespmem:$0x1FFD0]  }
0x4e: {  	v31 =	vshrl.u32 v30, $0x3;
	(erf) = vrcp.f32 v5  }
0x4f: {  	v2 =	vld [tilespmem:$0x1FFE0];
	v5 =	vmul.u32 $0x18, v31  }
0x50: {  	v32 =	vand.u32 $0x7, v30  }
0x51: {  	v3 =	vld [tilespmem:$0x1FFF0];
	v5 =	vor.u32 v32, v5  }
0x52: {  	v8 =	vperm.xlane v5, v1  }
0x53: {  	v7 =	vmul.u32 $0x28, v7  }
0x54: {  	v9 =	vadd.s32 v27, v4;
	v8 =	vadd.s32 v2, v8  }
0x55: {  	[tilespmem:$0x210] =	vst v9;
	v6 =	vadd.s32 v6, v7  }
0x56: {  	v4 =	vadd.s32 v4, v7;
	[tilespmem:$0x220] =	vst v6;
	v5 =	vperm.xlane v5, v3  }
0x57: {  	[tilespmem:$0x230] =	vst v4;
	v33 =	vpop (erf)  }
0x58: {  	s12 =	simm.s32 $0x300;
	v34 =	vadd.s32 v2, v5;
	[tilespmem:$0xF300] =	vst v33  }
0x59: {  	[tilespmem:s12], [sflag:$0x1] =	stream.indirect_vreg.gather [hbm4b:s4+s2], $0x80, v8, vm0, $0xb8;
	[tilespmem:$0xF380] =	vst v63  }
0x5a: {  	s13 =	simm.s32 $0xB00  }
0x5b: {  	[tilespmem:s13], [sflag:$0x1] =	stream.indirect_vreg.gather [hbm4b:s10+s2], $0x80, v8, vm1, $0xb8;
	[tilespmem:$0xF380] =	vst v63  }
0x5c: {  	s14 =	simm.s32 $0xF00  }
0x5d: {  	[tilespmem:s14], [sflag:$0x1] =	stream.indirect_vreg.gather [hbm4b:s4+s2], $0x80, v34, vm0, $0xb8;
	[tilespmem:$0xF380] =	vst v63  }
0x5e: {  	s29 =	simm.s32 $0x1700  }
0x5f: {  	[tilespmem:s29], [sflag:$0x1] =	stream.indirect_vreg.gather [hbm4b:s10+s2], $0x80, v34, vm1, $0xb8;
	[tilespmem:$0xF380] =	vst v63  }
0x60: {  	v4 =	vld [tilespmem:$0x210];
	_ =	sdelay $0x4  }
0x61: {  	v35 =	vshrl.u32 v4, $0x3  }
0x62: {  	v5 =	vmul.u32 $0x18, v35  }
0x63: {  	v4 =	vand.u32 $0x7, v4  }
0x64: {  	v4 =	vor.u32 v4, v5  }
0x65: {  	v5 =	vperm.xlane v4, v1;
	_ =	sdelay $0x1  }
0x66: {  	v5 =	vadd.s32 v2, v5;
	_ =	sdelay $0x1  }
0x67: {  	v4 =	vperm.xlane v4, v3;
	_ =	sdelay $0x1  }
0x68: {  	s30 =	simm.s32 $0x1B00;
	v4 =	vadd.s32 v2, v4  }
0x69: {  	[tilespmem:s30], [sflag:$0x1] =	stream.indirect_vreg.gather [hbm4b:s4+s2], $0x80, v5, vm0, $0xb8;
	[tilespmem:$0xF380] =	vst v63  }
0x6a: {  	s31 =	simm.s32 $0x2300  }
0x6b: {  	[tilespmem:s31], [sflag:$0x1] =	stream.indirect_vreg.gather [hbm4b:s10+s2], $0x80, v5, vm1, $0xb8;
	[tilespmem:$0xF380] =	vst v63  }
0x6c: {  	s1 =	simm.s32 $0x2700  }
0x6d: {  	[tilespmem:s1], [sflag:$0x1] =	stream.indirect_vreg.gather [hbm4b:s4+s2], $0x80, v4, vm0, $0xb8;
	[tilespmem:$0xF380] =	vst v63  }
0x6e: {  	s12 =	simm.s32 $0x2F00  }
0x6f: {  	[tilespmem:s12], [sflag:$0x1] =	stream.indirect_vreg.gather [hbm4b:s10+s2], $0x80, v4, vm1, $0xb8;
	[tilespmem:$0xF380] =	vst v63  }
0x70: {  	v4 =	vld [tilespmem:$0x220];
	_ =	sdelay $0x4  }
0x71: {  	v36 =	vshrl.u32 v4, $0x3  }
0x72: {  	v5 =	vmul.u32 $0x18, v36  }
0x73: {  	v4 =	vand.u32 $0x7, v4  }
0x74: {  	v4 =	vor.u32 v4, v5  }
0x75: {  	v5 =	vperm.xlane v4, v1;
	_ =	sdelay $0x1  }
0x76: {  	v5 =	vadd.s32 v2, v5;
	_ =	sdelay $0x1  }
0x77: {  	v4 =	vperm.xlane v4, v3;
	_ =	sdelay $0x1  }
0x78: {  	s13 =	simm.s32 $0x3300;
	v4 =	vadd.s32 v2, v4  }
0x79: {  	[tilespmem:s13], [sflag:$0x1] =	stream.indirect_vreg.gather [hbm4b:s4+s2], $0x80, v5, vm0, $0xb8;
	[tilespmem:$0xF380] =	vst v63  }
0x7a: {  	s14 =	simm.s32 $0x3B00  }
0x7b: {  	[tilespmem:s14], [sflag:$0x1] =	stream.indirect_vreg.gather [hbm4b:s10+s2], $0x80, v5, vm1, $0xb8;
	[tilespmem:$0xF380] =	vst v63  }
0x7c: {  	s29 =	simm.s32 $0x3F00  }
0x7d: {  	[tilespmem:s29], [sflag:$0x1] =	stream.indirect_vreg.gather [hbm4b:s4+s2], $0x80, v4, vm0, $0xb8;
	[tilespmem:$0xF380] =	vst v63  }
0x7e: {  	s30 =	simm.s32 $0x4700  }
0x7f: {  	[tilespmem:s30], [sflag:$0x1] =	stream.indirect_vreg.gather [hbm4b:s10+s2], $0x80, v4, vm1, $0xb8;
	[tilespmem:$0xF380] =	vst v63  }
0x80: {  	v4 =	vld [tilespmem:$0x230];
	_ =	sdelay $0x4  }
0x81: {  	v37 =	vshrl.u32 v4, $0x3  }
0x82: {  	v5 =	vmul.u32 $0x18, v37  }
0x83: {  	v4 =	vand.u32 $0x7, v4  }
0x84: {  	v4 =	vor.u32 v4, v5  }
0x85: {  	v5 =	vperm.xlane v4, v1;
	_ =	sdelay $0x1  }
0x86: {  	v5 =	vadd.s32 v2, v5;
	_ =	sdelay $0x1  }
0x87: {  	v4 =	vperm.xlane v4, v3;
	_ =	sdelay $0x1  }
0x88: {  	s31 =	simm.s32 $0x4B00;
	v4 =	vadd.s32 v2, v4  }
0x89: {  	[tilespmem:s31], [sflag:$0x1] =	stream.indirect_vreg.gather [hbm4b:s4+s2], $0x80, v5, vm0, $0xb8;
	[tilespmem:$0xF380] =	vst v63  }
0x8a: {  	s1 =	simm.s32 $0x5300  }
0x8b: {  	[tilespmem:s1], [sflag:$0x1] =	stream.indirect_vreg.gather [hbm4b:s10+s2], $0x80, v5, vm1, $0xb8;
	[tilespmem:$0xF380] =	vst v63  }
0x8c: {  	s12 =	simm.s32 $0x5700  }
0x8d: {  	[tilespmem:s12], [sflag:$0x1] =	stream.indirect_vreg.gather [hbm4b:s4+s2], $0x80, v4, vm0, $0xb8;
	[tilespmem:$0xF380] =	vst v63  }
0x8e: {  	s13 =	simm.s32 $0x5F00  }
0x8f: {  	[tilespmem:s13], [sflag:$0x1] =	stream.indirect_vreg.gather [hbm4b:s10+s2], $0x80, v4, vm1, $0xb8;
	[tilespmem:$0xF380] =	vst v63  }
0x90: {  	v4 =	vld [tilespmem:$0x110]  }
0x91: {  	v5 =	vld [tilespmem:$0x190]  }
0x92: {  	v38 =	vld [tilespmem:$0x10]  }
0x93: {  	v8 =	vld [tilespmem:$0x90];
	_ =	sdelay $0x1  }
0x94: {  	v4 =	vmul.f32 $3.200000000e+01, v4  }
0x95: {  	v5 =	vmul.f32 $3.200000000e+01, v5  }
0x96: {  	v6 =	vmul.f32 $3.200000000e+01, v38;
	v4 =	vadd.f32 $5.000000000e-01, v4  }
0x97: {  	v8 =	vmul.f32 $3.200000000e+01, v8;
	v5 =	vadd.f32 $5.000000000e-01, v5  }
0x98: {  	v6 =	vtrunc.f32 v6;
	v39 =	vtrunc.f32 v4  }
0x99: {  	v41 =	vtrunc.f32 v5;
	v7 =	vcvt.f32.s32 v39  }
0x9a: {  	v6 =	vcvt.f32.s32 v6;
	v42 =	vcvt.f32.s32 v41  }
0x9b: {  	v40 =	vcvt.s32.f32 v7  }
0x9c: {  	v45 =	vtrunc.f32 v8;
	vm2 =	vgt.s32 v6, $0x0;
	v10 =	vcvt.s32.f32 v42  }
0x9d: {  	v6 =	vnsel vm2, $0x0, v6;
	v43 =	vand.u32 $0x1, v7;
	v4 =	vsub.f32 v4, v40  }
0x9e: {  	v46 =	vand.u32 $0x1, v42;
	vm2 =	veq.s32 v43, $0x1;
	v44 =	vsub.f32 v5, v10  }
0x9f: {  	vm13 =	veq.s32 v46, $0x1;
	v5 =	vcvt.f32.s32 v45;
	vm11 =	veq.f32 v4, $5.000000000e-01  }
0xa0: {  	vm3 =	vgt.f32 v4, $5.000000000e-01;
	vm12 =	veq.f32 v44, $5.000000000e-01;
	vm2 =	vmand vm11, vm2  }
0xa1: {  	vm14 =	vgt.f32 v44, $5.000000000e-01;
	vm2 =	vmor vm3, vm2;
	vm3 =	vmand vm12, vm13  }
0xa2: {  	v47 =	vadd.s32 $0x1, v6;
	vm15 =	vgt.s32 v5, $0x0;
	vm3 =	vmor vm14, vm3  }
0xa3: {  	v5 =	vnsel vm15, $0x0, v5;
	v48 =	vsel vm2, $0x1, v0;
	v49 =	vsel vm3, $0x1, v0  }
0xa4: {  	v50 =	vadd.s32 $0x1, v5;
	v7 =	vadd.s32 v7, v48;
	v9 =	vadd.s32 v42, v49  }
0xa5: {  	v51 =	vmul.u32 $0x28, v5;
	vm2 =	vgt.s32 v47, v7;
	vm3 =	vgt.s32 v50, v9  }
0xa6: {  	v4 =	vsel vm2, v47, v7;
	v52 =	vsel vm3, v50, v9  }
0xa7: {  	v53 =	vadd.s32 v6, v51;
	vm2 =	vlt.s32 v4, $0x20;
	vm3 =	vlt.s32 v52, $0x20  }
0xa8: {  	[tilespmem:$0x280] =	vst v53;
	v4 =	vnsel vm2, $0x20, v4;
	v7 =	vnsel vm3, $0x20, v52  }
0xa9: {  	v55 =	vld [tilespmem:$0x280];
	v54 =	vsub.s32 v4, v6;
	v5 =	vsub.s32 v7, v5  }
0xaa: {  	v5 =	vmul.u32 v54, v5;
	_ =	sdelay $0x1  }
0xab: {  	v5 =	vcvt.s32.f32 v5;
	_ =	sdelay $0x1  }
0xac: {  	v56 =	vshrl.u32 v55, $0x3;
	(erf) = vrcp.f32 v5  }
0xad: {  	v5 =	vmul.u32 $0x18, v56  }
0xae: {  	v57 =	vand.u32 $0x7, v55  }
0xaf: {  	v5 =	vor.u32 v57, v5  }
0xb0: {  	v8 =	vperm.xlane v5, v1  }
0xb1: {  	v7 =	vmul.u32 $0x28, v7  }
0xb2: {  	v58 =	vadd.s32 v51, v4;
	v8 =	vadd.s32 v2, v8  }
0xb3: {  	[tilespmem:$0x290] =	vst v58;
	v6 =	vadd.s32 v6, v7  }
0xb4: {  	v4 =	vadd.s32 v4, v7;
	[tilespmem:$0x2A0] =	vst v6;
	v5 =	vperm.xlane v5, v3  }
0xb5: {  	[tilespmem:$0x2B0] =	vst v4;
	v59 =	vpop (erf)  }
0xb6: {  	s14 =	simm.s32 $0x6300;
	v60 =	vadd.s32 v2, v5;
	[tilespmem:$0xF310] =	vst v59  }
0xb7: {  	[tilespmem:s14], [sflag:$0x2] =	stream.indirect_vreg.gather [hbm4b:s4+s2], $0x80, v8, vm0, $0xb8;
	[tilespmem:$0xF380] =	vst v63  }
0xb8: {  	s29 =	simm.s32 $0x6B00  }
0xb9: {  	[tilespmem:s29], [sflag:$0x2] =	stream.indirect_vreg.gather [hbm4b:s10+s2], $0x80, v8, vm1, $0xb8;
	[tilespmem:$0xF380] =	vst v63  }
0xba: {  	s30 =	simm.s32 $0x6F00  }
0xbb: {  	[tilespmem:s30], [sflag:$0x2] =	stream.indirect_vreg.gather [hbm4b:s4+s2], $0x80, v60, vm0, $0xb8;
	[tilespmem:$0xF380] =	vst v63  }
0xbc: {  	s31 =	simm.s32 $0x7700  }
0xbd: {  	[tilespmem:s31], [sflag:$0x2] =	stream.indirect_vreg.gather [hbm4b:s10+s2], $0x80, v60, vm1, $0xb8;
	[tilespmem:$0xF380] =	vst v63  }
0xbe: {  	v4 =	vld [tilespmem:$0x290];
	_ =	sdelay $0x4  }
0xbf: {  	v61 =	vshrl.u32 v4, $0x3  }
0xc0: {  	v5 =	vmul.u32 $0x18, v61  }
0xc1: {  	v4 =	vand.u32 $0x7, v4  }
0xc2: {  	v4 =	vor.u32 v4, v5  }
0xc3: {  	v5 =	vperm.xlane v4, v1;
	_ =	sdelay $0x1  }
0xc4: {  	v5 =	vadd.s32 v2, v5;
	_ =	sdelay $0x1  }
0xc5: {  	v4 =	vperm.xlane v4, v3;
	_ =	sdelay $0x1  }
0xc6: {  	v4 =	vadd.s32 v2, v4  }
0xc7: {  	[tilespmem:s6], [sflag:$0x2] =	stream.indirect_vreg.gather [hbm4b:s4+s2], $0x80, v5, vm0, $0xb8;
	[tilespmem:$0xF380] =	vst v63  }
0xc8: {  	_ = 	snop  }
0xc9: {  	[tilespmem:s7], [sflag:$0x2] =	stream.indirect_vreg.gather [hbm4b:s10+s2], $0x80, v5, vm1, $0xb8;
	[tilespmem:$0xF380] =	vst v63  }
0xca: {  	_ = 	snop  }
0xcb: {  	[tilespmem:s8], [sflag:$0x2] =	stream.indirect_vreg.gather [hbm4b:s4+s2], $0x80, v4, vm0, $0xb8;
	[tilespmem:$0xF380] =	vst v63  }
0xcc: {  	_ = 	snop  }
0xcd: {  	[tilespmem:s9], [sflag:$0x2] =	stream.indirect_vreg.gather [hbm4b:s10+s2], $0x80, v4, vm1, $0xb8;
	[tilespmem:$0xF380] =	vst v63  }
0xce: {  	v4 =	vld [tilespmem:$0x2A0];
	_ =	sdelay $0x4  }
0xcf: {  	v62 =	vshrl.u32 v4, $0x3  }
0xd0: {  	v5 =	vmul.u32 $0x18, v62  }
0xd1: {  	v4 =	vand.u32 $0x7, v4  }
0xd2: {  	v4 =	vor.u32 v4, v5  }
0xd3: {  	v5 =	vperm.xlane v4, v1;
	_ =	sdelay $0x1  }
0xd4: {  	v5 =	vadd.s32 v2, v5;
	_ =	sdelay $0x1  }
0xd5: {  	v4 =	vperm.xlane v4, v3;
	_ =	sdelay $0x1  }
0xd6: {  	v4 =	vadd.s32 v2, v4  }
0xd7: {  	[tilespmem:s11], [sflag:$0x2] =	stream.indirect_vreg.gather [hbm4b:s4+s2], $0x80, v5, vm0, $0xb8;
	[tilespmem:$0xF380] =	vst v63  }
0xd8: {  	_ = 	snop  }
0xd9: {  	[tilespmem:s15], [sflag:$0x2] =	stream.indirect_vreg.gather [hbm4b:s10+s2], $0x80, v5, vm1, $0xb8;
	[tilespmem:$0xF380] =	vst v63  }
0xda: {  	_ = 	snop  }
0xdb: {  	[tilespmem:s16], [sflag:$0x2] =	stream.indirect_vreg.gather [hbm4b:s4+s2], $0x80, v4, vm0, $0xb8;
	[tilespmem:$0xF380] =	vst v63  }
0xdc: {  	_ = 	snop  }
0xdd: {  	[tilespmem:s17], [sflag:$0x2] =	stream.indirect_vreg.gather [hbm4b:s10+s2], $0x80, v4, vm1, $0xb8;
	[tilespmem:$0xF380] =	vst v63  }
0xde: {  	v4 =	vld [tilespmem:$0x2B0];
	_ =	sdelay $0x4  }
0xdf: {  	v63 =	vshrl.u32 v4, $0x3  }
0xe0: {  	v5 =	vmul.u32 $0x18, v63  }
0xe1: {  	v4 =	vand.u32 $0x7, v4  }
0xe2: {  	v4 =	vor.u32 v4, v5  }
0xe3: {  	v5 =	vperm.xlane v4, v1;
	_ =	sdelay $0x1  }
0xe4: {  	v5 =	vadd.s32 v2, v5;
	_ =	sdelay $0x1  }
0xe5: {  	v4 =	vperm.xlane v4, v3;
	_ =	sdelay $0x1  }
0xe6: {  	v4 =	vadd.s32 v2, v4  }
0xe7: {  	[tilespmem:s18], [sflag:$0x2] =	stream.indirect_vreg.gather [hbm4b:s4+s2], $0x80, v5, vm0, $0xb8;
	[tilespmem:$0xF380] =	vst v63  }
0xe8: {  	_ = 	snop  }
0xe9: {  	[tilespmem:s19], [sflag:$0x2] =	stream.indirect_vreg.gather [hbm4b:s10+s2], $0x80, v5, vm1, $0xb8;
	[tilespmem:$0xF380] =	vst v63  }
0xea: {  	_ = 	snop  }
0xeb: {  	[tilespmem:s20], [sflag:$0x2] =	stream.indirect_vreg.gather [hbm4b:s4+s2], $0x80, v4, vm0, $0xb8;
	[tilespmem:$0xF380] =	vst v63  }
0xec: {  	s28 =	simm.s32 $0x0  }
0xed: {  	[tilespmem:s21], [sflag:$0x2] =	stream.indirect_vreg.gather [hbm4b:s10+s2], $0x80, v4, vm1, $0xb8;
	[tilespmem:$0xF380] =	vst v63  }
.LBB2_2:
0xee: {  	_ =	swait.ge [sflag:s22], $0x6000  }
0xef: {  	p0 =	seq.s32 s28, $0x0;
	[sflag:s22] =	ssyncset.done $0x0  }
0xf0: {  	s0 =	simm.s32 @!p0 $0x3;
	[sflag:s22] =	ssyncadd.s32 $0xFFFFA000  }
0xf1: {  	s1 =	simm.s32 $0x0;
	_ =	swait.ge @!p0 [sflag:s0], $0x1800  }
0xf2: {  	s12 =	simm.s32 $0x0;
	s1 =	smul.u32 $0xC00, s1;
	[sflag:s0] =	ssyncset.done @!p0 $0x0  }
0xf3: {  	s29 =	sshll.u32 s28, $0x5;
	s13 =	sand.u32 $0x380, s12;
	[sflag:s0] =	ssyncadd.s32 @!p0 $0xFFFFE800  }
0xf4: {  	s30 =	sor.u32 s13, s1;
	v4 =	vld [tilespmem:s29+$0xF300]  }
0xf5: {  	v5 =	vld [tilespmem:s30+$0x5370]  }
0xf6: {  	v6 =	vld [tilespmem:s30+$0x2370]  }
0xf7: {  	v7 =	vld [tilespmem:s30+$0x4B00]  }
0xf8: {  	v8 =	vld [tilespmem:s30+$0x3B70]  }
0xf9: {  	v9 =	vld [tilespmem:s30+$0x1B00]  }
0xfa: {  	v10 =	vld [tilespmem:s30+$0xB70]  }
0xfb: {  	v11 =	vld [tilespmem:s30+$0x4B10]  }
0xfc: {  	v12 =	vld [tilespmem:s30+$0x4B20]  }
0xfd: {  	v13 =	vld [tilespmem:s30+$0x1B20]  }
0xfe: {  	v14 =	vld [tilespmem:s30+$0x4B30]  }
0xff: {  	v15 =	vld [tilespmem:s30+$0x4B40]  }
0x100: {  	v16 =	vld [tilespmem:s30+$0x1B40]  }
0x101: {  	v17 =	vld [tilespmem:s30+$0x4B50]  }
0x102: {  	v18 =	vld [tilespmem:s30+$0x4B60]  }
0x103: {  	v19 =	vld [tilespmem:s30+$0x1B60]  }
0x104: {  	v20 =	vld [tilespmem:s30+$0x4B70]  }
0x105: {  	v21 =	vld [tilespmem:s30+$0x1B70]  }
0x106: {  	v22 =	vld [tilespmem:s30+$0x4F00]  }
0x107: {  	v23 =	vld [tilespmem:s30+$0x1F00]  }
0x108: {  	v24 =	vld [tilespmem:s30+$0x4F10]  }
0x109: {  	v25 =	vld [tilespmem:s30+$0x1F10]  }
0x10a: {  	v26 =	vld [tilespmem:s30+$0x4F20]  }
0x10b: {  	v27 =	vld [tilespmem:s30+$0x1F20]  }
0x10c: {  	v28 =	vld [tilespmem:s30+$0x4F30]  }
0x10d: {  	v29 =	vld [tilespmem:s30+$0x1F30]  }
0x10e: {  	v30 =	vld [tilespmem:s30+$0x4F40]  }
0x10f: {  	v31 =	vld [tilespmem:s30+$0x1F40]  }
0x110: {  	v32 =	vld [tilespmem:s30+$0x4F50]  }
0x111: {  	v33 =	vld [tilespmem:s30+$0x1F50]  }
0x112: {  	v34 =	vld [tilespmem:s30+$0x4F60]  }
0x113: {  	v35 =	vld [tilespmem:s30+$0x1F60]  }
0x114: {  	v36 =	vld [tilespmem:s30+$0x4F70]  }
0x115: {  	v37 =	vld [tilespmem:s30+$0x1F70]  }
0x116: {  	v38 =	vld [tilespmem:s30+$0x5300]  }
0x117: {  	v39 =	vld [tilespmem:s30+$0x2300]  }
0x118: {  	v40 =	vld [tilespmem:s30+$0x5310]  }
0x119: {  	v41 =	vld [tilespmem:s30+$0x2310]  }
0x11a: {  	v42 =	vld [tilespmem:s30+$0x5320]  }
0x11b: {  	v43 =	vld [tilespmem:s30+$0x2320]  }
0x11c: {  	v49 =	vld [tilespmem:s30+$0x5330]  }
0x11d: {  	v45 =	vld [tilespmem:s30+$0x2330]  }
0x11e: {  	v0 =	vld [tilespmem:s30+$0x5350]  }
0x11f: {  	v46 =	vld [tilespmem:s30+$0x5340]  }
0x120: {  	v47 =	vld [tilespmem:s30+$0x2340]  }
0x121: {  	v54 =	vld [tilespmem:s30+$0x2350]  }
0x122: {  	v50 =	vld [tilespmem:s30+$0x5360]  }
0x123: {  	[tilespmem:$0x1FF50] =	vst v0;
	v0 =	vld [tilespmem:s30+$0x3B10]  }
0x124: {  	v51 =	vld [tilespmem:s30+$0x2360]  }
0x125: {  	v52 =	vld [tilespmem:s30+$0x3300]  }
0x126: {  	v53 =	vld [tilespmem:s30+$0x3310]  }
0x127: {  	v55 =	vld [tilespmem:s30+$0x3330]  }
0x128: {  	[tilespmem:$0x1FF70] =	vst v0;
	v0 =	vld [tilespmem:s30+$0x3B20]  }
0x129: {  	v56 =	vld [tilespmem:s30+$0x3340]  }
0x12a: {  	v57 =	vld [tilespmem:s30+$0x3350]  }
0x12b: {  	v58 =	vld [tilespmem:s30+$0x3360]  }
0x12c: {  	v59 =	vld [tilespmem:s30+$0x3370]  }
0x12d: {  	[tilespmem:$0x1FF80] =	vst v0;
	v0 =	vld [tilespmem:s30+$0x3B30]  }
0x12e: {  	v60 =	vld [tilespmem:s30+$0x3700]  }
0x12f: {  	v61 =	vld [tilespmem:s30+$0x3710];
	v5 =	vsub.f32 v5, v6  }
0x130: {  	v62 =	vld [tilespmem:s30+$0x3720]  }
0x131: {  	v6 =	vld [tilespmem:s30+$0x1B10];
	v8 =	vsub.f32 v5, v8  }
0x132: {  	[tilespmem:$0x1FF90] =	vst v0;
	v0 =	vld [tilespmem:s30+$0x3B40]  }
0x133: {  	v8 =	vadd.f32 v10, v8;
	v10 =	vld [tilespmem:s30+$0x1B30]  }
0x134: {  	v63 =	vld [tilespmem:s30+$0x3730]  }
0x135: {  	[tilespmem:$0x1FF60] =	vst v54;
	v54 =	vld [tilespmem:s30+$0x3320]  }
0x136: {  	v7 =	vsub.f32 v7, v9;
	v9 =	vld [tilespmem:s30+$0x310]  }
0x137: {  	v6 =	vsub.f32 v11, v6;
	[tilespmem:$0x1FFA0] =	vst v0;
	v0 =	vld [tilespmem:s30+$0x3B50]  }
0x138: {  	v10 =	vsub.f32 v14, v10;
	v14 =	vsub.f32 v15, v16;
	v15 =	vld [tilespmem:s30+$0x340]  }
0x139: {  	v5 =	vmov s12;
	v11 =	vld [tilespmem:s30+$0x320];
	v6 =	vsub.f32 v6, v53  }
0x13a: {  	v1 =	vld [tilespmem:s30+$0x3740];
	v12 =	vsub.f32 v12, v13;
	v5 =	vperm.xlane v4, v5  }
0x13b: {  	v6 =	vadd.f32 v9, v6;
	v9 =	vld [tilespmem:s30+$0x370];
	v14 =	vsub.f32 v14, v56  }
0x13c: {  	v12 =	vsub.f32 v12, v54;
	v8 =	vmul.f32 v8, v5;
	v16 =	vsub.f32 v18, v19;
	[tilespmem:$0x1FFB0] =	vst v0;
	v0 =	vld [tilespmem:s30+$0x3B60]  }
0x13d: {  	v18 =	vsub.f32 v20, v21;
	v20 =	vld [tilespmem:s30+$0x700];
	v14 =	vadd.f32 v15, v14  }
0x13e: {  	[tilespmem:s30+$0xCB70] =	vst v8;
	v8 =	vld [tilespmem:s30+$0x1B50];
	v19 =	vsub.f32 v22, v23;
	v11 =	vadd.f32 v11, v12  }
0x13f: {  	v21 =	vld [tilespmem:s30+$0x710];
	v15 =	vsub.f32 v34, v35;
	v35 =	vmul.f32 v14, v5;
	v14 =	vsub.f32 v18, v59  }
0x140: {  	v23 =	vld [tilespmem:s30+$0x730];
	v10 =	vsub.f32 v10, v55;
	v19 =	vsub.f32 v19, v60  }
0x141: {  	v55 =	vmul.f32 v6, v5;
	v6 =	vsub.f32 v24, v25;
	v9 =	vadd.f32 v9, v14;
	[tilespmem:$0x1FFC0] =	vst v0;
	v0 =	vld [tilespmem:s30+$0x300]  }
0x142: {  	v12 =	vsub.f32 v26, v27;
	v27 =	vmul.f32 v11, v5;
	v14 =	vadd.f32 v20, v19;
	v19 =	vld [tilespmem:$0x1FF60]  }
0x143: {  	v11 =	vsub.f32 v28, v29;
	[tilespmem:s30+$0xC310] =	vst v55;
	v6 =	vsub.f32 v6, v61;
	v55 =	vmul.f32 v9, v5;
	v9 =	vld [tilespmem:$0x1FF50]  }
0x144: {  	v2 =	vld [tilespmem:s30+$0x3750];
	v7 =	vsub.f32 v7, v52  }
0x145: {  	v22 =	vld [tilespmem:s30+$0x720];
	v11 =	vsub.f32 v11, v63;
	v6 =	vadd.f32 v21, v6  }
0x146: {  	v16 =	vsub.f32 v16, v58;
	v0 =	vadd.f32 v0, v7;
	v7 =	vld [tilespmem:s30+$0x350]  }
0x147: {  	v3 =	vld [tilespmem:s30+$0x3760];
	v8 =	vsub.f32 v17, v8;
	v58 =	vmul.f32 v6, v5;
	v6 =	vadd.f32 v23, v11  }
0x148: {  	v44 =	vld [tilespmem:s30+$0x3770];
	v19 =	vsub.f32 v9, v19;
	v9 =	vsub.f32 v12, v62  }
0x149: {  	v13 =	vld [tilespmem:s30+$0x330];
	v8 =	vsub.f32 v8, v57  }
0x14a: {  	v63 =	vmul.f32 v6, v5;
	v6 =	vld [tilespmem:$0x1FFA0];
	v9 =	vadd.f32 v22, v9  }
0x14b: {  	v48 =	vld [tilespmem:s30+$0x3B00];
	v7 =	vadd.f32 v7, v8;
	v8 =	vsub.f32 v36, v37  }
0x14c: {  	v17 =	vld [tilespmem:s30+$0x360]  }
0x14d: {  	v54 =	vld [tilespmem:s30+$0x760];
	v53 =	vsub.f32 v46, v47;
	v22 =	vsub.f32 v8, v44;
	v8 =	vmul.f32 v9, v5  }
0x14e: {  	v10 =	vadd.f32 v13, v10;
	v59 =	vld [tilespmem:$0x1FF70]  }
0x14f: {  	[tilespmem:s30+$0xC720] =	vst v8;
	v8 =	vsub.f32 v53, v6;
	v6 =	vld [tilespmem:$0x1FFB0]  }
0x150: {  	v56 =	vld [tilespmem:s30+$0x770];
	v13 =	vsub.f32 v30, v31;
	v31 =	vmul.f32 v10, v5  }
0x151: {  	[tilespmem:s30+$0xC320] =	vst v27;
	v10 =	vsub.f32 v32, v33;
	v18 =	vld [tilespmem:s30+$0x750];
	v16 =	vadd.f32 v17, v16  }
0x152: {  	[tilespmem:s30+$0xC330] =	vst v31;
	v37 =	vsub.f32 v38, v39;
	v38 =	vld [tilespmem:s30+$0x740];
	v39 =	vmul.f32 v7, v5;
	v7 =	vsub.f32 v40, v41  }
0x153: {  	v1 =	vsub.f32 v13, v1;
	v3 =	vsub.f32 v15, v3;
	v61 =	vld [tilespmem:$0x1FF90];
	[tilespmem:s30+$0xC340] =	vst v35  }
0x154: {  	[tilespmem:s30+$0xC710] =	vst v58;
	v52 =	vmul.f32 v16, v5;
	v11 =	vsub.f32 v7, v59;
	v7 =	vsub.f32 v19, v6;
	v6 =	vld [tilespmem:$0x1FFC0]  }
0x155: {  	v60 =	vld [tilespmem:$0x1FF80];
	v2 =	vsub.f32 v10, v2;
	v17 =	vsub.f32 v42, v43;
	[tilespmem:s30+$0xC730] =	vst v63  }
0x156: {  	v13 =	vld [tilespmem:s30+$0xB00];
	v20 =	vsub.f32 v50, v51;
	v16 =	vsub.f32 v49, v45;
	v57 =	vmul.f32 v14, v5;
	[tilespmem:s30+$0xC360] =	vst v52  }
0x157: {  	v14 =	vld [tilespmem:s30+$0xB10];
	v2 =	vadd.f32 v18, v2;
	[tilespmem:s30+$0xC370] =	vst v55;
	v0 =	vmul.f32 v0, v5;
	v62 =	vadd.f32 v38, v1  }
0x158: {  	v15 =	vld [tilespmem:s30+$0xB20];
	v18 =	vadd.f32 v54, v3;
	[tilespmem:s30+$0xC700] =	vst v57;
	v12 =	vsub.f32 v37, v48  }
0x159: {  	s31 =	simm.s32 $0x1;
	s14 =	simm.s32 $0x0;
	[tilespmem:s30+$0xC300] =	vst v0;
	v9 =	vsub.f32 v16, v61;
	v16 =	vld [tilespmem:s30+$0xB30];
	v6 =	vsub.f32 v20, v6;
	v20 =	vmul.f32 v62, v5  }
0x15a: {  	s1 =	simm.s32 $0x2;
	s0 =	simm.s32 $0x80;
	s12 =	smul.u32 $0xC00, s14;
	v10 =	vsub.f32 v17, v60;
	v17 =	vld [tilespmem:s30+$0xB40];
	v21 =	vmul.f32 v2, v5;
	[tilespmem:s30+$0xC350] =	vst v39;
	v19 =	vadd.f32 v56, v22  }
.LBB2_3:
0x15b: {  	p1 =	sne.s32 s1, $0xF;
	s13 =	sand.u32 $0x380, s0;
	[tilespmem:s30+$0xC740] =	vst v20;
	v0 =	vmul.f32 v18, v5;
	v1 =	vadd.f32 v13, v12;
	v2 =	vld [tilespmem:s30+$0xB50]  }
0x15c: {  	s12 =	sor.u32 s13, s12;
	[tilespmem:s30+$0xC750] =	vst v21;
	v3 =	vmul.f32 v19, v5;
	v11 =	vadd.f32 v14, v11;
	v12 =	vld [tilespmem:s30+$0xB60]  }
0x15d: {  	v13 =	vld [tilespmem:s12+$0x5370];
	[tilespmem:s30+$0xC760] =	vst v0;
	v0 =	vmul.f32 v1, v5;
	v1 =	vadd.f32 v15, v10  }
0x15e: {  	v10 =	vld [tilespmem:s12+$0x2370];
	[tilespmem:s30+$0xC770] =	vst v3;
	v3 =	vmul.f32 v11, v5;
	v9 =	vadd.f32 v16, v9  }
0x15f: {  	v11 =	vld [tilespmem:s12+$0x4B00];
	[tilespmem:s30+$0xCB00] =	vst v0;
	v0 =	vmul.f32 v1, v5;
	v1 =	vadd.f32 v17, v8  }
0x160: {  	v8 =	vld [tilespmem:s12+$0x3B70];
	[tilespmem:s30+$0xCB10] =	vst v3;
	v3 =	vmul.f32 v9, v5;
	v2 =	vadd.f32 v2, v7  }
0x161: {  	v7 =	vld [tilespmem:s12+$0x1B00];
	[tilespmem:s30+$0xCB20] =	vst v0;
	v0 =	vmul.f32 v1, v5;
	v1 =	vadd.f32 v12, v6  }
0x162: {  	v6 =	vld [tilespmem:s12+$0xB70];
	[tilespmem:s30+$0xCB30] =	vst v3;
	v2 =	vmul.f32 v2, v5  }
0x163: {  	v3 =	vld [tilespmem:s12+$0x4B10];
	v9 =	vsub.f32 v13, v10;
	[tilespmem:s30+$0xCB40] =	vst v0;
	v0 =	vmul.f32 v1, v5  }
0x164: {  	v1 =	vld [tilespmem:s12+$0x1B10];
	[tilespmem:s30+$0xCB50] =	vst v2  }
0x165: {  	v2 =	vld [tilespmem:s12+$0x4B20];
	v8 =	vsub.f32 v9, v8;
	[tilespmem:s30+$0xCB60] =	vst v0;
	s30 =	smov.u32 s12  }
0x166: {  	v0 =	vmov s31;
	s31 =	smov.u32 s1;
	v7 =	vsub.f32 v11, v7;
	v9 =	vld [tilespmem:s30+$0x1B20]  }
0x167: {  	v5 =	vperm.xlane v4, v0;
	v0 =	vld [tilespmem:s30+$0x4B30];
	v6 =	vadd.f32 v6, v8  }
0x168: {  	v8 =	vld [tilespmem:s30+$0x1B30]  }
0x169: {  	v1 =	vsub.f32 v3, v1;
	v3 =	vld [tilespmem:s30+$0x4B40];
	v6 =	vmul.f32 v6, v5  }
0x16a: {  	v10 =	vld [tilespmem:s30+$0x1B40]  }
0x16b: {  	v2 =	vsub.f32 v2, v9;
	v9 =	vld [tilespmem:s30+$0x4B50];
	[tilespmem:s30+$0xCB70] =	vst v6  }
0x16c: {  	v6 =	vld [tilespmem:s30+$0x1B50]  }
0x16d: {  	v0 =	vsub.f32 v0, v8;
	v8 =	vld [tilespmem:s30+$0x4B60]  }
0x16e: {  	v11 =	vld [tilespmem:s30+$0x1B60]  }
0x16f: {  	v3 =	vsub.f32 v3, v10;
	v10 =	vld [tilespmem:s30+$0x4B70]  }
0x170: {  	v12 =	vld [tilespmem:s30+$0x1B70]  }
0x171: {  	v6 =	vsub.f32 v9, v6;
	v9 =	vld [tilespmem:s30+$0x4F00]  }
0x172: {  	v13 =	vld [tilespmem:s30+$0x1F00]  }
0x173: {  	v8 =	vsub.f32 v8, v11;
	v11 =	vld [tilespmem:s30+$0x4F10]  }
0x174: {  	v14 =	vld [tilespmem:s30+$0x1F10]  }
0x175: {  	v10 =	vsub.f32 v10, v12;
	v12 =	vld [tilespmem:s30+$0x4F20]  }
0x176: {  	v15 =	vld [tilespmem:s30+$0x1F20]  }
0x177: {  	v9 =	vsub.f32 v9, v13;
	v13 =	vld [tilespmem:s30+$0x4F30]  }
0x178: {  	v16 =	vld [tilespmem:s30+$0x1F30]  }
0x179: {  	v11 =	vsub.f32 v11, v14;
	v14 =	vld [tilespmem:s30+$0x4F40]  }
0x17a: {  	v17 =	vld [tilespmem:s30+$0x1F40]  }
0x17b: {  	v12 =	vsub.f32 v12, v15;
	v15 =	vld [tilespmem:s30+$0x4F50]  }
0x17c: {  	v18 =	vld [tilespmem:s30+$0x1F50]  }
0x17d: {  	v13 =	vsub.f32 v13, v16;
	v16 =	vld [tilespmem:s30+$0x4F60]  }
0x17e: {  	v19 =	vld [tilespmem:s30+$0x1F60]  }
0x17f: {  	v14 =	vsub.f32 v14, v17;
	v17 =	vld [tilespmem:s30+$0x4F70]  }
0x180: {  	v20 =	vld [tilespmem:s30+$0x1F70]  }
0x181: {  	v15 =	vsub.f32 v15, v18;
	v18 =	vld [tilespmem:s30+$0x5300]  }
0x182: {  	v21 =	vld [tilespmem:s30+$0x2300]  }
0x183: {  	v16 =	vsub.f32 v16, v19;
	v19 =	vld [tilespmem:s30+$0x5310]  }
0x184: {  	v22 =	vld [tilespmem:s30+$0x2310]  }
0x185: {  	v17 =	vsub.f32 v17, v20;
	v20 =	vld [tilespmem:s30+$0x5320]  }
0x186: {  	v23 =	vld [tilespmem:s30+$0x2320]  }
0x187: {  	v18 =	vsub.f32 v18, v21;
	v21 =	vld [tilespmem:s30+$0x5330]  }
0x188: {  	v24 =	vld [tilespmem:s30+$0x2330]  }
0x189: {  	v19 =	vsub.f32 v19, v22;
	v22 =	vld [tilespmem:s30+$0x5340]  }
0x18a: {  	v25 =	vld [tilespmem:s30+$0x2340]  }
0x18b: {  	v20 =	vsub.f32 v20, v23;
	v23 =	vld [tilespmem:s30+$0x5350]  }
0x18c: {  	v26 =	vld [tilespmem:s30+$0x2350]  }
0x18d: {  	v21 =	vsub.f32 v21, v24;
	v24 =	vld [tilespmem:s30+$0x5360]  }
0x18e: {  	v27 =	vld [tilespmem:s30+$0x2360]  }
0x18f: {  	v28 =	vld [tilespmem:s30+$0x3300];
	v22 =	vsub.f32 v22, v25  }
0x190: {  	v25 =	vld [tilespmem:s30+$0x3310]  }
0x191: {  	v29 =	vld [tilespmem:s30+$0x3320];
	v23 =	vsub.f32 v23, v26  }
0x192: {  	v26 =	vld [tilespmem:s30+$0x3330]  }
0x193: {  	v30 =	vld [tilespmem:s30+$0x3340];
	v24 =	vsub.f32 v24, v27  }
0x194: {  	v27 =	vsub.f32 v7, v28;
	v7 =	vld [tilespmem:s30+$0x3350]  }
0x195: {  	v1 =	vsub.f32 v1, v25;
	v25 =	vld [tilespmem:s30+$0x3360]  }
0x196: {  	v2 =	vsub.f32 v2, v29;
	v28 =	vld [tilespmem:s30+$0x3370]  }
0x197: {  	v0 =	vsub.f32 v0, v26;
	v26 =	vld [tilespmem:s30+$0x3700]  }
0x198: {  	v3 =	vsub.f32 v3, v30;
	v29 =	vld [tilespmem:s30+$0x3710]  }
0x199: {  	v30 =	vsub.f32 v6, v7;
	v6 =	vld [tilespmem:s30+$0x3720]  }
0x19a: {  	v25 =	vsub.f32 v8, v25;
	v7 =	vld [tilespmem:s30+$0x3730]  }
0x19b: {  	v28 =	vsub.f32 v10, v28;
	v8 =	vld [tilespmem:s30+$0x3740]  }
0x19c: {  	v26 =	vsub.f32 v9, v26;
	v9 =	vld [tilespmem:s30+$0x3750]  }
0x19d: {  	v29 =	vsub.f32 v11, v29;
	v10 =	vld [tilespmem:s30+$0x3760]  }
0x19e: {  	v31 =	vsub.f32 v12, v6;
	v6 =	vld [tilespmem:s30+$0x3770]  }
0x19f: {  	v13 =	vsub.f32 v13, v7;
	v7 =	vld [tilespmem:s30+$0x3B00]  }
0x1a0: {  	v14 =	vsub.f32 v14, v8;
	v8 =	vld [tilespmem:s30+$0x3B10]  }
0x1a1: {  	v15 =	vsub.f32 v15, v9;
	v9 =	vld [tilespmem:s30+$0x3B20]  }
0x1a2: {  	v16 =	vsub.f32 v16, v10;
	v32 =	vld [tilespmem:s30+$0x3B30]  }
0x1a3: {  	v17 =	vsub.f32 v17, v6;
	v6 =	vld [tilespmem:s30+$0x3B40]  }
0x1a4: {  	v12 =	vsub.f32 v18, v7;
	v7 =	vld [tilespmem:s30+$0x3B50]  }
0x1a5: {  	v11 =	vsub.f32 v19, v8;
	v18 =	vld [tilespmem:s30+$0x3B60]  }
0x1a6: {  	v19 =	vld [tilespmem:s30+$0x300];
	v10 =	vsub.f32 v20, v9  }
0x1a7: {  	v20 =	vld [tilespmem:s30+$0x310];
	v9 =	vsub.f32 v21, v32  }
0x1a8: {  	v21 =	vld [tilespmem:s30+$0x320];
	v8 =	vsub.f32 v22, v6  }
0x1a9: {  	v22 =	vld [tilespmem:s30+$0x330];
	v7 =	vsub.f32 v23, v7  }
0x1aa: {  	v23 =	vld [tilespmem:s30+$0x340];
	v6 =	vsub.f32 v24, v18  }
0x1ab: {  	v18 =	vadd.f32 v19, v27;
	v19 =	vld [tilespmem:s30+$0x350]  }
0x1ac: {  	v1 =	vadd.f32 v20, v1;
	v20 =	vld [tilespmem:s30+$0x360]  }
0x1ad: {  	v18 =	vmul.f32 v18, v5;
	v2 =	vadd.f32 v21, v2;
	v21 =	vld [tilespmem:s30+$0x370]  }
0x1ae: {  	v1 =	vmul.f32 v1, v5;
	v0 =	vadd.f32 v22, v0;
	v22 =	vld [tilespmem:s30+$0x700]  }
0x1af: {  	[tilespmem:s30+$0xC300] =	vst v18;
	v2 =	vmul.f32 v2, v5;
	v3 =	vadd.f32 v23, v3;
	v18 =	vld [tilespmem:s30+$0x710]  }
0x1b0: {  	[tilespmem:s30+$0xC310] =	vst v1;
	v0 =	vmul.f32 v0, v5;
	v1 =	vadd.f32 v19, v30;
	v19 =	vld [tilespmem:s30+$0x720]  }
0x1b1: {  	[tilespmem:s30+$0xC320] =	vst v2;
	v2 =	vmul.f32 v3, v5;
	v3 =	vadd.f32 v20, v25;
	v20 =	vld [tilespmem:s30+$0x730]  }
0x1b2: {  	[tilespmem:s30+$0xC330] =	vst v0;
	v0 =	vmul.f32 v1, v5;
	v1 =	vadd.f32 v21, v28;
	v21 =	vld [tilespmem:s30+$0x740]  }
0x1b3: {  	[tilespmem:s30+$0xC340] =	vst v2;
	v2 =	vmul.f32 v3, v5;
	v3 =	vadd.f32 v22, v26;
	v22 =	vld [tilespmem:s30+$0x750]  }
0x1b4: {  	[tilespmem:s30+$0xC350] =	vst v0;
	v0 =	vmul.f32 v1, v5;
	v1 =	vadd.f32 v18, v29;
	v18 =	vld [tilespmem:s30+$0x760]  }
0x1b5: {  	[tilespmem:s30+$0xC360] =	vst v2;
	v2 =	vmul.f32 v3, v5;
	v3 =	vadd.f32 v19, v31;
	v19 =	vld [tilespmem:s30+$0x770]  }
.Ltmp2:
0x1b6: {  	[tilespmem:s30+$0xC370] =	vst v0;
	v0 =	vmul.f32 v1, v5;
	v1 =	vadd.f32 v20, v13;
	v13 =	vld [tilespmem:s30+$0xB00];
	(pc) =	sbr.rel @p1 .LBB2_3-.Ltmp2, $4  }
0x1b7: {  	[tilespmem:s30+$0xC700] =	vst v2;
	v2 =	vmul.f32 v3, v5;
	v3 =	vadd.f32 v21, v14;
	v14 =	vld [tilespmem:s30+$0xB10]  }
0x1b8: {  	[tilespmem:s30+$0xC710] =	vst v0;
	v0 =	vmul.f32 v1, v5;
	v1 =	vadd.f32 v22, v15;
	v15 =	vld [tilespmem:s30+$0xB20]  }
0x1b9: {  	s12 =	sshrl.u32 s1, $0x3;
	[tilespmem:s30+$0xC720] =	vst v2;
	v20 =	vmul.f32 v3, v5;
	v18 =	vadd.f32 v18, v16;
	v16 =	vld [tilespmem:s30+$0xB30]  }
0x1ba: {  	s0 =	sadd.s32 $0x80, s0;
	s1 =	sadd.s32 $0x1, s1;
	s12 =	smul.u32 $0xC00, s12;
	[tilespmem:s30+$0xC730] =	vst v0;
	v21 =	vmul.f32 v1, v5;
	v19 =	vadd.f32 v19, v17;
	v17 =	vld [tilespmem:s30+$0xB40]  }
0x1bb: {  	[tilespmem:s30+$0xC740] =	vst v20;
	v0 =	vld [tilespmem:s30+$0xB50];
	s0 =	sand.u32 $0x380, s0;
	v1 =	vmul.f32 v18, v5;
	v12 =	vadd.f32 v13, v12  }
0x1bc: {  	v2 =	vld [tilespmem:s30+$0xB60];
	[tilespmem:s30+$0xC750] =	vst v21;
	s0 =	sor.u32 s0, s12;
	v40 =	vmul.f32 v19, v5;
	v11 =	vadd.f32 v14, v11  }
0x1bd: {  	v3 =	vld [tilespmem:s0+$0x5370];
	[tilespmem:s30+$0xC760] =	vst v1;
	v12 =	vmul.f32 v12, v5;
	v10 =	vadd.f32 v15, v10  }
0x1be: {  	v1 =	vld [tilespmem:s0+$0x2370];
	[tilespmem:s30+$0xC770] =	vst v40;
	v11 =	vmul.f32 v11, v5;
	v9 =	vadd.f32 v16, v9  }
0x1bf: {  	v13 =	vld [tilespmem:s0+$0x4B00];
	[tilespmem:s30+$0xCB00] =	vst v12;
	v10 =	vmul.f32 v10, v5;
	v8 =	vadd.f32 v17, v8  }
0x1c0: {  	v12 =	vld [tilespmem:s0+$0x3B70];
	[tilespmem:s30+$0xCB10] =	vst v11;
	v9 =	vmul.f32 v9, v5;
	v0 =	vadd.f32 v0, v7  }
0x1c1: {  	v2 =	vadd.f32 v2, v6;
	v11 =	vld [tilespmem:s0+$0x1B00];
	[tilespmem:s30+$0xCB20] =	vst v10;
	v41 =	vmul.f32 v8, v5  }
0x1c2: {  	v10 =	vld [tilespmem:s0+$0xB70];
	[tilespmem:s30+$0xCB30] =	vst v9;
	v0 =	vmul.f32 v0, v5  }
0x1c3: {  	v2 =	vmul.f32 v2, v5;
	v8 =	vld [tilespmem:s0+$0x4B10];
	[tilespmem:s30+$0xCB40] =	vst v41  }
0x1c4: {  	v6 =	vld [tilespmem:s0+$0x1B10];
	[tilespmem:s30+$0xCB50] =	vst v0  }
0x1c5: {  	v0 =	vld [tilespmem:s0+$0x4B20];
	[tilespmem:s30+$0xCB60] =	vst v2  }
0x1c6: {  	v2 =	vld [tilespmem:s0+$0x1B20]  }
0x1c7: {  	v5 =	vld [tilespmem:s0+$0x4B30]  }
0x1c8: {  	v7 =	vld [tilespmem:s0+$0x1B30]  }
0x1c9: {  	v9 =	vld [tilespmem:s0+$0x4B40]  }
0x1ca: {  	v14 =	vld [tilespmem:s0+$0x1B40]  }
0x1cb: {  	v15 =	vld [tilespmem:s0+$0x4B50]  }
0x1cc: {  	v16 =	vld [tilespmem:s0+$0x1B50]  }
0x1cd: {  	v17 =	vld [tilespmem:s0+$0x4B60]  }
0x1ce: {  	v18 =	vld [tilespmem:s0+$0x1B60]  }
0x1cf: {  	v19 =	vld [tilespmem:s0+$0x4B70]  }
0x1d0: {  	v20 =	vld [tilespmem:s0+$0x1B70]  }
0x1d1: {  	v21 =	vld [tilespmem:s0+$0x4F00]  }
0x1d2: {  	v22 =	vld [tilespmem:s0+$0x1F00]  }
0x1d3: {  	v23 =	vld [tilespmem:s0+$0x4F10]  }
0x1d4: {  	v24 =	vld [tilespmem:s0+$0x1F10]  }
0x1d5: {  	v25 =	vld [tilespmem:s0+$0x4F20]  }
0x1d6: {  	v26 =	vld [tilespmem:s0+$0x1F20]  }
0x1d7: {  	v27 =	vld [tilespmem:s0+$0x4F30]  }
0x1d8: {  	v28 =	vld [tilespmem:s0+$0x1F30]  }
0x1d9: {  	v29 =	vld [tilespmem:s0+$0x4F40]  }
0x1da: {  	v30 =	vld [tilespmem:s0+$0x1F40]  }
0x1db: {  	v31 =	vld [tilespmem:s0+$0x4F50]  }
0x1dc: {  	v32 =	vld [tilespmem:s0+$0x1F50]  }
0x1dd: {  	v33 =	vld [tilespmem:s0+$0x4F60]  }
0x1de: {  	v34 =	vld [tilespmem:s0+$0x1F60]  }
0x1df: {  	v35 =	vld [tilespmem:s0+$0x4F70]  }
0x1e0: {  	v36 =	vld [tilespmem:s0+$0x1F70]  }
0x1e1: {  	v37 =	vld [tilespmem:s0+$0x5300]  }
0x1e2: {  	v38 =	vld [tilespmem:s0+$0x2300]  }
0x1e3: {  	v39 =	vld [tilespmem:s0+$0x5310]  }
0x1e4: {  	v40 =	vld [tilespmem:s0+$0x2310]  }
0x1e5: {  	v41 =	vld [tilespmem:s0+$0x5320]  }
0x1e6: {  	v42 =	vld [tilespmem:s0+$0x2320]  }
0x1e7: {  	v43 =	vld [tilespmem:s0+$0x5330]  }
0x1e8: {  	v44 =	vld [tilespmem:s0+$0x2330]  }
0x1e9: {  	v45 =	vld [tilespmem:s0+$0x5340]  }
0x1ea: {  	v46 =	vld [tilespmem:s0+$0x2340]  }
0x1eb: {  	v47 =	vld [tilespmem:s0+$0x5350]  }
0x1ec: {  	v48 =	vld [tilespmem:s0+$0x2350]  }
0x1ed: {  	v49 =	vld [tilespmem:s0+$0x5360]  }
0x1ee: {  	v50 =	vld [tilespmem:s0+$0x2360]  }
0x1ef: {  	v51 =	vld [tilespmem:s0+$0x3300]  }
0x1f0: {  	v52 =	vld [tilespmem:s0+$0x3310]  }
0x1f1: {  	v53 =	vld [tilespmem:s0+$0x3320]  }
0x1f2: {  	v54 =	vld [tilespmem:s0+$0x3330]  }
0x1f3: {  	v55 =	vld [tilespmem:s0+$0x3340]  }
0x1f4: {  	v56 =	vld [tilespmem:s0+$0x3350]  }
0x1f5: {  	v57 =	vld [tilespmem:s0+$0x3360]  }
0x1f6: {  	v58 =	vld [tilespmem:s0+$0x3370]  }
0x1f7: {  	v59 =	vld [tilespmem:s0+$0x3700]  }
0x1f8: {  	v60 =	vld [tilespmem:s0+$0x3710]  }
0x1f9: {  	v1 =	vsub.f32 v3, v1;
	v61 =	vld [tilespmem:s0+$0x3720]  }
0x1fa: {  	v3 =	vld [tilespmem:s0+$0x3730]  }
0x1fb: {  	v1 =	vsub.f32 v1, v12;
	v62 =	vld [tilespmem:s0+$0x3740]  }
0x1fc: {  	v12 =	vld [tilespmem:s0+$0x3750];
	v11 =	vsub.f32 v13, v11  }
0x1fd: {  	v63 =	vld [tilespmem:s0+$0x3760];
	v1 =	vadd.f32 v10, v1;
	v6 =	vsub.f32 v8, v6  }
0x1fe: {  	v10 =	vld [tilespmem:s0+$0x3770];
	v0 =	vsub.f32 v0, v2;
	v5 =	vsub.f32 v5, v7  }
0x1ff: {  	v8 =	vld [tilespmem:s0+$0x3B10];
	v7 =	vsub.f32 v9, v14;
	v9 =	vsub.f32 v15, v16  }
0x200: {  	v2 =	vld [tilespmem:s0+$0x3B00];
	v13 =	vsub.f32 v17, v18;
	v15 =	vsub.f32 v19, v20  }
0x201: {  	v14 =	vld [tilespmem:s0+$0x3B20];
	v16 =	vsub.f32 v21, v22;
	v18 =	vsub.f32 v23, v24  }
0x202: {  	v17 =	vld [tilespmem:s0+$0x3B30];
	v19 =	vsub.f32 v25, v26;
	v21 =	vsub.f32 v27, v28  }
0x203: {  	v20 =	vld [tilespmem:s0+$0x3B40];
	v22 =	vsub.f32 v29, v30;
	v24 =	vsub.f32 v31, v32  }
0x204: {  	v23 =	vld [tilespmem:s0+$0x3B50];
	v25 =	vsub.f32 v33, v34;
	v27 =	vsub.f32 v35, v36  }
0x205: {  	v28 =	vsub.f32 v37, v38;
	v29 =	vld [tilespmem:s0+$0x300];
	v30 =	vsub.f32 v39, v40  }
0x206: {  	v31 =	vsub.f32 v41, v42;
	v42 =	vld [tilespmem:s0+$0x310];
	v33 =	vsub.f32 v43, v44  }
0x207: {  	v34 =	vsub.f32 v45, v46;
	v46 =	vld [tilespmem:s0+$0x320];
	v36 =	vsub.f32 v47, v48  }
0x208: {  	v11 =	vsub.f32 v11, v51;
	v51 =	vld [tilespmem:s0+$0x330];
	v37 =	vsub.f32 v49, v50  }
0x209: {  	v48 =	vmov s31;
	v6 =	vsub.f32 v6, v52;
	v52 =	vld [tilespmem:s0+$0x340];
	v0 =	vsub.f32 v0, v53  }
0x20a: {  	v41 =	vld [tilespmem:s0+$0x350];
	v4 =	vperm.xlane v4, v48;
	v5 =	vsub.f32 v5, v54;
	v7 =	vsub.f32 v7, v55  }
0x20b: {  	v43 =	vld [tilespmem:s0+$0x370];
	v44 =	vsub.f32 v9, v56;
	v11 =	vadd.f32 v29, v11  }
0x20c: {  	v45 =	vld [tilespmem:s0+$0x700];
	v15 =	vsub.f32 v15, v58;
	v1 =	vmul.f32 v1, v4;
	v6 =	vadd.f32 v42, v6  }
0x20d: {  	v50 =	vld [tilespmem:s0+$0x730];
	v16 =	vsub.f32 v16, v59;
	v0 =	vadd.f32 v46, v0;
	v11 =	vmul.f32 v11, v4  }
0x20e: {  	v18 =	vsub.f32 v18, v60;
	v55 =	vld [tilespmem:s0+$0x750];
	[tilespmem:s0+$0xCB70] =	vst v1;
	v5 =	vadd.f32 v51, v5;
	v6 =	vmul.f32 v6, v4  }
0x20f: {  	v19 =	vsub.f32 v19, v61;
	v61 =	vld [tilespmem:s0+$0x770];
	v7 =	vadd.f32 v52, v7;
	v0 =	vmul.f32 v0, v4;
	[tilespmem:s0+$0xC300] =	vst v11  }
0x210: {  	v47 =	vld [tilespmem:s0+$0x720];
	v3 =	vsub.f32 v21, v3;
	v1 =	vadd.f32 v41, v44;
	v5 =	vmul.f32 v5, v4;
	[tilespmem:s0+$0xC310] =	vst v6  }
0x211: {  	v38 =	vld [tilespmem:s0+$0xB30];
	v12 =	vsub.f32 v24, v12;
	v51 =	vadd.f32 v43, v15;
	v48 =	vmul.f32 v7, v4;
	[tilespmem:s0+$0xC320] =	vst v0  }
0x212: {  	v10 =	vsub.f32 v27, v10;
	v46 =	vld [tilespmem:s0+$0x710];
	v54 =	vadd.f32 v45, v16;
	v1 =	vmul.f32 v1, v4;
	[tilespmem:s0+$0xC330] =	vst v5  }
0x213: {  	v42 =	vld [tilespmem:s0+$0x360];
	v3 =	vadd.f32 v50, v3;
	v45 =	vsub.f32 v33, v17;
	v56 =	vmul.f32 v51, v4;
	[tilespmem:s0+$0xC340] =	vst v48  }
0x214: {  	v58 =	vld [tilespmem:s0+$0x760];
	v60 =	vmul.f32 v54, v4;
	v27 =	vadd.f32 v55, v12;
	v40 =	vadd.f32 v61, v10;
	[tilespmem:s0+$0xC350] =	vst v1  }
0x215: {  	v52 =	vld [tilespmem:s0+$0x740];
	v6 =	vadd.f32 v47, v19;
	[tilespmem:s0+$0xC370] =	vst v56;
	v19 =	vsub.f32 v25, v63;
	v25 =	vmul.f32 v3, v4  }
0x216: {  	v26 =	vld [tilespmem:s0+$0x3B60];
	v13 =	vsub.f32 v13, v57;
	[tilespmem:s0+$0xC700] =	vst v60;
	v39 =	vmul.f32 v27, v4  }
0x217: {  	v24 =	vld [tilespmem:s0+$0xB10];
	v54 =	vadd.f32 v38, v45;
	v57 =	vadd.f32 v46, v18;
	v46 =	vmul.f32 v40, v4;
	[tilespmem:s0+$0xC730] =	vst v25  }
0x218: {  	v59 =	vsub.f32 v22, v62;
	v29 =	vld [tilespmem:s0+$0xB20];
	v49 =	vadd.f32 v42, v13;
	v21 =	vmul.f32 v6, v4;
	[tilespmem:s0+$0xC750] =	vst v39  }
0x219: {  	v44 =	vld [tilespmem:s0+$0xB50];
	v35 =	vadd.f32 v58, v19;
	v58 =	vmul.f32 v54, v4;
	[tilespmem:s0+$0xC770] =	vst v46  }
0x21a: {  	v8 =	vsub.f32 v30, v8;
	v41 =	vld [tilespmem:s0+$0xB40];
	v22 =	vadd.f32 v52, v59;
	v53 =	vmul.f32 v49, v4;
	[tilespmem:s0+$0xC720] =	vst v21  }
0x21b: {  	v48 =	vld [tilespmem:s0+$0xB60];
	v42 =	vsub.f32 v31, v14;
	v62 =	vmul.f32 v57, v4;
	[tilespmem:s0+$0xCB30] =	vst v58  }
0x21c: {  	v47 =	vadd.f32 v24, v8;
	v18 =	vld [tilespmem:s0+$0xB00];
	v52 =	vsub.f32 v36, v23;
	v32 =	vmul.f32 v22, v4;
	[tilespmem:s0+$0xC360] =	vst v53  }
0x21d: {  	v49 =	vsub.f32 v34, v20;
	v51 =	vadd.f32 v29, v42;
	v43 =	vmul.f32 v35, v4;
	[tilespmem:s0+$0xC710] =	vst v62  }
0x21e: {  	v55 =	vsub.f32 v37, v26;
	v59 =	vadd.f32 v44, v52;
	[tilespmem:s0+$0xC740] =	vst v32;
	v53 =	vmul.f32 v47, v4  }
0x21f: {  	v2 =	vsub.f32 v28, v2;
	v56 =	vmul.f32 v51, v4;
	v57 =	vadd.f32 v41, v49;
	[tilespmem:s0+$0xC760] =	vst v43  }
0x220: {  	v61 =	vadd.f32 v48, v55;
	v62 =	vmul.f32 v59, v4;
	[tilespmem:s0+$0xCB10] =	vst v53  }
0x221: {  	s1 =	sadd.s32 s3, s29;
	p1 =	sne.s32 s28, $0x2;
	v2 =	vadd.f32 v18, v2;
	[tilespmem:s0+$0xCB20] =	vst v56;
	v60 =	vmul.f32 v57, v4  }
.Ltmp3:
0x222: {  	s1 =	sshrl.u32 s1, $0x3;
	v63 =	vmul.f32 v61, v4;
	[tilespmem:s0+$0xCB50] =	vst v62;
	(pc) =	sbr.rel @p1 .LBB2_6-.Ltmp3, $4  }
0x223: {  	s1 =	smul.u32 $0x180, s1;
	v50 =	vmul.f32 v2, v4;
	[tilespmem:s0+$0xCB40] =	vst v60  }
0x224: {  	[tilespmem:s0+$0xCB60] =	vst v63  }
0x225: {  	s31 =	sadd.s32 s5, s1;
	[tilespmem:s0+$0xCB00] =	vst v50  }
0x226: {  	[hbm4b:s31+s2] =	stream.linear.scatter [tilespmem:s23], [sflag:$0x3], $0x1800, $0x38;
	[tilespmem:$0xF380] =	vst v63  }
.Ltmp4:
0x227: {  	(pc) =	sbr.rel .LBB2_7-.Ltmp4, $4  }
0x228: {  	_ = 	snop  }
0x229: {  	_ =	swait.ge [sflag:s24], $0x6000  }
0x22a: {  	[sflag:s24] =	ssyncset.done $0x0  }
0x22b: {  	[sflag:s24] =	ssyncadd.s32 $0xFFFFA000  }
.LBB2_6:
0x22c: {  	v0 =	vld [tilespmem:s29+$0x120]  }
0x22d: {  	v1 =	vld [tilespmem:s29+$0x1A0]  }
0x22e: {  	v2 =	vld [tilespmem:s29+$0x20]  }
0x22f: {  	v4 =	vld [tilespmem:s29+$0xA0];
	_ =	sdelay $0x1  }
0x230: {  	v0 =	vmul.f32 $3.200000000e+01, v0  }
0x231: {  	v1 =	vmul.f32 $3.200000000e+01, v1  }
0x232: {  	v2 =	vmul.f32 $3.200000000e+01, v2;
	v0 =	vadd.f32 $5.000000000e-01, v0  }
0x233: {  	v4 =	vmul.f32 $3.200000000e+01, v4;
	v1 =	vadd.f32 $5.000000000e-01, v1  }
0x234: {  	v2 =	vtrunc.f32 v2;
	v3 =	vtrunc.f32 v0  }
0x235: {  	v6 =	vtrunc.f32 v1;
	v3 =	vcvt.f32.s32 v3  }
0x236: {  	v2 =	vcvt.f32.s32 v2;
	v42 =	vcvt.f32.s32 v6  }
0x237: {  	v48 =	vimm.s32 $0x0;
	v5 =	vcvt.s32.f32 v3  }
0x238: {  	v45 =	vtrunc.f32 v4;
	vm2 =	vgt.s32 v2, $0x0;
	v6 =	vcvt.s32.f32 v42  }
0x239: {  	v2 =	vnsel vm2, $0x0, v2;
	v43 =	vand.u32 $0x1, v3;
	v0 =	vsub.f32 v0, v5  }
0x23a: {  	v46 =	vand.u32 $0x1, v42;
	vm2 =	veq.s32 v43, $0x1;
	v44 =	vsub.f32 v1, v6  }
0x23b: {  	vm5 =	veq.s32 v46, $0x1;
	v1 =	vcvt.f32.s32 v45;
	vm4 =	veq.f32 v0, $5.000000000e-01  }
0x23c: {  	vm3 =	vgt.f32 v0, $5.000000000e-01;
	vm13 =	veq.f32 v44, $5.000000000e-01;
	vm2 =	vmand vm4, vm2  }
0x23d: {  	vm14 =	vgt.f32 v44, $5.000000000e-01;
	vm2 =	vmor vm3, vm2;
	vm3 =	vmand vm13, vm5  }
0x23e: {  	v47 =	vadd.s32 $0x1, v2;
	vm15 =	vgt.s32 v1, $0x0;
	vm3 =	vmor vm14, vm3  }
0x23f: {  	v1 =	vnsel vm15, $0x0, v1;
	v49 =	vsel vm2, $0x1, v48;
	v6 =	vsel vm3, $0x1, v48  }
0x240: {  	v50 =	vadd.s32 $0x1, v1;
	v3 =	vadd.s32 v3, v49;
	v5 =	vadd.s32 v42, v6  }
0x241: {  	vm2 =	vgt.s32 v47, v3;
	vm3 =	vgt.s32 v50, v5  }
0x242: {  	v0 =	vsel vm2, v47, v3;
	v51 =	vsel vm3, v50, v5  }
0x243: {  	vm2 =	vlt.s32 v0, $0x20;
	vm3 =	vlt.s32 v51, $0x20  }
0x244: {  	v0 =	vnsel vm2, $0x20, v0;
	v3 =	vnsel vm3, $0x20, v51  }
0x245: {  	v53 =	vsub.s32 v0, v2;
	v52 =	vsub.s32 v3, v1  }
0x246: {  	v4 =	vmul.u32 v53, v52;
	_ =	sdelay $0x1  }
0x247: {  	v4 =	vcvt.s32.f32 v4;
	_ =	sdelay $0x1  }
0x248: {  	(erf) = vrcp.f32 v4;
	_ =	sdelay $0x2  }
0x249: {  	v1 =	vmul.u32 $0x28, v1;
	_ =	sdelay $0x1  }
0x24a: {  	v3 =	vmul.u32 $0x28, v3;
	v54 =	vadd.s32 v2, v1  }
0x24b: {  	v1 =	vadd.s32 v1, v0;
	[tilespmem:$0x200] =	vst v54  }
0x24c: {  	v55 =	vadd.s32 v2, v3;
	[tilespmem:$0x210] =	vst v1  }
0x24d: {  	v0 =	vadd.s32 v0, v3;
	[tilespmem:$0x220] =	vst v55  }
0x24e: {  	[tilespmem:$0x230] =	vst v0;
	v56 =	vpop (erf)  }
0x24f: {  	[tilespmem:s29+$0xF320] =	vst v56  }
0x250: {  	v0 =	vld [tilespmem:$0x200];
	_ =	sdelay $0x3  }
0x251: {  	v58 =	vld [tilespmem:$0x1FFD0]  }
0x252: {  	v57 =	vshrl.u32 v0, $0x3  }
0x253: {  	v59 =	vld [tilespmem:$0x1FFE0];
	v1 =	vmul.u32 $0x18, v57  }
0x254: {  	v0 =	vand.u32 $0x7, v0  }
0x255: {  	v60 =	vld [tilespmem:$0x1FFF0];
	v0 =	vor.u32 v0, v1  }
0x256: {  	v1 =	vperm.xlane v0, v58;
	_ =	sdelay $0x1  }
0x257: {  	v1 =	vadd.s32 v59, v1;
	_ =	sdelay $0x1  }
0x258: {  	v0 =	vperm.xlane v0, v60;
	_ =	sdelay $0x1  }
0x259: {  	s0 =	simm.s32 $0x300;
	v0 =	vadd.s32 v59, v0  }
0x25a: {  	[tilespmem:s0], [sflag:$0x1] =	stream.indirect_vreg.gather [hbm4b:s4+s2], $0x80, v1, vm0, $0xb8;
	[tilespmem:$0xF380] =	vst v63  }
0x25b: {  	s14 =	simm.s32 $0xB00  }
0x25c: {  	[tilespmem:s14], [sflag:$0x1] =	stream.indirect_vreg.gather [hbm4b:s10+s2], $0x80, v1, vm1, $0xb8;
	[tilespmem:$0xF380] =	vst v63  }
0x25d: {  	s30 =	simm.s32 $0xF00  }
0x25e: {  	[tilespmem:s30], [sflag:$0x1] =	stream.indirect_vreg.gather [hbm4b:s4+s2], $0x80, v0, vm0, $0xb8;
	[tilespmem:$0xF380] =	vst v63  }
0x25f: {  	s31 =	simm.s32 $0x1700  }
0x260: {  	[tilespmem:s31], [sflag:$0x1] =	stream.indirect_vreg.gather [hbm4b:s10+s2], $0x80, v0, vm1, $0xb8;
	[tilespmem:$0xF380] =	vst v63  }
0x261: {  	v0 =	vld [tilespmem:$0x210];
	_ =	sdelay $0x4  }
0x262: {  	v61 =	vshrl.u32 v0, $0x3  }
0x263: {  	v1 =	vmul.u32 $0x18, v61  }
0x264: {  	v0 =	vand.u32 $0x7, v0  }
0x265: {  	v0 =	vor.u32 v0, v1  }
0x266: {  	v1 =	vperm.xlane v0, v58;
	_ =	sdelay $0x1  }
0x267: {  	v1 =	vadd.s32 v59, v1;
	_ =	sdelay $0x1  }
0x268: {  	v0 =	vperm.xlane v0, v60;
	_ =	sdelay $0x1  }
0x269: {  	s1 =	simm.s32 $0x1B00;
	v0 =	vadd.s32 v59, v0  }
0x26a: {  	[tilespmem:s1], [sflag:$0x1] =	stream.indirect_vreg.gather [hbm4b:s4+s2], $0x80, v1, vm0, $0xb8;
	[tilespmem:$0xF380] =	vst v63  }
0x26b: {  	s12 =	simm.s32 $0x2300  }
0x26c: {  	[tilespmem:s12], [sflag:$0x1] =	stream.indirect_vreg.gather [hbm4b:s10+s2], $0x80, v1, vm1, $0xb8;
	[tilespmem:$0xF380] =	vst v63  }
0x26d: {  	s13 =	simm.s32 $0x2700  }
0x26e: {  	[tilespmem:s13], [sflag:$0x1] =	stream.indirect_vreg.gather [hbm4b:s4+s2], $0x80, v0, vm0, $0xb8;
	[tilespmem:$0xF380] =	vst v63  }
0x26f: {  	s14 =	simm.s32 $0x2F00  }
0x270: {  	[tilespmem:s14], [sflag:$0x1] =	stream.indirect_vreg.gather [hbm4b:s10+s2], $0x80, v0, vm1, $0xb8;
	[tilespmem:$0xF380] =	vst v63  }
0x271: {  	v0 =	vld [tilespmem:$0x220];
	_ =	sdelay $0x4  }
0x272: {  	v62 =	vshrl.u32 v0, $0x3  }
0x273: {  	v1 =	vmul.u32 $0x18, v62  }
0x274: {  	v0 =	vand.u32 $0x7, v0  }
0x275: {  	v0 =	vor.u32 v0, v1  }
0x276: {  	v1 =	vperm.xlane v0, v58;
	_ =	sdelay $0x1  }
0x277: {  	v1 =	vadd.s32 v59, v1;
	_ =	sdelay $0x1  }
0x278: {  	v0 =	vperm.xlane v0, v60;
	_ =	sdelay $0x1  }
0x279: {  	s30 =	simm.s32 $0x3300;
	v0 =	vadd.s32 v59, v0  }
0x27a: {  	[tilespmem:s30], [sflag:$0x1] =	stream.indirect_vreg.gather [hbm4b:s4+s2], $0x80, v1, vm0, $0xb8;
	[tilespmem:$0xF380] =	vst v63  }
0x27b: {  	s31 =	simm.s32 $0x3B00  }
0x27c: {  	[tilespmem:s31], [sflag:$0x1] =	stream.indirect_vreg.gather [hbm4b:s10+s2], $0x80, v1, vm1, $0xb8;
	[tilespmem:$0xF380] =	vst v63  }
0x27d: {  	s1 =	simm.s32 $0x3F00  }
0x27e: {  	[tilespmem:s1], [sflag:$0x1] =	stream.indirect_vreg.gather [hbm4b:s4+s2], $0x80, v0, vm0, $0xb8;
	[tilespmem:$0xF380] =	vst v63  }
0x27f: {  	s12 =	simm.s32 $0x4700  }
0x280: {  	[tilespmem:s12], [sflag:$0x1] =	stream.indirect_vreg.gather [hbm4b:s10+s2], $0x80, v0, vm1, $0xb8;
	[tilespmem:$0xF380] =	vst v63  }
0x281: {  	v0 =	vld [tilespmem:$0x230];
	_ =	sdelay $0x4  }
0x282: {  	v63 =	vshrl.u32 v0, $0x3  }
0x283: {  	v1 =	vmul.u32 $0x18, v63  }
0x284: {  	v0 =	vand.u32 $0x7, v0  }
0x285: {  	v0 =	vor.u32 v0, v1  }
0x286: {  	v1 =	vperm.xlane v0, v58;
	_ =	sdelay $0x1  }
0x287: {  	v1 =	vadd.s32 v59, v1;
	_ =	sdelay $0x1  }
0x288: {  	v0 =	vperm.xlane v0, v60;
	_ =	sdelay $0x1  }
0x289: {  	s13 =	simm.s32 $0x4B00;
	v0 =	vadd.s32 v59, v0  }
0x28a: {  	[tilespmem:s13], [sflag:$0x1] =	stream.indirect_vreg.gather [hbm4b:s4+s2], $0x80, v1, vm0, $0xb8;
	[tilespmem:$0xF380] =	vst v63  }
0x28b: {  	s14 =	simm.s32 $0x5300  }
0x28c: {  	[tilespmem:s14], [sflag:$0x1] =	stream.indirect_vreg.gather [hbm4b:s10+s2], $0x80, v1, vm1, $0xb8;
	[tilespmem:$0xF380] =	vst v63  }
0x28d: {  	s30 =	simm.s32 $0x5700  }
0x28e: {  	[tilespmem:s30], [sflag:$0x1] =	stream.indirect_vreg.gather [hbm4b:s4+s2], $0x80, v0, vm0, $0xb8;
	[tilespmem:$0xF380] =	vst v63  }
.Ltmp5:
0x28f: {  	s31 =	simm.s32 $0x5F00;
	(pc) =	sbr.rel @p0 .LBB2_8-.Ltmp5, $4  }
0x290: {  	[tilespmem:s31], [sflag:$0x1] =	stream.indirect_vreg.gather [hbm4b:s10+s2], $0x80, v0, vm1, $0xb8;
	[tilespmem:$0xF380] =	vst v63  }
0x291: {  	_ =	swait.ge [sflag:s24], $0x6000  }
0x292: {  	[sflag:s24] =	ssyncset.done $0x0  }
0x293: {  	[sflag:s24] =	ssyncadd.s32 $0xFFFFA000  }
.LBB2_7:
0x294: {  	_ =	swait.ge [sflag:s25], $0x1800  }
0x295: {  	[sflag:s25] =	ssyncset.done $0x0  }
0x296: {  	[sflag:s25] =	ssyncadd.s32 $0xFFFFE800  }
.LBB2_8:
0x297: {  	s0 =	simm.s32 $0x0  }
0x298: {  	s1 =	simm.s32 $0x0;
	s0 =	smul.u32 $0xC00, s0  }
0x299: {  	s12 =	sand.u32 $0x380, s1  }
0x29a: {  	v4 =	vld [tilespmem:s29+$0xF310];
	s31 =	sor.u32 s12, s0  }
0x29b: {  	v0 =	vld [tilespmem:s31+$0xB370]  }
0x29c: {  	v1 =	vld [tilespmem:s31+$0x8370]  }
0x29d: {  	v24 =	vld [tilespmem:s31+$0xAB00]  }
0x29e: {  	v3 =	vld [tilespmem:s31+$0x9B70]  }
0x29f: {  	v6 =	vld [tilespmem:s31+$0x7B00]  }
0x2a0: {  	v7 =	vld [tilespmem:s31+$0x6B70]  }
0x2a1: {  	v8 =	vld [tilespmem:s31+$0xAB10]  }
0x2a2: {  	v2 =	vld [tilespmem:s31+$0x7B10]  }
0x2a3: {  	v9 =	vld [tilespmem:s31+$0xAB20]  }
0x2a4: {  	v10 =	vld [tilespmem:s31+$0xAB30]  }
0x2a5: {  	v11 =	vld [tilespmem:s31+$0xAB40]  }
0x2a6: {  	v12 =	vld [tilespmem:s31+$0x7B40]  }
0x2a7: {  	v13 =	vld [tilespmem:s31+$0xAB50]  }
0x2a8: {  	v14 =	vld [tilespmem:s31+$0xAB60]  }
0x2a9: {  	v15 =	vld [tilespmem:s31+$0x7B60]  }
0x2aa: {  	v16 =	vld [tilespmem:s31+$0xAB70]  }
0x2ab: {  	v17 =	vld [tilespmem:s31+$0x7B70]  }
0x2ac: {  	v18 =	vld [tilespmem:s31+$0xAF00]  }
0x2ad: {  	v19 =	vld [tilespmem:s31+$0x7F00]  }
0x2ae: {  	v20 =	vld [tilespmem:s31+$0xAF10]  }
0x2af: {  	v21 =	vld [tilespmem:s31+$0x7F10]  }
0x2b0: {  	v22 =	vld [tilespmem:s31+$0xAF20]  }
0x2b1: {  	v23 =	vld [tilespmem:s31+$0x7F20]  }
0x2b2: {  	v28 =	vld [tilespmem:s31+$0xAF30]  }
0x2b3: {  	v25 =	vld [tilespmem:s31+$0x7F30]  }
0x2b4: {  	v26 =	vld [tilespmem:s31+$0xAF40]  }
0x2b5: {  	v27 =	vld [tilespmem:s31+$0x7F40]  }
0x2b6: {  	v32 =	vld [tilespmem:s31+$0xAF50]  }
0x2b7: {  	v29 =	vld [tilespmem:s31+$0x7F50]  }
0x2b8: {  	v30 =	vld [tilespmem:s31+$0xAF60]  }
0x2b9: {  	v31 =	vld [tilespmem:s31+$0x7F60]  }
0x2ba: {  	v36 =	vld [tilespmem:s31+$0xAF70]  }
0x2bb: {  	v33 =	vld [tilespmem:s31+$0x7F70]  }
0x2bc: {  	v34 =	vld [tilespmem:s31+$0xB300]  }
0x2bd: {  	v35 =	vld [tilespmem:s31+$0x8300]  }
0x2be: {  	v40 =	vld [tilespmem:s31+$0xB310]  }
0x2bf: {  	v37 =	vld [tilespmem:s31+$0x8310]  }
0x2c0: {  	v38 =	vld [tilespmem:s31+$0xB320]  }
0x2c1: {  	v39 =	vld [tilespmem:s31+$0x8320]  }
0x2c2: {  	v45 =	vld [tilespmem:s31+$0xB330];
	v0 =	vsub.f32 v0, v1  }
0x2c3: {  	v41 =	vld [tilespmem:s31+$0x8330]  }
0x2c4: {  	v42 =	vld [tilespmem:s31+$0xB340];
	v0 =	vsub.f32 v0, v3  }
0x2c5: {  	v5 =	vmov s1;
	v43 =	vld [tilespmem:s31+$0x8340]  }
0x2c6: {  	v49 =	vld [tilespmem:s31+$0xB350];
	v5 =	vperm.xlane v4, v5;
	v0 =	vadd.f32 v7, v0  }
0x2c7: {  	v50 =	vld [tilespmem:s31+$0x8350]  }
0x2c8: {  	v46 =	vld [tilespmem:s31+$0xB360];
	v0 =	vmul.f32 v0, v5  }
0x2c9: {  	v47 =	vld [tilespmem:s31+$0x8360]  }
0x2ca: {  	[tilespmem:s31+$0xE370] =	vst v0;
	v0 =	vld [tilespmem:s31+$0x9B10]  }
0x2cb: {  	v48 =	vld [tilespmem:s31+$0x9300]  }
0x2cc: {  	v51 =	vld [tilespmem:s31+$0x9330]  }
0x2cd: {  	v52 =	vld [tilespmem:s31+$0x9340]  }
0x2ce: {  	v53 =	vld [tilespmem:s31+$0x9350]  }
0x2cf: {  	[tilespmem:$0x1FEF0] =	vst v0;
	v0 =	vld [tilespmem:s31+$0x9B20]  }
0x2d0: {  	v54 =	vld [tilespmem:s31+$0x9360]  }
0x2d1: {  	v55 =	vld [tilespmem:s31+$0x9370]  }
0x2d2: {  	v56 =	vld [tilespmem:s31+$0x9700]  }
0x2d3: {  	v57 =	vld [tilespmem:s31+$0x9710]  }
0x2d4: {  	[tilespmem:$0x1FF00] =	vst v0;
	v0 =	vld [tilespmem:s31+$0x9B30]  }
0x2d5: {  	v58 =	vld [tilespmem:s31+$0x9720]  }
0x2d6: {  	v59 =	vld [tilespmem:s31+$0x9730]  }
0x2d7: {  	v60 =	vld [tilespmem:s31+$0x9740]  }
0x2d8: {  	v61 =	vld [tilespmem:s31+$0x9750]  }
0x2d9: {  	[tilespmem:$0x1FF10] =	vst v0;
	v0 =	vld [tilespmem:s31+$0x9B40]  }
0x2da: {  	v62 =	vld [tilespmem:s31+$0x9760]  }
0x2db: {  	v63 =	vld [tilespmem:s31+$0x9770]  }
0x2dc: {  	v1 =	vld [tilespmem:s31+$0x7B50]  }
0x2dd: {  	[tilespmem:$0x1FED0] =	vst v49;
	v49 =	vld [tilespmem:s31+$0x9310]  }
0x2de: {  	[tilespmem:$0x1FF20] =	vst v0;
	v0 =	vld [tilespmem:s31+$0x9B50]  }
0x2df: {  	v3 =	vld [tilespmem:s31+$0x7B20]  }
0x2e0: {  	v6 =	vsub.f32 v24, v6;
	v24 =	vld [tilespmem:s31+$0x6310]  }
0x2e1: {  	v2 =	vsub.f32 v8, v2;
	v7 =	vld [tilespmem:s31+$0x7B30]  }
0x2e2: {  	[tilespmem:$0x1FEE0] =	vst v50;
	v50 =	vld [tilespmem:s31+$0x9320];
	v6 =	vsub.f32 v6, v48  }
0x2e3: {  	v2 =	vsub.f32 v2, v49;
	v1 =	vsub.f32 v13, v1;
	[tilespmem:$0x1FF30] =	vst v0;
	v0 =	vld [tilespmem:s31+$0x9B60]  }
0x2e4: {  	v8 =	vld [tilespmem:s31+$0x6320];
	v49 =	vsub.f32 v40, v37;
	v3 =	vsub.f32 v9, v3  }
0x2e5: {  	v44 =	vld [tilespmem:s31+$0x9B00];
	v2 =	vadd.f32 v24, v2;
	v1 =	vsub.f32 v1, v53  }
0x2e6: {  	v13 =	vld [tilespmem:s31+$0x6360];
	v7 =	vsub.f32 v10, v7;
	v10 =	vsub.f32 v11, v12  }
0x2e7: {  	v9 =	vld [tilespmem:s31+$0x6330];
	v12 =	vsub.f32 v14, v15;
	v3 =	vsub.f32 v3, v50  }
0x2e8: {  	v15 =	vsub.f32 v16, v17;
	v16 =	vsub.f32 v18, v19;
	[tilespmem:$0x1FF40] =	vst v0;
	v0 =	vld [tilespmem:s31+$0x6300]  }
0x2e9: {  	v11 =	vld [tilespmem:s31+$0x6340];
	v7 =	vsub.f32 v7, v51;
	v3 =	vadd.f32 v8, v3  }
0x2ea: {  	v14 =	vld [tilespmem:s31+$0x6370];
	v51 =	vmul.f32 v2, v5;
	v2 =	vsub.f32 v20, v21;
	v8 =	vsub.f32 v22, v23  }
0x2eb: {  	v17 =	vld [tilespmem:s31+$0x6700];
	v10 =	vsub.f32 v10, v52;
	v12 =	vsub.f32 v12, v54  }
0x2ec: {  	v19 =	vld [tilespmem:s31+$0x6720];
	v15 =	vsub.f32 v15, v55;
	v22 =	vsub.f32 v38, v39  }
0x2ed: {  	v54 =	vsub.f32 v46, v47;
	v0 =	vadd.f32 v0, v6;
	v6 =	vld [tilespmem:s31+$0x6350]  }
0x2ee: {  	v20 =	vld [tilespmem:s31+$0x6730];
	v7 =	vadd.f32 v9, v7;
	v24 =	vmul.f32 v3, v5;
	v3 =	vsub.f32 v28, v25  }
0x2ef: {  	v18 =	vld [tilespmem:s31+$0x6710];
	v12 =	vadd.f32 v13, v12;
	v8 =	vsub.f32 v8, v58  }
0x2f0: {  	v21 =	vld [tilespmem:s31+$0x6740];
	v13 =	vsub.f32 v16, v56;
	v14 =	vadd.f32 v14, v15  }
0x2f1: {  	v23 =	vld [tilespmem:s31+$0x6750];
	v3 =	vsub.f32 v3, v59;
	v8 =	vadd.f32 v19, v8  }
0x2f2: {  	v52 =	vld [tilespmem:s31+$0x6760];
	v1 =	vadd.f32 v6, v1;
	v6 =	vsub.f32 v36, v33  }
0x2f3: {  	v50 =	vmul.f32 v12, v5;
	v12 =	vadd.f32 v17, v13;
	v13 =	vld [tilespmem:$0x1FED0];
	v3 =	vadd.f32 v20, v3  }
0x2f4: {  	v53 =	vmul.f32 v14, v5;
	v14 =	vld [tilespmem:$0x1FEE0];
	v19 =	vsub.f32 v6, v63;
	v6 =	vmul.f32 v8, v5  }
0x2f5: {  	[tilespmem:s31+$0xDB10] =	vst v51;
	v9 =	vsub.f32 v26, v27;
	v51 =	vsub.f32 v42, v43;
	v63 =	vmul.f32 v3, v5;
	v3 =	vld [tilespmem:$0x1FF20]  }
0x2f6: {  	v2 =	vsub.f32 v2, v57;
	v10 =	vadd.f32 v11, v10;
	v28 =	vmul.f32 v7, v5;
	[tilespmem:s31+$0xDF20] =	vst v6;
	v6 =	vld [tilespmem:$0x1FF30]  }
0x2f7: {  	v55 =	vld [tilespmem:s31+$0x6770];
	v11 =	vsub.f32 v30, v31;
	[tilespmem:s31+$0xDB20] =	vst v24;
	v7 =	vsub.f32 v32, v29  }
0x2f8: {  	v2 =	vadd.f32 v18, v2;
	v18 =	vsub.f32 v9, v60;
	v59 =	vld [tilespmem:$0x1FEF0];
	v32 =	vmul.f32 v10, v5;
	[tilespmem:s31+$0xDB30] =	vst v28  }
0x2f9: {  	[tilespmem:s31+$0xDB60] =	vst v50;
	v7 =	vsub.f32 v7, v61;
	v60 =	vld [tilespmem:$0x1FF00];
	v17 =	vsub.f32 v13, v14  }
0x2fa: {  	v10 =	vsub.f32 v34, v35;
	v56 =	vmul.f32 v12, v5;
	[tilespmem:s31+$0xDB40] =	vst v32;
	v61 =	vld [tilespmem:$0x1FF10];
	v8 =	vsub.f32 v51, v3  }
0x2fb: {  	v57 =	vmul.f32 v2, v5;
	[tilespmem:s31+$0xDB70] =	vst v53;
	v3 =	vadd.f32 v23, v7;
	v7 =	vsub.f32 v17, v6;
	v6 =	vld [tilespmem:$0x1FF40]  }
0x2fc: {  	v16 =	vsub.f32 v45, v41;
	v58 =	vsub.f32 v11, v62;
	[tilespmem:s31+$0xDF00] =	vst v56;
	v13 =	vld [tilespmem:s31+$0x6B00];
	v0 =	vmul.f32 v0, v5  }
0x2fd: {  	v62 =	vadd.f32 v21, v18;
	v12 =	vsub.f32 v10, v44;
	[tilespmem:s31+$0xDF10] =	vst v57;
	v14 =	vld [tilespmem:s31+$0x6B10];
	v48 =	vmul.f32 v1, v5  }
0x2fe: {  	v15 =	vld [tilespmem:s31+$0x6B20];
	v18 =	vadd.f32 v52, v58;
	v11 =	vsub.f32 v49, v59;
	[tilespmem:s31+$0xDB00] =	vst v0  }
0x2ff: {  	s30 =	sor.u32 $0x10, s29;
	s14 =	simm.s32 $0x0;
	s1 =	simm.s32 $0x1;
	v20 =	vmul.f32 v62, v5;
	v10 =	vsub.f32 v22, v60;
	v9 =	vsub.f32 v16, v61;
	v16 =	vld [tilespmem:s31+$0x6B30];
	[tilespmem:s31+$0xDB50] =	vst v48  }
0x300: {  	s13 =	smul.u32 $0xC00, s14;
	s0 =	simm.s32 $0x2;
	s12 =	simm.s32 $0x80;
	[tilespmem:s31+$0xDF30] =	vst v63;
	v19 =	vadd.f32 v55, v19;
	v21 =	vmul.f32 v3, v5;
	v17 =	vld [tilespmem:s31+$0x6B40];
	v6 =	vsub.f32 v54, v6  }
.LBB2_9:
0x301: {  	p0 =	sne.s32 s0, $0xF;
	s14 =	sand.u32 $0x380, s12;
	[tilespmem:s31+$0xDF40] =	vst v20;
	v0 =	vmul.f32 v18, v5;
	v1 =	vadd.f32 v13, v12;
	v2 =	vld [tilespmem:s31+$0x6B50]  }
0x302: {  	s13 =	sor.u32 s14, s13;
	[tilespmem:s31+$0xDF50] =	vst v21;
	v3 =	vmul.f32 v19, v5;
	v11 =	vadd.f32 v14, v11;
	v12 =	vld [tilespmem:s31+$0x6B60]  }
0x303: {  	v13 =	vld [tilespmem:s13+$0xB370];
	[tilespmem:s31+$0xDF60] =	vst v0;
	v0 =	vmul.f32 v1, v5;
	v1 =	vadd.f32 v15, v10  }
0x304: {  	v10 =	vld [tilespmem:s13+$0x8370];
	[tilespmem:s31+$0xDF70] =	vst v3;
	v3 =	vmul.f32 v11, v5;
	v9 =	vadd.f32 v16, v9  }
0x305: {  	v11 =	vld [tilespmem:s13+$0xAB00];
	[tilespmem:s31+$0xE300] =	vst v0;
	v0 =	vmul.f32 v1, v5;
	v1 =	vadd.f32 v17, v8  }
0x306: {  	v8 =	vld [tilespmem:s13+$0x9B70];
	[tilespmem:s31+$0xE310] =	vst v3;
	v3 =	vmul.f32 v9, v5;
	v2 =	vadd.f32 v2, v7  }
0x307: {  	v7 =	vld [tilespmem:s13+$0x7B00];
	[tilespmem:s31+$0xE320] =	vst v0;
	v0 =	vmul.f32 v1, v5;
	v1 =	vadd.f32 v12, v6  }
0x308: {  	v6 =	vld [tilespmem:s13+$0x6B70];
	[tilespmem:s31+$0xE330] =	vst v3;
	v2 =	vmul.f32 v2, v5  }
0x309: {  	v3 =	vld [tilespmem:s13+$0xAB10];
	v9 =	vsub.f32 v13, v10;
	[tilespmem:s31+$0xE340] =	vst v0;
	v0 =	vmul.f32 v1, v5  }
0x30a: {  	v1 =	vld [tilespmem:s13+$0x7B10];
	[tilespmem:s31+$0xE350] =	vst v2  }
0x30b: {  	v2 =	vld [tilespmem:s13+$0xAB20];
	v8 =	vsub.f32 v9, v8;
	[tilespmem:s31+$0xE360] =	vst v0;
	s31 =	smov.u32 s13  }
0x30c: {  	v0 =	vmov s1;
	s1 =	smov.u32 s0;
	v7 =	vsub.f32 v11, v7;
	v9 =	vld [tilespmem:s31+$0x7B20]  }
0x30d: {  	v5 =	vperm.xlane v4, v0;
	v0 =	vld [tilespmem:s31+$0xAB30];
	v6 =	vadd.f32 v6, v8  }
0x30e: {  	v8 =	vld [tilespmem:s31+$0x7B30]  }
0x30f: {  	v1 =	vsub.f32 v3, v1;
	v3 =	vld [tilespmem:s31+$0xAB40];
	v6 =	vmul.f32 v6, v5  }
0x310: {  	v10 =	vld [tilespmem:s31+$0x7B40]  }
0x311: {  	v2 =	vsub.f32 v2, v9;
	v9 =	vld [tilespmem:s31+$0xAB50];
	[tilespmem:s31+$0xE370] =	vst v6  }
0x312: {  	v6 =	vld [tilespmem:s31+$0x7B50]  }
0x313: {  	v0 =	vsub.f32 v0, v8;
	v8 =	vld [tilespmem:s31+$0xAB60]  }
0x314: {  	v11 =	vld [tilespmem:s31+$0x7B60]  }
0x315: {  	v3 =	vsub.f32 v3, v10;
	v10 =	vld [tilespmem:s31+$0xAB70]  }
0x316: {  	v12 =	vld [tilespmem:s31+$0x7B70]  }
0x317: {  	v6 =	vsub.f32 v9, v6;
	v9 =	vld [tilespmem:s31+$0xAF00]  }
0x318: {  	v13 =	vld [tilespmem:s31+$0x7F00]  }
0x319: {  	v8 =	vsub.f32 v8, v11;
	v11 =	vld [tilespmem:s31+$0xAF10]  }
0x31a: {  	v14 =	vld [tilespmem:s31+$0x7F10]  }
0x31b: {  	v10 =	vsub.f32 v10, v12;
	v12 =	vld [tilespmem:s31+$0xAF20]  }
0x31c: {  	v15 =	vld [tilespmem:s31+$0x7F20]  }
0x31d: {  	v9 =	vsub.f32 v9, v13;
	v13 =	vld [tilespmem:s31+$0xAF30]  }
0x31e: {  	v16 =	vld [tilespmem:s31+$0x7F30]  }
0x31f: {  	v11 =	vsub.f32 v11, v14;
	v14 =	vld [tilespmem:s31+$0xAF40]  }
0x320: {  	v17 =	vld [tilespmem:s31+$0x7F40]  }
0x321: {  	v12 =	vsub.f32 v12, v15;
	v15 =	vld [tilespmem:s31+$0xAF50]  }
0x322: {  	v18 =	vld [tilespmem:s31+$0x7F50]  }
0x323: {  	v13 =	vsub.f32 v13, v16;
	v16 =	vld [tilespmem:s31+$0xAF60]  }
0x324: {  	v19 =	vld [tilespmem:s31+$0x7F60]  }
0x325: {  	v14 =	vsub.f32 v14, v17;
	v17 =	vld [tilespmem:s31+$0xAF70]  }
0x326: {  	v20 =	vld [tilespmem:s31+$0x7F70]  }
0x327: {  	v15 =	vsub.f32 v15, v18;
	v18 =	vld [tilespmem:s31+$0xB300]  }
0x328: {  	v21 =	vld [tilespmem:s31+$0x8300]  }
0x329: {  	v16 =	vsub.f32 v16, v19;
	v19 =	vld [tilespmem:s31+$0xB310]  }
0x32a: {  	v22 =	vld [tilespmem:s31+$0x8310]  }
0x32b: {  	v17 =	vsub.f32 v17, v20;
	v20 =	vld [tilespmem:s31+$0xB320]  }
0x32c: {  	v23 =	vld [tilespmem:s31+$0x8320]  }
0x32d: {  	v18 =	vsub.f32 v18, v21;
	v21 =	vld [tilespmem:s31+$0xB330]  }
0x32e: {  	v24 =	vld [tilespmem:s31+$0x8330]  }
0x32f: {  	v19 =	vsub.f32 v19, v22;
	v22 =	vld [tilespmem:s31+$0xB340]  }
0x330: {  	v25 =	vld [tilespmem:s31+$0x8340]  }
0x331: {  	v20 =	vsub.f32 v20, v23;
	v23 =	vld [tilespmem:s31+$0xB350]  }
0x332: {  	v26 =	vld [tilespmem:s31+$0x8350]  }
0x333: {  	v21 =	vsub.f32 v21, v24;
	v24 =	vld [tilespmem:s31+$0xB360]  }
0x334: {  	v27 =	vld [tilespmem:s31+$0x8360]  }
0x335: {  	v28 =	vld [tilespmem:s31+$0x9300];
	v22 =	vsub.f32 v22, v25  }
0x336: {  	v25 =	vld [tilespmem:s31+$0x9310]  }
0x337: {  	v29 =	vld [tilespmem:s31+$0x9320];
	v23 =	vsub.f32 v23, v26  }
0x338: {  	v26 =	vld [tilespmem:s31+$0x9330]  }
0x339: {  	v30 =	vld [tilespmem:s31+$0x9340];
	v24 =	vsub.f32 v24, v27  }
0x33a: {  	v27 =	vsub.f32 v7, v28;
	v7 =	vld [tilespmem:s31+$0x9350]  }
0x33b: {  	v1 =	vsub.f32 v1, v25;
	v25 =	vld [tilespmem:s31+$0x9360]  }
0x33c: {  	v2 =	vsub.f32 v2, v29;
	v28 =	vld [tilespmem:s31+$0x9370]  }
0x33d: {  	v0 =	vsub.f32 v0, v26;
	v26 =	vld [tilespmem:s31+$0x9700]  }
0x33e: {  	v3 =	vsub.f32 v3, v30;
	v29 =	vld [tilespmem:s31+$0x9710]  }
0x33f: {  	v30 =	vsub.f32 v6, v7;
	v6 =	vld [tilespmem:s31+$0x9720]  }
0x340: {  	v25 =	vsub.f32 v8, v25;
	v7 =	vld [tilespmem:s31+$0x9730]  }
0x341: {  	v28 =	vsub.f32 v10, v28;
	v8 =	vld [tilespmem:s31+$0x9740]  }
0x342: {  	v26 =	vsub.f32 v9, v26;
	v9 =	vld [tilespmem:s31+$0x9750]  }
0x343: {  	v29 =	vsub.f32 v11, v29;
	v10 =	vld [tilespmem:s31+$0x9760]  }
0x344: {  	v31 =	vsub.f32 v12, v6;
	v6 =	vld [tilespmem:s31+$0x9770]  }
0x345: {  	v13 =	vsub.f32 v13, v7;
	v7 =	vld [tilespmem:s31+$0x9B00]  }
0x346: {  	v14 =	vsub.f32 v14, v8;
	v8 =	vld [tilespmem:s31+$0x9B10]  }
0x347: {  	v15 =	vsub.f32 v15, v9;
	v9 =	vld [tilespmem:s31+$0x9B20]  }
0x348: {  	v16 =	vsub.f32 v16, v10;
	v32 =	vld [tilespmem:s31+$0x9B30]  }
0x349: {  	v17 =	vsub.f32 v17, v6;
	v6 =	vld [tilespmem:s31+$0x9B40]  }
0x34a: {  	v12 =	vsub.f32 v18, v7;
	v7 =	vld [tilespmem:s31+$0x9B50]  }
0x34b: {  	v11 =	vsub.f32 v19, v8;
	v18 =	vld [tilespmem:s31+$0x9B60]  }
0x34c: {  	v19 =	vld [tilespmem:s31+$0x6300];
	v10 =	vsub.f32 v20, v9  }
0x34d: {  	v20 =	vld [tilespmem:s31+$0x6310];
	v9 =	vsub.f32 v21, v32  }
0x34e: {  	v21 =	vld [tilespmem:s31+$0x6320];
	v8 =	vsub.f32 v22, v6  }
0x34f: {  	v22 =	vld [tilespmem:s31+$0x6330];
	v7 =	vsub.f32 v23, v7  }
0x350: {  	v23 =	vld [tilespmem:s31+$0x6340];
	v6 =	vsub.f32 v24, v18  }
0x351: {  	v18 =	vadd.f32 v19, v27;
	v19 =	vld [tilespmem:s31+$0x6350]  }
0x352: {  	v1 =	vadd.f32 v20, v1;
	v20 =	vld [tilespmem:s31+$0x6360]  }
0x353: {  	v18 =	vmul.f32 v18, v5;
	v2 =	vadd.f32 v21, v2;
	v21 =	vld [tilespmem:s31+$0x6370]  }
0x354: {  	v1 =	vmul.f32 v1, v5;
	v0 =	vadd.f32 v22, v0;
	v22 =	vld [tilespmem:s31+$0x6700]  }
0x355: {  	[tilespmem:s31+$0xDB00] =	vst v18;
	v2 =	vmul.f32 v2, v5;
	v3 =	vadd.f32 v23, v3;
	v18 =	vld [tilespmem:s31+$0x6710]  }
0x356: {  	[tilespmem:s31+$0xDB10] =	vst v1;
	v0 =	vmul.f32 v0, v5;
	v1 =	vadd.f32 v19, v30;
	v19 =	vld [tilespmem:s31+$0x6720]  }
0x357: {  	[tilespmem:s31+$0xDB20] =	vst v2;
	v2 =	vmul.f32 v3, v5;
	v3 =	vadd.f32 v20, v25;
	v20 =	vld [tilespmem:s31+$0x6730]  }
0x358: {  	[tilespmem:s31+$0xDB30] =	vst v0;
	v0 =	vmul.f32 v1, v5;
	v1 =	vadd.f32 v21, v28;
	v21 =	vld [tilespmem:s31+$0x6740]  }
0x359: {  	[tilespmem:s31+$0xDB40] =	vst v2;
	v2 =	vmul.f32 v3, v5;
	v3 =	vadd.f32 v22, v26;
	v22 =	vld [tilespmem:s31+$0x6750]  }
0x35a: {  	[tilespmem:s31+$0xDB50] =	vst v0;
	v0 =	vmul.f32 v1, v5;
	v1 =	vadd.f32 v18, v29;
	v18 =	vld [tilespmem:s31+$0x6760]  }
0x35b: {  	[tilespmem:s31+$0xDB60] =	vst v2;
	v2 =	vmul.f32 v3, v5;
	v3 =	vadd.f32 v19, v31;
	v19 =	vld [tilespmem:s31+$0x6770]  }
.Ltmp6:
0x35c: {  	[tilespmem:s31+$0xDB70] =	vst v0;
	v0 =	vmul.f32 v1, v5;
	v1 =	vadd.f32 v20, v13;
	v13 =	vld [tilespmem:s31+$0x6B00];
	(pc) =	sbr.rel @p0 .LBB2_9-.Ltmp6, $4  }
0x35d: {  	[tilespmem:s31+$0xDF00] =	vst v2;
	v2 =	vmul.f32 v3, v5;
	v3 =	vadd.f32 v21, v14;
	v14 =	vld [tilespmem:s31+$0x6B10]  }
0x35e: {  	[tilespmem:s31+$0xDF10] =	vst v0;
	v0 =	vmul.f32 v1, v5;
	v1 =	vadd.f32 v22, v15;
	v15 =	vld [tilespmem:s31+$0x6B20]  }
0x35f: {  	s13 =	sshrl.u32 s0, $0x3;
	[tilespmem:s31+$0xDF20] =	vst v2;
	v20 =	vmul.f32 v3, v5;
	v18 =	vadd.f32 v18, v16;
	v16 =	vld [tilespmem:s31+$0x6B30]  }
0x360: {  	s12 =	sadd.s32 $0x80, s12;
	s0 =	sadd.s32 $0x1, s0;
	s13 =	smul.u32 $0xC00, s13;
	[tilespmem:s31+$0xDF30] =	vst v0;
	v21 =	vmul.f32 v1, v5;
	v19 =	vadd.f32 v19, v17;
	v17 =	vld [tilespmem:s31+$0x6B40]  }
0x361: {  	[tilespmem:s31+$0xDF40] =	vst v20;
	v0 =	vld [tilespmem:s31+$0x6B50];
	s0 =	sand.u32 $0x380, s12;
	v1 =	vmul.f32 v18, v5;
	v12 =	vadd.f32 v13, v12  }
0x362: {  	v2 =	vld [tilespmem:s31+$0x6B60];
	[tilespmem:s31+$0xDF50] =	vst v21;
	s0 =	sor.u32 s0, s13;
	v40 =	vmul.f32 v19, v5;
	v11 =	vadd.f32 v14, v11  }
0x363: {  	v3 =	vld [tilespmem:s0+$0xB370];
	[tilespmem:s31+$0xDF60] =	vst v1;
	v12 =	vmul.f32 v12, v5;
	v10 =	vadd.f32 v15, v10  }
0x364: {  	v1 =	vld [tilespmem:s0+$0x8370];
	[tilespmem:s31+$0xDF70] =	vst v40;
	v11 =	vmul.f32 v11, v5;
	v9 =	vadd.f32 v16, v9  }
0x365: {  	v13 =	vld [tilespmem:s0+$0xAB00];
	[tilespmem:s31+$0xE300] =	vst v12;
	v10 =	vmul.f32 v10, v5;
	v8 =	vadd.f32 v17, v8  }
0x366: {  	v12 =	vld [tilespmem:s0+$0x9B70];
	[tilespmem:s31+$0xE310] =	vst v11;
	v9 =	vmul.f32 v9, v5;
	v0 =	vadd.f32 v0, v7  }
0x367: {  	v2 =	vadd.f32 v2, v6;
	v11 =	vld [tilespmem:s0+$0x7B00];
	[tilespmem:s31+$0xE320] =	vst v10;
	v41 =	vmul.f32 v8, v5  }
0x368: {  	v10 =	vld [tilespmem:s0+$0x6B70];
	[tilespmem:s31+$0xE330] =	vst v9;
	v0 =	vmul.f32 v0, v5  }
0x369: {  	v2 =	vmul.f32 v2, v5;
	v8 =	vld [tilespmem:s0+$0xAB10];
	[tilespmem:s31+$0xE340] =	vst v41  }
0x36a: {  	v6 =	vld [tilespmem:s0+$0x7B10];
	[tilespmem:s31+$0xE350] =	vst v0  }
0x36b: {  	v0 =	vld [tilespmem:s0+$0xAB20];
	[tilespmem:s31+$0xE360] =	vst v2  }
0x36c: {  	v2 =	vld [tilespmem:s0+$0x7B20]  }
0x36d: {  	v5 =	vld [tilespmem:s0+$0xAB30]  }
0x36e: {  	v7 =	vld [tilespmem:s0+$0x7B30]  }
0x36f: {  	v9 =	vld [tilespmem:s0+$0xAB40]  }
0x370: {  	v14 =	vld [tilespmem:s0+$0x7B40]  }
0x371: {  	v15 =	vld [tilespmem:s0+$0xAB50]  }
0x372: {  	v16 =	vld [tilespmem:s0+$0x7B50]  }
0x373: {  	v17 =	vld [tilespmem:s0+$0xAB60]  }
0x374: {  	v18 =	vld [tilespmem:s0+$0x7B60]  }
0x375: {  	v19 =	vld [tilespmem:s0+$0xAB70]  }
0x376: {  	v20 =	vld [tilespmem:s0+$0x7B70]  }
0x377: {  	v21 =	vld [tilespmem:s0+$0xAF00]  }
0x378: {  	v22 =	vld [tilespmem:s0+$0x7F00]  }
0x379: {  	v23 =	vld [tilespmem:s0+$0xAF10]  }
0x37a: {  	v24 =	vld [tilespmem:s0+$0x7F10]  }
0x37b: {  	v25 =	vld [tilespmem:s0+$0xAF20]  }
0x37c: {  	v26 =	vld [tilespmem:s0+$0x7F20]  }
0x37d: {  	v27 =	vld [tilespmem:s0+$0xAF30]  }
0x37e: {  	v28 =	vld [tilespmem:s0+$0x7F30]  }
0x37f: {  	v29 =	vld [tilespmem:s0+$0xAF40]  }
0x380: {  	v30 =	vld [tilespmem:s0+$0x7F40]  }
0x381: {  	v31 =	vld [tilespmem:s0+$0xAF50]  }
0x382: {  	v32 =	vld [tilespmem:s0+$0x7F50]  }
0x383: {  	v33 =	vld [tilespmem:s0+$0xAF60]  }
0x384: {  	v34 =	vld [tilespmem:s0+$0x7F60]  }
0x385: {  	v35 =	vld [tilespmem:s0+$0xAF70]  }
0x386: {  	v36 =	vld [tilespmem:s0+$0x7F70]  }
0x387: {  	v37 =	vld [tilespmem:s0+$0xB300]  }
0x388: {  	v38 =	vld [tilespmem:s0+$0x8300]  }
0x389: {  	v39 =	vld [tilespmem:s0+$0xB310]  }
0x38a: {  	v40 =	vld [tilespmem:s0+$0x8310]  }
0x38b: {  	v41 =	vld [tilespmem:s0+$0xB320]  }
0x38c: {  	v42 =	vld [tilespmem:s0+$0x8320]  }
0x38d: {  	v43 =	vld [tilespmem:s0+$0xB330]  }
0x38e: {  	v44 =	vld [tilespmem:s0+$0x8330]  }
0x38f: {  	v45 =	vld [tilespmem:s0+$0xB340]  }
0x390: {  	v46 =	vld [tilespmem:s0+$0x8340]  }
0x391: {  	v47 =	vld [tilespmem:s0+$0xB350]  }
0x392: {  	v48 =	vld [tilespmem:s0+$0x8350]  }
0x393: {  	v49 =	vld [tilespmem:s0+$0xB360]  }
0x394: {  	v50 =	vld [tilespmem:s0+$0x8360]  }
0x395: {  	v51 =	vld [tilespmem:s0+$0x9300]  }
0x396: {  	v52 =	vld [tilespmem:s0+$0x9310]  }
0x397: {  	v53 =	vld [tilespmem:s0+$0x9320]  }
0x398: {  	v54 =	vld [tilespmem:s0+$0x9330]  }
0x399: {  	v55 =	vld [tilespmem:s0+$0x9340]  }
0x39a: {  	v56 =	vld [tilespmem:s0+$0x9350]  }
0x39b: {  	v57 =	vld [tilespmem:s0+$0x9360]  }
0x39c: {  	v58 =	vld [tilespmem:s0+$0x9370]  }
0x39d: {  	v59 =	vld [tilespmem:s0+$0x9700]  }
0x39e: {  	v60 =	vld [tilespmem:s0+$0x9710]  }
0x39f: {  	v1 =	vsub.f32 v3, v1;
	v61 =	vld [tilespmem:s0+$0x9720]  }
0x3a0: {  	v3 =	vld [tilespmem:s0+$0x9730]  }
0x3a1: {  	v1 =	vsub.f32 v1, v12;
	v62 =	vld [tilespmem:s0+$0x9740]  }
0x3a2: {  	v12 =	vld [tilespmem:s0+$0x9750];
	v11 =	vsub.f32 v13, v11  }
0x3a3: {  	v63 =	vld [tilespmem:s0+$0x9760];
	v1 =	vadd.f32 v10, v1;
	v6 =	vsub.f32 v8, v6  }
0x3a4: {  	v10 =	vld [tilespmem:s0+$0x9770];
	v0 =	vsub.f32 v0, v2;
	v5 =	vsub.f32 v5, v7  }
0x3a5: {  	v8 =	vld [tilespmem:s0+$0x9B10];
	v7 =	vsub.f32 v9, v14;
	v9 =	vsub.f32 v15, v16  }
0x3a6: {  	v2 =	vld [tilespmem:s0+$0x9B00];
	v13 =	vsub.f32 v17, v18;
	v15 =	vsub.f32 v19, v20  }
0x3a7: {  	v14 =	vld [tilespmem:s0+$0x9B20];
	v16 =	vsub.f32 v21, v22;
	v18 =	vsub.f32 v23, v24  }
0x3a8: {  	v17 =	vld [tilespmem:s0+$0x9B30];
	v19 =	vsub.f32 v25, v26;
	v21 =	vsub.f32 v27, v28  }
0x3a9: {  	v20 =	vld [tilespmem:s0+$0x9B40];
	v22 =	vsub.f32 v29, v30;
	v24 =	vsub.f32 v31, v32  }
0x3aa: {  	v23 =	vld [tilespmem:s0+$0x9B50];
	v25 =	vsub.f32 v33, v34;
	v27 =	vsub.f32 v35, v36  }
0x3ab: {  	v28 =	vsub.f32 v37, v38;
	v29 =	vld [tilespmem:s0+$0x6300];
	v30 =	vsub.f32 v39, v40  }
0x3ac: {  	v31 =	vsub.f32 v41, v42;
	v42 =	vld [tilespmem:s0+$0x6310];
	v33 =	vsub.f32 v43, v44  }
0x3ad: {  	v34 =	vsub.f32 v45, v46;
	v46 =	vld [tilespmem:s0+$0x6320];
	v36 =	vsub.f32 v47, v48  }
0x3ae: {  	v11 =	vsub.f32 v11, v51;
	v51 =	vld [tilespmem:s0+$0x6330];
	v37 =	vsub.f32 v49, v50  }
0x3af: {  	v48 =	vmov s1;
	v6 =	vsub.f32 v6, v52;
	v52 =	vld [tilespmem:s0+$0x6340];
	v0 =	vsub.f32 v0, v53  }
0x3b0: {  	v41 =	vld [tilespmem:s0+$0x6350];
	v4 =	vperm.xlane v4, v48;
	v5 =	vsub.f32 v5, v54;
	v7 =	vsub.f32 v7, v55  }
0x3b1: {  	v43 =	vld [tilespmem:s0+$0x6370];
	v44 =	vsub.f32 v9, v56;
	v11 =	vadd.f32 v29, v11  }
0x3b2: {  	v45 =	vld [tilespmem:s0+$0x6700];
	v15 =	vsub.f32 v15, v58;
	v1 =	vmul.f32 v1, v4;
	v6 =	vadd.f32 v42, v6  }
0x3b3: {  	v50 =	vld [tilespmem:s0+$0x6730];
	v16 =	vsub.f32 v16, v59;
	v0 =	vadd.f32 v46, v0;
	v11 =	vmul.f32 v11, v4  }
0x3b4: {  	v18 =	vsub.f32 v18, v60;
	v55 =	vld [tilespmem:s0+$0x6750];
	[tilespmem:s0+$0xE370] =	vst v1;
	v5 =	vadd.f32 v51, v5;
	v6 =	vmul.f32 v6, v4  }
0x3b5: {  	v19 =	vsub.f32 v19, v61;
	v61 =	vld [tilespmem:s0+$0x6770];
	v7 =	vadd.f32 v52, v7;
	v0 =	vmul.f32 v0, v4;
	[tilespmem:s0+$0xDB00] =	vst v11  }
0x3b6: {  	v47 =	vld [tilespmem:s0+$0x6720];
	v3 =	vsub.f32 v21, v3;
	v1 =	vadd.f32 v41, v44;
	v5 =	vmul.f32 v5, v4;
	[tilespmem:s0+$0xDB10] =	vst v6  }
0x3b7: {  	v38 =	vld [tilespmem:s0+$0x6B30];
	v12 =	vsub.f32 v24, v12;
	v51 =	vadd.f32 v43, v15;
	v48 =	vmul.f32 v7, v4;
	[tilespmem:s0+$0xDB20] =	vst v0  }
0x3b8: {  	v10 =	vsub.f32 v27, v10;
	v46 =	vld [tilespmem:s0+$0x6710];
	v54 =	vadd.f32 v45, v16;
	v1 =	vmul.f32 v1, v4;
	[tilespmem:s0+$0xDB30] =	vst v5  }
0x3b9: {  	v42 =	vld [tilespmem:s0+$0x6360];
	v3 =	vadd.f32 v50, v3;
	v45 =	vsub.f32 v33, v17;
	v56 =	vmul.f32 v51, v4;
	[tilespmem:s0+$0xDB40] =	vst v48  }
0x3ba: {  	v58 =	vld [tilespmem:s0+$0x6760];
	v60 =	vmul.f32 v54, v4;
	v27 =	vadd.f32 v55, v12;
	v40 =	vadd.f32 v61, v10;
	[tilespmem:s0+$0xDB50] =	vst v1  }
0x3bb: {  	v52 =	vld [tilespmem:s0+$0x6740];
	v6 =	vadd.f32 v47, v19;
	[tilespmem:s0+$0xDB70] =	vst v56;
	v19 =	vsub.f32 v25, v63;
	v25 =	vmul.f32 v3, v4  }
0x3bc: {  	v26 =	vld [tilespmem:s0+$0x9B60];
	v13 =	vsub.f32 v13, v57;
	[tilespmem:s0+$0xDF00] =	vst v60;
	v39 =	vmul.f32 v27, v4  }
0x3bd: {  	v24 =	vld [tilespmem:s0+$0x6B10];
	v54 =	vadd.f32 v38, v45;
	v57 =	vadd.f32 v46, v18;
	v46 =	vmul.f32 v40, v4;
	[tilespmem:s0+$0xDF30] =	vst v25  }
0x3be: {  	v59 =	vsub.f32 v22, v62;
	v29 =	vld [tilespmem:s0+$0x6B20];
	v49 =	vadd.f32 v42, v13;
	v21 =	vmul.f32 v6, v4;
	[tilespmem:s0+$0xDF50] =	vst v39  }
0x3bf: {  	v44 =	vld [tilespmem:s0+$0x6B50];
	v35 =	vadd.f32 v58, v19;
	v58 =	vmul.f32 v54, v4;
	[tilespmem:s0+$0xDF70] =	vst v46  }
0x3c0: {  	v8 =	vsub.f32 v30, v8;
	v41 =	vld [tilespmem:s0+$0x6B40];
	v22 =	vadd.f32 v52, v59;
	v53 =	vmul.f32 v49, v4;
	[tilespmem:s0+$0xDF20] =	vst v21  }
0x3c1: {  	v48 =	vld [tilespmem:s0+$0x6B60];
	v42 =	vsub.f32 v31, v14;
	v62 =	vmul.f32 v57, v4;
	[tilespmem:s0+$0xE330] =	vst v58  }
0x3c2: {  	v47 =	vadd.f32 v24, v8;
	v18 =	vld [tilespmem:s0+$0x6B00];
	v52 =	vsub.f32 v36, v23;
	v32 =	vmul.f32 v22, v4;
	[tilespmem:s0+$0xDB60] =	vst v53  }
0x3c3: {  	v49 =	vsub.f32 v34, v20;
	v51 =	vadd.f32 v29, v42;
	v43 =	vmul.f32 v35, v4;
	[tilespmem:s0+$0xDF10] =	vst v62  }
0x3c4: {  	v55 =	vsub.f32 v37, v26;
	v59 =	vadd.f32 v44, v52;
	[tilespmem:s0+$0xDF40] =	vst v32;
	v53 =	vmul.f32 v47, v4  }
0x3c5: {  	v2 =	vsub.f32 v28, v2;
	v56 =	vmul.f32 v51, v4;
	v57 =	vadd.f32 v41, v49;
	[tilespmem:s0+$0xDF60] =	vst v43  }
0x3c6: {  	v61 =	vadd.f32 v48, v55;
	v62 =	vmul.f32 v59, v4;
	[tilespmem:s0+$0xE310] =	vst v53  }
0x3c7: {  	s30 =	sadd.s32 s3, s30;
	p0 =	seq.s32 s28, $0x2;
	v2 =	vadd.f32 v18, v2;
	[tilespmem:s0+$0xE320] =	vst v56;
	v60 =	vmul.f32 v57, v4  }
.Ltmp7:
0x3c8: {  	s1 =	sshrl.u32 s30, $0x3;
	v63 =	vmul.f32 v61, v4;
	[tilespmem:s0+$0xE350] =	vst v62;
	(pc) =	sbr.rel @p0 .LBB2_12-.Ltmp7, $4  }
0x3c9: {  	s1 =	smul.u32 $0x180, s1;
	v50 =	vmul.f32 v2, v4;
	[tilespmem:s0+$0xE340] =	vst v60  }
0x3ca: {  	[tilespmem:s0+$0xE360] =	vst v63  }
0x3cb: {  	s31 =	sadd.s32 s5, s1;
	[tilespmem:s0+$0xE300] =	vst v50  }
0x3cc: {  	[hbm4b:s31+s2] =	stream.linear.scatter [tilespmem:s26], [sflag:$0x4], $0x1800, $0x38;
	[tilespmem:$0xF380] =	vst v63  }
0x3cd: {  	v0 =	vld [tilespmem:s29+$0x130]  }
0x3ce: {  	v1 =	vld [tilespmem:s29+$0x1B0]  }
0x3cf: {  	v2 =	vld [tilespmem:s29+$0x30]  }
0x3d0: {  	v4 =	vld [tilespmem:s29+$0xB0];
	_ =	sdelay $0x1  }
0x3d1: {  	v0 =	vmul.f32 $3.200000000e+01, v0  }
0x3d2: {  	v1 =	vmul.f32 $3.200000000e+01, v1  }
0x3d3: {  	v2 =	vmul.f32 $3.200000000e+01, v2;
	v0 =	vadd.f32 $5.000000000e-01, v0  }
0x3d4: {  	v4 =	vmul.f32 $3.200000000e+01, v4;
	v1 =	vadd.f32 $5.000000000e-01, v1  }
0x3d5: {  	v2 =	vtrunc.f32 v2;
	v3 =	vtrunc.f32 v0  }
0x3d6: {  	v6 =	vtrunc.f32 v1;
	v3 =	vcvt.f32.s32 v3  }
0x3d7: {  	v2 =	vcvt.f32.s32 v2;
	v42 =	vcvt.f32.s32 v6  }
0x3d8: {  	v48 =	vimm.s32 $0x0;
	v5 =	vcvt.s32.f32 v3  }
0x3d9: {  	v45 =	vtrunc.f32 v4;
	vm2 =	vgt.s32 v2, $0x0;
	v6 =	vcvt.s32.f32 v42  }
0x3da: {  	v2 =	vnsel vm2, $0x0, v2;
	v43 =	vand.u32 $0x1, v3;
	v0 =	vsub.f32 v0, v5  }
0x3db: {  	v46 =	vand.u32 $0x1, v42;
	vm2 =	veq.s32 v43, $0x1;
	v44 =	vsub.f32 v1, v6  }
0x3dc: {  	vm5 =	veq.s32 v46, $0x1;
	v1 =	vcvt.f32.s32 v45;
	vm4 =	veq.f32 v0, $5.000000000e-01  }
0x3dd: {  	vm3 =	vgt.f32 v0, $5.000000000e-01;
	vm13 =	veq.f32 v44, $5.000000000e-01;
	vm2 =	vmand vm4, vm2  }
0x3de: {  	vm14 =	vgt.f32 v44, $5.000000000e-01;
	vm2 =	vmor vm3, vm2;
	vm3 =	vmand vm13, vm5  }
0x3df: {  	v47 =	vadd.s32 $0x1, v2;
	vm15 =	vgt.s32 v1, $0x0;
	vm3 =	vmor vm14, vm3  }
0x3e0: {  	v1 =	vnsel vm15, $0x0, v1;
	v49 =	vsel vm2, $0x1, v48;
	v6 =	vsel vm3, $0x1, v48  }
0x3e1: {  	v50 =	vadd.s32 $0x1, v1;
	v3 =	vadd.s32 v3, v49;
	v5 =	vadd.s32 v42, v6  }
0x3e2: {  	vm2 =	vgt.s32 v47, v3;
	vm3 =	vgt.s32 v50, v5  }
0x3e3: {  	v0 =	vsel vm2, v47, v3;
	v51 =	vsel vm3, v50, v5  }
0x3e4: {  	vm2 =	vlt.s32 v0, $0x20;
	vm3 =	vlt.s32 v51, $0x20  }
0x3e5: {  	v0 =	vnsel vm2, $0x20, v0;
	v3 =	vnsel vm3, $0x20, v51  }
0x3e6: {  	v53 =	vsub.s32 v0, v2;
	v52 =	vsub.s32 v3, v1  }
0x3e7: {  	v4 =	vmul.u32 v53, v52;
	_ =	sdelay $0x1  }
0x3e8: {  	v4 =	vcvt.s32.f32 v4;
	_ =	sdelay $0x1  }
0x3e9: {  	(erf) = vrcp.f32 v4;
	_ =	sdelay $0x2  }
0x3ea: {  	v1 =	vmul.u32 $0x28, v1;
	_ =	sdelay $0x1  }
0x3eb: {  	v3 =	vmul.u32 $0x28, v3;
	v54 =	vadd.s32 v2, v1  }
0x3ec: {  	v1 =	vadd.s32 v1, v0;
	[tilespmem:$0x280] =	vst v54  }
0x3ed: {  	v55 =	vadd.s32 v2, v3;
	[tilespmem:$0x290] =	vst v1  }
0x3ee: {  	v0 =	vadd.s32 v0, v3;
	[tilespmem:$0x2A0] =	vst v55  }
0x3ef: {  	[tilespmem:$0x2B0] =	vst v0;
	v56 =	vpop (erf)  }
0x3f0: {  	[tilespmem:s29+$0xF330] =	vst v56  }
0x3f1: {  	v0 =	vld [tilespmem:$0x280];
	_ =	sdelay $0x3  }
0x3f2: {  	v58 =	vld [tilespmem:$0x1FFD0]  }
0x3f3: {  	v57 =	vshrl.u32 v0, $0x3  }
0x3f4: {  	v59 =	vld [tilespmem:$0x1FFE0];
	v1 =	vmul.u32 $0x18, v57  }
0x3f5: {  	v0 =	vand.u32 $0x7, v0  }
0x3f6: {  	v60 =	vld [tilespmem:$0x1FFF0];
	v0 =	vor.u32 v0, v1  }
0x3f7: {  	v1 =	vperm.xlane v0, v58;
	_ =	sdelay $0x1  }
0x3f8: {  	v1 =	vadd.s32 v59, v1;
	_ =	sdelay $0x1  }
0x3f9: {  	v0 =	vperm.xlane v0, v60;
	_ =	sdelay $0x1  }
0x3fa: {  	s0 =	simm.s32 $0x6300;
	v0 =	vadd.s32 v59, v0  }
0x3fb: {  	[tilespmem:s0], [sflag:$0x2] =	stream.indirect_vreg.gather [hbm4b:s4+s2], $0x80, v1, vm0, $0xb8;
	[tilespmem:$0xF380] =	vst v63  }
0x3fc: {  	s29 =	simm.s32 $0x6B00  }
0x3fd: {  	[tilespmem:s29], [sflag:$0x2] =	stream.indirect_vreg.gather [hbm4b:s10+s2], $0x80, v1, vm1, $0xb8;
	[tilespmem:$0xF380] =	vst v63  }
0x3fe: {  	s30 =	simm.s32 $0x6F00  }
0x3ff: {  	[tilespmem:s30], [sflag:$0x2] =	stream.indirect_vreg.gather [hbm4b:s4+s2], $0x80, v0, vm0, $0xb8;
	[tilespmem:$0xF380] =	vst v63  }
0x400: {  	s31 =	simm.s32 $0x7700  }
0x401: {  	[tilespmem:s31], [sflag:$0x2] =	stream.indirect_vreg.gather [hbm4b:s10+s2], $0x80, v0, vm1, $0xb8;
	[tilespmem:$0xF380] =	vst v63  }
0x402: {  	v0 =	vld [tilespmem:$0x290];
	_ =	sdelay $0x4  }
0x403: {  	v61 =	vshrl.u32 v0, $0x3  }
0x404: {  	v1 =	vmul.u32 $0x18, v61  }
0x405: {  	v0 =	vand.u32 $0x7, v0  }
0x406: {  	v0 =	vor.u32 v0, v1  }
0x407: {  	v1 =	vperm.xlane v0, v58;
	_ =	sdelay $0x1  }
0x408: {  	v1 =	vadd.s32 v59, v1;
	_ =	sdelay $0x1  }
0x409: {  	v0 =	vperm.xlane v0, v60;
	_ =	sdelay $0x1  }
0x40a: {  	v0 =	vadd.s32 v59, v0  }
0x40b: {  	[tilespmem:s6], [sflag:$0x2] =	stream.indirect_vreg.gather [hbm4b:s4+s2], $0x80, v1, vm0, $0xb8;
	[tilespmem:$0xF380] =	vst v63  }
0x40c: {  	_ = 	snop  }
0x40d: {  	[tilespmem:s7], [sflag:$0x2] =	stream.indirect_vreg.gather [hbm4b:s10+s2], $0x80, v1, vm1, $0xb8;
	[tilespmem:$0xF380] =	vst v63  }
0x40e: {  	_ = 	snop  }
0x40f: {  	[tilespmem:s8], [sflag:$0x2] =	stream.indirect_vreg.gather [hbm4b:s4+s2], $0x80, v0, vm0, $0xb8;
	[tilespmem:$0xF380] =	vst v63  }
0x410: {  	_ = 	snop  }
0x411: {  	[tilespmem:s9], [sflag:$0x2] =	stream.indirect_vreg.gather [hbm4b:s10+s2], $0x80, v0, vm1, $0xb8;
	[tilespmem:$0xF380] =	vst v63  }
0x412: {  	v0 =	vld [tilespmem:$0x2A0];
	_ =	sdelay $0x4  }
0x413: {  	v62 =	vshrl.u32 v0, $0x3  }
0x414: {  	v1 =	vmul.u32 $0x18, v62  }
0x415: {  	v0 =	vand.u32 $0x7, v0  }
0x416: {  	v0 =	vor.u32 v0, v1  }
0x417: {  	v1 =	vperm.xlane v0, v58;
	_ =	sdelay $0x1  }
0x418: {  	v1 =	vadd.s32 v59, v1;
	_ =	sdelay $0x1  }
0x419: {  	v0 =	vperm.xlane v0, v60;
	_ =	sdelay $0x1  }
0x41a: {  	v0 =	vadd.s32 v59, v0  }
0x41b: {  	[tilespmem:s11], [sflag:$0x2] =	stream.indirect_vreg.gather [hbm4b:s4+s2], $0x80, v1, vm0, $0xb8;
	[tilespmem:$0xF380] =	vst v63  }
0x41c: {  	_ = 	snop  }
0x41d: {  	[tilespmem:s15], [sflag:$0x2] =	stream.indirect_vreg.gather [hbm4b:s10+s2], $0x80, v1, vm1, $0xb8;
	[tilespmem:$0xF380] =	vst v63  }
0x41e: {  	_ = 	snop  }
0x41f: {  	[tilespmem:s16], [sflag:$0x2] =	stream.indirect_vreg.gather [hbm4b:s4+s2], $0x80, v0, vm0, $0xb8;
	[tilespmem:$0xF380] =	vst v63  }
0x420: {  	_ = 	snop  }
0x421: {  	[tilespmem:s17], [sflag:$0x2] =	stream.indirect_vreg.gather [hbm4b:s10+s2], $0x80, v0, vm1, $0xb8;
	[tilespmem:$0xF380] =	vst v63  }
0x422: {  	v0 =	vld [tilespmem:$0x2B0];
	_ =	sdelay $0x4  }
0x423: {  	v63 =	vshrl.u32 v0, $0x3  }
0x424: {  	v1 =	vmul.u32 $0x18, v63  }
0x425: {  	v0 =	vand.u32 $0x7, v0  }
0x426: {  	v0 =	vor.u32 v0, v1  }
0x427: {  	v1 =	vperm.xlane v0, v58;
	_ =	sdelay $0x1  }
0x428: {  	v1 =	vadd.s32 v59, v1;
	_ =	sdelay $0x2  }
0x429: {  	v0 =	vperm.xlane v0, v60;
	_ =	sdelay $0x1  }
0x42a: {  	v0 =	vadd.s32 v59, v0;
	[tilespmem:s18], [sflag:$0x2] =	stream.indirect_vreg.gather [hbm4b:s4+s2], $0x80, v1, vm0, $0xb8;
	[tilespmem:$0xF380] =	vst v63  }
0x42b: {  	_ = 	snop  }
0x42c: {  	[tilespmem:s19], [sflag:$0x2] =	stream.indirect_vreg.gather [hbm4b:s10+s2], $0x80, v1, vm1, $0xb8;
	[tilespmem:$0xF380] =	vst v63  }
.Ltmp8:
0x42d: {  	_ = 	snop;
	(pc) =	sbr.rel .LBB2_2-.Ltmp8, $4  }
0x42e: {  	_ = 	snop  }
0x42f: {  	[tilespmem:s20], [sflag:$0x2] =	stream.indirect_vreg.gather [hbm4b:s4+s2], $0x80, v0, vm0, $0xb8;
	[tilespmem:$0xF380] =	vst v63  }
0x430: {  	s28 =	sadd.s32 $0x1, s28  }
0x431: {  	[tilespmem:s21], [sflag:$0x2] =	stream.indirect_vreg.gather [hbm4b:s10+s2], $0x80, v0, vm1, $0xb8;
	[tilespmem:$0xF380] =	vst v63  }
.LBB2_13:
0x432: {  	_ =	sfence.sel $0x180000  }
0x433: {  	[bflag:$0x0] =	sbarrier.arrive $0xFFFF  }
0x434: {  	_ =	strace $0x90000047  }
0x435: {  	s0 =	stileid.u32;
	[bflag:$0x2] =	sbarrier.arrive $0xFFFF  }
0x436: {  	p0 =	sne.s32 s0, $0x0;
	s0 =	rddreg [dreg:$0x1]  }
0x437: {  	s0 =	sadd.s32 @!p0 $0x100000, s0  }
0x438: {  	[sflag:s0] =	ssyncadd.tile.s32 @!p0 $0x1;
	_ =	shalt  }
.Lfunc_end2:
_tile_overlayer_lowered:
.L_overlay_start_2:
0x439: {  	(tag) =	ssettag $0x2  }
0x43a: {  	s0 =	rddreg [dreg:$0x0];
	s2 =	stileid.u32  }
0x43b: {  	s1 =	rddreg [dreg:$0x1];
	p0 =	sne.s32 s2, $0x0  }
0x43c: {  	s3 =	rddreg [dreg:$0x2];
	[bflag:$0x3] =	sbarrier.arrive $0xFFFF;
	s2 =	simm.s32 @!p0 $0x1C06  }
0x43d: {  	[timem:s3], [sflag:s2] =	dma.local @!p0 [hbm:s0], s1  }
0x43e: {  	s0 =	simm.s32 @!p0 $0x6  }
0x43f: {  	_ =	swait.ge @!p0 [sflag:s0], s1  }
0x440: {  	s1 =	ssub.s32 @!p0 $0x0, s1;
	[sflag:s0] =	ssyncset.done @!p0 $0x0  }
0x441: {  	[sflag:s0] =	ssyncadd.s32 @!p0 s1  }
0x442: {  	[bflag:$0x3] =	sbarrier.arrive $0xFFFF  }
0x443: {  	_ =	shalt  }

</sc_bundles>
